<compile_context>
chip_gen: v7x
topology: tpu7x:2x2x1
jax: 0.10.2.dev20260603
libtpu: 0.0.44.dev20260713+nightly
codegen_flags: <defaults>
</compile_context>

<pallas_src>
import functools

import jax
import jax.numpy as jnp
from jax import lax
from jax.experimental import pallas as pl
from jax.experimental.pallas import tpu as pltpu
from jax.experimental.pallas import tpu_sc as plsc

_N = 16384
_M = 16384
_E = 262144
_B = 16

_NC = 2
_NS = 16
_NT = _NC * _NS
_EPT = _E // _NT
_CH = 128
_NCHUNK = _EPT // _CH
_RPT = _N // _NS


def _sc_body(x_hbm, src_hbm, dst_hbm, val_hbm, out_hbm,
             src_v, dst_v, val_v, rows0_v, rows1_v, rows2_v, rows3_v,
             colmaj_v, rowmaj_v, x_sh, acc_sh,
             gsem0, gsem1, gsem2, gsem3, ssem0, ssem1, ssem2, ssem3):
    c = lax.axis_index("c")
    s = lax.axis_index("s")
    wid = c * _NS + s
    rows = (rows0_v, rows1_v, rows2_v, rows3_v)
    gsem = (gsem0, gsem1, gsem2, gsem3)
    ssem = (ssem0, ssem1, ssem2, ssem3)
    lanes = lax.iota(jnp.int32, 16)

    with jax.named_scope("stage_xT"):
        base = wid * _NCHUNK
        cp_x = pltpu.async_copy(x_hbm.at[:, pl.ds(s * _RPT, _RPT)],
                                rowmaj_v, gsem[0])
        cp_s = pltpu.async_copy(src_hbm.at[pl.ds(base, _NCHUNK)], src_v,
                                gsem[1])
        cp_d = pltpu.async_copy(dst_hbm.at[pl.ds(base, _NCHUNK)], dst_v,
                                gsem[2])
        cp_v = pltpu.async_copy(val_hbm.at[pl.ds(base, _NCHUNK)], val_v,
                                gsem[3])

        @plsc.parallel_loop(0, _CH, unroll=8)
        def _zero_row(i):
            rows0_v[i, :] = jnp.zeros((_B,), jnp.float32)

        for k in range(_RPT // _CH):
            pltpu.async_copy(rows0_v,
                             acc_sh.at[pl.ds(s * _RPT + k * _CH, _CH)],
                             ssem[0])

        cp_x.wait()

        _QS = _RPT // 4
        for k in range(4):
            @plsc.parallel_loop(k * _QS, (k + 1) * _QS, unroll=16)
            def _txp(i):
                col = plsc.load_gather(rowmaj_v,
                                       [lanes, jnp.full((16,), i, jnp.int32)])
                colmaj_v[i, :] = col
            pltpu.async_copy(colmaj_v.at[pl.ds(k * _QS, _QS)],
                             x_sh.at[pl.ds(s * _RPT + k * _QS, _QS)], gsem[0])
        for k in range(4):
            pltpu.make_async_copy(colmaj_v.at[pl.ds(0, _QS)],
                                  x_sh.at[pl.ds(s * _RPT, _QS)],
                                  gsem[0]).wait()

        cp_s.wait()
        cp_d.wait()
        cp_v.wait()
        for k in range(_RPT // _CH):
            pltpu.make_async_copy(rows0_v,
                                  acc_sh.at[pl.ds(s * _RPT, _CH)],
                                  ssem[0]).wait()

        plsc.subcore_barrier()

    def _gather(j, b):
        jc = jnp.minimum(j, _NCHUNK - 1)
        pltpu.async_copy(x_sh.at[src_v.at[jc]], rows[b], gsem[b])

    def _wait_gather(b):
        pltpu.make_async_copy(x_sh.at[src_v.at[0]], rows[b], gsem[b]).wait()

    def _wait_scatter(b):
        pltpu.make_async_copy(rows[b], acc_sh.at[dst_v.at[0]], ssem[b]).wait()

    def _process(j, b):
        _wait_gather(b)
        rv = rows[b]

        @plsc.parallel_loop(0, _CH // 16, unroll=4)
        def _mulgrp(g):
            vv = val_v[j, pl.ds(g * 16, 16)]
            for e in range(16):
                bf = lax.gather(
                    vv, jnp.full((16, 1), e, jnp.int32),
                    lax.GatherDimensionNumbers(offset_dims=(),
                                               collapsed_slice_dims=(0,),
                                               start_index_map=(0,)),
                    (1,), mode=lax.GatherScatterMode.PROMISE_IN_BOUNDS)
                i = g * 16 + e
                rv[i, :] = rv[i, :] * bf
        pltpu.async_copy(rv, acc_sh.at[dst_v.at[j]], ssem[b], add=True)

    with jax.named_scope("edge_loop"):
        _gather(jnp.int32(0), 0)
        _gather(jnp.int32(1), 1)
        _gather(jnp.int32(2), 2)

        _process(jnp.int32(0), 0)
        _gather(jnp.int32(3), 3)
        for bi in range(1, 4):
            _process(jnp.int32(bi), bi)
            _wait_scatter(bi - 1)
            _gather(jnp.int32(bi + 3), bi - 1)

        def _group(j2, _):
            j = j2 * 4
            for bi in range(4):
                _process(j + bi, bi)
                bpre = (bi + 3) % 4
                _wait_scatter(bpre)
                _gather(j + bi + 3, bpre)
            return 0
        lax.fori_loop(1, _NCHUNK // 4, _group, 0)
        _wait_gather(0)
        _wait_gather(1)
        _wait_gather(2)
        _wait_scatter(3)

        plsc.subcore_barrier()

    with jax.named_scope("emit_out"):
        _QR = _RPT // 4
        for k in range(4):
            pltpu.async_copy(acc_sh.at[pl.ds(s * _RPT + k * _QR, _QR)],
                             colmaj_v.at[pl.ds(k * _QR, _QR)], gsem[k])
        for k in range(4):
            pltpu.make_async_copy(acc_sh.at[pl.ds(s * _RPT, _QR)],
                                  colmaj_v.at[pl.ds(k * _QR, _QR)],
                                  gsem[k]).wait()

            @plsc.parallel_loop(k * _QR, (k + 1) * _QR, unroll=16)
            def _txpo(i):
                row = colmaj_v[i, :]
                plsc.store_scatter(rowmaj_v,
                                   [lanes, jnp.full((16,), i, jnp.int32)], row)
            pltpu.async_copy(rowmaj_v.at[:, pl.ds(k * _QR, _QR)],
                             out_hbm.at[c, :, pl.ds(s * _RPT + k * _QR, _QR)],
                             ssem[0])
        for k in range(4):
            pltpu.make_async_copy(rowmaj_v.at[:, pl.ds(0, _QR)],
                                  out_hbm.at[c, :, pl.ds(s * _RPT, _QR)],
                                  ssem[0]).wait()


_sc_call = functools.partial(
    pl.kernel,
    out_type=jax.ShapeDtypeStruct((_NC, _B, _M), jnp.float32),
    mesh=plsc.VectorSubcoreMesh(core_axis_name="c", subcore_axis_name="s"),
    scratch_types=[
        pltpu.VMEM((_NCHUNK, _CH), jnp.int32),
        pltpu.VMEM((_NCHUNK, _CH), jnp.int32),
        pltpu.VMEM((_NCHUNK, _CH), jnp.float32),
        pltpu.VMEM((_CH, _B), jnp.float32),
        pltpu.VMEM((_CH, _B), jnp.float32),
        pltpu.VMEM((_CH, _B), jnp.float32),
        pltpu.VMEM((_CH, _B), jnp.float32),
        pltpu.VMEM((_RPT, _B), jnp.float32),
        pltpu.VMEM((_B, _RPT), jnp.float32),
        pltpu.VMEM_SHARED((_N, _B), jnp.float32),
        pltpu.VMEM_SHARED((_M, _B), jnp.float32),
        pltpu.SemaphoreType.DMA,
        pltpu.SemaphoreType.DMA,
        pltpu.SemaphoreType.DMA,
        pltpu.SemaphoreType.DMA,
        pltpu.SemaphoreType.DMA,
        pltpu.SemaphoreType.DMA,
        pltpu.SemaphoreType.DMA,
        pltpu.SemaphoreType.DMA,
    ],
    compiler_params=pltpu.CompilerParams(use_tc_tiling_on_sc=False,
                                         needs_layout_passes=False),
)(_sc_body)


def _combine_body(p_ref, b_ref, o_ref):
    o_ref[...] = p_ref[0] + p_ref[1] + b_ref[...]


def _combine(partials, bias_row):
    return pl.pallas_call(
        _combine_body,
        in_specs=[
            pl.BlockSpec((_NC, _B, _M), lambda: (0, 0, 0)),
            pl.BlockSpec((1, _M), lambda: (0, 0)),
        ],
        out_specs=pl.BlockSpec((_B, _M), lambda: (0, 0)),
        out_shape=jax.ShapeDtypeStruct((_B, _M), jnp.float32),
    )(partials, bias_row)


def kernel(x, values, bias, edge_index):
    x2 = x.reshape(_B, _N)
    src2 = edge_index[0].reshape(_E // _CH, _CH)
    dst2 = edge_index[1].reshape(_E // _CH, _CH)
    val2 = values.reshape(_E // _CH, _CH)
    partials = _sc_call(x2, src2, dst2, val2)
    combined = _combine(partials, bias.reshape(1, _M))
    return combined[:, :, None]

# --- scband reference (transcript-rebuilt; emitter-appended) ---
"""Pipeline reference for scband-sparse-linear2-59863254171661 (READ-ONLY COPY).

The authoritative reference and input builder live on the scoring server;
editing this copy changes nothing except your own understanding.
"""

import jax, jax.numpy as jnp
import numpy as np

N = 16384
M = 16384
E = 262144
B = 16

def setup_inputs(seed: int = 0) -> dict:
    key = jax.random.key(seed)
    k1, k2, k3, k4 = jax.random.split(key, 4)
    src = jax.random.randint(k1, (E,), 0, N, dtype=jnp.int32)
    dst = jax.random.randint(k2, (E,), 0, M, dtype=jnp.int32)
    edge_index = jnp.stack([src, dst], axis=0)
    # kaiming init: std = sqrt(2 / fan_in[dst]) per edge, matching torch module
    fan_in = jnp.bincount(dst, length=M).astype(jnp.float32)
    n_in = fan_in[dst]
    std = jnp.sqrt(2.0 / jnp.maximum(n_in, 1.0))
    values = jax.random.normal(k3, (E,), dtype=jnp.float32) * std
    bias = jnp.zeros((M, 1), dtype=jnp.float32)
    x = jax.random.normal(k4, (B, N, 1), dtype=jnp.float32)
    return {"x": x, "values": values, "bias": bias, "edge_index": edge_index}

def reference(x, values, bias, edge_index):
    # Faithful to SparseLinear2.forward: for each batch b,
    #   out[b, dst] += values[e] * x[b, src]; then + bias
    src = edge_index[0]
    dst = edge_index[1]
    m = bias.shape[0]
    # gather source features per edge: (B, E)
    msgs = values[None, :] * x[:, src, 0]
    # scatter-add into destination nodes per batch
    out = jax.vmap(lambda mrow: jax.ops.segment_sum(mrow, dst, num_segments=m))(msgs)
    out = out[:, :, None] + bias[None, :, :]
    return out

if __name__ == "__main__":
    import jax
    _d = setup_inputs()
    print(jax.jit(kernel)(*tuple(_d.values())))

</pallas_src>

<mosaic_0001>
#map = affine_map<(d0, d1) -> (0, 0)>
#map1 = affine_map<(d0, d1) -> (0, 0, 0)>
module attributes {stable_mosaic.version = 14 : i64} {
  func.func @_sc_body(%arg0: i32, %arg1: i32, %arg2: memref<16x16384xf32, #tpu.memory_space<hbm>>, %arg3: memref<2048x128xi32, #tpu.memory_space<hbm>>, %arg4: memref<2048x128xi32, #tpu.memory_space<hbm>>, %arg5: memref<2048x128xf32, #tpu.memory_space<hbm>>, %arg6: memref<2x16x16384xf32, #tpu.memory_space<hbm>>, %arg7: memref<64x128xi32, #tpu.memory_space<vmem>>, %arg8: memref<64x128xi32, #tpu.memory_space<vmem>>, %arg9: memref<64x128xf32, #tpu.memory_space<vmem>>, %arg10: memref<128x16xf32, #tpu.memory_space<vmem>>, %arg11: memref<128x16xf32, #tpu.memory_space<vmem>>, %arg12: memref<128x16xf32, #tpu.memory_space<vmem>>, %arg13: memref<128x16xf32, #tpu.memory_space<vmem>>, %arg14: memref<1024x16xf32, #tpu.memory_space<vmem>>, %arg15: memref<16x1024xf32, #tpu.memory_space<vmem>>, %arg16: memref<16384x16xf32, #tpu.memory_space<vmem_shared>>, %arg17: memref<16384x16xf32, #tpu.memory_space<vmem_shared>>, %arg18: memref<!tpu.dma_semaphore, #tpu.memory_space<semaphore_mem>>, %arg19: memref<!tpu.dma_semaphore, #tpu.memory_space<semaphore_mem>>, %arg20: memref<!tpu.dma_semaphore, #tpu.memory_space<semaphore_mem>>, %arg21: memref<!tpu.dma_semaphore, #tpu.memory_space<semaphore_mem>>, %arg22: memref<!tpu.dma_semaphore, #tpu.memory_space<semaphore_mem>>, %arg23: memref<!tpu.dma_semaphore, #tpu.memory_space<semaphore_mem>>, %arg24: memref<!tpu.dma_semaphore, #tpu.memory_space<semaphore_mem>>, %arg25: memref<!tpu.dma_semaphore, #tpu.memory_space<semaphore_mem>>) attributes {dimension_semantics = [#tpu.dimension_semantics<core_parallel>, #tpu.dimension_semantics<subcore_parallel>], iteration_bounds = array<i64: 2, 16>, scalar_prefetch = 0 : i64, scratch_operands = 19 : i64, tpu.core_type = #tpu.core_type<sc_vector_subcore>, window_params = [{transform_indices = #map}, {transform_indices = #map}, {transform_indices = #map}, {transform_indices = #map}, {transform_indices = #map1}]} {
    %mul3A = arith.constant 16 : i32
    %mul3A_0 = arith.muli %arg0, %mul3A : i32
    %add3A = arith.addi %mul3A_0, %arg1 : i32
    %iota3A = tpu.iota {dimensions = array<i32: 0>} : vector<16xi32>
    "tpu.trace_start"() <{level = 10 : i32, message = "stage_xT"}> : () -> ()
    %mul3A_1 = arith.constant 64 : i32
    %mul3A_2 = arith.muli %add3A, %mul3A_1 : i32
    %mul3A_3 = arith.constant 1024 : i32
    %mul3A_4 = arith.muli %arg1, %mul3A_3 : i32
    %dma_start3A = arith.constant 0 : i32
    %dma_start3A_5 = tpu.memref_slice %arg2[%dma_start3A, %mul3A_4] : memref<16x16384xf32, #tpu.memory_space<hbm>> -> memref<16x1024xf32, #tpu.memory_space<hbm>>
    %dma_start3A_6 = arith.constant 0 : i32
    %dma_start3A_7 = tpu.memref_slice %arg2[%dma_start3A_6, %mul3A_4] : memref<16x16384xf32, #tpu.memory_space<hbm>> -> memref<16x1024xf32, #tpu.memory_space<hbm>>
    tpu.enqueue_dma source(%dma_start3A_7 : memref<16x1024xf32, #tpu.memory_space<hbm>>) target(%arg15 : memref<16x1024xf32, #tpu.memory_space<vmem>>) target_semaphore(%arg18 : memref<!tpu.dma_semaphore, #tpu.memory_space<semaphore_mem>>)
    %dma_start3A_8 = arith.constant 0 : i32
    %dma_start3A_9 = tpu.memref_slice %arg3[%mul3A_2, %dma_start3A_8] : memref<2048x128xi32, #tpu.memory_space<hbm>> -> memref<64x128xi32, #tpu.memory_space<hbm>>
    %dma_start3A_10 = arith.constant 0 : i32
    %dma_start3A_11 = tpu.memref_slice %arg3[%mul3A_2, %dma_start3A_10] : memref<2048x128xi32, #tpu.memory_space<hbm>> -> memref<64x128xi32, #tpu.memory_space<hbm>>
    tpu.enqueue_dma source(%dma_start3A_11 : memref<64x128xi32, #tpu.memory_space<hbm>>) target(%arg7 : memref<64x128xi32, #tpu.memory_space<vmem>>) target_semaphore(%arg19 : memref<!tpu.dma_semaphore, #tpu.memory_space<semaphore_mem>>)
    %dma_start3A_12 = arith.constant 0 : i32
    %dma_start3A_13 = tpu.memref_slice %arg4[%mul3A_2, %dma_start3A_12] : memref<2048x128xi32, #tpu.memory_space<hbm>> -> memref<64x128xi32, #tpu.memory_space<hbm>>
    %dma_start3A_14 = arith.constant 0 : i32
    %dma_start3A_15 = tpu.memref_slice %arg4[%mul3A_2, %dma_start3A_14] : memref<2048x128xi32, #tpu.memory_space<hbm>> -> memref<64x128xi32, #tpu.memory_space<hbm>>
    tpu.enqueue_dma source(%dma_start3A_15 : memref<64x128xi32, #tpu.memory_space<hbm>>) target(%arg8 : memref<64x128xi32, #tpu.memory_space<vmem>>) target_semaphore(%arg20 : memref<!tpu.dma_semaphore, #tpu.memory_space<semaphore_mem>>)
    %dma_start3A_16 = arith.constant 0 : i32
    %dma_start3A_17 = tpu.memref_slice %arg5[%mul3A_2, %dma_start3A_16] : memref<2048x128xf32, #tpu.memory_space<hbm>> -> memref<64x128xf32, #tpu.memory_space<hbm>>
    %dma_start3A_18 = arith.constant 0 : i32
    %dma_start3A_19 = tpu.memref_slice %arg5[%mul3A_2, %dma_start3A_18] : memref<2048x128xf32, #tpu.memory_space<hbm>> -> memref<64x128xf32, #tpu.memory_space<hbm>>
    tpu.enqueue_dma source(%dma_start3A_19 : memref<64x128xf32, #tpu.memory_space<hbm>>) target(%arg9 : memref<64x128xf32, #tpu.memory_space<vmem>>) target_semaphore(%arg21 : memref<!tpu.dma_semaphore, #tpu.memory_space<semaphore_mem>>)
    %parallel_loop3A = arith.constant 0 : i32
    %parallel_loop3A_20 = arith.constant 128 : i32
    %parallel_loop3A_21 = arith.constant 1 : i32
    scf.for %parallel_loop3A_691 = %parallel_loop3A to %parallel_loop3A_20 step %parallel_loop3A_21  : i32 {
      %parallel_loop3A_692 = arith.constant 0.000000e+00 : f32
      %parallel_loop3A_693 = vector.broadcast %parallel_loop3A_692 : f32 to vector<16xf32>
      %parallel_loop3A_694 = arith.index_cast %parallel_loop3A_691 : i32 to index
      %parallel_loop3A_695 = arith.constant 0 : index
      %parallel_loop3A_696 = tpu.vector_load %arg10[%parallel_loop3A_694, %parallel_loop3A_695] {strides = array<i32>} : memref<128x16xf32, #tpu.memory_space<vmem>>, vector<16xf32>,
      tpu.vector_store %arg10[%parallel_loop3A_694, %parallel_loop3A_695], %parallel_loop3A_693 {strides = array<i32>} : memref<128x16xf32, #tpu.memory_space<vmem>>, vector<16xf32>,
    } {sc.loop_unroll_factor = 8 : i64, sc.parallel_access}
    %mul3A_22 = arith.constant 1024 : i32
    %mul3A_23 = arith.muli %arg1, %mul3A_22 : i32
    %add3A_24 = arith.constant 0 : i32
    %add3A_25 = arith.addi %mul3A_23, %add3A_24 : i32
    %dma_start3A_26 = arith.constant 0 : i32
    %dma_start3A_27 = tpu.memref_slice %arg17[%add3A_25, %dma_start3A_26] : memref<16384x16xf32, #tpu.memory_space<vmem_shared>> -> memref<128x16xf32, #tpu.memory_space<vmem_shared>>
    %dma_start3A_28 = arith.constant 0 : i32
    %dma_start3A_29 = tpu.memref_slice %arg17[%add3A_25, %dma_start3A_28] : memref<16384x16xf32, #tpu.memory_space<vmem_shared>> -> memref<128x16xf32, #tpu.memory_space<vmem_shared>>
    tpu.enqueue_dma source(%arg10 : memref<128x16xf32, #tpu.memory_space<vmem>>) target(%dma_start3A_29 : memref<128x16xf32, #tpu.memory_space<vmem_shared>>) target_semaphore(%arg22 : memref<!tpu.dma_semaphore, #tpu.memory_space<semaphore_mem>>)
    %mul3A_30 = arith.constant 1024 : i32
    %mul3A_31 = arith.muli %arg1, %mul3A_30 : i32
    %add3A_32 = arith.constant 128 : i32
    %add3A_33 = arith.addi %mul3A_31, %add3A_32 : i32
    %dma_start3A_34 = arith.constant 0 : i32
    %dma_start3A_35 = tpu.memref_slice %arg17[%add3A_33, %dma_start3A_34] : memref<16384x16xf32, #tpu.memory_space<vmem_shared>> -> memref<128x16xf32, #tpu.memory_space<vmem_shared>>
    %dma_start3A_36 = arith.constant 0 : i32
    %dma_start3A_37 = tpu.memref_slice %arg17[%add3A_33, %dma_start3A_36] : memref<16384x16xf32, #tpu.memory_space<vmem_shared>> -> memref<128x16xf32, #tpu.memory_space<vmem_shared>>
    tpu.enqueue_dma source(%arg10 : memref<128x16xf32, #tpu.memory_space<vmem>>) target(%dma_start3A_37 : memref<128x16xf32, #tpu.memory_space<vmem_shared>>) target_semaphore(%arg22 : memref<!tpu.dma_semaphore, #tpu.memory_space<semaphore_mem>>)
    %mul3A_38 = arith.constant 1024 : i32
    %mul3A_39 = arith.muli %arg1, %mul3A_38 : i32
    %add3A_40 = arith.constant 256 : i32
    %add3A_41 = arith.addi %mul3A_39, %add3A_40 : i32
    %dma_start3A_42 = arith.constant 0 : i32
    %dma_start3A_43 = tpu.memref_slice %arg17[%add3A_41, %dma_start3A_42] : memref<16384x16xf32, #tpu.memory_space<vmem_shared>> -> memref<128x16xf32, #tpu.memory_space<vmem_shared>>
    %dma_start3A_44 = arith.constant 0 : i32
    %dma_start3A_45 = tpu.memref_slice %arg17[%add3A_41, %dma_start3A_44] : memref<16384x16xf32, #tpu.memory_space<vmem_shared>> -> memref<128x16xf32, #tpu.memory_space<vmem_shared>>
    tpu.enqueue_dma source(%arg10 : memref<128x16xf32, #tpu.memory_space<vmem>>) target(%dma_start3A_45 : memref<128x16xf32, #tpu.memory_space<vmem_shared>>) target_semaphore(%arg22 : memref<!tpu.dma_semaphore, #tpu.memory_space<semaphore_mem>>)
    %mul3A_46 = arith.constant 1024 : i32
    %mul3A_47 = arith.muli %arg1, %mul3A_46 : i32
    %add3A_48 = arith.constant 384 : i32
    %add3A_49 = arith.addi %mul3A_47, %add3A_48 : i32
    %dma_start3A_50 = arith.constant 0 : i32
    %dma_start3A_51 = tpu.memref_slice %arg17[%add3A_49, %dma_start3A_50] : memref<16384x16xf32, #tpu.memory_space<vmem_shared>> -> memref<128x16xf32, #tpu.memory_space<vmem_shared>>
    %dma_start3A_52 = arith.constant 0 : i32
    %dma_start3A_53 = tpu.memref_slice %arg17[%add3A_49, %dma_start3A_52] : memref<16384x16xf32, #tpu.memory_space<vmem_shared>> -> memref<128x16xf32, #tpu.memory_space<vmem_shared>>
    tpu.enqueue_dma source(%arg10 : memref<128x16xf32, #tpu.memory_space<vmem>>) target(%dma_start3A_53 : memref<128x16xf32, #tpu.memory_space<vmem_shared>>) target_semaphore(%arg22 : memref<!tpu.dma_semaphore, #tpu.memory_space<semaphore_mem>>)
    %mul3A_54 = arith.constant 1024 : i32
    %mul3A_55 = arith.muli %arg1, %mul3A_54 : i32
    %add3A_56 = arith.constant 512 : i32
    %add3A_57 = arith.addi %mul3A_55, %add3A_56 : i32
    %dma_start3A_58 = arith.constant 0 : i32
    %dma_start3A_59 = tpu.memref_slice %arg17[%add3A_57, %dma_start3A_58] : memref<16384x16xf32, #tpu.memory_space<vmem_shared>> -> memref<128x16xf32, #tpu.memory_space<vmem_shared>>
    %dma_start3A_60 = arith.constant 0 : i32
    %dma_start3A_61 = tpu.memref_slice %arg17[%add3A_57, %dma_start3A_60] : memref<16384x16xf32, #tpu.memory_space<vmem_shared>> -> memref<128x16xf32, #tpu.memory_space<vmem_shared>>
    tpu.enqueue_dma source(%arg10 : memref<128x16xf32, #tpu.memory_space<vmem>>) target(%dma_start3A_61 : memref<128x16xf32, #tpu.memory_space<vmem_shared>>) target_semaphore(%arg22 : memref<!tpu.dma_semaphore, #tpu.memory_space<semaphore_mem>>)
    %mul3A_62 = arith.constant 1024 : i32
    %mul3A_63 = arith.muli %arg1, %mul3A_62 : i32
    %add3A_64 = arith.constant 640 : i32
    %add3A_65 = arith.addi %mul3A_63, %add3A_64 : i32
    %dma_start3A_66 = arith.constant 0 : i32
    %dma_start3A_67 = tpu.memref_slice %arg17[%add3A_65, %dma_start3A_66] : memref<16384x16xf32, #tpu.memory_space<vmem_shared>> -> memref<128x16xf32, #tpu.memory_space<vmem_shared>>
    %dma_start3A_68 = arith.constant 0 : i32
    %dma_start3A_69 = tpu.memref_slice %arg17[%add3A_65, %dma_start3A_68] : memref<16384x16xf32, #tpu.memory_space<vmem_shared>> -> memref<128x16xf32, #tpu.memory_space<vmem_shared>>
    tpu.enqueue_dma source(%arg10 : memref<128x16xf32, #tpu.memory_space<vmem>>) target(%dma_start3A_69 : memref<128x16xf32, #tpu.memory_space<vmem_shared>>) target_semaphore(%arg22 : memref<!tpu.dma_semaphore, #tpu.memory_space<semaphore_mem>>)
    %mul3A_70 = arith.constant 1024 : i32
    %mul3A_71 = arith.muli %arg1, %mul3A_70 : i32
    %add3A_72 = arith.constant 768 : i32
    %add3A_73 = arith.addi %mul3A_71, %add3A_72 : i32
    %dma_start3A_74 = arith.constant 0 : i32
    %dma_start3A_75 = tpu.memref_slice %arg17[%add3A_73, %dma_start3A_74] : memref<16384x16xf32, #tpu.memory_space<vmem_shared>> -> memref<128x16xf32, #tpu.memory_space<vmem_shared>>
    %dma_start3A_76 = arith.constant 0 : i32
    %dma_start3A_77 = tpu.memref_slice %arg17[%add3A_73, %dma_start3A_76] : memref<16384x16xf32, #tpu.memory_space<vmem_shared>> -> memref<128x16xf32, #tpu.memory_space<vmem_shared>>
    tpu.enqueue_dma source(%arg10 : memref<128x16xf32, #tpu.memory_space<vmem>>) target(%dma_start3A_77 : memref<128x16xf32, #tpu.memory_space<vmem_shared>>) target_semaphore(%arg22 : memref<!tpu.dma_semaphore, #tpu.memory_space<semaphore_mem>>)
    %mul3A_78 = arith.constant 1024 : i32
    %mul3A_79 = arith.muli %arg1, %mul3A_78 : i32
    %add3A_80 = arith.constant 896 : i32
    %add3A_81 = arith.addi %mul3A_79, %add3A_80 : i32
    %dma_start3A_82 = arith.constant 0 : i32
    %dma_start3A_83 = tpu.memref_slice %arg17[%add3A_81, %dma_start3A_82] : memref<16384x16xf32, #tpu.memory_space<vmem_shared>> -> memref<128x16xf32, #tpu.memory_space<vmem_shared>>
    %dma_start3A_84 = arith.constant 0 : i32
    %dma_start3A_85 = tpu.memref_slice %arg17[%add3A_81, %dma_start3A_84] : memref<16384x16xf32, #tpu.memory_space<vmem_shared>> -> memref<128x16xf32, #tpu.memory_space<vmem_shared>>
    tpu.enqueue_dma source(%arg10 : memref<128x16xf32, #tpu.memory_space<vmem>>) target(%dma_start3A_85 : memref<128x16xf32, #tpu.memory_space<vmem_shared>>) target_semaphore(%arg22 : memref<!tpu.dma_semaphore, #tpu.memory_space<semaphore_mem>>)
    %dma_wait3A = arith.constant 0 : i32
    %dma_wait3A_86 = tpu.memref_slice %arg2[%dma_wait3A, %mul3A_4] : memref<16x16384xf32, #tpu.memory_space<hbm>> -> memref<16x1024xf32, #tpu.memory_space<hbm>>
    %dma_wait3A_87 = arith.constant 0 : i32
    %dma_wait3A_88 = tpu.memref_slice %arg2[%dma_wait3A_87, %mul3A_4] : memref<16x16384xf32, #tpu.memory_space<hbm>> -> memref<16x1024xf32, #tpu.memory_space<hbm>>
    tpu.wait_dma2 semaphore(%arg18 : memref<!tpu.dma_semaphore, #tpu.memory_space<semaphore_mem>>) src(%dma_wait3A_88 : memref<16x1024xf32, #tpu.memory_space<hbm>>) dst(%arg15 : memref<16x1024xf32, #tpu.memory_space<vmem>>)
    %parallel_loop3A_89 = arith.constant 0 : i32
    %parallel_loop3A_90 = arith.constant 256 : i32
    %parallel_loop3A_91 = arith.constant 1 : i32
    scf.for %parallel_loop3A_691 = %parallel_loop3A_89 to %parallel_loop3A_90 step %parallel_loop3A_91  : i32 {
      %parallel_loop3A_692 = vector.broadcast %parallel_loop3A_691 : i32 to vector<16xi32>
      %parallel_loop3A_693 = tpu.vector_load_idx %arg15[%iota3A, %parallel_loop3A_692] : memref<16x1024xf32, #tpu.memory_space<vmem>>[vector<16xi32>, vector<16xi32>], vector<16xf32>,
      %parallel_loop3A_694 = arith.index_cast %parallel_loop3A_691 : i32 to index
      %parallel_loop3A_695 = arith.constant 0 : index
      %parallel_loop3A_696 = tpu.vector_load %arg14[%parallel_loop3A_694, %parallel_loop3A_695] {strides = array<i32>} : memref<1024x16xf32, #tpu.memory_space<vmem>>, vector<16xf32>,
      tpu.vector_store %arg14[%parallel_loop3A_694, %parallel_loop3A_695], %parallel_loop3A_693 {strides = array<i32>} : memref<1024x16xf32, #tpu.memory_space<vmem>>, vector<16xf32>,
    } {sc.loop_unroll_factor = 16 : i64, sc.parallel_access}
    %mul3A_92 = arith.constant 1024 : i32
    %mul3A_93 = arith.muli %arg1, %mul3A_92 : i32
    %add3A_94 = arith.constant 0 : i32
    %add3A_95 = arith.addi %mul3A_93, %add3A_94 : i32
    %dma_start3A_96 = arith.constant 0 : i32
    %dma_start3A_97 = arith.constant 0 : i32
    %dma_start3A_98 = tpu.memref_slice %arg14[%dma_start3A_96, %dma_start3A_97] : memref<1024x16xf32, #tpu.memory_space<vmem>> -> memref<256x16xf32, #tpu.memory_space<vmem>>
    %dma_start3A_99 = arith.constant 0 : i32
    %dma_start3A_100 = tpu.memref_slice %arg16[%add3A_95, %dma_start3A_99] : memref<16384x16xf32, #tpu.memory_space<vmem_shared>> -> memref<256x16xf32, #tpu.memory_space<vmem_shared>>
    %dma_start3A_101 = arith.constant 0 : i32
    %dma_start3A_102 = tpu.memref_slice %arg16[%add3A_95, %dma_start3A_101] : memref<16384x16xf32, #tpu.memory_space<vmem_shared>> -> memref<256x16xf32, #tpu.memory_space<vmem_shared>>
    %dma_start3A_103 = arith.constant 0 : i32
    %dma_start3A_104 = arith.constant 0 : i32
    %dma_start3A_105 = tpu.memref_slice %arg14[%dma_start3A_103, %dma_start3A_104] : memref<1024x16xf32, #tpu.memory_space<vmem>> -> memref<256x16xf32, #tpu.memory_space<vmem>>
    tpu.enqueue_dma source(%dma_start3A_105 : memref<256x16xf32, #tpu.memory_space<vmem>>) target(%dma_start3A_102 : memref<256x16xf32, #tpu.memory_space<vmem_shared>>) target_semaphore(%arg18 : memref<!tpu.dma_semaphore, #tpu.memory_space<semaphore_mem>>)
    %parallel_loop3A_106 = arith.constant 256 : i32
    %parallel_loop3A_107 = arith.constant 512 : i32
    %parallel_loop3A_108 = arith.constant 1 : i32
    scf.for %parallel_loop3A_691 = %parallel_loop3A_106 to %parallel_loop3A_107 step %parallel_loop3A_108  : i32 {
      %parallel_loop3A_692 = vector.broadcast %parallel_loop3A_691 : i32 to vector<16xi32>
      %parallel_loop3A_693 = tpu.vector_load_idx %arg15[%iota3A, %parallel_loop3A_692] : memref<16x1024xf32, #tpu.memory_space<vmem>>[vector<16xi32>, vector<16xi32>], vector<16xf32>,
      %parallel_loop3A_694 = arith.index_cast %parallel_loop3A_691 : i32 to index
      %parallel_loop3A_695 = arith.constant 0 : index
      %parallel_loop3A_696 = tpu.vector_load %arg14[%parallel_loop3A_694, %parallel_loop3A_695] {strides = array<i32>} : memref<1024x16xf32, #tpu.memory_space<vmem>>, vector<16xf32>,
      tpu.vector_store %arg14[%parallel_loop3A_694, %parallel_loop3A_695], %parallel_loop3A_693 {strides = array<i32>} : memref<1024x16xf32, #tpu.memory_space<vmem>>, vector<16xf32>,
    } {sc.loop_unroll_factor = 16 : i64, sc.parallel_access}
    %mul3A_109 = arith.constant 1024 : i32
    %mul3A_110 = arith.muli %arg1, %mul3A_109 : i32
    %add3A_111 = arith.constant 256 : i32
    %add3A_112 = arith.addi %mul3A_110, %add3A_111 : i32
    %dma_start3A_113 = arith.constant 256 : i32
    %dma_start3A_114 = arith.constant 0 : i32
    %dma_start3A_115 = tpu.memref_slice %arg14[%dma_start3A_113, %dma_start3A_114] : memref<1024x16xf32, #tpu.memory_space<vmem>> -> memref<256x16xf32, #tpu.memory_space<vmem>>
    %dma_start3A_116 = arith.constant 0 : i32
    %dma_start3A_117 = tpu.memref_slice %arg16[%add3A_112, %dma_start3A_116] : memref<16384x16xf32, #tpu.memory_space<vmem_shared>> -> memref<256x16xf32, #tpu.memory_space<vmem_shared>>
    %dma_start3A_118 = arith.constant 0 : i32
    %dma_start3A_119 = tpu.memref_slice %arg16[%add3A_112, %dma_start3A_118] : memref<16384x16xf32, #tpu.memory_space<vmem_shared>> -> memref<256x16xf32, #tpu.memory_space<vmem_shared>>
    %dma_start3A_120 = arith.constant 256 : i32
    %dma_start3A_121 = arith.constant 0 : i32
    %dma_start3A_122 = tpu.memref_slice %arg14[%dma_start3A_120, %dma_start3A_121] : memref<1024x16xf32, #tpu.memory_space<vmem>> -> memref<256x16xf32, #tpu.memory_space<vmem>>
    tpu.enqueue_dma source(%dma_start3A_122 : memref<256x16xf32, #tpu.memory_space<vmem>>) target(%dma_start3A_119 : memref<256x16xf32, #tpu.memory_space<vmem_shared>>) target_semaphore(%arg18 : memref<!tpu.dma_semaphore, #tpu.memory_space<semaphore_mem>>)
    %parallel_loop3A_123 = arith.constant 512 : i32
    %parallel_loop3A_124 = arith.constant 768 : i32
    %parallel_loop3A_125 = arith.constant 1 : i32
    scf.for %parallel_loop3A_691 = %parallel_loop3A_123 to %parallel_loop3A_124 step %parallel_loop3A_125  : i32 {
      %parallel_loop3A_692 = vector.broadcast %parallel_loop3A_691 : i32 to vector<16xi32>
      %parallel_loop3A_693 = tpu.vector_load_idx %arg15[%iota3A, %parallel_loop3A_692] : memref<16x1024xf32, #tpu.memory_space<vmem>>[vector<16xi32>, vector<16xi32>], vector<16xf32>,
      %parallel_loop3A_694 = arith.index_cast %parallel_loop3A_691 : i32 to index
      %parallel_loop3A_695 = arith.constant 0 : index
      %parallel_loop3A_696 = tpu.vector_load %arg14[%parallel_loop3A_694, %parallel_loop3A_695] {strides = array<i32>} : memref<1024x16xf32, #tpu.memory_space<vmem>>, vector<16xf32>,
      tpu.vector_store %arg14[%parallel_loop3A_694, %parallel_loop3A_695], %parallel_loop3A_693 {strides = array<i32>} : memref<1024x16xf32, #tpu.memory_space<vmem>>, vector<16xf32>,
    } {sc.loop_unroll_factor = 16 : i64, sc.parallel_access}
    %mul3A_126 = arith.constant 1024 : i32
    %mul3A_127 = arith.muli %arg1, %mul3A_126 : i32
    %add3A_128 = arith.constant 512 : i32
    %add3A_129 = arith.addi %mul3A_127, %add3A_128 : i32
    %dma_start3A_130 = arith.constant 512 : i32
    %dma_start3A_131 = arith.constant 0 : i32
    %dma_start3A_132 = tpu.memref_slice %arg14[%dma_start3A_130, %dma_start3A_131] : memref<1024x16xf32, #tpu.memory_space<vmem>> -> memref<256x16xf32, #tpu.memory_space<vmem>>
    %dma_start3A_133 = arith.constant 0 : i32
    %dma_start3A_134 = tpu.memref_slice %arg16[%add3A_129, %dma_start3A_133] : memref<16384x16xf32, #tpu.memory_space<vmem_shared>> -> memref<256x16xf32, #tpu.memory_space<vmem_shared>>
    %dma_start3A_135 = arith.constant 0 : i32
    %dma_start3A_136 = tpu.memref_slice %arg16[%add3A_129, %dma_start3A_135] : memref<16384x16xf32, #tpu.memory_space<vmem_shared>> -> memref<256x16xf32, #tpu.memory_space<vmem_shared>>
    %dma_start3A_137 = arith.constant 512 : i32
    %dma_start3A_138 = arith.constant 0 : i32
    %dma_start3A_139 = tpu.memref_slice %arg14[%dma_start3A_137, %dma_start3A_138] : memref<1024x16xf32, #tpu.memory_space<vmem>> -> memref<256x16xf32, #tpu.memory_space<vmem>>
    tpu.enqueue_dma source(%dma_start3A_139 : memref<256x16xf32, #tpu.memory_space<vmem>>) target(%dma_start3A_136 : memref<256x16xf32, #tpu.memory_space<vmem_shared>>) target_semaphore(%arg18 : memref<!tpu.dma_semaphore, #tpu.memory_space<semaphore_mem>>)
    %parallel_loop3A_140 = arith.constant 768 : i32
    %parallel_loop3A_141 = arith.constant 1024 : i32
    %parallel_loop3A_142 = arith.constant 1 : i32
    scf.for %parallel_loop3A_691 = %parallel_loop3A_140 to %parallel_loop3A_141 step %parallel_loop3A_142  : i32 {
      %parallel_loop3A_692 = vector.broadcast %parallel_loop3A_691 : i32 to vector<16xi32>
      %parallel_loop3A_693 = tpu.vector_load_idx %arg15[%iota3A, %parallel_loop3A_692] : memref<16x1024xf32, #tpu.memory_space<vmem>>[vector<16xi32>, vector<16xi32>], vector<16xf32>,
      %parallel_loop3A_694 = arith.index_cast %parallel_loop3A_691 : i32 to index
      %parallel_loop3A_695 = arith.constant 0 : index
      %parallel_loop3A_696 = tpu.vector_load %arg14[%parallel_loop3A_694, %parallel_loop3A_695] {strides = array<i32>} : memref<1024x16xf32, #tpu.memory_space<vmem>>, vector<16xf32>,
      tpu.vector_store %arg14[%parallel_loop3A_694, %parallel_loop3A_695], %parallel_loop3A_693 {strides = array<i32>} : memref<1024x16xf32, #tpu.memory_space<vmem>>, vector<16xf32>,
    } {sc.loop_unroll_factor = 16 : i64, sc.parallel_access}
    %mul3A_143 = arith.constant 1024 : i32
    %mul3A_144 = arith.muli %arg1, %mul3A_143 : i32
    %add3A_145 = arith.constant 768 : i32
    %add3A_146 = arith.addi %mul3A_144, %add3A_145 : i32
    %dma_start3A_147 = arith.constant 768 : i32
    %dma_start3A_148 = arith.constant 0 : i32
    %dma_start3A_149 = tpu.memref_slice %arg14[%dma_start3A_147, %dma_start3A_148] : memref<1024x16xf32, #tpu.memory_space<vmem>> -> memref<256x16xf32, #tpu.memory_space<vmem>>
    %dma_start3A_150 = arith.constant 0 : i32
    %dma_start3A_151 = tpu.memref_slice %arg16[%add3A_146, %dma_start3A_150] : memref<16384x16xf32, #tpu.memory_space<vmem_shared>> -> memref<256x16xf32, #tpu.memory_space<vmem_shared>>
    %dma_start3A_152 = arith.constant 0 : i32
    %dma_start3A_153 = tpu.memref_slice %arg16[%add3A_146, %dma_start3A_152] : memref<16384x16xf32, #tpu.memory_space<vmem_shared>> -> memref<256x16xf32, #tpu.memory_space<vmem_shared>>
    %dma_start3A_154 = arith.constant 768 : i32
    %dma_start3A_155 = arith.constant 0 : i32
    %dma_start3A_156 = tpu.memref_slice %arg14[%dma_start3A_154, %dma_start3A_155] : memref<1024x16xf32, #tpu.memory_space<vmem>> -> memref<256x16xf32, #tpu.memory_space<vmem>>
    tpu.enqueue_dma source(%dma_start3A_156 : memref<256x16xf32, #tpu.memory_space<vmem>>) target(%dma_start3A_153 : memref<256x16xf32, #tpu.memory_space<vmem_shared>>) target_semaphore(%arg18 : memref<!tpu.dma_semaphore, #tpu.memory_space<semaphore_mem>>)
    %mul3A_157 = arith.constant 1024 : i32
    %mul3A_158 = arith.muli %arg1, %mul3A_157 : i32
    %dma_wait3A_159 = arith.constant 0 : i32
    %dma_wait3A_160 = arith.constant 0 : i32
    %dma_wait3A_161 = tpu.memref_slice %arg14[%dma_wait3A_159, %dma_wait3A_160] : memref<1024x16xf32, #tpu.memory_space<vmem>> -> memref<256x16xf32, #tpu.memory_space<vmem>>
    %dma_wait3A_162 = arith.constant 0 : i32
    %dma_wait3A_163 = tpu.memref_slice %arg16[%mul3A_158, %dma_wait3A_162] : memref<16384x16xf32, #tpu.memory_space<vmem_shared>> -> memref<256x16xf32, #tpu.memory_space<vmem_shared>>
    %dma_wait3A_164 = arith.constant 0 : i32
    %dma_wait3A_165 = tpu.memref_slice %arg16[%mul3A_158, %dma_wait3A_164] : memref<16384x16xf32, #tpu.memory_space<vmem_shared>> -> memref<256x16xf32, #tpu.memory_space<vmem_shared>>
    %dma_wait3A_166 = arith.constant 0 : i32
    %dma_wait3A_167 = arith.constant 0 : i32
    %dma_wait3A_168 = tpu.memref_slice %arg14[%dma_wait3A_166, %dma_wait3A_167] : memref<1024x16xf32, #tpu.memory_space<vmem>> -> memref<256x16xf32, #tpu.memory_space<vmem>>
    tpu.wait_dma2 semaphore(%arg18 : memref<!tpu.dma_semaphore, #tpu.memory_space<semaphore_mem>>) src(%dma_wait3A_168 : memref<256x16xf32, #tpu.memory_space<vmem>>) dst(%dma_wait3A_165 : memref<256x16xf32, #tpu.memory_space<vmem_shared>>)
    %mul3A_169 = arith.constant 1024 : i32
    %mul3A_170 = arith.muli %arg1, %mul3A_169 : i32
    %dma_wait3A_171 = arith.constant 0 : i32
    %dma_wait3A_172 = arith.constant 0 : i32
    %dma_wait3A_173 = tpu.memref_slice %arg14[%dma_wait3A_171, %dma_wait3A_172] : memref<1024x16xf32, #tpu.memory_space<vmem>> -> memref<256x16xf32, #tpu.memory_space<vmem>>
    %dma_wait3A_174 = arith.constant 0 : i32
    %dma_wait3A_175 = tpu.memref_slice %arg16[%mul3A_170, %dma_wait3A_174] : memref<16384x16xf32, #tpu.memory_space<vmem_shared>> -> memref<256x16xf32, #tpu.memory_space<vmem_shared>>
    %dma_wait3A_176 = arith.constant 0 : i32
    %dma_wait3A_177 = tpu.memref_slice %arg16[%mul3A_170, %dma_wait3A_176] : memref<16384x16xf32, #tpu.memory_space<vmem_shared>> -> memref<256x16xf32, #tpu.memory_space<vmem_shared>>
    %dma_wait3A_178 = arith.constant 0 : i32
    %dma_wait3A_179 = arith.constant 0 : i32
    %dma_wait3A_180 = tpu.memref_slice %arg14[%dma_wait3A_178, %dma_wait3A_179] : memref<1024x16xf32, #tpu.memory_space<vmem>> -> memref<256x16xf32, #tpu.memory_space<vmem>>
    tpu.wait_dma2 semaphore(%arg18 : memref<!tpu.dma_semaphore, #tpu.memory_space<semaphore_mem>>) src(%dma_wait3A_180 : memref<256x16xf32, #tpu.memory_space<vmem>>) dst(%dma_wait3A_177 : memref<256x16xf32, #tpu.memory_space<vmem_shared>>)
    %mul3A_181 = arith.constant 1024 : i32
    %mul3A_182 = arith.muli %arg1, %mul3A_181 : i32
    %dma_wait3A_183 = arith.constant 0 : i32
    %dma_wait3A_184 = arith.constant 0 : i32
    %dma_wait3A_185 = tpu.memref_slice %arg14[%dma_wait3A_183, %dma_wait3A_184] : memref<1024x16xf32, #tpu.memory_space<vmem>> -> memref<256x16xf32, #tpu.memory_space<vmem>>
    %dma_wait3A_186 = arith.constant 0 : i32
    %dma_wait3A_187 = tpu.memref_slice %arg16[%mul3A_182, %dma_wait3A_186] : memref<16384x16xf32, #tpu.memory_space<vmem_shared>> -> memref<256x16xf32, #tpu.memory_space<vmem_shared>>
    %dma_wait3A_188 = arith.constant 0 : i32
    %dma_wait3A_189 = tpu.memref_slice %arg16[%mul3A_182, %dma_wait3A_188] : memref<16384x16xf32, #tpu.memory_space<vmem_shared>> -> memref<256x16xf32, #tpu.memory_space<vmem_shared>>
    %dma_wait3A_190 = arith.constant 0 : i32
    %dma_wait3A_191 = arith.constant 0 : i32
    %dma_wait3A_192 = tpu.memref_slice %arg14[%dma_wait3A_190, %dma_wait3A_191] : memref<1024x16xf32, #tpu.memory_space<vmem>> -> memref<256x16xf32, #tpu.memory_space<vmem>>
    tpu.wait_dma2 semaphore(%arg18 : memref<!tpu.dma_semaphore, #tpu.memory_space<semaphore_mem>>) src(%dma_wait3A_192 : memref<256x16xf32, #tpu.memory_space<vmem>>) dst(%dma_wait3A_189 : memref<256x16xf32, #tpu.memory_space<vmem_shared>>)
    %mul3A_193 = arith.constant 1024 : i32
    %mul3A_194 = arith.muli %arg1, %mul3A_193 : i32
    %dma_wait3A_195 = arith.constant 0 : i32
    %dma_wait3A_196 = arith.constant 0 : i32
    %dma_wait3A_197 = tpu.memref_slice %arg14[%dma_wait3A_195, %dma_wait3A_196] : memref<1024x16xf32, #tpu.memory_space<vmem>> -> memref<256x16xf32, #tpu.memory_space<vmem>>
    %dma_wait3A_198 = arith.constant 0 : i32
    %dma_wait3A_199 = tpu.memref_slice %arg16[%mul3A_194, %dma_wait3A_198] : memref<16384x16xf32, #tpu.memory_space<vmem_shared>> -> memref<256x16xf32, #tpu.memory_space<vmem_shared>>
    %dma_wait3A_200 = arith.constant 0 : i32
    %dma_wait3A_201 = tpu.memref_slice %arg16[%mul3A_194, %dma_wait3A_200] : memref<16384x16xf32, #tpu.memory_space<vmem_shared>> -> memref<256x16xf32, #tpu.memory_space<vmem_shared>>
    %dma_wait3A_202 = arith.constant 0 : i32
    %dma_wait3A_203 = arith.constant 0 : i32
    %dma_wait3A_204 = tpu.memref_slice %arg14[%dma_wait3A_202, %dma_wait3A_203] : memref<1024x16xf32, #tpu.memory_space<vmem>> -> memref<256x16xf32, #tpu.memory_space<vmem>>
    tpu.wait_dma2 semaphore(%arg18 : memref<!tpu.dma_semaphore, #tpu.memory_space<semaphore_mem>>) src(%dma_wait3A_204 : memref<256x16xf32, #tpu.memory_space<vmem>>) dst(%dma_wait3A_201 : memref<256x16xf32, #tpu.memory_space<vmem_shared>>)
    %dma_wait3A_205 = arith.constant 0 : i32
    %dma_wait3A_206 = tpu.memref_slice %arg3[%mul3A_2, %dma_wait3A_205] : memref<2048x128xi32, #tpu.memory_space<hbm>> -> memref<64x128xi32, #tpu.memory_space<hbm>>
    %dma_wait3A_207 = arith.constant 0 : i32
    %dma_wait3A_208 = tpu.memref_slice %arg3[%mul3A_2, %dma_wait3A_207] : memref<2048x128xi32, #tpu.memory_space<hbm>> -> memref<64x128xi32, #tpu.memory_space<hbm>>
    tpu.wait_dma2 semaphore(%arg19 : memref<!tpu.dma_semaphore, #tpu.memory_space<semaphore_mem>>) src(%dma_wait3A_208 : memref<64x128xi32, #tpu.memory_space<hbm>>) dst(%arg7 : memref<64x128xi32, #tpu.memory_space<vmem>>)
    %dma_wait3A_209 = arith.constant 0 : i32
    %dma_wait3A_210 = tpu.memref_slice %arg4[%mul3A_2, %dma_wait3A_209] : memref<2048x128xi32, #tpu.memory_space<hbm>> -> memref<64x128xi32, #tpu.memory_space<hbm>>
    %dma_wait3A_211 = arith.constant 0 : i32
    %dma_wait3A_212 = tpu.memref_slice %arg4[%mul3A_2, %dma_wait3A_211] : memref<2048x128xi32, #tpu.memory_space<hbm>> -> memref<64x128xi32, #tpu.memory_space<hbm>>
    tpu.wait_dma2 semaphore(%arg20 : memref<!tpu.dma_semaphore, #tpu.memory_space<semaphore_mem>>) src(%dma_wait3A_212 : memref<64x128xi32, #tpu.memory_space<hbm>>) dst(%arg8 : memref<64x128xi32, #tpu.memory_space<vmem>>)
    %dma_wait3A_213 = arith.constant 0 : i32
    %dma_wait3A_214 = tpu.memref_slice %arg5[%mul3A_2, %dma_wait3A_213] : memref<2048x128xf32, #tpu.memory_space<hbm>> -> memref<64x128xf32, #tpu.memory_space<hbm>>
    %dma_wait3A_215 = arith.constant 0 : i32
    %dma_wait3A_216 = tpu.memref_slice %arg5[%mul3A_2, %dma_wait3A_215] : memref<2048x128xf32, #tpu.memory_space<hbm>> -> memref<64x128xf32, #tpu.memory_space<hbm>>
    tpu.wait_dma2 semaphore(%arg21 : memref<!tpu.dma_semaphore, #tpu.memory_space<semaphore_mem>>) src(%dma_wait3A_216 : memref<64x128xf32, #tpu.memory_space<hbm>>) dst(%arg9 : memref<64x128xf32, #tpu.memory_space<vmem>>)
    %mul3A_217 = arith.constant 1024 : i32
    %mul3A_218 = arith.muli %arg1, %mul3A_217 : i32
    %dma_wait3A_219 = arith.constant 0 : i32
    %dma_wait3A_220 = tpu.memref_slice %arg17[%mul3A_218, %dma_wait3A_219] : memref<16384x16xf32, #tpu.memory_space<vmem_shared>> -> memref<128x16xf32, #tpu.memory_space<vmem_shared>>
    %dma_wait3A_221 = arith.constant 0 : i32
    %dma_wait3A_222 = tpu.memref_slice %arg17[%mul3A_218, %dma_wait3A_221] : memref<16384x16xf32, #tpu.memory_space<vmem_shared>> -> memref<128x16xf32, #tpu.memory_space<vmem_shared>>
    tpu.wait_dma2 semaphore(%arg22 : memref<!tpu.dma_semaphore, #tpu.memory_space<semaphore_mem>>) src(%arg10 : memref<128x16xf32, #tpu.memory_space<vmem>>) dst(%dma_wait3A_222 : memref<128x16xf32, #tpu.memory_space<vmem_shared>>)
    %mul3A_223 = arith.constant 1024 : i32
    %mul3A_224 = arith.muli %arg1, %mul3A_223 : i32
    %dma_wait3A_225 = arith.constant 0 : i32
    %dma_wait3A_226 = tpu.memref_slice %arg17[%mul3A_224, %dma_wait3A_225] : memref<16384x16xf32, #tpu.memory_space<vmem_shared>> -> memref<128x16xf32, #tpu.memory_space<vmem_shared>>
    %dma_wait3A_227 = arith.constant 0 : i32
    %dma_wait3A_228 = tpu.memref_slice %arg17[%mul3A_224, %dma_wait3A_227] : memref<16384x16xf32, #tpu.memory_space<vmem_shared>> -> memref<128x16xf32, #tpu.memory_space<vmem_shared>>
    tpu.wait_dma2 semaphore(%arg22 : memref<!tpu.dma_semaphore, #tpu.memory_space<semaphore_mem>>) src(%arg10 : memref<128x16xf32, #tpu.memory_space<vmem>>) dst(%dma_wait3A_228 : memref<128x16xf32, #tpu.memory_space<vmem_shared>>)
    %mul3A_229 = arith.constant 1024 : i32
    %mul3A_230 = arith.muli %arg1, %mul3A_229 : i32
    %dma_wait3A_231 = arith.constant 0 : i32
    %dma_wait3A_232 = tpu.memref_slice %arg17[%mul3A_230, %dma_wait3A_231] : memref<16384x16xf32, #tpu.memory_space<vmem_shared>> -> memref<128x16xf32, #tpu.memory_space<vmem_shared>>
    %dma_wait3A_233 = arith.constant 0 : i32
    %dma_wait3A_234 = tpu.memref_slice %arg17[%mul3A_230, %dma_wait3A_233] : memref<16384x16xf32, #tpu.memory_space<vmem_shared>> -> memref<128x16xf32, #tpu.memory_space<vmem_shared>>
    tpu.wait_dma2 semaphore(%arg22 : memref<!tpu.dma_semaphore, #tpu.memory_space<semaphore_mem>>) src(%arg10 : memref<128x16xf32, #tpu.memory_space<vmem>>) dst(%dma_wait3A_234 : memref<128x16xf32, #tpu.memory_space<vmem_shared>>)
    %mul3A_235 = arith.constant 1024 : i32
    %mul3A_236 = arith.muli %arg1, %mul3A_235 : i32
    %dma_wait3A_237 = arith.constant 0 : i32
    %dma_wait3A_238 = tpu.memref_slice %arg17[%mul3A_236, %dma_wait3A_237] : memref<16384x16xf32, #tpu.memory_space<vmem_shared>> -> memref<128x16xf32, #tpu.memory_space<vmem_shared>>
    %dma_wait3A_239 = arith.constant 0 : i32
    %dma_wait3A_240 = tpu.memref_slice %arg17[%mul3A_236, %dma_wait3A_239] : memref<16384x16xf32, #tpu.memory_space<vmem_shared>> -> memref<128x16xf32, #tpu.memory_space<vmem_shared>>
    tpu.wait_dma2 semaphore(%arg22 : memref<!tpu.dma_semaphore, #tpu.memory_space<semaphore_mem>>) src(%arg10 : memref<128x16xf32, #tpu.memory_space<vmem>>) dst(%dma_wait3A_240 : memref<128x16xf32, #tpu.memory_space<vmem_shared>>)
    %mul3A_241 = arith.constant 1024 : i32
    %mul3A_242 = arith.muli %arg1, %mul3A_241 : i32
    %dma_wait3A_243 = arith.constant 0 : i32
    %dma_wait3A_244 = tpu.memref_slice %arg17[%mul3A_242, %dma_wait3A_243] : memref<16384x16xf32, #tpu.memory_space<vmem_shared>> -> memref<128x16xf32, #tpu.memory_space<vmem_shared>>
    %dma_wait3A_245 = arith.constant 0 : i32
    %dma_wait3A_246 = tpu.memref_slice %arg17[%mul3A_242, %dma_wait3A_245] : memref<16384x16xf32, #tpu.memory_space<vmem_shared>> -> memref<128x16xf32, #tpu.memory_space<vmem_shared>>
    tpu.wait_dma2 semaphore(%arg22 : memref<!tpu.dma_semaphore, #tpu.memory_space<semaphore_mem>>) src(%arg10 : memref<128x16xf32, #tpu.memory_space<vmem>>) dst(%dma_wait3A_246 : memref<128x16xf32, #tpu.memory_space<vmem_shared>>)
    %mul3A_247 = arith.constant 1024 : i32
    %mul3A_248 = arith.muli %arg1, %mul3A_247 : i32
    %dma_wait3A_249 = arith.constant 0 : i32
    %dma_wait3A_250 = tpu.memref_slice %arg17[%mul3A_248, %dma_wait3A_249] : memref<16384x16xf32, #tpu.memory_space<vmem_shared>> -> memref<128x16xf32, #tpu.memory_space<vmem_shared>>
    %dma_wait3A_251 = arith.constant 0 : i32
    %dma_wait3A_252 = tpu.memref_slice %arg17[%mul3A_248, %dma_wait3A_251] : memref<16384x16xf32, #tpu.memory_space<vmem_shared>> -> memref<128x16xf32, #tpu.memory_space<vmem_shared>>
    tpu.wait_dma2 semaphore(%arg22 : memref<!tpu.dma_semaphore, #tpu.memory_space<semaphore_mem>>) src(%arg10 : memref<128x16xf32, #tpu.memory_space<vmem>>) dst(%dma_wait3A_252 : memref<128x16xf32, #tpu.memory_space<vmem_shared>>)
    %mul3A_253 = arith.constant 1024 : i32
    %mul3A_254 = arith.muli %arg1, %mul3A_253 : i32
    %dma_wait3A_255 = arith.constant 0 : i32
    %dma_wait3A_256 = tpu.memref_slice %arg17[%mul3A_254, %dma_wait3A_255] : memref<16384x16xf32, #tpu.memory_space<vmem_shared>> -> memref<128x16xf32, #tpu.memory_space<vmem_shared>>
    %dma_wait3A_257 = arith.constant 0 : i32
    %dma_wait3A_258 = tpu.memref_slice %arg17[%mul3A_254, %dma_wait3A_257] : memref<16384x16xf32, #tpu.memory_space<vmem_shared>> -> memref<128x16xf32, #tpu.memory_space<vmem_shared>>
    tpu.wait_dma2 semaphore(%arg22 : memref<!tpu.dma_semaphore, #tpu.memory_space<semaphore_mem>>) src(%arg10 : memref<128x16xf32, #tpu.memory_space<vmem>>) dst(%dma_wait3A_258 : memref<128x16xf32, #tpu.memory_space<vmem_shared>>)
    %mul3A_259 = arith.constant 1024 : i32
    %mul3A_260 = arith.muli %arg1, %mul3A_259 : i32
    %dma_wait3A_261 = arith.constant 0 : i32
    %dma_wait3A_262 = tpu.memref_slice %arg17[%mul3A_260, %dma_wait3A_261] : memref<16384x16xf32, #tpu.memory_space<vmem_shared>> -> memref<128x16xf32, #tpu.memory_space<vmem_shared>>
    %dma_wait3A_263 = arith.constant 0 : i32
    %dma_wait3A_264 = tpu.memref_slice %arg17[%mul3A_260, %dma_wait3A_263] : memref<16384x16xf32, #tpu.memory_space<vmem_shared>> -> memref<128x16xf32, #tpu.memory_space<vmem_shared>>
    tpu.wait_dma2 semaphore(%arg22 : memref<!tpu.dma_semaphore, #tpu.memory_space<semaphore_mem>>) src(%arg10 : memref<128x16xf32, #tpu.memory_space<vmem>>) dst(%dma_wait3A_264 : memref<128x16xf32, #tpu.memory_space<vmem_shared>>)
    %barrier3A = arith.constant 0 : index
    tpu.barrier barrier_id(%barrier3A)
    "tpu.trace_stop"() : () -> ()
    "tpu.trace_start"() <{level = 10 : i32, message = "edge_loop"}> : () -> ()
    %min3A = arith.constant 0 : i32
    %min3A_265 = arith.constant 63 : i32
    %min3A_266 = arith.minsi %min3A, %min3A_265 : i32
    %dma_start3A_267 = arith.constant 0 : i32
    %dma_start3A_268 = tpu.memref_slice %arg7[%min3A_266, %dma_start3A_267] : memref<64x128xi32, #tpu.memory_space<vmem>> -> memref<1x128xi32, #tpu.memory_space<vmem>>
    %dma_start3A_269 = tpu.memref_squeeze %dma_start3A_268 : memref<1x128xi32, #tpu.memory_space<vmem>> -> memref<128xi32, #tpu.memory_space<vmem>>
    %dma_start3A_270 = arith.constant 0 : i32
    %dma_start3A_271 = arith.constant 0 : i32
    %dma_start3A_272 = tpu.memref_slice %arg16[%dma_start3A_270, %dma_start3A_271] : memref<16384x16xf32, #tpu.memory_space<vmem_shared>> -> memref<16384x16xf32, #tpu.memory_space<vmem_shared>>
    tpu.enqueue_indirect_dma source(%dma_start3A_272 : memref<16384x16xf32, #tpu.memory_space<vmem_shared>>) target(%arg10 : memref<128x16xf32, #tpu.memory_space<vmem>>) offsets(%dma_start3A_269 : memref<128xi32, #tpu.memory_space<vmem>>) semaphore(%arg18 : memref<!tpu.dma_semaphore, #tpu.memory_space<semaphore_mem>>)
    %min3A_273 = arith.constant 1 : i32
    %min3A_274 = arith.constant 63 : i32
    %min3A_275 = arith.minsi %min3A_273, %min3A_274 : i32
    %dma_start3A_276 = arith.constant 0 : i32
    %dma_start3A_277 = tpu.memref_slice %arg7[%min3A_275, %dma_start3A_276] : memref<64x128xi32, #tpu.memory_space<vmem>> -> memref<1x128xi32, #tpu.memory_space<vmem>>
    %dma_start3A_278 = tpu.memref_squeeze %dma_start3A_277 : memref<1x128xi32, #tpu.memory_space<vmem>> -> memref<128xi32, #tpu.memory_space<vmem>>
    %dma_start3A_279 = arith.constant 0 : i32
    %dma_start3A_280 = arith.constant 0 : i32
    %dma_start3A_281 = tpu.memref_slice %arg16[%dma_start3A_279, %dma_start3A_280] : memref<16384x16xf32, #tpu.memory_space<vmem_shared>> -> memref<16384x16xf32, #tpu.memory_space<vmem_shared>>
    tpu.enqueue_indirect_dma source(%dma_start3A_281 : memref<16384x16xf32, #tpu.memory_space<vmem_shared>>) target(%arg11 : memref<128x16xf32, #tpu.memory_space<vmem>>) offsets(%dma_start3A_278 : memref<128xi32, #tpu.memory_space<vmem>>) semaphore(%arg19 : memref<!tpu.dma_semaphore, #tpu.memory_space<semaphore_mem>>)
    %min3A_282 = arith.constant 2 : i32
    %min3A_283 = arith.constant 63 : i32
    %min3A_284 = arith.minsi %min3A_282, %min3A_283 : i32
    %dma_start3A_285 = arith.constant 0 : i32
    %dma_start3A_286 = tpu.memref_slice %arg7[%min3A_284, %dma_start3A_285] : memref<64x128xi32, #tpu.memory_space<vmem>> -> memref<1x128xi32, #tpu.memory_space<vmem>>
    %dma_start3A_287 = tpu.memref_squeeze %dma_start3A_286 : memref<1x128xi32, #tpu.memory_space<vmem>> -> memref<128xi32, #tpu.memory_space<vmem>>
    %dma_start3A_288 = arith.constant 0 : i32
    %dma_start3A_289 = arith.constant 0 : i32
    %dma_start3A_290 = tpu.memref_slice %arg16[%dma_start3A_288, %dma_start3A_289] : memref<16384x16xf32, #tpu.memory_space<vmem_shared>> -> memref<16384x16xf32, #tpu.memory_space<vmem_shared>>
    tpu.enqueue_indirect_dma source(%dma_start3A_290 : memref<16384x16xf32, #tpu.memory_space<vmem_shared>>) target(%arg12 : memref<128x16xf32, #tpu.memory_space<vmem>>) offsets(%dma_start3A_287 : memref<128xi32, #tpu.memory_space<vmem>>) semaphore(%arg20 : memref<!tpu.dma_semaphore, #tpu.memory_space<semaphore_mem>>)
    %dma_wait3A_291 = arith.constant 0 : i32
    %dma_wait3A_292 = arith.constant 0 : i32
    %dma_wait3A_293 = tpu.memref_slice %arg7[%dma_wait3A_291, %dma_wait3A_292] : memref<64x128xi32, #tpu.memory_space<vmem>> -> memref<1x128xi32, #tpu.memory_space<vmem>>
    %dma_wait3A_294 = tpu.memref_squeeze %dma_wait3A_293 : memref<1x128xi32, #tpu.memory_space<vmem>> -> memref<128xi32, #tpu.memory_space<vmem>>
    %dma_wait3A_295 = arith.constant 0 : i32
    %dma_wait3A_296 = arith.constant 0 : i32
    %dma_wait3A_297 = tpu.memref_slice %arg16[%dma_wait3A_295, %dma_wait3A_296] : memref<16384x16xf32, #tpu.memory_space<vmem_shared>> -> memref<16384x16xf32, #tpu.memory_space<vmem_shared>>
    tpu.wait_indirect_dma semaphore(%arg18 : memref<!tpu.dma_semaphore, #tpu.memory_space<semaphore_mem>>) src(%dma_wait3A_297 : memref<16384x16xf32, #tpu.memory_space<vmem_shared>>) dst(%arg10 : memref<128x16xf32, #tpu.memory_space<vmem>>)
    %parallel_loop3A_298 = arith.constant 0 : i32
    %parallel_loop3A_299 = arith.constant 8 : i32
    %parallel_loop3A_300 = arith.constant 1 : i32
    %parallel_loop3A_301 = arith.constant 0 : i32
    scf.for %parallel_loop3A_691 = %parallel_loop3A_298 to %parallel_loop3A_299 step %parallel_loop3A_300  : i32 {
      %parallel_loop3A_692 = arith.constant 16 : i32
      %parallel_loop3A_693 = arith.muli %parallel_loop3A_691, %parallel_loop3A_692 : i32
      %parallel_loop3A_694 = arith.index_cast %parallel_loop3A_301 : i32 to index
      %parallel_loop3A_695 = arith.index_cast %parallel_loop3A_693 : i32 to index
      %parallel_loop3A_696 = tpu.vector_load %arg9[%parallel_loop3A_694, %parallel_loop3A_695] {strides = array<i32>} : memref<64x128xf32, #tpu.memory_space<vmem>>, vector<16xf32>,
      %parallel_loop3A_697 = arith.constant 0 : i32
      %parallel_loop3A_698 = vector.broadcast %parallel_loop3A_697 : i32 to vector<16x1xi32>
      %parallel_loop3A_699 = vector.shape_cast %parallel_loop3A_698 : vector<16x1xi32> to vector<16xi32>
      %parallel_loop3A_700 = tpu.dynamic_gather %parallel_loop3A_696[%parallel_loop3A_699] in [0] : vector<16xf32>, vector<16xi32> -> vector<16xf32>
      %parallel_loop3A_701 = arith.constant 16 : i32
      %parallel_loop3A_702 = arith.muli %parallel_loop3A_691, %parallel_loop3A_701 : i32
      %parallel_loop3A_703 = arith.constant 0 : i32
      %parallel_loop3A_704 = arith.addi %parallel_loop3A_702, %parallel_loop3A_703 : i32
      %parallel_loop3A_705 = arith.index_cast %parallel_loop3A_704 : i32 to index
      %parallel_loop3A_706 = arith.constant 0 : index
      %parallel_loop3A_707 = tpu.vector_load %arg10[%parallel_loop3A_705, %parallel_loop3A_706] {strides = array<i32>} : memref<128x16xf32, #tpu.memory_space<vmem>>, vector<16xf32>,
      %parallel_loop3A_708 = arith.mulf %parallel_loop3A_707, %parallel_loop3A_700 : vector<16xf32>
      %parallel_loop3A_709 = arith.index_cast %parallel_loop3A_704 : i32 to index
      %parallel_loop3A_710 = arith.constant 0 : index
      %parallel_loop3A_711 = tpu.vector_load %arg10[%parallel_loop3A_709, %parallel_loop3A_710] {strides = array<i32>} : memref<128x16xf32, #tpu.memory_space<vmem>>, vector<16xf32>,
      tpu.vector_store %arg10[%parallel_loop3A_709, %parallel_loop3A_710], %parallel_loop3A_708 {strides = array<i32>} : memref<128x16xf32, #tpu.memory_space<vmem>>, vector<16xf32>,
      %parallel_loop3A_712 = arith.constant 1 : i32
      %parallel_loop3A_713 = vector.broadcast %parallel_loop3A_712 : i32 to vector<16x1xi32>
      %parallel_loop3A_714 = vector.shape_cast %parallel_loop3A_713 : vector<16x1xi32> to vector<16xi32>
      %parallel_loop3A_715 = tpu.dynamic_gather %parallel_loop3A_696[%parallel_loop3A_714] in [0] : vector<16xf32>, vector<16xi32> -> vector<16xf32>
      %parallel_loop3A_716 = arith.constant 16 : i32
      %parallel_loop3A_717 = arith.muli %parallel_loop3A_691, %parallel_loop3A_716 : i32
      %parallel_loop3A_718 = arith.constant 1 : i32
      %parallel_loop3A_719 = arith.addi %parallel_loop3A_717, %parallel_loop3A_718 : i32
      %parallel_loop3A_720 = arith.index_cast %parallel_loop3A_719 : i32 to index
      %parallel_loop3A_721 = arith.constant 0 : index
      %parallel_loop3A_722 = tpu.vector_load %arg10[%parallel_loop3A_720, %parallel_loop3A_721] {strides = array<i32>} : memref<128x16xf32, #tpu.memory_space<vmem>>, vector<16xf32>,
      %parallel_loop3A_723 = arith.mulf %parallel_loop3A_722, %parallel_loop3A_715 : vector<16xf32>
      %parallel_loop3A_724 = arith.index_cast %parallel_loop3A_719 : i32 to index
      %parallel_loop3A_725 = arith.constant 0 : index
      %parallel_loop3A_726 = tpu.vector_load %arg10[%parallel_loop3A_724, %parallel_loop3A_725] {strides = array<i32>} : memref<128x16xf32, #tpu.memory_space<vmem>>, vector<16xf32>,
      tpu.vector_store %arg10[%parallel_loop3A_724, %parallel_loop3A_725], %parallel_loop3A_723 {strides = array<i32>} : memref<128x16xf32, #tpu.memory_space<vmem>>, vector<16xf32>,
      %parallel_loop3A_727 = arith.constant 2 : i32
      %parallel_loop3A_728 = vector.broadcast %parallel_loop3A_727 : i32 to vector<16x1xi32>
      %parallel_loop3A_729 = vector.shape_cast %parallel_loop3A_728 : vector<16x1xi32> to vector<16xi32>
      %parallel_loop3A_730 = tpu.dynamic_gather %parallel_loop3A_696[%parallel_loop3A_729] in [0] : vector<16xf32>, vector<16xi32> -> vector<16xf32>
      %parallel_loop3A_731 = arith.constant 16 : i32
      %parallel_loop3A_732 = arith.muli %parallel_loop3A_691, %parallel_loop3A_731 : i32
      %parallel_loop3A_733 = arith.constant 2 : i32
      %parallel_loop3A_734 = arith.addi %parallel_loop3A_732, %parallel_loop3A_733 : i32
      %parallel_loop3A_735 = arith.index_cast %parallel_loop3A_734 : i32 to index
      %parallel_loop3A_736 = arith.constant 0 : index
      %parallel_loop3A_737 = tpu.vector_load %arg10[%parallel_loop3A_735, %parallel_loop3A_736] {strides = array<i32>} : memref<128x16xf32, #tpu.memory_space<vmem>>, vector<16xf32>,
      %parallel_loop3A_738 = arith.mulf %parallel_loop3A_737, %parallel_loop3A_730 : vector<16xf32>
      %parallel_loop3A_739 = arith.index_cast %parallel_loop3A_734 : i32 to index
      %parallel_loop3A_740 = arith.constant 0 : index
      %parallel_loop3A_741 = tpu.vector_load %arg10[%parallel_loop3A_739, %parallel_loop3A_740] {strides = array<i32>} : memref<128x16xf32, #tpu.memory_space<vmem>>, vector<16xf32>,
      tpu.vector_store %arg10[%parallel_loop3A_739, %parallel_loop3A_740], %parallel_loop3A_738 {strides = array<i32>} : memref<128x16xf32, #tpu.memory_space<vmem>>, vector<16xf32>,
      %parallel_loop3A_742 = arith.constant 3 : i32
      %parallel_loop3A_743 = vector.broadcast %parallel_loop3A_742 : i32 to vector<16x1xi32>
      %parallel_loop3A_744 = vector.shape_cast %parallel_loop3A_743 : vector<16x1xi32> to vector<16xi32>
      %parallel_loop3A_745 = tpu.dynamic_gather %parallel_loop3A_696[%parallel_loop3A_744] in [0] : vector<16xf32>, vector<16xi32> -> vector<16xf32>
      %parallel_loop3A_746 = arith.constant 16 : i32
      %parallel_loop3A_747 = arith.muli %parallel_loop3A_691, %parallel_loop3A_746 : i32
      %parallel_loop3A_748 = arith.constant 3 : i32
      %parallel_loop3A_749 = arith.addi %parallel_loop3A_747, %parallel_loop3A_748 : i32
      %parallel_loop3A_750 = arith.index_cast %parallel_loop3A_749 : i32 to index
      %parallel_loop3A_751 = arith.constant 0 : index
      %parallel_loop3A_752 = tpu.vector_load %arg10[%parallel_loop3A_750, %parallel_loop3A_751] {strides = array<i32>} : memref<128x16xf32, #tpu.memory_space<vmem>>, vector<16xf32>,
      %parallel_loop3A_753 = arith.mulf %parallel_loop3A_752, %parallel_loop3A_745 : vector<16xf32>
      %parallel_loop3A_754 = arith.index_cast %parallel_loop3A_749 : i32 to index
      %parallel_loop3A_755 = arith.constant 0 : index
      %parallel_loop3A_756 = tpu.vector_load %arg10[%parallel_loop3A_754, %parallel_loop3A_755] {strides = array<i32>} : memref<128x16xf32, #tpu.memory_space<vmem>>, vector<16xf32>,
      tpu.vector_store %arg10[%parallel_loop3A_754, %parallel_loop3A_755], %parallel_loop3A_753 {strides = array<i32>} : memref<128x16xf32, #tpu.memory_space<vmem>>, vector<16xf32>,
      %parallel_loop3A_757 = arith.constant 4 : i32
      %parallel_loop3A_758 = vector.broadcast %parallel_loop3A_757 : i32 to vector<16x1xi32>
      %parallel_loop3A_759 = vector.shape_cast %parallel_loop3A_758 : vector<16x1xi32> to vector<16xi32>
      %parallel_loop3A_760 = tpu.dynamic_gather %parallel_loop3A_696[%parallel_loop3A_759] in [0] : vector<16xf32>, vector<16xi32> -> vector<16xf32>
      %parallel_loop3A_761 = arith.constant 16 : i32
      %parallel_loop3A_762 = arith.muli %parallel_loop3A_691, %parallel_loop3A_761 : i32
      %parallel_loop3A_763 = arith.constant 4 : i32
      %parallel_loop3A_764 = arith.addi %parallel_loop3A_762, %parallel_loop3A_763 : i32
      %parallel_loop3A_765 = arith.index_cast %parallel_loop3A_764 : i32 to index
      %parallel_loop3A_766 = arith.constant 0 : index
      %parallel_loop3A_767 = tpu.vector_load %arg10[%parallel_loop3A_765, %parallel_loop3A_766] {strides = array<i32>} : memref<128x16xf32, #tpu.memory_space<vmem>>, vector<16xf32>,
      %parallel_loop3A_768 = arith.mulf %parallel_loop3A_767, %parallel_loop3A_760 : vector<16xf32>
      %parallel_loop3A_769 = arith.index_cast %parallel_loop3A_764 : i32 to index
      %parallel_loop3A_770 = arith.constant 0 : index
      %parallel_loop3A_771 = tpu.vector_load %arg10[%parallel_loop3A_769, %parallel_loop3A_770] {strides = array<i32>} : memref<128x16xf32, #tpu.memory_space<vmem>>, vector<16xf32>,
      tpu.vector_store %arg10[%parallel_loop3A_769, %parallel_loop3A_770], %parallel_loop3A_768 {strides = array<i32>} : memref<128x16xf32, #tpu.memory_space<vmem>>, vector<16xf32>,
      %parallel_loop3A_772 = arith.constant 5 : i32
      %parallel_loop3A_773 = vector.broadcast %parallel_loop3A_772 : i32 to vector<16x1xi32>
      %parallel_loop3A_774 = vector.shape_cast %parallel_loop3A_773 : vector<16x1xi32> to vector<16xi32>
      %parallel_loop3A_775 = tpu.dynamic_gather %parallel_loop3A_696[%parallel_loop3A_774] in [0] : vector<16xf32>, vector<16xi32> -> vector<16xf32>
      %parallel_loop3A_776 = arith.constant 16 : i32
      %parallel_loop3A_777 = arith.muli %parallel_loop3A_691, %parallel_loop3A_776 : i32
      %parallel_loop3A_778 = arith.constant 5 : i32
      %parallel_loop3A_779 = arith.addi %parallel_loop3A_777, %parallel_loop3A_778 : i32
      %parallel_loop3A_780 = arith.index_cast %parallel_loop3A_779 : i32 to index
      %parallel_loop3A_781 = arith.constant 0 : index
      %parallel_loop3A_782 = tpu.vector_load %arg10[%parallel_loop3A_780, %parallel_loop3A_781] {strides = array<i32>} : memref<128x16xf32, #tpu.memory_space<vmem>>, vector<16xf32>,
      %parallel_loop3A_783 = arith.mulf %parallel_loop3A_782, %parallel_loop3A_775 : vector<16xf32>
      %parallel_loop3A_784 = arith.index_cast %parallel_loop3A_779 : i32 to index
      %parallel_loop3A_785 = arith.constant 0 : index
      %parallel_loop3A_786 = tpu.vector_load %arg10[%parallel_loop3A_784, %parallel_loop3A_785] {strides = array<i32>} : memref<128x16xf32, #tpu.memory_space<vmem>>, vector<16xf32>,
      tpu.vector_store %arg10[%parallel_loop3A_784, %parallel_loop3A_785], %parallel_loop3A_783 {strides = array<i32>} : memref<128x16xf32, #tpu.memory_space<vmem>>, vector<16xf32>,
      %parallel_loop3A_787 = arith.constant 6 : i32
      %parallel_loop3A_788 = vector.broadcast %parallel_loop3A_787 : i32 to vector<16x1xi32>
      %parallel_loop3A_789 = vector.shape_cast %parallel_loop3A_788 : vector<16x1xi32> to vector<16xi32>
      %parallel_loop3A_790 = tpu.dynamic_gather %parallel_loop3A_696[%parallel_loop3A_789] in [0] : vector<16xf32>, vector<16xi32> -> vector<16xf32>
      %parallel_loop3A_791 = arith.constant 16 : i32
      %parallel_loop3A_792 = arith.muli %parallel_loop3A_691, %parallel_loop3A_791 : i32
      %parallel_loop3A_793 = arith.constant 6 : i32
      %parallel_loop3A_794 = arith.addi %parallel_loop3A_792, %parallel_loop3A_793 : i32
      %parallel_loop3A_795 = arith.index_cast %parallel_loop3A_794 : i32 to index
      %parallel_loop3A_796 = arith.constant 0 : index
      %parallel_loop3A_797 = tpu.vector_load %arg10[%parallel_loop3A_795, %parallel_loop3A_796] {strides = array<i32>} : memref<128x16xf32, #tpu.memory_space<vmem>>, vector<16xf32>,
      %parallel_loop3A_798 = arith.mulf %parallel_loop3A_797, %parallel_loop3A_790 : vector<16xf32>
      %parallel_loop3A_799 = arith.index_cast %parallel_loop3A_794 : i32 to index
      %parallel_loop3A_800 = arith.constant 0 : index
      %parallel_loop3A_801 = tpu.vector_load %arg10[%parallel_loop3A_799, %parallel_loop3A_800] {strides = array<i32>} : memref<128x16xf32, #tpu.memory_space<vmem>>, vector<16xf32>,
      tpu.vector_store %arg10[%parallel_loop3A_799, %parallel_loop3A_800], %parallel_loop3A_798 {strides = array<i32>} : memref<128x16xf32, #tpu.memory_space<vmem>>, vector<16xf32>,
      %parallel_loop3A_802 = arith.constant 7 : i32
      %parallel_loop3A_803 = vector.broadcast %parallel_loop3A_802 : i32 to vector<16x1xi32>
      %parallel_loop3A_804 = vector.shape_cast %parallel_loop3A_803 : vector<16x1xi32> to vector<16xi32>
      %parallel_loop3A_805 = tpu.dynamic_gather %parallel_loop3A_696[%parallel_loop3A_804] in [0] : vector<16xf32>, vector<16xi32> -> vector<16xf32>
      %parallel_loop3A_806 = arith.constant 16 : i32
      %parallel_loop3A_807 = arith.muli %parallel_loop3A_691, %parallel_loop3A_806 : i32
      %parallel_loop3A_808 = arith.constant 7 : i32
      %parallel_loop3A_809 = arith.addi %parallel_loop3A_807, %parallel_loop3A_808 : i32
      %parallel_loop3A_810 = arith.index_cast %parallel_loop3A_809 : i32 to index
      %parallel_loop3A_811 = arith.constant 0 : index
      %parallel_loop3A_812 = tpu.vector_load %arg10[%parallel_loop3A_810, %parallel_loop3A_811] {strides = array<i32>} : memref<128x16xf32, #tpu.memory_space<vmem>>, vector<16xf32>,
      %parallel_loop3A_813 = arith.mulf %parallel_loop3A_812, %parallel_loop3A_805 : vector<16xf32>
      %parallel_loop3A_814 = arith.index_cast %parallel_loop3A_809 : i32 to index
      %parallel_loop3A_815 = arith.constant 0 : index
      %parallel_loop3A_816 = tpu.vector_load %arg10[%parallel_loop3A_814, %parallel_loop3A_815] {strides = array<i32>} : memref<128x16xf32, #tpu.memory_space<vmem>>, vector<16xf32>,
      tpu.vector_store %arg10[%parallel_loop3A_814, %parallel_loop3A_815], %parallel_loop3A_813 {strides = array<i32>} : memref<128x16xf32, #tpu.memory_space<vmem>>, vector<16xf32>,
      %parallel_loop3A_817 = arith.constant 8 : i32
      %parallel_loop3A_818 = vector.broadcast %parallel_loop3A_817 : i32 to vector<16x1xi32>
      %parallel_loop3A_819 = vector.shape_cast %parallel_loop3A_818 : vector<16x1xi32> to vector<16xi32>
      %parallel_loop3A_820 = tpu.dynamic_gather %parallel_loop3A_696[%parallel_loop3A_819] in [0] : vector<16xf32>, vector<16xi32> -> vector<16xf32>
      %parallel_loop3A_821 = arith.constant 16 : i32
      %parallel_loop3A_822 = arith.muli %parallel_loop3A_691, %parallel_loop3A_821 : i32
      %parallel_loop3A_823 = arith.constant 8 : i32
      %parallel_loop3A_824 = arith.addi %parallel_loop3A_822, %parallel_loop3A_823 : i32
      %parallel_loop3A_825 = arith.index_cast %parallel_loop3A_824 : i32 to index
      %parallel_loop3A_826 = arith.constant 0 : index
      %parallel_loop3A_827 = tpu.vector_load %arg10[%parallel_loop3A_825, %parallel_loop3A_826] {strides = array<i32>} : memref<128x16xf32, #tpu.memory_space<vmem>>, vector<16xf32>,
      %parallel_loop3A_828 = arith.mulf %parallel_loop3A_827, %parallel_loop3A_820 : vector<16xf32>
      %parallel_loop3A_829 = arith.index_cast %parallel_loop3A_824 : i32 to index
      %parallel_loop3A_830 = arith.constant 0 : index
      %parallel_loop3A_831 = tpu.vector_load %arg10[%parallel_loop3A_829, %parallel_loop3A_830] {strides = array<i32>} : memref<128x16xf32, #tpu.memory_space<vmem>>, vector<16xf32>,
      tpu.vector_store %arg10[%parallel_loop3A_829, %parallel_loop3A_830], %parallel_loop3A_828 {strides = array<i32>} : memref<128x16xf32, #tpu.memory_space<vmem>>, vector<16xf32>,
      %parallel_loop3A_832 = arith.constant 9 : i32
      %parallel_loop3A_833 = vector.broadcast %parallel_loop3A_832 : i32 to vector<16x1xi32>
      %parallel_loop3A_834 = vector.shape_cast %parallel_loop3A_833 : vector<16x1xi32> to vector<16xi32>
      %parallel_loop3A_835 = tpu.dynamic_gather %parallel_loop3A_696[%parallel_loop3A_834] in [0] : vector<16xf32>, vector<16xi32> -> vector<16xf32>
      %parallel_loop3A_836 = arith.constant 16 : i32
      %parallel_loop3A_837 = arith.muli %parallel_loop3A_691, %parallel_loop3A_836 : i32
      %parallel_loop3A_838 = arith.constant 9 : i32
      %parallel_loop3A_839 = arith.addi %parallel_loop3A_837, %parallel_loop3A_838 : i32
      %parallel_loop3A_840 = arith.index_cast %parallel_loop3A_839 : i32 to index
      %parallel_loop3A_841 = arith.constant 0 : index
      %parallel_loop3A_842 = tpu.vector_load %arg10[%parallel_loop3A_840, %parallel_loop3A_841] {strides = array<i32>} : memref<128x16xf32, #tpu.memory_space<vmem>>, vector<16xf32>,
      %parallel_loop3A_843 = arith.mulf %parallel_loop3A_842, %parallel_loop3A_835 : vector<16xf32>
      %parallel_loop3A_844 = arith.index_cast %parallel_loop3A_839 : i32 to index
      %parallel_loop3A_845 = arith.constant 0 : index
      %parallel_loop3A_846 = tpu.vector_load %arg10[%parallel_loop3A_844, %parallel_loop3A_845] {strides = array<i32>} : memref<128x16xf32, #tpu.memory_space<vmem>>, vector<16xf32>,
      tpu.vector_store %arg10[%parallel_loop3A_844, %parallel_loop3A_845], %parallel_loop3A_843 {strides = array<i32>} : memref<128x16xf32, #tpu.memory_space<vmem>>, vector<16xf32>,
      %parallel_loop3A_847 = arith.constant 10 : i32
      %parallel_loop3A_848 = vector.broadcast %parallel_loop3A_847 : i32 to vector<16x1xi32>
      %parallel_loop3A_849 = vector.shape_cast %parallel_loop3A_848 : vector<16x1xi32> to vector<16xi32>
      %parallel_loop3A_850 = tpu.dynamic_gather %parallel_loop3A_696[%parallel_loop3A_849] in [0] : vector<16xf32>, vector<16xi32> -> vector<16xf32>
      %parallel_loop3A_851 = arith.constant 16 : i32
      %parallel_loop3A_852 = arith.muli %parallel_loop3A_691, %parallel_loop3A_851 : i32
      %parallel_loop3A_853 = arith.constant 10 : i32
      %parallel_loop3A_854 = arith.addi %parallel_loop3A_852, %parallel_loop3A_853 : i32
      %parallel_loop3A_855 = arith.index_cast %parallel_loop3A_854 : i32 to index
      %parallel_loop3A_856 = arith.constant 0 : index
      %parallel_loop3A_857 = tpu.vector_load %arg10[%parallel_loop3A_855, %parallel_loop3A_856] {strides = array<i32>} : memref<128x16xf32, #tpu.memory_space<vmem>>, vector<16xf32>,
      %parallel_loop3A_858 = arith.mulf %parallel_loop3A_857, %parallel_loop3A_850 : vector<16xf32>
      %parallel_loop3A_859 = arith.index_cast %parallel_loop3A_854 : i32 to index
      %parallel_loop3A_860 = arith.constant 0 : index
      %parallel_loop3A_861 = tpu.vector_load %arg10[%parallel_loop3A_859, %parallel_loop3A_860] {strides = array<i32>} : memref<128x16xf32, #tpu.memory_space<vmem>>, vector<16xf32>,
      tpu.vector_store %arg10[%parallel_loop3A_859, %parallel_loop3A_860], %parallel_loop3A_858 {strides = array<i32>} : memref<128x16xf32, #tpu.memory_space<vmem>>, vector<16xf32>,
      %parallel_loop3A_862 = arith.constant 11 : i32
      %parallel_loop3A_863 = vector.broadcast %parallel_loop3A_862 : i32 to vector<16x1xi32>
      %parallel_loop3A_864 = vector.shape_cast %parallel_loop3A_863 : vector<16x1xi32> to vector<16xi32>
      %parallel_loop3A_865 = tpu.dynamic_gather %parallel_loop3A_696[%parallel_loop3A_864] in [0] : vector<16xf32>, vector<16xi32> -> vector<16xf32>
      %parallel_loop3A_866 = arith.constant 16 : i32
      %parallel_loop3A_867 = arith.muli %parallel_loop3A_691, %parallel_loop3A_866 : i32
      %parallel_loop3A_868 = arith.constant 11 : i32
      %parallel_loop3A_869 = arith.addi %parallel_loop3A_867, %parallel_loop3A_868 : i32
      %parallel_loop3A_870 = arith.index_cast %parallel_loop3A_869 : i32 to index
      %parallel_loop3A_871 = arith.constant 0 : index
      %parallel_loop3A_872 = tpu.vector_load %arg10[%parallel_loop3A_870, %parallel_loop3A_871] {strides = array<i32>} : memref<128x16xf32, #tpu.memory_space<vmem>>, vector<16xf32>,
      %parallel_loop3A_873 = arith.mulf %parallel_loop3A_872, %parallel_loop3A_865 : vector<16xf32>
      %parallel_loop3A_874 = arith.index_cast %parallel_loop3A_869 : i32 to index
      %parallel_loop3A_875 = arith.constant 0 : index
      %parallel_loop3A_876 = tpu.vector_load %arg10[%parallel_loop3A_874, %parallel_loop3A_875] {strides = array<i32>} : memref<128x16xf32, #tpu.memory_space<vmem>>, vector<16xf32>,
      tpu.vector_store %arg10[%parallel_loop3A_874, %parallel_loop3A_875], %parallel_loop3A_873 {strides = array<i32>} : memref<128x16xf32, #tpu.memory_space<vmem>>, vector<16xf32>,
      %parallel_loop3A_877 = arith.constant 12 : i32
      %parallel_loop3A_878 = vector.broadcast %parallel_loop3A_877 : i32 to vector<16x1xi32>
      %parallel_loop3A_879 = vector.shape_cast %parallel_loop3A_878 : vector<16x1xi32> to vector<16xi32>
      %parallel_loop3A_880 = tpu.dynamic_gather %parallel_loop3A_696[%parallel_loop3A_879] in [0] : vector<16xf32>, vector<16xi32> -> vector<16xf32>
      %parallel_loop3A_881 = arith.constant 16 : i32
      %parallel_loop3A_882 = arith.muli %parallel_loop3A_691, %parallel_loop3A_881 : i32
      %parallel_loop3A_883 = arith.constant 12 : i32
      %parallel_loop3A_884 = arith.addi %parallel_loop3A_882, %parallel_loop3A_883 : i32
      %parallel_loop3A_885 = arith.index_cast %parallel_loop3A_884 : i32 to index
      %parallel_loop3A_886 = arith.constant 0 : index
      %parallel_loop3A_887 = tpu.vector_load %arg10[%parallel_loop3A_885, %parallel_loop3A_886] {strides = array<i32>} : memref<128x16xf32, #tpu.memory_space<vmem>>, vector<16xf32>,
      %parallel_loop3A_888 = arith.mulf %parallel_loop3A_887, %parallel_loop3A_880 : vector<16xf32>
      %parallel_loop3A_889 = arith.index_cast %parallel_loop3A_884 : i32 to index
      %parallel_loop3A_890 = arith.constant 0 : index
      %parallel_loop3A_891 = tpu.vector_load %arg10[%parallel_loop3A_889, %parallel_loop3A_890] {strides = array<i32>} : memref<128x16xf32, #tpu.memory_space<vmem>>, vector<16xf32>,
      tpu.vector_store %arg10[%parallel_loop3A_889, %parallel_loop3A_890], %parallel_loop3A_888 {strides = array<i32>} : memref<128x16xf32, #tpu.memory_space<vmem>>, vector<16xf32>,
      %parallel_loop3A_892 = arith.constant 13 : i32
      %parallel_loop3A_893 = vector.broadcast %parallel_loop3A_892 : i32 to vector<16x1xi32>
      %parallel_loop3A_894 = vector.shape_cast %parallel_loop3A_893 : vector<16x1xi32> to vector<16xi32>
      %parallel_loop3A_895 = tpu.dynamic_gather %parallel_loop3A_696[%parallel_loop3A_894] in [0] : vector<16xf32>, vector<16xi32> -> vector<16xf32>
      %parallel_loop3A_896 = arith.constant 16 : i32
      %parallel_loop3A_897 = arith.muli %parallel_loop3A_691, %parallel_loop3A_896 : i32
      %parallel_loop3A_898 = arith.constant 13 : i32
      %parallel_loop3A_899 = arith.addi %parallel_loop3A_897, %parallel_loop3A_898 : i32
      %parallel_loop3A_900 = arith.index_cast %parallel_loop3A_899 : i32 to index
      %parallel_loop3A_901 = arith.constant 0 : index
      %parallel_loop3A_902 = tpu.vector_load %arg10[%parallel_loop3A_900, %parallel_loop3A_901] {strides = array<i32>} : memref<128x16xf32, #tpu.memory_space<vmem>>, vector<16xf32>,
      %parallel_loop3A_903 = arith.mulf %parallel_loop3A_902, %parallel_loop3A_895 : vector<16xf32>
      %parallel_loop3A_904 = arith.index_cast %parallel_loop3A_899 : i32 to index
      %parallel_loop3A_905 = arith.constant 0 : index
      %parallel_loop3A_906 = tpu.vector_load %arg10[%parallel_loop3A_904, %parallel_loop3A_905] {strides = array<i32>} : memref<128x16xf32, #tpu.memory_space<vmem>>, vector<16xf32>,
      tpu.vector_store %arg10[%parallel_loop3A_904, %parallel_loop3A_905], %parallel_loop3A_903 {strides = array<i32>} : memref<128x16xf32, #tpu.memory_space<vmem>>, vector<16xf32>,
      %parallel_loop3A_907 = arith.constant 14 : i32
      %parallel_loop3A_908 = vector.broadcast %parallel_loop3A_907 : i32 to vector<16x1xi32>
      %parallel_loop3A_909 = vector.shape_cast %parallel_loop3A_908 : vector<16x1xi32> to vector<16xi32>
      %parallel_loop3A_910 = tpu.dynamic_gather %parallel_loop3A_696[%parallel_loop3A_909] in [0] : vector<16xf32>, vector<16xi32> -> vector<16xf32>
      %parallel_loop3A_911 = arith.constant 16 : i32
      %parallel_loop3A_912 = arith.muli %parallel_loop3A_691, %parallel_loop3A_911 : i32
      %parallel_loop3A_913 = arith.constant 14 : i32
      %parallel_loop3A_914 = arith.addi %parallel_loop3A_912, %parallel_loop3A_913 : i32
      %parallel_loop3A_915 = arith.index_cast %parallel_loop3A_914 : i32 to index
      %parallel_loop3A_916 = arith.constant 0 : index
      %parallel_loop3A_917 = tpu.vector_load %arg10[%parallel_loop3A_915, %parallel_loop3A_916] {strides = array<i32>} : memref<128x16xf32, #tpu.memory_space<vmem>>, vector<16xf32>,
      %parallel_loop3A_918 = arith.mulf %parallel_loop3A_917, %parallel_loop3A_910 : vector<16xf32>
      %parallel_loop3A_919 = arith.index_cast %parallel_loop3A_914 : i32 to index
      %parallel_loop3A_920 = arith.constant 0 : index
      %parallel_loop3A_921 = tpu.vector_load %arg10[%parallel_loop3A_919, %parallel_loop3A_920] {strides = array<i32>} : memref<128x16xf32, #tpu.memory_space<vmem>>, vector<16xf32>,
      tpu.vector_store %arg10[%parallel_loop3A_919, %parallel_loop3A_920], %parallel_loop3A_918 {strides = array<i32>} : memref<128x16xf32, #tpu.memory_space<vmem>>, vector<16xf32>,
      %parallel_loop3A_922 = arith.constant 15 : i32
      %parallel_loop3A_923 = vector.broadcast %parallel_loop3A_922 : i32 to vector<16x1xi32>
      %parallel_loop3A_924 = vector.shape_cast %parallel_loop3A_923 : vector<16x1xi32> to vector<16xi32>
      %parallel_loop3A_925 = tpu.dynamic_gather %parallel_loop3A_696[%parallel_loop3A_924] in [0] : vector<16xf32>, vector<16xi32> -> vector<16xf32>
      %parallel_loop3A_926 = arith.constant 16 : i32
      %parallel_loop3A_927 = arith.muli %parallel_loop3A_691, %parallel_loop3A_926 : i32
      %parallel_loop3A_928 = arith.constant 15 : i32
      %parallel_loop3A_929 = arith.addi %parallel_loop3A_927, %parallel_loop3A_928 : i32
      %parallel_loop3A_930 = arith.index_cast %parallel_loop3A_929 : i32 to index
      %parallel_loop3A_931 = arith.constant 0 : index
      %parallel_loop3A_932 = tpu.vector_load %arg10[%parallel_loop3A_930, %parallel_loop3A_931] {strides = array<i32>} : memref<128x16xf32, #tpu.memory_space<vmem>>, vector<16xf32>,
      %parallel_loop3A_933 = arith.mulf %parallel_loop3A_932, %parallel_loop3A_925 : vector<16xf32>
      %parallel_loop3A_934 = arith.index_cast %parallel_loop3A_929 : i32 to index
      %parallel_loop3A_935 = arith.constant 0 : index
      %parallel_loop3A_936 = tpu.vector_load %arg10[%parallel_loop3A_934, %parallel_loop3A_935] {strides = array<i32>} : memref<128x16xf32, #tpu.memory_space<vmem>>, vector<16xf32>,
      tpu.vector_store %arg10[%parallel_loop3A_934, %parallel_loop3A_935], %parallel_loop3A_933 {strides = array<i32>} : memref<128x16xf32, #tpu.memory_space<vmem>>, vector<16xf32>,
    } {sc.loop_unroll_factor = 4 : i64, sc.parallel_access}
    %dma_start3A_302 = arith.constant 0 : i32
    %dma_start3A_303 = arith.constant 0 : i32
    %dma_start3A_304 = tpu.memref_slice %arg8[%dma_start3A_302, %dma_start3A_303] : memref<64x128xi32, #tpu.memory_space<vmem>> -> memref<1x128xi32, #tpu.memory_space<vmem>>
    %dma_start3A_305 = tpu.memref_squeeze %dma_start3A_304 : memref<1x128xi32, #tpu.memory_space<vmem>> -> memref<128xi32, #tpu.memory_space<vmem>>
    %dma_start3A_306 = arith.constant 0 : i32
    %dma_start3A_307 = arith.constant 0 : i32
    %dma_start3A_308 = tpu.memref_slice %arg17[%dma_start3A_306, %dma_start3A_307] : memref<16384x16xf32, #tpu.memory_space<vmem_shared>> -> memref<16384x16xf32, #tpu.memory_space<vmem_shared>>
    tpu.enqueue_indirect_dma source(%arg10 : memref<128x16xf32, #tpu.memory_space<vmem>>) target(%dma_start3A_308 : memref<16384x16xf32, #tpu.memory_space<vmem_shared>>) offsets(%dma_start3A_305 : memref<128xi32, #tpu.memory_space<vmem>>) semaphore(%arg22 : memref<!tpu.dma_semaphore, #tpu.memory_space<semaphore_mem>>) {add = true}
    %min3A_309 = arith.constant 3 : i32
    %min3A_310 = arith.constant 63 : i32
    %min3A_311 = arith.minsi %min3A_309, %min3A_310 : i32
    %dma_start3A_312 = arith.constant 0 : i32
    %dma_start3A_313 = tpu.memref_slice %arg7[%min3A_311, %dma_start3A_312] : memref<64x128xi32, #tpu.memory_space<vmem>> -> memref<1x128xi32, #tpu.memory_space<vmem>>
    %dma_start3A_314 = tpu.memref_squeeze %dma_start3A_313 : memref<1x128xi32, #tpu.memory_space<vmem>> -> memref<128xi32, #tpu.memory_space<vmem>>
    %dma_start3A_315 = arith.constant 0 : i32
    %dma_start3A_316 = arith.constant 0 : i32
    %dma_start3A_317 = tpu.memref_slice %arg16[%dma_start3A_315, %dma_start3A_316] : memref<16384x16xf32, #tpu.memory_space<vmem_shared>> -> memref<16384x16xf32, #tpu.memory_space<vmem_shared>>
    tpu.enqueue_indirect_dma source(%dma_start3A_317 : memref<16384x16xf32, #tpu.memory_space<vmem_shared>>) target(%arg13 : memref<128x16xf32, #tpu.memory_space<vmem>>) offsets(%dma_start3A_314 : memref<128xi32, #tpu.memory_space<vmem>>) semaphore(%arg21 : memref<!tpu.dma_semaphore, #tpu.memory_space<semaphore_mem>>)
    %dma_wait3A_318 = arith.constant 0 : i32
    %dma_wait3A_319 = arith.constant 0 : i32
    %dma_wait3A_320 = tpu.memref_slice %arg7[%dma_wait3A_318, %dma_wait3A_319] : memref<64x128xi32, #tpu.memory_space<vmem>> -> memref<1x128xi32, #tpu.memory_space<vmem>>
    %dma_wait3A_321 = tpu.memref_squeeze %dma_wait3A_320 : memref<1x128xi32, #tpu.memory_space<vmem>> -> memref<128xi32, #tpu.memory_space<vmem>>
    %dma_wait3A_322 = arith.constant 0 : i32
    %dma_wait3A_323 = arith.constant 0 : i32
    %dma_wait3A_324 = tpu.memref_slice %arg16[%dma_wait3A_322, %dma_wait3A_323] : memref<16384x16xf32, #tpu.memory_space<vmem_shared>> -> memref<16384x16xf32, #tpu.memory_space<vmem_shared>>
    tpu.wait_indirect_dma semaphore(%arg19 : memref<!tpu.dma_semaphore, #tpu.memory_space<semaphore_mem>>) src(%dma_wait3A_324 : memref<16384x16xf32, #tpu.memory_space<vmem_shared>>) dst(%arg11 : memref<128x16xf32, #tpu.memory_space<vmem>>)
    %parallel_loop3A_325 = arith.constant 0 : i32
    %parallel_loop3A_326 = arith.constant 8 : i32
    %parallel_loop3A_327 = arith.constant 1 : i32
    %parallel_loop3A_328 = arith.constant 1 : i32
    scf.for %parallel_loop3A_691 = %parallel_loop3A_325 to %parallel_loop3A_326 step %parallel_loop3A_327  : i32 {
      %parallel_loop3A_692 = arith.constant 16 : i32
      %parallel_loop3A_693 = arith.muli %parallel_loop3A_691, %parallel_loop3A_692 : i32
      %parallel_loop3A_694 = arith.index_cast %parallel_loop3A_328 : i32 to index
      %parallel_loop3A_695 = arith.index_cast %parallel_loop3A_693 : i32 to index
      %parallel_loop3A_696 = tpu.vector_load %arg9[%parallel_loop3A_694, %parallel_loop3A_695] {strides = array<i32>} : memref<64x128xf32, #tpu.memory_space<vmem>>, vector<16xf32>,
      %parallel_loop3A_697 = arith.constant 0 : i32
      %parallel_loop3A_698 = vector.broadcast %parallel_loop3A_697 : i32 to vector<16x1xi32>
      %parallel_loop3A_699 = vector.shape_cast %parallel_loop3A_698 : vector<16x1xi32> to vector<16xi32>
      %parallel_loop3A_700 = tpu.dynamic_gather %parallel_loop3A_696[%parallel_loop3A_699] in [0] : vector<16xf32>, vector<16xi32> -> vector<16xf32>
      %parallel_loop3A_701 = arith.constant 16 : i32
      %parallel_loop3A_702 = arith.muli %parallel_loop3A_691, %parallel_loop3A_701 : i32
      %parallel_loop3A_703 = arith.constant 0 : i32
      %parallel_loop3A_704 = arith.addi %parallel_loop3A_702, %parallel_loop3A_703 : i32
      %parallel_loop3A_705 = arith.index_cast %parallel_loop3A_704 : i32 to index
      %parallel_loop3A_706 = arith.constant 0 : index
      %parallel_loop3A_707 = tpu.vector_load %arg11[%parallel_loop3A_705, %parallel_loop3A_706] {strides = array<i32>} : memref<128x16xf32, #tpu.memory_space<vmem>>, vector<16xf32>,
      %parallel_loop3A_708 = arith.mulf %parallel_loop3A_707, %parallel_loop3A_700 : vector<16xf32>
      %parallel_loop3A_709 = arith.index_cast %parallel_loop3A_704 : i32 to index
      %parallel_loop3A_710 = arith.constant 0 : index
      %parallel_loop3A_711 = tpu.vector_load %arg11[%parallel_loop3A_709, %parallel_loop3A_710] {strides = array<i32>} : memref<128x16xf32, #tpu.memory_space<vmem>>, vector<16xf32>,
      tpu.vector_store %arg11[%parallel_loop3A_709, %parallel_loop3A_710], %parallel_loop3A_708 {strides = array<i32>} : memref<128x16xf32, #tpu.memory_space<vmem>>, vector<16xf32>,
      %parallel_loop3A_712 = arith.constant 1 : i32
      %parallel_loop3A_713 = vector.broadcast %parallel_loop3A_712 : i32 to vector<16x1xi32>
      %parallel_loop3A_714 = vector.shape_cast %parallel_loop3A_713 : vector<16x1xi32> to vector<16xi32>
      %parallel_loop3A_715 = tpu.dynamic_gather %parallel_loop3A_696[%parallel_loop3A_714] in [0] : vector<16xf32>, vector<16xi32> -> vector<16xf32>
      %parallel_loop3A_716 = arith.constant 16 : i32
      %parallel_loop3A_717 = arith.muli %parallel_loop3A_691, %parallel_loop3A_716 : i32
      %parallel_loop3A_718 = arith.constant 1 : i32
      %parallel_loop3A_719 = arith.addi %parallel_loop3A_717, %parallel_loop3A_718 : i32
      %parallel_loop3A_720 = arith.index_cast %parallel_loop3A_719 : i32 to index
      %parallel_loop3A_721 = arith.constant 0 : index
      %parallel_loop3A_722 = tpu.vector_load %arg11[%parallel_loop3A_720, %parallel_loop3A_721] {strides = array<i32>} : memref<128x16xf32, #tpu.memory_space<vmem>>, vector<16xf32>,
      %parallel_loop3A_723 = arith.mulf %parallel_loop3A_722, %parallel_loop3A_715 : vector<16xf32>
      %parallel_loop3A_724 = arith.index_cast %parallel_loop3A_719 : i32 to index
      %parallel_loop3A_725 = arith.constant 0 : index
      %parallel_loop3A_726 = tpu.vector_load %arg11[%parallel_loop3A_724, %parallel_loop3A_725] {strides = array<i32>} : memref<128x16xf32, #tpu.memory_space<vmem>>, vector<16xf32>,
      tpu.vector_store %arg11[%parallel_loop3A_724, %parallel_loop3A_725], %parallel_loop3A_723 {strides = array<i32>} : memref<128x16xf32, #tpu.memory_space<vmem>>, vector<16xf32>,
      %parallel_loop3A_727 = arith.constant 2 : i32
      %parallel_loop3A_728 = vector.broadcast %parallel_loop3A_727 : i32 to vector<16x1xi32>
      %parallel_loop3A_729 = vector.shape_cast %parallel_loop3A_728 : vector<16x1xi32> to vector<16xi32>
      %parallel_loop3A_730 = tpu.dynamic_gather %parallel_loop3A_696[%parallel_loop3A_729] in [0] : vector<16xf32>, vector<16xi32> -> vector<16xf32>
      %parallel_loop3A_731 = arith.constant 16 : i32
      %parallel_loop3A_732 = arith.muli %parallel_loop3A_691, %parallel_loop3A_731 : i32
      %parallel_loop3A_733 = arith.constant 2 : i32
      %parallel_loop3A_734 = arith.addi %parallel_loop3A_732, %parallel_loop3A_733 : i32
      %parallel_loop3A_735 = arith.index_cast %parallel_loop3A_734 : i32 to index
      %parallel_loop3A_736 = arith.constant 0 : index
      %parallel_loop3A_737 = tpu.vector_load %arg11[%parallel_loop3A_735, %parallel_loop3A_736] {strides = array<i32>} : memref<128x16xf32, #tpu.memory_space<vmem>>, vector<16xf32>,
      %parallel_loop3A_738 = arith.mulf %parallel_loop3A_737, %parallel_loop3A_730 : vector<16xf32>
      %parallel_loop3A_739 = arith.index_cast %parallel_loop3A_734 : i32 to index
      %parallel_loop3A_740 = arith.constant 0 : index
      %parallel_loop3A_741 = tpu.vector_load %arg11[%parallel_loop3A_739, %parallel_loop3A_740] {strides = array<i32>} : memref<128x16xf32, #tpu.memory_space<vmem>>, vector<16xf32>,
      tpu.vector_store %arg11[%parallel_loop3A_739, %parallel_loop3A_740], %parallel_loop3A_738 {strides = array<i32>} : memref<128x16xf32, #tpu.memory_space<vmem>>, vector<16xf32>,
      %parallel_loop3A_742 = arith.constant 3 : i32
      %parallel_loop3A_743 = vector.broadcast %parallel_loop3A_742 : i32 to vector<16x1xi32>
      %parallel_loop3A_744 = vector.shape_cast %parallel_loop3A_743 : vector<16x1xi32> to vector<16xi32>
      %parallel_loop3A_745 = tpu.dynamic_gather %parallel_loop3A_696[%parallel_loop3A_744] in [0] : vector<16xf32>, vector<16xi32> -> vector<16xf32>
      %parallel_loop3A_746 = arith.constant 16 : i32
      %parallel_loop3A_747 = arith.muli %parallel_loop3A_691, %parallel_loop3A_746 : i32
      %parallel_loop3A_748 = arith.constant 3 : i32
      %parallel_loop3A_749 = arith.addi %parallel_loop3A_747, %parallel_loop3A_748 : i32
      %parallel_loop3A_750 = arith.index_cast %parallel_loop3A_749 : i32 to index
      %parallel_loop3A_751 = arith.constant 0 : index
      %parallel_loop3A_752 = tpu.vector_load %arg11[%parallel_loop3A_750, %parallel_loop3A_751] {strides = array<i32>} : memref<128x16xf32, #tpu.memory_space<vmem>>, vector<16xf32>,
      %parallel_loop3A_753 = arith.mulf %parallel_loop3A_752, %parallel_loop3A_745 : vector<16xf32>
      %parallel_loop3A_754 = arith.index_cast %parallel_loop3A_749 : i32 to index
      %parallel_loop3A_755 = arith.constant 0 : index
      %parallel_loop3A_756 = tpu.vector_load %arg11[%parallel_loop3A_754, %parallel_loop3A_755] {strides = array<i32>} : memref<128x16xf32, #tpu.memory_space<vmem>>, vector<16xf32>,
      tpu.vector_store %arg11[%parallel_loop3A_754, %parallel_loop3A_755], %parallel_loop3A_753 {strides = array<i32>} : memref<128x16xf32, #tpu.memory_space<vmem>>, vector<16xf32>,
      %parallel_loop3A_757 = arith.constant 4 : i32
      %parallel_loop3A_758 = vector.broadcast %parallel_loop3A_757 : i32 to vector<16x1xi32>
      %parallel_loop3A_759 = vector.shape_cast %parallel_loop3A_758 : vector<16x1xi32> to vector<16xi32>
      %parallel_loop3A_760 = tpu.dynamic_gather %parallel_loop3A_696[%parallel_loop3A_759] in [0] : vector<16xf32>, vector<16xi32> -> vector<16xf32>
      %parallel_loop3A_761 = arith.constant 16 : i32
      %parallel_loop3A_762 = arith.muli %parallel_loop3A_691, %parallel_loop3A_761 : i32
      %parallel_loop3A_763 = arith.constant 4 : i32
      %parallel_loop3A_764 = arith.addi %parallel_loop3A_762, %parallel_loop3A_763 : i32
      %parallel_loop3A_765 = arith.index_cast %parallel_loop3A_764 : i32 to index
      %parallel_loop3A_766 = arith.constant 0 : index
      %parallel_loop3A_767 = tpu.vector_load %arg11[%parallel_loop3A_765, %parallel_loop3A_766] {strides = array<i32>} : memref<128x16xf32, #tpu.memory_space<vmem>>, vector<16xf32>,
      %parallel_loop3A_768 = arith.mulf %parallel_loop3A_767, %parallel_loop3A_760 : vector<16xf32>
      %parallel_loop3A_769 = arith.index_cast %parallel_loop3A_764 : i32 to index
      %parallel_loop3A_770 = arith.constant 0 : index
      %parallel_loop3A_771 = tpu.vector_load %arg11[%parallel_loop3A_769, %parallel_loop3A_770] {strides = array<i32>} : memref<128x16xf32, #tpu.memory_space<vmem>>, vector<16xf32>,
      tpu.vector_store %arg11[%parallel_loop3A_769, %parallel_loop3A_770], %parallel_loop3A_768 {strides = array<i32>} : memref<128x16xf32, #tpu.memory_space<vmem>>, vector<16xf32>,
      %parallel_loop3A_772 = arith.constant 5 : i32
      %parallel_loop3A_773 = vector.broadcast %parallel_loop3A_772 : i32 to vector<16x1xi32>
      %parallel_loop3A_774 = vector.shape_cast %parallel_loop3A_773 : vector<16x1xi32> to vector<16xi32>
      %parallel_loop3A_775 = tpu.dynamic_gather %parallel_loop3A_696[%parallel_loop3A_774] in [0] : vector<16xf32>, vector<16xi32> -> vector<16xf32>
      %parallel_loop3A_776 = arith.constant 16 : i32
      %parallel_loop3A_777 = arith.muli %parallel_loop3A_691, %parallel_loop3A_776 : i32
      %parallel_loop3A_778 = arith.constant 5 : i32
      %parallel_loop3A_779 = arith.addi %parallel_loop3A_777, %parallel_loop3A_778 : i32
      %parallel_loop3A_780 = arith.index_cast %parallel_loop3A_779 : i32 to index
      %parallel_loop3A_781 = arith.constant 0 : index
      %parallel_loop3A_782 = tpu.vector_load %arg11[%parallel_loop3A_780, %parallel_loop3A_781] {strides = array<i32>} : memref<128x16xf32, #tpu.memory_space<vmem>>, vector<16xf32>,
      %parallel_loop3A_783 = arith.mulf %parallel_loop3A_782, %parallel_loop3A_775 : vector<16xf32>
      %parallel_loop3A_784 = arith.index_cast %parallel_loop3A_779 : i32 to index
      %parallel_loop3A_785 = arith.constant 0 : index
      %parallel_loop3A_786 = tpu.vector_load %arg11[%parallel_loop3A_784, %parallel_loop3A_785] {strides = array<i32>} : memref<128x16xf32, #tpu.memory_space<vmem>>, vector<16xf32>,
      tpu.vector_store %arg11[%parallel_loop3A_784, %parallel_loop3A_785], %parallel_loop3A_783 {strides = array<i32>} : memref<128x16xf32, #tpu.memory_space<vmem>>, vector<16xf32>,
      %parallel_loop3A_787 = arith.constant 6 : i32
      %parallel_loop3A_788 = vector.broadcast %parallel_loop3A_787 : i32 to vector<16x1xi32>
      %parallel_loop3A_789 = vector.shape_cast %parallel_loop3A_788 : vector<16x1xi32> to vector<16xi32>
      %parallel_loop3A_790 = tpu.dynamic_gather %parallel_loop3A_696[%parallel_loop3A_789] in [0] : vector<16xf32>, vector<16xi32> -> vector<16xf32>
      %parallel_loop3A_791 = arith.constant 16 : i32
      %parallel_loop3A_792 = arith.muli %parallel_loop3A_691, %parallel_loop3A_791 : i32
      %parallel_loop3A_793 = arith.constant 6 : i32
      %parallel_loop3A_794 = arith.addi %parallel_loop3A_792, %parallel_loop3A_793 : i32
      %parallel_loop3A_795 = arith.index_cast %parallel_loop3A_794 : i32 to index
      %parallel_loop3A_796 = arith.constant 0 : index
      %parallel_loop3A_797 = tpu.vector_load %arg11[%parallel_loop3A_795, %parallel_loop3A_796] {strides = array<i32>} : memref<128x16xf32, #tpu.memory_space<vmem>>, vector<16xf32>,
      %parallel_loop3A_798 = arith.mulf %parallel_loop3A_797, %parallel_loop3A_790 : vector<16xf32>
      %parallel_loop3A_799 = arith.index_cast %parallel_loop3A_794 : i32 to index
      %parallel_loop3A_800 = arith.constant 0 : index
      %parallel_loop3A_801 = tpu.vector_load %arg11[%parallel_loop3A_799, %parallel_loop3A_800] {strides = array<i32>} : memref<128x16xf32, #tpu.memory_space<vmem>>, vector<16xf32>,
      tpu.vector_store %arg11[%parallel_loop3A_799, %parallel_loop3A_800], %parallel_loop3A_798 {strides = array<i32>} : memref<128x16xf32, #tpu.memory_space<vmem>>, vector<16xf32>,
      %parallel_loop3A_802 = arith.constant 7 : i32
      %parallel_loop3A_803 = vector.broadcast %parallel_loop3A_802 : i32 to vector<16x1xi32>
      %parallel_loop3A_804 = vector.shape_cast %parallel_loop3A_803 : vector<16x1xi32> to vector<16xi32>
      %parallel_loop3A_805 = tpu.dynamic_gather %parallel_loop3A_696[%parallel_loop3A_804] in [0] : vector<16xf32>, vector<16xi32> -> vector<16xf32>
      %parallel_loop3A_806 = arith.constant 16 : i32
      %parallel_loop3A_807 = arith.muli %parallel_loop3A_691, %parallel_loop3A_806 : i32
      %parallel_loop3A_808 = arith.constant 7 : i32
      %parallel_loop3A_809 = arith.addi %parallel_loop3A_807, %parallel_loop3A_808 : i32
      %parallel_loop3A_810 = arith.index_cast %parallel_loop3A_809 : i32 to index
      %parallel_loop3A_811 = arith.constant 0 : index
      %parallel_loop3A_812 = tpu.vector_load %arg11[%parallel_loop3A_810, %parallel_loop3A_811] {strides = array<i32>} : memref<128x16xf32, #tpu.memory_space<vmem>>, vector<16xf32>,
      %parallel_loop3A_813 = arith.mulf %parallel_loop3A_812, %parallel_loop3A_805 : vector<16xf32>
      %parallel_loop3A_814 = arith.index_cast %parallel_loop3A_809 : i32 to index
      %parallel_loop3A_815 = arith.constant 0 : index
      %parallel_loop3A_816 = tpu.vector_load %arg11[%parallel_loop3A_814, %parallel_loop3A_815] {strides = array<i32>} : memref<128x16xf32, #tpu.memory_space<vmem>>, vector<16xf32>,
      tpu.vector_store %arg11[%parallel_loop3A_814, %parallel_loop3A_815], %parallel_loop3A_813 {strides = array<i32>} : memref<128x16xf32, #tpu.memory_space<vmem>>, vector<16xf32>,
      %parallel_loop3A_817 = arith.constant 8 : i32
      %parallel_loop3A_818 = vector.broadcast %parallel_loop3A_817 : i32 to vector<16x1xi32>
      %parallel_loop3A_819 = vector.shape_cast %parallel_loop3A_818 : vector<16x1xi32> to vector<16xi32>
      %parallel_loop3A_820 = tpu.dynamic_gather %parallel_loop3A_696[%parallel_loop3A_819] in [0] : vector<16xf32>, vector<16xi32> -> vector<16xf32>
      %parallel_loop3A_821 = arith.constant 16 : i32
      %parallel_loop3A_822 = arith.muli %parallel_loop3A_691, %parallel_loop3A_821 : i32
      %parallel_loop3A_823 = arith.constant 8 : i32
      %parallel_loop3A_824 = arith.addi %parallel_loop3A_822, %parallel_loop3A_823 : i32
      %parallel_loop3A_825 = arith.index_cast %parallel_loop3A_824 : i32 to index
      %parallel_loop3A_826 = arith.constant 0 : index
      %parallel_loop3A_827 = tpu.vector_load %arg11[%parallel_loop3A_825, %parallel_loop3A_826] {strides = array<i32>} : memref<128x16xf32, #tpu.memory_space<vmem>>, vector<16xf32>,
      %parallel_loop3A_828 = arith.mulf %parallel_loop3A_827, %parallel_loop3A_820 : vector<16xf32>
      %parallel_loop3A_829 = arith.index_cast %parallel_loop3A_824 : i32 to index
      %parallel_loop3A_830 = arith.constant 0 : index
      %parallel_loop3A_831 = tpu.vector_load %arg11[%parallel_loop3A_829, %parallel_loop3A_830] {strides = array<i32>} : memref<128x16xf32, #tpu.memory_space<vmem>>, vector<16xf32>,
      tpu.vector_store %arg11[%parallel_loop3A_829, %parallel_loop3A_830], %parallel_loop3A_828 {strides = array<i32>} : memref<128x16xf32, #tpu.memory_space<vmem>>, vector<16xf32>,
      %parallel_loop3A_832 = arith.constant 9 : i32
      %parallel_loop3A_833 = vector.broadcast %parallel_loop3A_832 : i32 to vector<16x1xi32>
      %parallel_loop3A_834 = vector.shape_cast %parallel_loop3A_833 : vector<16x1xi32> to vector<16xi32>
      %parallel_loop3A_835 = tpu.dynamic_gather %parallel_loop3A_696[%parallel_loop3A_834] in [0] : vector<16xf32>, vector<16xi32> -> vector<16xf32>
      %parallel_loop3A_836 = arith.constant 16 : i32
      %parallel_loop3A_837 = arith.muli %parallel_loop3A_691, %parallel_loop3A_836 : i32
      %parallel_loop3A_838 = arith.constant 9 : i32
      %parallel_loop3A_839 = arith.addi %parallel_loop3A_837, %parallel_loop3A_838 : i32
      %parallel_loop3A_840 = arith.index_cast %parallel_loop3A_839 : i32 to index
      %parallel_loop3A_841 = arith.constant 0 : index
      %parallel_loop3A_842 = tpu.vector_load %arg11[%parallel_loop3A_840, %parallel_loop3A_841] {strides = array<i32>} : memref<128x16xf32, #tpu.memory_space<vmem>>, vector<16xf32>,
      %parallel_loop3A_843 = arith.mulf %parallel_loop3A_842, %parallel_loop3A_835 : vector<16xf32>
      %parallel_loop3A_844 = arith.index_cast %parallel_loop3A_839 : i32 to index
      %parallel_loop3A_845 = arith.constant 0 : index
      %parallel_loop3A_846 = tpu.vector_load %arg11[%parallel_loop3A_844, %parallel_loop3A_845] {strides = array<i32>} : memref<128x16xf32, #tpu.memory_space<vmem>>, vector<16xf32>,
      tpu.vector_store %arg11[%parallel_loop3A_844, %parallel_loop3A_845], %parallel_loop3A_843 {strides = array<i32>} : memref<128x16xf32, #tpu.memory_space<vmem>>, vector<16xf32>,
      %parallel_loop3A_847 = arith.constant 10 : i32
      %parallel_loop3A_848 = vector.broadcast %parallel_loop3A_847 : i32 to vector<16x1xi32>
      %parallel_loop3A_849 = vector.shape_cast %parallel_loop3A_848 : vector<16x1xi32> to vector<16xi32>
      %parallel_loop3A_850 = tpu.dynamic_gather %parallel_loop3A_696[%parallel_loop3A_849] in [0] : vector<16xf32>, vector<16xi32> -> vector<16xf32>
      %parallel_loop3A_851 = arith.constant 16 : i32
      %parallel_loop3A_852 = arith.muli %parallel_loop3A_691, %parallel_loop3A_851 : i32
      %parallel_loop3A_853 = arith.constant 10 : i32
      %parallel_loop3A_854 = arith.addi %parallel_loop3A_852, %parallel_loop3A_853 : i32
      %parallel_loop3A_855 = arith.index_cast %parallel_loop3A_854 : i32 to index
      %parallel_loop3A_856 = arith.constant 0 : index
      %parallel_loop3A_857 = tpu.vector_load %arg11[%parallel_loop3A_855, %parallel_loop3A_856] {strides = array<i32>} : memref<128x16xf32, #tpu.memory_space<vmem>>, vector<16xf32>,
      %parallel_loop3A_858 = arith.mulf %parallel_loop3A_857, %parallel_loop3A_850 : vector<16xf32>
      %parallel_loop3A_859 = arith.index_cast %parallel_loop3A_854 : i32 to index
      %parallel_loop3A_860 = arith.constant 0 : index
      %parallel_loop3A_861 = tpu.vector_load %arg11[%parallel_loop3A_859, %parallel_loop3A_860] {strides = array<i32>} : memref<128x16xf32, #tpu.memory_space<vmem>>, vector<16xf32>,
      tpu.vector_store %arg11[%parallel_loop3A_859, %parallel_loop3A_860], %parallel_loop3A_858 {strides = array<i32>} : memref<128x16xf32, #tpu.memory_space<vmem>>, vector<16xf32>,
      %parallel_loop3A_862 = arith.constant 11 : i32
      %parallel_loop3A_863 = vector.broadcast %parallel_loop3A_862 : i32 to vector<16x1xi32>
      %parallel_loop3A_864 = vector.shape_cast %parallel_loop3A_863 : vector<16x1xi32> to vector<16xi32>
      %parallel_loop3A_865 = tpu.dynamic_gather %parallel_loop3A_696[%parallel_loop3A_864] in [0] : vector<16xf32>, vector<16xi32> -> vector<16xf32>
      %parallel_loop3A_866 = arith.constant 16 : i32
      %parallel_loop3A_867 = arith.muli %parallel_loop3A_691, %parallel_loop3A_866 : i32
      %parallel_loop3A_868 = arith.constant 11 : i32
      %parallel_loop3A_869 = arith.addi %parallel_loop3A_867, %parallel_loop3A_868 : i32
      %parallel_loop3A_870 = arith.index_cast %parallel_loop3A_869 : i32 to index
      %parallel_loop3A_871 = arith.constant 0 : index
      %parallel_loop3A_872 = tpu.vector_load %arg11[%parallel_loop3A_870, %parallel_loop3A_871] {strides = array<i32>} : memref<128x16xf32, #tpu.memory_space<vmem>>, vector<16xf32>,
      %parallel_loop3A_873 = arith.mulf %parallel_loop3A_872, %parallel_loop3A_865 : vector<16xf32>
      %parallel_loop3A_874 = arith.index_cast %parallel_loop3A_869 : i32 to index
      %parallel_loop3A_875 = arith.constant 0 : index
      %parallel_loop3A_876 = tpu.vector_load %arg11[%parallel_loop3A_874, %parallel_loop3A_875] {strides = array<i32>} : memref<128x16xf32, #tpu.memory_space<vmem>>, vector<16xf32>,
      tpu.vector_store %arg11[%parallel_loop3A_874, %parallel_loop3A_875], %parallel_loop3A_873 {strides = array<i32>} : memref<128x16xf32, #tpu.memory_space<vmem>>, vector<16xf32>,
      %parallel_loop3A_877 = arith.constant 12 : i32
      %parallel_loop3A_878 = vector.broadcast %parallel_loop3A_877 : i32 to vector<16x1xi32>
      %parallel_loop3A_879 = vector.shape_cast %parallel_loop3A_878 : vector<16x1xi32> to vector<16xi32>
      %parallel_loop3A_880 = tpu.dynamic_gather %parallel_loop3A_696[%parallel_loop3A_879] in [0] : vector<16xf32>, vector<16xi32> -> vector<16xf32>
      %parallel_loop3A_881 = arith.constant 16 : i32
      %parallel_loop3A_882 = arith.muli %parallel_loop3A_691, %parallel_loop3A_881 : i32
      %parallel_loop3A_883 = arith.constant 12 : i32
      %parallel_loop3A_884 = arith.addi %parallel_loop3A_882, %parallel_loop3A_883 : i32
      %parallel_loop3A_885 = arith.index_cast %parallel_loop3A_884 : i32 to index
      %parallel_loop3A_886 = arith.constant 0 : index
      %parallel_loop3A_887 = tpu.vector_load %arg11[%parallel_loop3A_885, %parallel_loop3A_886] {strides = array<i32>} : memref<128x16xf32, #tpu.memory_space<vmem>>, vector<16xf32>,
      %parallel_loop3A_888 = arith.mulf %parallel_loop3A_887, %parallel_loop3A_880 : vector<16xf32>
      %parallel_loop3A_889 = arith.index_cast %parallel_loop3A_884 : i32 to index
      %parallel_loop3A_890 = arith.constant 0 : index
      %parallel_loop3A_891 = tpu.vector_load %arg11[%parallel_loop3A_889, %parallel_loop3A_890] {strides = array<i32>} : memref<128x16xf32, #tpu.memory_space<vmem>>, vector<16xf32>,
      tpu.vector_store %arg11[%parallel_loop3A_889, %parallel_loop3A_890], %parallel_loop3A_888 {strides = array<i32>} : memref<128x16xf32, #tpu.memory_space<vmem>>, vector<16xf32>,
      %parallel_loop3A_892 = arith.constant 13 : i32
      %parallel_loop3A_893 = vector.broadcast %parallel_loop3A_892 : i32 to vector<16x1xi32>
      %parallel_loop3A_894 = vector.shape_cast %parallel_loop3A_893 : vector<16x1xi32> to vector<16xi32>
      %parallel_loop3A_895 = tpu.dynamic_gather %parallel_loop3A_696[%parallel_loop3A_894] in [0] : vector<16xf32>, vector<16xi32> -> vector<16xf32>
      %parallel_loop3A_896 = arith.constant 16 : i32
      %parallel_loop3A_897 = arith.muli %parallel_loop3A_691, %parallel_loop3A_896 : i32
      %parallel_loop3A_898 = arith.constant 13 : i32
      %parallel_loop3A_899 = arith.addi %parallel_loop3A_897, %parallel_loop3A_898 : i32
      %parallel_loop3A_900 = arith.index_cast %parallel_loop3A_899 : i32 to index
      %parallel_loop3A_901 = arith.constant 0 : index
      %parallel_loop3A_902 = tpu.vector_load %arg11[%parallel_loop3A_900, %parallel_loop3A_901] {strides = array<i32>} : memref<128x16xf32, #tpu.memory_space<vmem>>, vector<16xf32>,
      %parallel_loop3A_903 = arith.mulf %parallel_loop3A_902, %parallel_loop3A_895 : vector<16xf32>
      %parallel_loop3A_904 = arith.index_cast %parallel_loop3A_899 : i32 to index
      %parallel_loop3A_905 = arith.constant 0 : index
      %parallel_loop3A_906 = tpu.vector_load %arg11[%parallel_loop3A_904, %parallel_loop3A_905] {strides = array<i32>} : memref<128x16xf32, #tpu.memory_space<vmem>>, vector<16xf32>,
      tpu.vector_store %arg11[%parallel_loop3A_904, %parallel_loop3A_905], %parallel_loop3A_903 {strides = array<i32>} : memref<128x16xf32, #tpu.memory_space<vmem>>, vector<16xf32>,
      %parallel_loop3A_907 = arith.constant 14 : i32
      %parallel_loop3A_908 = vector.broadcast %parallel_loop3A_907 : i32 to vector<16x1xi32>
      %parallel_loop3A_909 = vector.shape_cast %parallel_loop3A_908 : vector<16x1xi32> to vector<16xi32>
      %parallel_loop3A_910 = tpu.dynamic_gather %parallel_loop3A_696[%parallel_loop3A_909] in [0] : vector<16xf32>, vector<16xi32> -> vector<16xf32>
      %parallel_loop3A_911 = arith.constant 16 : i32
      %parallel_loop3A_912 = arith.muli %parallel_loop3A_691, %parallel_loop3A_911 : i32
      %parallel_loop3A_913 = arith.constant 14 : i32
      %parallel_loop3A_914 = arith.addi %parallel_loop3A_912, %parallel_loop3A_913 : i32
      %parallel_loop3A_915 = arith.index_cast %parallel_loop3A_914 : i32 to index
      %parallel_loop3A_916 = arith.constant 0 : index
      %parallel_loop3A_917 = tpu.vector_load %arg11[%parallel_loop3A_915, %parallel_loop3A_916] {strides = array<i32>} : memref<128x16xf32, #tpu.memory_space<vmem>>, vector<16xf32>,
      %parallel_loop3A_918 = arith.mulf %parallel_loop3A_917, %parallel_loop3A_910 : vector<16xf32>
      %parallel_loop3A_919 = arith.index_cast %parallel_loop3A_914 : i32 to index
      %parallel_loop3A_920 = arith.constant 0 : index
      %parallel_loop3A_921 = tpu.vector_load %arg11[%parallel_loop3A_919, %parallel_loop3A_920] {strides = array<i32>} : memref<128x16xf32, #tpu.memory_space<vmem>>, vector<16xf32>,
      tpu.vector_store %arg11[%parallel_loop3A_919, %parallel_loop3A_920], %parallel_loop3A_918 {strides = array<i32>} : memref<128x16xf32, #tpu.memory_space<vmem>>, vector<16xf32>,
      %parallel_loop3A_922 = arith.constant 15 : i32
      %parallel_loop3A_923 = vector.broadcast %parallel_loop3A_922 : i32 to vector<16x1xi32>
      %parallel_loop3A_924 = vector.shape_cast %parallel_loop3A_923 : vector<16x1xi32> to vector<16xi32>
      %parallel_loop3A_925 = tpu.dynamic_gather %parallel_loop3A_696[%parallel_loop3A_924] in [0] : vector<16xf32>, vector<16xi32> -> vector<16xf32>
      %parallel_loop3A_926 = arith.constant 16 : i32
      %parallel_loop3A_927 = arith.muli %parallel_loop3A_691, %parallel_loop3A_926 : i32
      %parallel_loop3A_928 = arith.constant 15 : i32
      %parallel_loop3A_929 = arith.addi %parallel_loop3A_927, %parallel_loop3A_928 : i32
      %parallel_loop3A_930 = arith.index_cast %parallel_loop3A_929 : i32 to index
      %parallel_loop3A_931 = arith.constant 0 : index
      %parallel_loop3A_932 = tpu.vector_load %arg11[%parallel_loop3A_930, %parallel_loop3A_931] {strides = array<i32>} : memref<128x16xf32, #tpu.memory_space<vmem>>, vector<16xf32>,
      %parallel_loop3A_933 = arith.mulf %parallel_loop3A_932, %parallel_loop3A_925 : vector<16xf32>
      %parallel_loop3A_934 = arith.index_cast %parallel_loop3A_929 : i32 to index
      %parallel_loop3A_935 = arith.constant 0 : index
      %parallel_loop3A_936 = tpu.vector_load %arg11[%parallel_loop3A_934, %parallel_loop3A_935] {strides = array<i32>} : memref<128x16xf32, #tpu.memory_space<vmem>>, vector<16xf32>,
      tpu.vector_store %arg11[%parallel_loop3A_934, %parallel_loop3A_935], %parallel_loop3A_933 {strides = array<i32>} : memref<128x16xf32, #tpu.memory_space<vmem>>, vector<16xf32>,
    } {sc.loop_unroll_factor = 4 : i64, sc.parallel_access}
    %dma_start3A_329 = arith.constant 1 : i32
    %dma_start3A_330 = arith.constant 0 : i32
    %dma_start3A_331 = tpu.memref_slice %arg8[%dma_start3A_329, %dma_start3A_330] : memref<64x128xi32, #tpu.memory_space<vmem>> -> memref<1x128xi32, #tpu.memory_space<vmem>>
    %dma_start3A_332 = tpu.memref_squeeze %dma_start3A_331 : memref<1x128xi32, #tpu.memory_space<vmem>> -> memref<128xi32, #tpu.memory_space<vmem>>
    %dma_start3A_333 = arith.constant 0 : i32
    %dma_start3A_334 = arith.constant 0 : i32
    %dma_start3A_335 = tpu.memref_slice %arg17[%dma_start3A_333, %dma_start3A_334] : memref<16384x16xf32, #tpu.memory_space<vmem_shared>> -> memref<16384x16xf32, #tpu.memory_space<vmem_shared>>
    tpu.enqueue_indirect_dma source(%arg11 : memref<128x16xf32, #tpu.memory_space<vmem>>) target(%dma_start3A_335 : memref<16384x16xf32, #tpu.memory_space<vmem_shared>>) offsets(%dma_start3A_332 : memref<128xi32, #tpu.memory_space<vmem>>) semaphore(%arg23 : memref<!tpu.dma_semaphore, #tpu.memory_space<semaphore_mem>>) {add = true}
    %dma_wait3A_336 = arith.constant 0 : i32
    %dma_wait3A_337 = arith.constant 0 : i32
    %dma_wait3A_338 = tpu.memref_slice %arg8[%dma_wait3A_336, %dma_wait3A_337] : memref<64x128xi32, #tpu.memory_space<vmem>> -> memref<1x128xi32, #tpu.memory_space<vmem>>
    %dma_wait3A_339 = tpu.memref_squeeze %dma_wait3A_338 : memref<1x128xi32, #tpu.memory_space<vmem>> -> memref<128xi32, #tpu.memory_space<vmem>>
    %dma_wait3A_340 = arith.constant 0 : i32
    %dma_wait3A_341 = arith.constant 0 : i32
    %dma_wait3A_342 = tpu.memref_slice %arg17[%dma_wait3A_340, %dma_wait3A_341] : memref<16384x16xf32, #tpu.memory_space<vmem_shared>> -> memref<16384x16xf32, #tpu.memory_space<vmem_shared>>
    tpu.wait_indirect_dma semaphore(%arg22 : memref<!tpu.dma_semaphore, #tpu.memory_space<semaphore_mem>>) src(%arg10 : memref<128x16xf32, #tpu.memory_space<vmem>>) dst(%dma_wait3A_342 : memref<16384x16xf32, #tpu.memory_space<vmem_shared>>)
    %min3A_343 = arith.constant 4 : i32
    %min3A_344 = arith.constant 63 : i32
    %min3A_345 = arith.minsi %min3A_343, %min3A_344 : i32
    %dma_start3A_346 = arith.constant 0 : i32
    %dma_start3A_347 = tpu.memref_slice %arg7[%min3A_345, %dma_start3A_346] : memref<64x128xi32, #tpu.memory_space<vmem>> -> memref<1x128xi32, #tpu.memory_space<vmem>>
    %dma_start3A_348 = tpu.memref_squeeze %dma_start3A_347 : memref<1x128xi32, #tpu.memory_space<vmem>> -> memref<128xi32, #tpu.memory_space<vmem>>
    %dma_start3A_349 = arith.constant 0 : i32
    %dma_start3A_350 = arith.constant 0 : i32
    %dma_start3A_351 = tpu.memref_slice %arg16[%dma_start3A_349, %dma_start3A_350] : memref<16384x16xf32, #tpu.memory_space<vmem_shared>> -> memref<16384x16xf32, #tpu.memory_space<vmem_shared>>
    tpu.enqueue_indirect_dma source(%dma_start3A_351 : memref<16384x16xf32, #tpu.memory_space<vmem_shared>>) target(%arg10 : memref<128x16xf32, #tpu.memory_space<vmem>>) offsets(%dma_start3A_348 : memref<128xi32, #tpu.memory_space<vmem>>) semaphore(%arg18 : memref<!tpu.dma_semaphore, #tpu.memory_space<semaphore_mem>>)
    %dma_wait3A_352 = arith.constant 0 : i32
    %dma_wait3A_353 = arith.constant 0 : i32
    %dma_wait3A_354 = tpu.memref_slice %arg7[%dma_wait3A_352, %dma_wait3A_353] : memref<64x128xi32, #tpu.memory_space<vmem>> -> memref<1x128xi32, #tpu.memory_space<vmem>>
    %dma_wait3A_355 = tpu.memref_squeeze %dma_wait3A_354 : memref<1x128xi32, #tpu.memory_space<vmem>> -> memref<128xi32, #tpu.memory_space<vmem>>
    %dma_wait3A_356 = arith.constant 0 : i32
    %dma_wait3A_357 = arith.constant 0 : i32
    %dma_wait3A_358 = tpu.memref_slice %arg16[%dma_wait3A_356, %dma_wait3A_357] : memref<16384x16xf32, #tpu.memory_space<vmem_shared>> -> memref<16384x16xf32, #tpu.memory_space<vmem_shared>>
    tpu.wait_indirect_dma semaphore(%arg20 : memref<!tpu.dma_semaphore, #tpu.memory_space<semaphore_mem>>) src(%dma_wait3A_358 : memref<16384x16xf32, #tpu.memory_space<vmem_shared>>) dst(%arg12 : memref<128x16xf32, #tpu.memory_space<vmem>>)
    %parallel_loop3A_359 = arith.constant 0 : i32
    %parallel_loop3A_360 = arith.constant 8 : i32
    %parallel_loop3A_361 = arith.constant 1 : i32
    %parallel_loop3A_362 = arith.constant 2 : i32
    scf.for %parallel_loop3A_691 = %parallel_loop3A_359 to %parallel_loop3A_360 step %parallel_loop3A_361  : i32 {
      %parallel_loop3A_692 = arith.constant 16 : i32
      %parallel_loop3A_693 = arith.muli %parallel_loop3A_691, %parallel_loop3A_692 : i32
      %parallel_loop3A_694 = arith.index_cast %parallel_loop3A_362 : i32 to index
      %parallel_loop3A_695 = arith.index_cast %parallel_loop3A_693 : i32 to index
      %parallel_loop3A_696 = tpu.vector_load %arg9[%parallel_loop3A_694, %parallel_loop3A_695] {strides = array<i32>} : memref<64x128xf32, #tpu.memory_space<vmem>>, vector<16xf32>,
      %parallel_loop3A_697 = arith.constant 0 : i32
      %parallel_loop3A_698 = vector.broadcast %parallel_loop3A_697 : i32 to vector<16x1xi32>
      %parallel_loop3A_699 = vector.shape_cast %parallel_loop3A_698 : vector<16x1xi32> to vector<16xi32>
      %parallel_loop3A_700 = tpu.dynamic_gather %parallel_loop3A_696[%parallel_loop3A_699] in [0] : vector<16xf32>, vector<16xi32> -> vector<16xf32>
      %parallel_loop3A_701 = arith.constant 16 : i32
      %parallel_loop3A_702 = arith.muli %parallel_loop3A_691, %parallel_loop3A_701 : i32
      %parallel_loop3A_703 = arith.constant 0 : i32
      %parallel_loop3A_704 = arith.addi %parallel_loop3A_702, %parallel_loop3A_703 : i32
      %parallel_loop3A_705 = arith.index_cast %parallel_loop3A_704 : i32 to index
      %parallel_loop3A_706 = arith.constant 0 : index
      %parallel_loop3A_707 = tpu.vector_load %arg12[%parallel_loop3A_705, %parallel_loop3A_706] {strides = array<i32>} : memref<128x16xf32, #tpu.memory_space<vmem>>, vector<16xf32>,
      %parallel_loop3A_708 = arith.mulf %parallel_loop3A_707, %parallel_loop3A_700 : vector<16xf32>
      %parallel_loop3A_709 = arith.index_cast %parallel_loop3A_704 : i32 to index
      %parallel_loop3A_710 = arith.constant 0 : index
      %parallel_loop3A_711 = tpu.vector_load %arg12[%parallel_loop3A_709, %parallel_loop3A_710] {strides = array<i32>} : memref<128x16xf32, #tpu.memory_space<vmem>>, vector<16xf32>,
      tpu.vector_store %arg12[%parallel_loop3A_709, %parallel_loop3A_710], %parallel_loop3A_708 {strides = array<i32>} : memref<128x16xf32, #tpu.memory_space<vmem>>, vector<16xf32>,
      %parallel_loop3A_712 = arith.constant 1 : i32
      %parallel_loop3A_713 = vector.broadcast %parallel_loop3A_712 : i32 to vector<16x1xi32>
      %parallel_loop3A_714 = vector.shape_cast %parallel_loop3A_713 : vector<16x1xi32> to vector<16xi32>
      %parallel_loop3A_715 = tpu.dynamic_gather %parallel_loop3A_696[%parallel_loop3A_714] in [0] : vector<16xf32>, vector<16xi32> -> vector<16xf32>
      %parallel_loop3A_716 = arith.constant 16 : i32
      %parallel_loop3A_717 = arith.muli %parallel_loop3A_691, %parallel_loop3A_716 : i32
      %parallel_loop3A_718 = arith.constant 1 : i32
      %parallel_loop3A_719 = arith.addi %parallel_loop3A_717, %parallel_loop3A_718 : i32
      %parallel_loop3A_720 = arith.index_cast %parallel_loop3A_719 : i32 to index
      %parallel_loop3A_721 = arith.constant 0 : index
      %parallel_loop3A_722 = tpu.vector_load %arg12[%parallel_loop3A_720, %parallel_loop3A_721] {strides = array<i32>} : memref<128x16xf32, #tpu.memory_space<vmem>>, vector<16xf32>,
      %parallel_loop3A_723 = arith.mulf %parallel_loop3A_722, %parallel_loop3A_715 : vector<16xf32>
      %parallel_loop3A_724 = arith.index_cast %parallel_loop3A_719 : i32 to index
      %parallel_loop3A_725 = arith.constant 0 : index
      %parallel_loop3A_726 = tpu.vector_load %arg12[%parallel_loop3A_724, %parallel_loop3A_725] {strides = array<i32>} : memref<128x16xf32, #tpu.memory_space<vmem>>, vector<16xf32>,
      tpu.vector_store %arg12[%parallel_loop3A_724, %parallel_loop3A_725], %parallel_loop3A_723 {strides = array<i32>} : memref<128x16xf32, #tpu.memory_space<vmem>>, vector<16xf32>,
      %parallel_loop3A_727 = arith.constant 2 : i32
      %parallel_loop3A_728 = vector.broadcast %parallel_loop3A_727 : i32 to vector<16x1xi32>
      %parallel_loop3A_729 = vector.shape_cast %parallel_loop3A_728 : vector<16x1xi32> to vector<16xi32>
      %parallel_loop3A_730 = tpu.dynamic_gather %parallel_loop3A_696[%parallel_loop3A_729] in [0] : vector<16xf32>, vector<16xi32> -> vector<16xf32>
      %parallel_loop3A_731 = arith.constant 16 : i32
      %parallel_loop3A_732 = arith.muli %parallel_loop3A_691, %parallel_loop3A_731 : i32
      %parallel_loop3A_733 = arith.constant 2 : i32
      %parallel_loop3A_734 = arith.addi %parallel_loop3A_732, %parallel_loop3A_733 : i32
      %parallel_loop3A_735 = arith.index_cast %parallel_loop3A_734 : i32 to index
      %parallel_loop3A_736 = arith.constant 0 : index
      %parallel_loop3A_737 = tpu.vector_load %arg12[%parallel_loop3A_735, %parallel_loop3A_736] {strides = array<i32>} : memref<128x16xf32, #tpu.memory_space<vmem>>, vector<16xf32>,
      %parallel_loop3A_738 = arith.mulf %parallel_loop3A_737, %parallel_loop3A_730 : vector<16xf32>
      %parallel_loop3A_739 = arith.index_cast %parallel_loop3A_734 : i32 to index
      %parallel_loop3A_740 = arith.constant 0 : index
      %parallel_loop3A_741 = tpu.vector_load %arg12[%parallel_loop3A_739, %parallel_loop3A_740] {strides = array<i32>} : memref<128x16xf32, #tpu.memory_space<vmem>>, vector<16xf32>,
      tpu.vector_store %arg12[%parallel_loop3A_739, %parallel_loop3A_740], %parallel_loop3A_738 {strides = array<i32>} : memref<128x16xf32, #tpu.memory_space<vmem>>, vector<16xf32>,
      %parallel_loop3A_742 = arith.constant 3 : i32
      %parallel_loop3A_743 = vector.broadcast %parallel_loop3A_742 : i32 to vector<16x1xi32>
      %parallel_loop3A_744 = vector.shape_cast %parallel_loop3A_743 : vector<16x1xi32> to vector<16xi32>
      %parallel_loop3A_745 = tpu.dynamic_gather %parallel_loop3A_696[%parallel_loop3A_744] in [0] : vector<16xf32>, vector<16xi32> -> vector<16xf32>
      %parallel_loop3A_746 = arith.constant 16 : i32
      %parallel_loop3A_747 = arith.muli %parallel_loop3A_691, %parallel_loop3A_746 : i32
      %parallel_loop3A_748 = arith.constant 3 : i32
      %parallel_loop3A_749 = arith.addi %parallel_loop3A_747, %parallel_loop3A_748 : i32
      %parallel_loop3A_750 = arith.index_cast %parallel_loop3A_749 : i32 to index
      %parallel_loop3A_751 = arith.constant 0 : index
      %parallel_loop3A_752 = tpu.vector_load %arg12[%parallel_loop3A_750, %parallel_loop3A_751] {strides = array<i32>} : memref<128x16xf32, #tpu.memory_space<vmem>>, vector<16xf32>,
      %parallel_loop3A_753 = arith.mulf %parallel_loop3A_752, %parallel_loop3A_745 : vector<16xf32>
      %parallel_loop3A_754 = arith.index_cast %parallel_loop3A_749 : i32 to index
      %parallel_loop3A_755 = arith.constant 0 : index
      %parallel_loop3A_756 = tpu.vector_load %arg12[%parallel_loop3A_754, %parallel_loop3A_755] {strides = array<i32>} : memref<128x16xf32, #tpu.memory_space<vmem>>, vector<16xf32>,
      tpu.vector_store %arg12[%parallel_loop3A_754, %parallel_loop3A_755], %parallel_loop3A_753 {strides = array<i32>} : memref<128x16xf32, #tpu.memory_space<vmem>>, vector<16xf32>,
      %parallel_loop3A_757 = arith.constant 4 : i32
      %parallel_loop3A_758 = vector.broadcast %parallel_loop3A_757 : i32 to vector<16x1xi32>
      %parallel_loop3A_759 = vector.shape_cast %parallel_loop3A_758 : vector<16x1xi32> to vector<16xi32>
      %parallel_loop3A_760 = tpu.dynamic_gather %parallel_loop3A_696[%parallel_loop3A_759] in [0] : vector<16xf32>, vector<16xi32> -> vector<16xf32>
      %parallel_loop3A_761 = arith.constant 16 : i32
      %parallel_loop3A_762 = arith.muli %parallel_loop3A_691, %parallel_loop3A_761 : i32
      %parallel_loop3A_763 = arith.constant 4 : i32
      %parallel_loop3A_764 = arith.addi %parallel_loop3A_762, %parallel_loop3A_763 : i32
      %parallel_loop3A_765 = arith.index_cast %parallel_loop3A_764 : i32 to index
      %parallel_loop3A_766 = arith.constant 0 : index
      %parallel_loop3A_767 = tpu.vector_load %arg12[%parallel_loop3A_765, %parallel_loop3A_766] {strides = array<i32>} : memref<128x16xf32, #tpu.memory_space<vmem>>, vector<16xf32>,
      %parallel_loop3A_768 = arith.mulf %parallel_loop3A_767, %parallel_loop3A_760 : vector<16xf32>
      %parallel_loop3A_769 = arith.index_cast %parallel_loop3A_764 : i32 to index
      %parallel_loop3A_770 = arith.constant 0 : index
      %parallel_loop3A_771 = tpu.vector_load %arg12[%parallel_loop3A_769, %parallel_loop3A_770] {strides = array<i32>} : memref<128x16xf32, #tpu.memory_space<vmem>>, vector<16xf32>,
      tpu.vector_store %arg12[%parallel_loop3A_769, %parallel_loop3A_770], %parallel_loop3A_768 {strides = array<i32>} : memref<128x16xf32, #tpu.memory_space<vmem>>, vector<16xf32>,
      %parallel_loop3A_772 = arith.constant 5 : i32
      %parallel_loop3A_773 = vector.broadcast %parallel_loop3A_772 : i32 to vector<16x1xi32>
      %parallel_loop3A_774 = vector.shape_cast %parallel_loop3A_773 : vector<16x1xi32> to vector<16xi32>
      %parallel_loop3A_775 = tpu.dynamic_gather %parallel_loop3A_696[%parallel_loop3A_774] in [0] : vector<16xf32>, vector<16xi32> -> vector<16xf32>
      %parallel_loop3A_776 = arith.constant 16 : i32
      %parallel_loop3A_777 = arith.muli %parallel_loop3A_691, %parallel_loop3A_776 : i32
      %parallel_loop3A_778 = arith.constant 5 : i32
      %parallel_loop3A_779 = arith.addi %parallel_loop3A_777, %parallel_loop3A_778 : i32
      %parallel_loop3A_780 = arith.index_cast %parallel_loop3A_779 : i32 to index
      %parallel_loop3A_781 = arith.constant 0 : index
      %parallel_loop3A_782 = tpu.vector_load %arg12[%parallel_loop3A_780, %parallel_loop3A_781] {strides = array<i32>} : memref<128x16xf32, #tpu.memory_space<vmem>>, vector<16xf32>,
      %parallel_loop3A_783 = arith.mulf %parallel_loop3A_782, %parallel_loop3A_775 : vector<16xf32>
      %parallel_loop3A_784 = arith.index_cast %parallel_loop3A_779 : i32 to index
      %parallel_loop3A_785 = arith.constant 0 : index
      %parallel_loop3A_786 = tpu.vector_load %arg12[%parallel_loop3A_784, %parallel_loop3A_785] {strides = array<i32>} : memref<128x16xf32, #tpu.memory_space<vmem>>, vector<16xf32>,
      tpu.vector_store %arg12[%parallel_loop3A_784, %parallel_loop3A_785], %parallel_loop3A_783 {strides = array<i32>} : memref<128x16xf32, #tpu.memory_space<vmem>>, vector<16xf32>,
      %parallel_loop3A_787 = arith.constant 6 : i32
      %parallel_loop3A_788 = vector.broadcast %parallel_loop3A_787 : i32 to vector<16x1xi32>
      %parallel_loop3A_789 = vector.shape_cast %parallel_loop3A_788 : vector<16x1xi32> to vector<16xi32>
      %parallel_loop3A_790 = tpu.dynamic_gather %parallel_loop3A_696[%parallel_loop3A_789] in [0] : vector<16xf32>, vector<16xi32> -> vector<16xf32>
      %parallel_loop3A_791 = arith.constant 16 : i32
      %parallel_loop3A_792 = arith.muli %parallel_loop3A_691, %parallel_loop3A_791 : i32
      %parallel_loop3A_793 = arith.constant 6 : i32
      %parallel_loop3A_794 = arith.addi %parallel_loop3A_792, %parallel_loop3A_793 : i32
      %parallel_loop3A_795 = arith.index_cast %parallel_loop3A_794 : i32 to index
      %parallel_loop3A_796 = arith.constant 0 : index
      %parallel_loop3A_797 = tpu.vector_load %arg12[%parallel_loop3A_795, %parallel_loop3A_796] {strides = array<i32>} : memref<128x16xf32, #tpu.memory_space<vmem>>, vector<16xf32>,
      %parallel_loop3A_798 = arith.mulf %parallel_loop3A_797, %parallel_loop3A_790 : vector<16xf32>
      %parallel_loop3A_799 = arith.index_cast %parallel_loop3A_794 : i32 to index
      %parallel_loop3A_800 = arith.constant 0 : index
      %parallel_loop3A_801 = tpu.vector_load %arg12[%parallel_loop3A_799, %parallel_loop3A_800] {strides = array<i32>} : memref<128x16xf32, #tpu.memory_space<vmem>>, vector<16xf32>,
      tpu.vector_store %arg12[%parallel_loop3A_799, %parallel_loop3A_800], %parallel_loop3A_798 {strides = array<i32>} : memref<128x16xf32, #tpu.memory_space<vmem>>, vector<16xf32>,
      %parallel_loop3A_802 = arith.constant 7 : i32
      %parallel_loop3A_803 = vector.broadcast %parallel_loop3A_802 : i32 to vector<16x1xi32>
      %parallel_loop3A_804 = vector.shape_cast %parallel_loop3A_803 : vector<16x1xi32> to vector<16xi32>
      %parallel_loop3A_805 = tpu.dynamic_gather %parallel_loop3A_696[%parallel_loop3A_804] in [0] : vector<16xf32>, vector<16xi32> -> vector<16xf32>
      %parallel_loop3A_806 = arith.constant 16 : i32
      %parallel_loop3A_807 = arith.muli %parallel_loop3A_691, %parallel_loop3A_806 : i32
      %parallel_loop3A_808 = arith.constant 7 : i32
      %parallel_loop3A_809 = arith.addi %parallel_loop3A_807, %parallel_loop3A_808 : i32
      %parallel_loop3A_810 = arith.index_cast %parallel_loop3A_809 : i32 to index
      %parallel_loop3A_811 = arith.constant 0 : index
      %parallel_loop3A_812 = tpu.vector_load %arg12[%parallel_loop3A_810, %parallel_loop3A_811] {strides = array<i32>} : memref<128x16xf32, #tpu.memory_space<vmem>>, vector<16xf32>,
      %parallel_loop3A_813 = arith.mulf %parallel_loop3A_812, %parallel_loop3A_805 : vector<16xf32>
      %parallel_loop3A_814 = arith.index_cast %parallel_loop3A_809 : i32 to index
      %parallel_loop3A_815 = arith.constant 0 : index
      %parallel_loop3A_816 = tpu.vector_load %arg12[%parallel_loop3A_814, %parallel_loop3A_815] {strides = array<i32>} : memref<128x16xf32, #tpu.memory_space<vmem>>, vector<16xf32>,
      tpu.vector_store %arg12[%parallel_loop3A_814, %parallel_loop3A_815], %parallel_loop3A_813 {strides = array<i32>} : memref<128x16xf32, #tpu.memory_space<vmem>>, vector<16xf32>,
      %parallel_loop3A_817 = arith.constant 8 : i32
      %parallel_loop3A_818 = vector.broadcast %parallel_loop3A_817 : i32 to vector<16x1xi32>
      %parallel_loop3A_819 = vector.shape_cast %parallel_loop3A_818 : vector<16x1xi32> to vector<16xi32>
      %parallel_loop3A_820 = tpu.dynamic_gather %parallel_loop3A_696[%parallel_loop3A_819] in [0] : vector<16xf32>, vector<16xi32> -> vector<16xf32>
      %parallel_loop3A_821 = arith.constant 16 : i32
      %parallel_loop3A_822 = arith.muli %parallel_loop3A_691, %parallel_loop3A_821 : i32
      %parallel_loop3A_823 = arith.constant 8 : i32
      %parallel_loop3A_824 = arith.addi %parallel_loop3A_822, %parallel_loop3A_823 : i32
      %parallel_loop3A_825 = arith.index_cast %parallel_loop3A_824 : i32 to index
      %parallel_loop3A_826 = arith.constant 0 : index
      %parallel_loop3A_827 = tpu.vector_load %arg12[%parallel_loop3A_825, %parallel_loop3A_826] {strides = array<i32>} : memref<128x16xf32, #tpu.memory_space<vmem>>, vector<16xf32>,
      %parallel_loop3A_828 = arith.mulf %parallel_loop3A_827, %parallel_loop3A_820 : vector<16xf32>
      %parallel_loop3A_829 = arith.index_cast %parallel_loop3A_824 : i32 to index
      %parallel_loop3A_830 = arith.constant 0 : index
      %parallel_loop3A_831 = tpu.vector_load %arg12[%parallel_loop3A_829, %parallel_loop3A_830] {strides = array<i32>} : memref<128x16xf32, #tpu.memory_space<vmem>>, vector<16xf32>,
      tpu.vector_store %arg12[%parallel_loop3A_829, %parallel_loop3A_830], %parallel_loop3A_828 {strides = array<i32>} : memref<128x16xf32, #tpu.memory_space<vmem>>, vector<16xf32>,
      %parallel_loop3A_832 = arith.constant 9 : i32
      %parallel_loop3A_833 = vector.broadcast %parallel_loop3A_832 : i32 to vector<16x1xi32>
      %parallel_loop3A_834 = vector.shape_cast %parallel_loop3A_833 : vector<16x1xi32> to vector<16xi32>
      %parallel_loop3A_835 = tpu.dynamic_gather %parallel_loop3A_696[%parallel_loop3A_834] in [0] : vector<16xf32>, vector<16xi32> -> vector<16xf32>
      %parallel_loop3A_836 = arith.constant 16 : i32
      %parallel_loop3A_837 = arith.muli %parallel_loop3A_691, %parallel_loop3A_836 : i32
      %parallel_loop3A_838 = arith.constant 9 : i32
      %parallel_loop3A_839 = arith.addi %parallel_loop3A_837, %parallel_loop3A_838 : i32
      %parallel_loop3A_840 = arith.index_cast %parallel_loop3A_839 : i32 to index
      %parallel_loop3A_841 = arith.constant 0 : index
      %parallel_loop3A_842 = tpu.vector_load %arg12[%parallel_loop3A_840, %parallel_loop3A_841] {strides = array<i32>} : memref<128x16xf32, #tpu.memory_space<vmem>>, vector<16xf32>,
      %parallel_loop3A_843 = arith.mulf %parallel_loop3A_842, %parallel_loop3A_835 : vector<16xf32>
      %parallel_loop3A_844 = arith.index_cast %parallel_loop3A_839 : i32 to index
      %parallel_loop3A_845 = arith.constant 0 : index
      %parallel_loop3A_846 = tpu.vector_load %arg12[%parallel_loop3A_844, %parallel_loop3A_845] {strides = array<i32>} : memref<128x16xf32, #tpu.memory_space<vmem>>, vector<16xf32>,
      tpu.vector_store %arg12[%parallel_loop3A_844, %parallel_loop3A_845], %parallel_loop3A_843 {strides = array<i32>} : memref<128x16xf32, #tpu.memory_space<vmem>>, vector<16xf32>,
      %parallel_loop3A_847 = arith.constant 10 : i32
      %parallel_loop3A_848 = vector.broadcast %parallel_loop3A_847 : i32 to vector<16x1xi32>
      %parallel_loop3A_849 = vector.shape_cast %parallel_loop3A_848 : vector<16x1xi32> to vector<16xi32>
      %parallel_loop3A_850 = tpu.dynamic_gather %parallel_loop3A_696[%parallel_loop3A_849] in [0] : vector<16xf32>, vector<16xi32> -> vector<16xf32>
      %parallel_loop3A_851 = arith.constant 16 : i32
      %parallel_loop3A_852 = arith.muli %parallel_loop3A_691, %parallel_loop3A_851 : i32
      %parallel_loop3A_853 = arith.constant 10 : i32
      %parallel_loop3A_854 = arith.addi %parallel_loop3A_852, %parallel_loop3A_853 : i32
      %parallel_loop3A_855 = arith.index_cast %parallel_loop3A_854 : i32 to index
      %parallel_loop3A_856 = arith.constant 0 : index
      %parallel_loop3A_857 = tpu.vector_load %arg12[%parallel_loop3A_855, %parallel_loop3A_856] {strides = array<i32>} : memref<128x16xf32, #tpu.memory_space<vmem>>, vector<16xf32>,
      %parallel_loop3A_858 = arith.mulf %parallel_loop3A_857, %parallel_loop3A_850 : vector<16xf32>
      %parallel_loop3A_859 = arith.index_cast %parallel_loop3A_854 : i32 to index
      %parallel_loop3A_860 = arith.constant 0 : index
      %parallel_loop3A_861 = tpu.vector_load %arg12[%parallel_loop3A_859, %parallel_loop3A_860] {strides = array<i32>} : memref<128x16xf32, #tpu.memory_space<vmem>>, vector<16xf32>,
      tpu.vector_store %arg12[%parallel_loop3A_859, %parallel_loop3A_860], %parallel_loop3A_858 {strides = array<i32>} : memref<128x16xf32, #tpu.memory_space<vmem>>, vector<16xf32>,
      %parallel_loop3A_862 = arith.constant 11 : i32
      %parallel_loop3A_863 = vector.broadcast %parallel_loop3A_862 : i32 to vector<16x1xi32>
      %parallel_loop3A_864 = vector.shape_cast %parallel_loop3A_863 : vector<16x1xi32> to vector<16xi32>
      %parallel_loop3A_865 = tpu.dynamic_gather %parallel_loop3A_696[%parallel_loop3A_864] in [0] : vector<16xf32>, vector<16xi32> -> vector<16xf32>
      %parallel_loop3A_866 = arith.constant 16 : i32
      %parallel_loop3A_867 = arith.muli %parallel_loop3A_691, %parallel_loop3A_866 : i32
      %parallel_loop3A_868 = arith.constant 11 : i32
      %parallel_loop3A_869 = arith.addi %parallel_loop3A_867, %parallel_loop3A_868 : i32
      %parallel_loop3A_870 = arith.index_cast %parallel_loop3A_869 : i32 to index
      %parallel_loop3A_871 = arith.constant 0 : index
      %parallel_loop3A_872 = tpu.vector_load %arg12[%parallel_loop3A_870, %parallel_loop3A_871] {strides = array<i32>} : memref<128x16xf32, #tpu.memory_space<vmem>>, vector<16xf32>,
      %parallel_loop3A_873 = arith.mulf %parallel_loop3A_872, %parallel_loop3A_865 : vector<16xf32>
      %parallel_loop3A_874 = arith.index_cast %parallel_loop3A_869 : i32 to index
      %parallel_loop3A_875 = arith.constant 0 : index
      %parallel_loop3A_876 = tpu.vector_load %arg12[%parallel_loop3A_874, %parallel_loop3A_875] {strides = array<i32>} : memref<128x16xf32, #tpu.memory_space<vmem>>, vector<16xf32>,
      tpu.vector_store %arg12[%parallel_loop3A_874, %parallel_loop3A_875], %parallel_loop3A_873 {strides = array<i32>} : memref<128x16xf32, #tpu.memory_space<vmem>>, vector<16xf32>,
      %parallel_loop3A_877 = arith.constant 12 : i32
      %parallel_loop3A_878 = vector.broadcast %parallel_loop3A_877 : i32 to vector<16x1xi32>
      %parallel_loop3A_879 = vector.shape_cast %parallel_loop3A_878 : vector<16x1xi32> to vector<16xi32>
      %parallel_loop3A_880 = tpu.dynamic_gather %parallel_loop3A_696[%parallel_loop3A_879] in [0] : vector<16xf32>, vector<16xi32> -> vector<16xf32>
      %parallel_loop3A_881 = arith.constant 16 : i32
      %parallel_loop3A_882 = arith.muli %parallel_loop3A_691, %parallel_loop3A_881 : i32
      %parallel_loop3A_883 = arith.constant 12 : i32
      %parallel_loop3A_884 = arith.addi %parallel_loop3A_882, %parallel_loop3A_883 : i32
      %parallel_loop3A_885 = arith.index_cast %parallel_loop3A_884 : i32 to index
      %parallel_loop3A_886 = arith.constant 0 : index
      %parallel_loop3A_887 = tpu.vector_load %arg12[%parallel_loop3A_885, %parallel_loop3A_886] {strides = array<i32>} : memref<128x16xf32, #tpu.memory_space<vmem>>, vector<16xf32>,
      %parallel_loop3A_888 = arith.mulf %parallel_loop3A_887, %parallel_loop3A_880 : vector<16xf32>
      %parallel_loop3A_889 = arith.index_cast %parallel_loop3A_884 : i32 to index
      %parallel_loop3A_890 = arith.constant 0 : index
      %parallel_loop3A_891 = tpu.vector_load %arg12[%parallel_loop3A_889, %parallel_loop3A_890] {strides = array<i32>} : memref<128x16xf32, #tpu.memory_space<vmem>>, vector<16xf32>,
      tpu.vector_store %arg12[%parallel_loop3A_889, %parallel_loop3A_890], %parallel_loop3A_888 {strides = array<i32>} : memref<128x16xf32, #tpu.memory_space<vmem>>, vector<16xf32>,
      %parallel_loop3A_892 = arith.constant 13 : i32
      %parallel_loop3A_893 = vector.broadcast %parallel_loop3A_892 : i32 to vector<16x1xi32>
      %parallel_loop3A_894 = vector.shape_cast %parallel_loop3A_893 : vector<16x1xi32> to vector<16xi32>
      %parallel_loop3A_895 = tpu.dynamic_gather %parallel_loop3A_696[%parallel_loop3A_894] in [0] : vector<16xf32>, vector<16xi32> -> vector<16xf32>
      %parallel_loop3A_896 = arith.constant 16 : i32
      %parallel_loop3A_897 = arith.muli %parallel_loop3A_691, %parallel_loop3A_896 : i32
      %parallel_loop3A_898 = arith.constant 13 : i32
      %parallel_loop3A_899 = arith.addi %parallel_loop3A_897, %parallel_loop3A_898 : i32
      %parallel_loop3A_900 = arith.index_cast %parallel_loop3A_899 : i32 to index
      %parallel_loop3A_901 = arith.constant 0 : index
      %parallel_loop3A_902 = tpu.vector_load %arg12[%parallel_loop3A_900, %parallel_loop3A_901] {strides = array<i32>} : memref<128x16xf32, #tpu.memory_space<vmem>>, vector<16xf32>,
      %parallel_loop3A_903 = arith.mulf %parallel_loop3A_902, %parallel_loop3A_895 : vector<16xf32>
      %parallel_loop3A_904 = arith.index_cast %parallel_loop3A_899 : i32 to index
      %parallel_loop3A_905 = arith.constant 0 : index
      %parallel_loop3A_906 = tpu.vector_load %arg12[%parallel_loop3A_904, %parallel_loop3A_905] {strides = array<i32>} : memref<128x16xf32, #tpu.memory_space<vmem>>, vector<16xf32>,
      tpu.vector_store %arg12[%parallel_loop3A_904, %parallel_loop3A_905], %parallel_loop3A_903 {strides = array<i32>} : memref<128x16xf32, #tpu.memory_space<vmem>>, vector<16xf32>,
      %parallel_loop3A_907 = arith.constant 14 : i32
      %parallel_loop3A_908 = vector.broadcast %parallel_loop3A_907 : i32 to vector<16x1xi32>
      %parallel_loop3A_909 = vector.shape_cast %parallel_loop3A_908 : vector<16x1xi32> to vector<16xi32>
      %parallel_loop3A_910 = tpu.dynamic_gather %parallel_loop3A_696[%parallel_loop3A_909] in [0] : vector<16xf32>, vector<16xi32> -> vector<16xf32>
      %parallel_loop3A_911 = arith.constant 16 : i32
      %parallel_loop3A_912 = arith.muli %parallel_loop3A_691, %parallel_loop3A_911 : i32
      %parallel_loop3A_913 = arith.constant 14 : i32
      %parallel_loop3A_914 = arith.addi %parallel_loop3A_912, %parallel_loop3A_913 : i32
      %parallel_loop3A_915 = arith.index_cast %parallel_loop3A_914 : i32 to index
      %parallel_loop3A_916 = arith.constant 0 : index
      %parallel_loop3A_917 = tpu.vector_load %arg12[%parallel_loop3A_915, %parallel_loop3A_916] {strides = array<i32>} : memref<128x16xf32, #tpu.memory_space<vmem>>, vector<16xf32>,
      %parallel_loop3A_918 = arith.mulf %parallel_loop3A_917, %parallel_loop3A_910 : vector<16xf32>
      %parallel_loop3A_919 = arith.index_cast %parallel_loop3A_914 : i32 to index
      %parallel_loop3A_920 = arith.constant 0 : index
      %parallel_loop3A_921 = tpu.vector_load %arg12[%parallel_loop3A_919, %parallel_loop3A_920] {strides = array<i32>} : memref<128x16xf32, #tpu.memory_space<vmem>>, vector<16xf32>,
      tpu.vector_store %arg12[%parallel_loop3A_919, %parallel_loop3A_920], %parallel_loop3A_918 {strides = array<i32>} : memref<128x16xf32, #tpu.memory_space<vmem>>, vector<16xf32>,
      %parallel_loop3A_922 = arith.constant 15 : i32
      %parallel_loop3A_923 = vector.broadcast %parallel_loop3A_922 : i32 to vector<16x1xi32>
      %parallel_loop3A_924 = vector.shape_cast %parallel_loop3A_923 : vector<16x1xi32> to vector<16xi32>
      %parallel_loop3A_925 = tpu.dynamic_gather %parallel_loop3A_696[%parallel_loop3A_924] in [0] : vector<16xf32>, vector<16xi32> -> vector<16xf32>
      %parallel_loop3A_926 = arith.constant 16 : i32
      %parallel_loop3A_927 = arith.muli %parallel_loop3A_691, %parallel_loop3A_926 : i32
      %parallel_loop3A_928 = arith.constant 15 : i32
      %parallel_loop3A_929 = arith.addi %parallel_loop3A_927, %parallel_loop3A_928 : i32
      %parallel_loop3A_930 = arith.index_cast %parallel_loop3A_929 : i32 to index
      %parallel_loop3A_931 = arith.constant 0 : index
      %parallel_loop3A_932 = tpu.vector_load %arg12[%parallel_loop3A_930, %parallel_loop3A_931] {strides = array<i32>} : memref<128x16xf32, #tpu.memory_space<vmem>>, vector<16xf32>,
      %parallel_loop3A_933 = arith.mulf %parallel_loop3A_932, %parallel_loop3A_925 : vector<16xf32>
      %parallel_loop3A_934 = arith.index_cast %parallel_loop3A_929 : i32 to index
      %parallel_loop3A_935 = arith.constant 0 : index
      %parallel_loop3A_936 = tpu.vector_load %arg12[%parallel_loop3A_934, %parallel_loop3A_935] {strides = array<i32>} : memref<128x16xf32, #tpu.memory_space<vmem>>, vector<16xf32>,
      tpu.vector_store %arg12[%parallel_loop3A_934, %parallel_loop3A_935], %parallel_loop3A_933 {strides = array<i32>} : memref<128x16xf32, #tpu.memory_space<vmem>>, vector<16xf32>,
    } {sc.loop_unroll_factor = 4 : i64, sc.parallel_access}
    %dma_start3A_363 = arith.constant 2 : i32
    %dma_start3A_364 = arith.constant 0 : i32
    %dma_start3A_365 = tpu.memref_slice %arg8[%dma_start3A_363, %dma_start3A_364] : memref<64x128xi32, #tpu.memory_space<vmem>> -> memref<1x128xi32, #tpu.memory_space<vmem>>
    %dma_start3A_366 = tpu.memref_squeeze %dma_start3A_365 : memref<1x128xi32, #tpu.memory_space<vmem>> -> memref<128xi32, #tpu.memory_space<vmem>>
    %dma_start3A_367 = arith.constant 0 : i32
    %dma_start3A_368 = arith.constant 0 : i32
    %dma_start3A_369 = tpu.memref_slice %arg17[%dma_start3A_367, %dma_start3A_368] : memref<16384x16xf32, #tpu.memory_space<vmem_shared>> -> memref<16384x16xf32, #tpu.memory_space<vmem_shared>>
    tpu.enqueue_indirect_dma source(%arg12 : memref<128x16xf32, #tpu.memory_space<vmem>>) target(%dma_start3A_369 : memref<16384x16xf32, #tpu.memory_space<vmem_shared>>) offsets(%dma_start3A_366 : memref<128xi32, #tpu.memory_space<vmem>>) semaphore(%arg24 : memref<!tpu.dma_semaphore, #tpu.memory_space<semaphore_mem>>) {add = true}
    %dma_wait3A_370 = arith.constant 0 : i32
    %dma_wait3A_371 = arith.constant 0 : i32
    %dma_wait3A_372 = tpu.memref_slice %arg8[%dma_wait3A_370, %dma_wait3A_371] : memref<64x128xi32, #tpu.memory_space<vmem>> -> memref<1x128xi32, #tpu.memory_space<vmem>>
    %dma_wait3A_373 = tpu.memref_squeeze %dma_wait3A_372 : memref<1x128xi32, #tpu.memory_space<vmem>> -> memref<128xi32, #tpu.memory_space<vmem>>
    %dma_wait3A_374 = arith.constant 0 : i32
    %dma_wait3A_375 = arith.constant 0 : i32
    %dma_wait3A_376 = tpu.memref_slice %arg17[%dma_wait3A_374, %dma_wait3A_375] : memref<16384x16xf32, #tpu.memory_space<vmem_shared>> -> memref<16384x16xf32, #tpu.memory_space<vmem_shared>>
    tpu.wait_indirect_dma semaphore(%arg23 : memref<!tpu.dma_semaphore, #tpu.memory_space<semaphore_mem>>) src(%arg11 : memref<128x16xf32, #tpu.memory_space<vmem>>) dst(%dma_wait3A_376 : memref<16384x16xf32, #tpu.memory_space<vmem_shared>>)
    %min3A_377 = arith.constant 5 : i32
    %min3A_378 = arith.constant 63 : i32
    %min3A_379 = arith.minsi %min3A_377, %min3A_378 : i32
    %dma_start3A_380 = arith.constant 0 : i32
    %dma_start3A_381 = tpu.memref_slice %arg7[%min3A_379, %dma_start3A_380] : memref<64x128xi32, #tpu.memory_space<vmem>> -> memref<1x128xi32, #tpu.memory_space<vmem>>
    %dma_start3A_382 = tpu.memref_squeeze %dma_start3A_381 : memref<1x128xi32, #tpu.memory_space<vmem>> -> memref<128xi32, #tpu.memory_space<vmem>>
    %dma_start3A_383 = arith.constant 0 : i32
    %dma_start3A_384 = arith.constant 0 : i32
    %dma_start3A_385 = tpu.memref_slice %arg16[%dma_start3A_383, %dma_start3A_384] : memref<16384x16xf32, #tpu.memory_space<vmem_shared>> -> memref<16384x16xf32, #tpu.memory_space<vmem_shared>>
    tpu.enqueue_indirect_dma source(%dma_start3A_385 : memref<16384x16xf32, #tpu.memory_space<vmem_shared>>) target(%arg11 : memref<128x16xf32, #tpu.memory_space<vmem>>) offsets(%dma_start3A_382 : memref<128xi32, #tpu.memory_space<vmem>>) semaphore(%arg19 : memref<!tpu.dma_semaphore, #tpu.memory_space<semaphore_mem>>)
    %dma_wait3A_386 = arith.constant 0 : i32
    %dma_wait3A_387 = arith.constant 0 : i32
    %dma_wait3A_388 = tpu.memref_slice %arg7[%dma_wait3A_386, %dma_wait3A_387] : memref<64x128xi32, #tpu.memory_space<vmem>> -> memref<1x128xi32, #tpu.memory_space<vmem>>
    %dma_wait3A_389 = tpu.memref_squeeze %dma_wait3A_388 : memref<1x128xi32, #tpu.memory_space<vmem>> -> memref<128xi32, #tpu.memory_space<vmem>>
    %dma_wait3A_390 = arith.constant 0 : i32
    %dma_wait3A_391 = arith.constant 0 : i32
    %dma_wait3A_392 = tpu.memref_slice %arg16[%dma_wait3A_390, %dma_wait3A_391] : memref<16384x16xf32, #tpu.memory_space<vmem_shared>> -> memref<16384x16xf32, #tpu.memory_space<vmem_shared>>
    tpu.wait_indirect_dma semaphore(%arg21 : memref<!tpu.dma_semaphore, #tpu.memory_space<semaphore_mem>>) src(%dma_wait3A_392 : memref<16384x16xf32, #tpu.memory_space<vmem_shared>>) dst(%arg13 : memref<128x16xf32, #tpu.memory_space<vmem>>)
    %parallel_loop3A_393 = arith.constant 0 : i32
    %parallel_loop3A_394 = arith.constant 8 : i32
    %parallel_loop3A_395 = arith.constant 1 : i32
    %parallel_loop3A_396 = arith.constant 3 : i32
    scf.for %parallel_loop3A_691 = %parallel_loop3A_393 to %parallel_loop3A_394 step %parallel_loop3A_395  : i32 {
      %parallel_loop3A_692 = arith.constant 16 : i32
      %parallel_loop3A_693 = arith.muli %parallel_loop3A_691, %parallel_loop3A_692 : i32
      %parallel_loop3A_694 = arith.index_cast %parallel_loop3A_396 : i32 to index
      %parallel_loop3A_695 = arith.index_cast %parallel_loop3A_693 : i32 to index
      %parallel_loop3A_696 = tpu.vector_load %arg9[%parallel_loop3A_694, %parallel_loop3A_695] {strides = array<i32>} : memref<64x128xf32, #tpu.memory_space<vmem>>, vector<16xf32>,
      %parallel_loop3A_697 = arith.constant 0 : i32
      %parallel_loop3A_698 = vector.broadcast %parallel_loop3A_697 : i32 to vector<16x1xi32>
      %parallel_loop3A_699 = vector.shape_cast %parallel_loop3A_698 : vector<16x1xi32> to vector<16xi32>
      %parallel_loop3A_700 = tpu.dynamic_gather %parallel_loop3A_696[%parallel_loop3A_699] in [0] : vector<16xf32>, vector<16xi32> -> vector<16xf32>
      %parallel_loop3A_701 = arith.constant 16 : i32
      %parallel_loop3A_702 = arith.muli %parallel_loop3A_691, %parallel_loop3A_701 : i32
      %parallel_loop3A_703 = arith.constant 0 : i32
      %parallel_loop3A_704 = arith.addi %parallel_loop3A_702, %parallel_loop3A_703 : i32
      %parallel_loop3A_705 = arith.index_cast %parallel_loop3A_704 : i32 to index
      %parallel_loop3A_706 = arith.constant 0 : index
      %parallel_loop3A_707 = tpu.vector_load %arg13[%parallel_loop3A_705, %parallel_loop3A_706] {strides = array<i32>} : memref<128x16xf32, #tpu.memory_space<vmem>>, vector<16xf32>,
      %parallel_loop3A_708 = arith.mulf %parallel_loop3A_707, %parallel_loop3A_700 : vector<16xf32>
      %parallel_loop3A_709 = arith.index_cast %parallel_loop3A_704 : i32 to index
      %parallel_loop3A_710 = arith.constant 0 : index
      %parallel_loop3A_711 = tpu.vector_load %arg13[%parallel_loop3A_709, %parallel_loop3A_710] {strides = array<i32>} : memref<128x16xf32, #tpu.memory_space<vmem>>, vector<16xf32>,
      tpu.vector_store %arg13[%parallel_loop3A_709, %parallel_loop3A_710], %parallel_loop3A_708 {strides = array<i32>} : memref<128x16xf32, #tpu.memory_space<vmem>>, vector<16xf32>,
      %parallel_loop3A_712 = arith.constant 1 : i32
      %parallel_loop3A_713 = vector.broadcast %parallel_loop3A_712 : i32 to vector<16x1xi32>
      %parallel_loop3A_714 = vector.shape_cast %parallel_loop3A_713 : vector<16x1xi32> to vector<16xi32>
      %parallel_loop3A_715 = tpu.dynamic_gather %parallel_loop3A_696[%parallel_loop3A_714] in [0] : vector<16xf32>, vector<16xi32> -> vector<16xf32>
      %parallel_loop3A_716 = arith.constant 16 : i32
      %parallel_loop3A_717 = arith.muli %parallel_loop3A_691, %parallel_loop3A_716 : i32
      %parallel_loop3A_718 = arith.constant 1 : i32
      %parallel_loop3A_719 = arith.addi %parallel_loop3A_717, %parallel_loop3A_718 : i32
      %parallel_loop3A_720 = arith.index_cast %parallel_loop3A_719 : i32 to index
      %parallel_loop3A_721 = arith.constant 0 : index
      %parallel_loop3A_722 = tpu.vector_load %arg13[%parallel_loop3A_720, %parallel_loop3A_721] {strides = array<i32>} : memref<128x16xf32, #tpu.memory_space<vmem>>, vector<16xf32>,
      %parallel_loop3A_723 = arith.mulf %parallel_loop3A_722, %parallel_loop3A_715 : vector<16xf32>
      %parallel_loop3A_724 = arith.index_cast %parallel_loop3A_719 : i32 to index
      %parallel_loop3A_725 = arith.constant 0 : index
      %parallel_loop3A_726 = tpu.vector_load %arg13[%parallel_loop3A_724, %parallel_loop3A_725] {strides = array<i32>} : memref<128x16xf32, #tpu.memory_space<vmem>>, vector<16xf32>,
      tpu.vector_store %arg13[%parallel_loop3A_724, %parallel_loop3A_725], %parallel_loop3A_723 {strides = array<i32>} : memref<128x16xf32, #tpu.memory_space<vmem>>, vector<16xf32>,
      %parallel_loop3A_727 = arith.constant 2 : i32
      %parallel_loop3A_728 = vector.broadcast %parallel_loop3A_727 : i32 to vector<16x1xi32>
      %parallel_loop3A_729 = vector.shape_cast %parallel_loop3A_728 : vector<16x1xi32> to vector<16xi32>
      %parallel_loop3A_730 = tpu.dynamic_gather %parallel_loop3A_696[%parallel_loop3A_729] in [0] : vector<16xf32>, vector<16xi32> -> vector<16xf32>
      %parallel_loop3A_731 = arith.constant 16 : i32
      %parallel_loop3A_732 = arith.muli %parallel_loop3A_691, %parallel_loop3A_731 : i32
      %parallel_loop3A_733 = arith.constant 2 : i32
      %parallel_loop3A_734 = arith.addi %parallel_loop3A_732, %parallel_loop3A_733 : i32
      %parallel_loop3A_735 = arith.index_cast %parallel_loop3A_734 : i32 to index
      %parallel_loop3A_736 = arith.constant 0 : index
      %parallel_loop3A_737 = tpu.vector_load %arg13[%parallel_loop3A_735, %parallel_loop3A_736] {strides = array<i32>} : memref<128x16xf32, #tpu.memory_space<vmem>>, vector<16xf32>,
      %parallel_loop3A_738 = arith.mulf %parallel_loop3A_737, %parallel_loop3A_730 : vector<16xf32>
      %parallel_loop3A_739 = arith.index_cast %parallel_loop3A_734 : i32 to index
      %parallel_loop3A_740 = arith.constant 0 : index
      %parallel_loop3A_741 = tpu.vector_load %arg13[%parallel_loop3A_739, %parallel_loop3A_740] {strides = array<i32>} : memref<128x16xf32, #tpu.memory_space<vmem>>, vector<16xf32>,
      tpu.vector_store %arg13[%parallel_loop3A_739, %parallel_loop3A_740], %parallel_loop3A_738 {strides = array<i32>} : memref<128x16xf32, #tpu.memory_space<vmem>>, vector<16xf32>,
      %parallel_loop3A_742 = arith.constant 3 : i32
      %parallel_loop3A_743 = vector.broadcast %parallel_loop3A_742 : i32 to vector<16x1xi32>
      %parallel_loop3A_744 = vector.shape_cast %parallel_loop3A_743 : vector<16x1xi32> to vector<16xi32>
      %parallel_loop3A_745 = tpu.dynamic_gather %parallel_loop3A_696[%parallel_loop3A_744] in [0] : vector<16xf32>, vector<16xi32> -> vector<16xf32>
      %parallel_loop3A_746 = arith.constant 16 : i32
      %parallel_loop3A_747 = arith.muli %parallel_loop3A_691, %parallel_loop3A_746 : i32
      %parallel_loop3A_748 = arith.constant 3 : i32
      %parallel_loop3A_749 = arith.addi %parallel_loop3A_747, %parallel_loop3A_748 : i32
      %parallel_loop3A_750 = arith.index_cast %parallel_loop3A_749 : i32 to index
      %parallel_loop3A_751 = arith.constant 0 : index
      %parallel_loop3A_752 = tpu.vector_load %arg13[%parallel_loop3A_750, %parallel_loop3A_751] {strides = array<i32>} : memref<128x16xf32, #tpu.memory_space<vmem>>, vector<16xf32>,
      %parallel_loop3A_753 = arith.mulf %parallel_loop3A_752, %parallel_loop3A_745 : vector<16xf32>
      %parallel_loop3A_754 = arith.index_cast %parallel_loop3A_749 : i32 to index
      %parallel_loop3A_755 = arith.constant 0 : index
      %parallel_loop3A_756 = tpu.vector_load %arg13[%parallel_loop3A_754, %parallel_loop3A_755] {strides = array<i32>} : memref<128x16xf32, #tpu.memory_space<vmem>>, vector<16xf32>,
      tpu.vector_store %arg13[%parallel_loop3A_754, %parallel_loop3A_755], %parallel_loop3A_753 {strides = array<i32>} : memref<128x16xf32, #tpu.memory_space<vmem>>, vector<16xf32>,
      %parallel_loop3A_757 = arith.constant 4 : i32
      %parallel_loop3A_758 = vector.broadcast %parallel_loop3A_757 : i32 to vector<16x1xi32>
      %parallel_loop3A_759 = vector.shape_cast %parallel_loop3A_758 : vector<16x1xi32> to vector<16xi32>
      %parallel_loop3A_760 = tpu.dynamic_gather %parallel_loop3A_696[%parallel_loop3A_759] in [0] : vector<16xf32>, vector<16xi32> -> vector<16xf32>
      %parallel_loop3A_761 = arith.constant 16 : i32
      %parallel_loop3A_762 = arith.muli %parallel_loop3A_691, %parallel_loop3A_761 : i32
      %parallel_loop3A_763 = arith.constant 4 : i32
      %parallel_loop3A_764 = arith.addi %parallel_loop3A_762, %parallel_loop3A_763 : i32
      %parallel_loop3A_765 = arith.index_cast %parallel_loop3A_764 : i32 to index
      %parallel_loop3A_766 = arith.constant 0 : index
      %parallel_loop3A_767 = tpu.vector_load %arg13[%parallel_loop3A_765, %parallel_loop3A_766] {strides = array<i32>} : memref<128x16xf32, #tpu.memory_space<vmem>>, vector<16xf32>,
      %parallel_loop3A_768 = arith.mulf %parallel_loop3A_767, %parallel_loop3A_760 : vector<16xf32>
      %parallel_loop3A_769 = arith.index_cast %parallel_loop3A_764 : i32 to index
      %parallel_loop3A_770 = arith.constant 0 : index
      %parallel_loop3A_771 = tpu.vector_load %arg13[%parallel_loop3A_769, %parallel_loop3A_770] {strides = array<i32>} : memref<128x16xf32, #tpu.memory_space<vmem>>, vector<16xf32>,
      tpu.vector_store %arg13[%parallel_loop3A_769, %parallel_loop3A_770], %parallel_loop3A_768 {strides = array<i32>} : memref<128x16xf32, #tpu.memory_space<vmem>>, vector<16xf32>,
      %parallel_loop3A_772 = arith.constant 5 : i32
      %parallel_loop3A_773 = vector.broadcast %parallel_loop3A_772 : i32 to vector<16x1xi32>
      %parallel_loop3A_774 = vector.shape_cast %parallel_loop3A_773 : vector<16x1xi32> to vector<16xi32>
      %parallel_loop3A_775 = tpu.dynamic_gather %parallel_loop3A_696[%parallel_loop3A_774] in [0] : vector<16xf32>, vector<16xi32> -> vector<16xf32>
      %parallel_loop3A_776 = arith.constant 16 : i32
      %parallel_loop3A_777 = arith.muli %parallel_loop3A_691, %parallel_loop3A_776 : i32
      %parallel_loop3A_778 = arith.constant 5 : i32
      %parallel_loop3A_779 = arith.addi %parallel_loop3A_777, %parallel_loop3A_778 : i32
      %parallel_loop3A_780 = arith.index_cast %parallel_loop3A_779 : i32 to index
      %parallel_loop3A_781 = arith.constant 0 : index
      %parallel_loop3A_782 = tpu.vector_load %arg13[%parallel_loop3A_780, %parallel_loop3A_781] {strides = array<i32>} : memref<128x16xf32, #tpu.memory_space<vmem>>, vector<16xf32>,
      %parallel_loop3A_783 = arith.mulf %parallel_loop3A_782, %parallel_loop3A_775 : vector<16xf32>
      %parallel_loop3A_784 = arith.index_cast %parallel_loop3A_779 : i32 to index
      %parallel_loop3A_785 = arith.constant 0 : index
      %parallel_loop3A_786 = tpu.vector_load %arg13[%parallel_loop3A_784, %parallel_loop3A_785] {strides = array<i32>} : memref<128x16xf32, #tpu.memory_space<vmem>>, vector<16xf32>,
      tpu.vector_store %arg13[%parallel_loop3A_784, %parallel_loop3A_785], %parallel_loop3A_783 {strides = array<i32>} : memref<128x16xf32, #tpu.memory_space<vmem>>, vector<16xf32>,
      %parallel_loop3A_787 = arith.constant 6 : i32
      %parallel_loop3A_788 = vector.broadcast %parallel_loop3A_787 : i32 to vector<16x1xi32>
      %parallel_loop3A_789 = vector.shape_cast %parallel_loop3A_788 : vector<16x1xi32> to vector<16xi32>
      %parallel_loop3A_790 = tpu.dynamic_gather %parallel_loop3A_696[%parallel_loop3A_789] in [0] : vector<16xf32>, vector<16xi32> -> vector<16xf32>
      %parallel_loop3A_791 = arith.constant 16 : i32
      %parallel_loop3A_792 = arith.muli %parallel_loop3A_691, %parallel_loop3A_791 : i32
      %parallel_loop3A_793 = arith.constant 6 : i32
      %parallel_loop3A_794 = arith.addi %parallel_loop3A_792, %parallel_loop3A_793 : i32
      %parallel_loop3A_795 = arith.index_cast %parallel_loop3A_794 : i32 to index
      %parallel_loop3A_796 = arith.constant 0 : index
      %parallel_loop3A_797 = tpu.vector_load %arg13[%parallel_loop3A_795, %parallel_loop3A_796] {strides = array<i32>} : memref<128x16xf32, #tpu.memory_space<vmem>>, vector<16xf32>,
      %parallel_loop3A_798 = arith.mulf %parallel_loop3A_797, %parallel_loop3A_790 : vector<16xf32>
      %parallel_loop3A_799 = arith.index_cast %parallel_loop3A_794 : i32 to index
      %parallel_loop3A_800 = arith.constant 0 : index
      %parallel_loop3A_801 = tpu.vector_load %arg13[%parallel_loop3A_799, %parallel_loop3A_800] {strides = array<i32>} : memref<128x16xf32, #tpu.memory_space<vmem>>, vector<16xf32>,
      tpu.vector_store %arg13[%parallel_loop3A_799, %parallel_loop3A_800], %parallel_loop3A_798 {strides = array<i32>} : memref<128x16xf32, #tpu.memory_space<vmem>>, vector<16xf32>,
      %parallel_loop3A_802 = arith.constant 7 : i32
      %parallel_loop3A_803 = vector.broadcast %parallel_loop3A_802 : i32 to vector<16x1xi32>
      %parallel_loop3A_804 = vector.shape_cast %parallel_loop3A_803 : vector<16x1xi32> to vector<16xi32>
      %parallel_loop3A_805 = tpu.dynamic_gather %parallel_loop3A_696[%parallel_loop3A_804] in [0] : vector<16xf32>, vector<16xi32> -> vector<16xf32>
      %parallel_loop3A_806 = arith.constant 16 : i32
      %parallel_loop3A_807 = arith.muli %parallel_loop3A_691, %parallel_loop3A_806 : i32
      %parallel_loop3A_808 = arith.constant 7 : i32
      %parallel_loop3A_809 = arith.addi %parallel_loop3A_807, %parallel_loop3A_808 : i32
      %parallel_loop3A_810 = arith.index_cast %parallel_loop3A_809 : i32 to index
      %parallel_loop3A_811 = arith.constant 0 : index
      %parallel_loop3A_812 = tpu.vector_load %arg13[%parallel_loop3A_810, %parallel_loop3A_811] {strides = array<i32>} : memref<128x16xf32, #tpu.memory_space<vmem>>, vector<16xf32>,
      %parallel_loop3A_813 = arith.mulf %parallel_loop3A_812, %parallel_loop3A_805 : vector<16xf32>
      %parallel_loop3A_814 = arith.index_cast %parallel_loop3A_809 : i32 to index
      %parallel_loop3A_815 = arith.constant 0 : index
      %parallel_loop3A_816 = tpu.vector_load %arg13[%parallel_loop3A_814, %parallel_loop3A_815] {strides = array<i32>} : memref<128x16xf32, #tpu.memory_space<vmem>>, vector<16xf32>,
      tpu.vector_store %arg13[%parallel_loop3A_814, %parallel_loop3A_815], %parallel_loop3A_813 {strides = array<i32>} : memref<128x16xf32, #tpu.memory_space<vmem>>, vector<16xf32>,
      %parallel_loop3A_817 = arith.constant 8 : i32
      %parallel_loop3A_818 = vector.broadcast %parallel_loop3A_817 : i32 to vector<16x1xi32>
      %parallel_loop3A_819 = vector.shape_cast %parallel_loop3A_818 : vector<16x1xi32> to vector<16xi32>
      %parallel_loop3A_820 = tpu.dynamic_gather %parallel_loop3A_696[%parallel_loop3A_819] in [0] : vector<16xf32>, vector<16xi32> -> vector<16xf32>
      %parallel_loop3A_821 = arith.constant 16 : i32
      %parallel_loop3A_822 = arith.muli %parallel_loop3A_691, %parallel_loop3A_821 : i32
      %parallel_loop3A_823 = arith.constant 8 : i32
      %parallel_loop3A_824 = arith.addi %parallel_loop3A_822, %parallel_loop3A_823 : i32
      %parallel_loop3A_825 = arith.index_cast %parallel_loop3A_824 : i32 to index
      %parallel_loop3A_826 = arith.constant 0 : index
      %parallel_loop3A_827 = tpu.vector_load %arg13[%parallel_loop3A_825, %parallel_loop3A_826] {strides = array<i32>} : memref<128x16xf32, #tpu.memory_space<vmem>>, vector<16xf32>,
      %parallel_loop3A_828 = arith.mulf %parallel_loop3A_827, %parallel_loop3A_820 : vector<16xf32>
      %parallel_loop3A_829 = arith.index_cast %parallel_loop3A_824 : i32 to index
      %parallel_loop3A_830 = arith.constant 0 : index
      %parallel_loop3A_831 = tpu.vector_load %arg13[%parallel_loop3A_829, %parallel_loop3A_830] {strides = array<i32>} : memref<128x16xf32, #tpu.memory_space<vmem>>, vector<16xf32>,
      tpu.vector_store %arg13[%parallel_loop3A_829, %parallel_loop3A_830], %parallel_loop3A_828 {strides = array<i32>} : memref<128x16xf32, #tpu.memory_space<vmem>>, vector<16xf32>,
      %parallel_loop3A_832 = arith.constant 9 : i32
      %parallel_loop3A_833 = vector.broadcast %parallel_loop3A_832 : i32 to vector<16x1xi32>
      %parallel_loop3A_834 = vector.shape_cast %parallel_loop3A_833 : vector<16x1xi32> to vector<16xi32>
      %parallel_loop3A_835 = tpu.dynamic_gather %parallel_loop3A_696[%parallel_loop3A_834] in [0] : vector<16xf32>, vector<16xi32> -> vector<16xf32>
      %parallel_loop3A_836 = arith.constant 16 : i32
      %parallel_loop3A_837 = arith.muli %parallel_loop3A_691, %parallel_loop3A_836 : i32
      %parallel_loop3A_838 = arith.constant 9 : i32
      %parallel_loop3A_839 = arith.addi %parallel_loop3A_837, %parallel_loop3A_838 : i32
      %parallel_loop3A_840 = arith.index_cast %parallel_loop3A_839 : i32 to index
      %parallel_loop3A_841 = arith.constant 0 : index
      %parallel_loop3A_842 = tpu.vector_load %arg13[%parallel_loop3A_840, %parallel_loop3A_841] {strides = array<i32>} : memref<128x16xf32, #tpu.memory_space<vmem>>, vector<16xf32>,
      %parallel_loop3A_843 = arith.mulf %parallel_loop3A_842, %parallel_loop3A_835 : vector<16xf32>
      %parallel_loop3A_844 = arith.index_cast %parallel_loop3A_839 : i32 to index
      %parallel_loop3A_845 = arith.constant 0 : index
      %parallel_loop3A_846 = tpu.vector_load %arg13[%parallel_loop3A_844, %parallel_loop3A_845] {strides = array<i32>} : memref<128x16xf32, #tpu.memory_space<vmem>>, vector<16xf32>,
      tpu.vector_store %arg13[%parallel_loop3A_844, %parallel_loop3A_845], %parallel_loop3A_843 {strides = array<i32>} : memref<128x16xf32, #tpu.memory_space<vmem>>, vector<16xf32>,
      %parallel_loop3A_847 = arith.constant 10 : i32
      %parallel_loop3A_848 = vector.broadcast %parallel_loop3A_847 : i32 to vector<16x1xi32>
      %parallel_loop3A_849 = vector.shape_cast %parallel_loop3A_848 : vector<16x1xi32> to vector<16xi32>
      %parallel_loop3A_850 = tpu.dynamic_gather %parallel_loop3A_696[%parallel_loop3A_849] in [0] : vector<16xf32>, vector<16xi32> -> vector<16xf32>
      %parallel_loop3A_851 = arith.constant 16 : i32
      %parallel_loop3A_852 = arith.muli %parallel_loop3A_691, %parallel_loop3A_851 : i32
      %parallel_loop3A_853 = arith.constant 10 : i32
      %parallel_loop3A_854 = arith.addi %parallel_loop3A_852, %parallel_loop3A_853 : i32
      %parallel_loop3A_855 = arith.index_cast %parallel_loop3A_854 : i32 to index
      %parallel_loop3A_856 = arith.constant 0 : index
      %parallel_loop3A_857 = tpu.vector_load %arg13[%parallel_loop3A_855, %parallel_loop3A_856] {strides = array<i32>} : memref<128x16xf32, #tpu.memory_space<vmem>>, vector<16xf32>,
      %parallel_loop3A_858 = arith.mulf %parallel_loop3A_857, %parallel_loop3A_850 : vector<16xf32>
      %parallel_loop3A_859 = arith.index_cast %parallel_loop3A_854 : i32 to index
      %parallel_loop3A_860 = arith.constant 0 : index
      %parallel_loop3A_861 = tpu.vector_load %arg13[%parallel_loop3A_859, %parallel_loop3A_860] {strides = array<i32>} : memref<128x16xf32, #tpu.memory_space<vmem>>, vector<16xf32>,
      tpu.vector_store %arg13[%parallel_loop3A_859, %parallel_loop3A_860], %parallel_loop3A_858 {strides = array<i32>} : memref<128x16xf32, #tpu.memory_space<vmem>>, vector<16xf32>,
      %parallel_loop3A_862 = arith.constant 11 : i32
      %parallel_loop3A_863 = vector.broadcast %parallel_loop3A_862 : i32 to vector<16x1xi32>
      %parallel_loop3A_864 = vector.shape_cast %parallel_loop3A_863 : vector<16x1xi32> to vector<16xi32>
      %parallel_loop3A_865 = tpu.dynamic_gather %parallel_loop3A_696[%parallel_loop3A_864] in [0] : vector<16xf32>, vector<16xi32> -> vector<16xf32>
      %parallel_loop3A_866 = arith.constant 16 : i32
      %parallel_loop3A_867 = arith.muli %parallel_loop3A_691, %parallel_loop3A_866 : i32
      %parallel_loop3A_868 = arith.constant 11 : i32
      %parallel_loop3A_869 = arith.addi %parallel_loop3A_867, %parallel_loop3A_868 : i32
      %parallel_loop3A_870 = arith.index_cast %parallel_loop3A_869 : i32 to index
      %parallel_loop3A_871 = arith.constant 0 : index
      %parallel_loop3A_872 = tpu.vector_load %arg13[%parallel_loop3A_870, %parallel_loop3A_871] {strides = array<i32>} : memref<128x16xf32, #tpu.memory_space<vmem>>, vector<16xf32>,
      %parallel_loop3A_873 = arith.mulf %parallel_loop3A_872, %parallel_loop3A_865 : vector<16xf32>
      %parallel_loop3A_874 = arith.index_cast %parallel_loop3A_869 : i32 to index
      %parallel_loop3A_875 = arith.constant 0 : index
      %parallel_loop3A_876 = tpu.vector_load %arg13[%parallel_loop3A_874, %parallel_loop3A_875] {strides = array<i32>} : memref<128x16xf32, #tpu.memory_space<vmem>>, vector<16xf32>,
      tpu.vector_store %arg13[%parallel_loop3A_874, %parallel_loop3A_875], %parallel_loop3A_873 {strides = array<i32>} : memref<128x16xf32, #tpu.memory_space<vmem>>, vector<16xf32>,
      %parallel_loop3A_877 = arith.constant 12 : i32
      %parallel_loop3A_878 = vector.broadcast %parallel_loop3A_877 : i32 to vector<16x1xi32>
      %parallel_loop3A_879 = vector.shape_cast %parallel_loop3A_878 : vector<16x1xi32> to vector<16xi32>
      %parallel_loop3A_880 = tpu.dynamic_gather %parallel_loop3A_696[%parallel_loop3A_879] in [0] : vector<16xf32>, vector<16xi32> -> vector<16xf32>
      %parallel_loop3A_881 = arith.constant 16 : i32
      %parallel_loop3A_882 = arith.muli %parallel_loop3A_691, %parallel_loop3A_881 : i32
      %parallel_loop3A_883 = arith.constant 12 : i32
      %parallel_loop3A_884 = arith.addi %parallel_loop3A_882, %parallel_loop3A_883 : i32
      %parallel_loop3A_885 = arith.index_cast %parallel_loop3A_884 : i32 to index
      %parallel_loop3A_886 = arith.constant 0 : index
      %parallel_loop3A_887 = tpu.vector_load %arg13[%parallel_loop3A_885, %parallel_loop3A_886] {strides = array<i32>} : memref<128x16xf32, #tpu.memory_space<vmem>>, vector<16xf32>,
      %parallel_loop3A_888 = arith.mulf %parallel_loop3A_887, %parallel_loop3A_880 : vector<16xf32>
      %parallel_loop3A_889 = arith.index_cast %parallel_loop3A_884 : i32 to index
      %parallel_loop3A_890 = arith.constant 0 : index
      %parallel_loop3A_891 = tpu.vector_load %arg13[%parallel_loop3A_889, %parallel_loop3A_890] {strides = array<i32>} : memref<128x16xf32, #tpu.memory_space<vmem>>, vector<16xf32>,
      tpu.vector_store %arg13[%parallel_loop3A_889, %parallel_loop3A_890], %parallel_loop3A_888 {strides = array<i32>} : memref<128x16xf32, #tpu.memory_space<vmem>>, vector<16xf32>,
      %parallel_loop3A_892 = arith.constant 13 : i32
      %parallel_loop3A_893 = vector.broadcast %parallel_loop3A_892 : i32 to vector<16x1xi32>
      %parallel_loop3A_894 = vector.shape_cast %parallel_loop3A_893 : vector<16x1xi32> to vector<16xi32>
      %parallel_loop3A_895 = tpu.dynamic_gather %parallel_loop3A_696[%parallel_loop3A_894] in [0] : vector<16xf32>, vector<16xi32> -> vector<16xf32>
      %parallel_loop3A_896 = arith.constant 16 : i32
      %parallel_loop3A_897 = arith.muli %parallel_loop3A_691, %parallel_loop3A_896 : i32
      %parallel_loop3A_898 = arith.constant 13 : i32
      %parallel_loop3A_899 = arith.addi %parallel_loop3A_897, %parallel_loop3A_898 : i32
      %parallel_loop3A_900 = arith.index_cast %parallel_loop3A_899 : i32 to index
      %parallel_loop3A_901 = arith.constant 0 : index
      %parallel_loop3A_902 = tpu.vector_load %arg13[%parallel_loop3A_900, %parallel_loop3A_901] {strides = array<i32>} : memref<128x16xf32, #tpu.memory_space<vmem>>, vector<16xf32>,
      %parallel_loop3A_903 = arith.mulf %parallel_loop3A_902, %parallel_loop3A_895 : vector<16xf32>
      %parallel_loop3A_904 = arith.index_cast %parallel_loop3A_899 : i32 to index
      %parallel_loop3A_905 = arith.constant 0 : index
      %parallel_loop3A_906 = tpu.vector_load %arg13[%parallel_loop3A_904, %parallel_loop3A_905] {strides = array<i32>} : memref<128x16xf32, #tpu.memory_space<vmem>>, vector<16xf32>,
      tpu.vector_store %arg13[%parallel_loop3A_904, %parallel_loop3A_905], %parallel_loop3A_903 {strides = array<i32>} : memref<128x16xf32, #tpu.memory_space<vmem>>, vector<16xf32>,
      %parallel_loop3A_907 = arith.constant 14 : i32
      %parallel_loop3A_908 = vector.broadcast %parallel_loop3A_907 : i32 to vector<16x1xi32>
      %parallel_loop3A_909 = vector.shape_cast %parallel_loop3A_908 : vector<16x1xi32> to vector<16xi32>
      %parallel_loop3A_910 = tpu.dynamic_gather %parallel_loop3A_696[%parallel_loop3A_909] in [0] : vector<16xf32>, vector<16xi32> -> vector<16xf32>
      %parallel_loop3A_911 = arith.constant 16 : i32
      %parallel_loop3A_912 = arith.muli %parallel_loop3A_691, %parallel_loop3A_911 : i32
      %parallel_loop3A_913 = arith.constant 14 : i32
      %parallel_loop3A_914 = arith.addi %parallel_loop3A_912, %parallel_loop3A_913 : i32
      %parallel_loop3A_915 = arith.index_cast %parallel_loop3A_914 : i32 to index
      %parallel_loop3A_916 = arith.constant 0 : index
      %parallel_loop3A_917 = tpu.vector_load %arg13[%parallel_loop3A_915, %parallel_loop3A_916] {strides = array<i32>} : memref<128x16xf32, #tpu.memory_space<vmem>>, vector<16xf32>,
      %parallel_loop3A_918 = arith.mulf %parallel_loop3A_917, %parallel_loop3A_910 : vector<16xf32>
      %parallel_loop3A_919 = arith.index_cast %parallel_loop3A_914 : i32 to index
      %parallel_loop3A_920 = arith.constant 0 : index
      %parallel_loop3A_921 = tpu.vector_load %arg13[%parallel_loop3A_919, %parallel_loop3A_920] {strides = array<i32>} : memref<128x16xf32, #tpu.memory_space<vmem>>, vector<16xf32>,
      tpu.vector_store %arg13[%parallel_loop3A_919, %parallel_loop3A_920], %parallel_loop3A_918 {strides = array<i32>} : memref<128x16xf32, #tpu.memory_space<vmem>>, vector<16xf32>,
      %parallel_loop3A_922 = arith.constant 15 : i32
      %parallel_loop3A_923 = vector.broadcast %parallel_loop3A_922 : i32 to vector<16x1xi32>
      %parallel_loop3A_924 = vector.shape_cast %parallel_loop3A_923 : vector<16x1xi32> to vector<16xi32>
      %parallel_loop3A_925 = tpu.dynamic_gather %parallel_loop3A_696[%parallel_loop3A_924] in [0] : vector<16xf32>, vector<16xi32> -> vector<16xf32>
      %parallel_loop3A_926 = arith.constant 16 : i32
      %parallel_loop3A_927 = arith.muli %parallel_loop3A_691, %parallel_loop3A_926 : i32
      %parallel_loop3A_928 = arith.constant 15 : i32
      %parallel_loop3A_929 = arith.addi %parallel_loop3A_927, %parallel_loop3A_928 : i32
      %parallel_loop3A_930 = arith.index_cast %parallel_loop3A_929 : i32 to index
      %parallel_loop3A_931 = arith.constant 0 : index
      %parallel_loop3A_932 = tpu.vector_load %arg13[%parallel_loop3A_930, %parallel_loop3A_931] {strides = array<i32>} : memref<128x16xf32, #tpu.memory_space<vmem>>, vector<16xf32>,
      %parallel_loop3A_933 = arith.mulf %parallel_loop3A_932, %parallel_loop3A_925 : vector<16xf32>
      %parallel_loop3A_934 = arith.index_cast %parallel_loop3A_929 : i32 to index
      %parallel_loop3A_935 = arith.constant 0 : index
      %parallel_loop3A_936 = tpu.vector_load %arg13[%parallel_loop3A_934, %parallel_loop3A_935] {strides = array<i32>} : memref<128x16xf32, #tpu.memory_space<vmem>>, vector<16xf32>,
      tpu.vector_store %arg13[%parallel_loop3A_934, %parallel_loop3A_935], %parallel_loop3A_933 {strides = array<i32>} : memref<128x16xf32, #tpu.memory_space<vmem>>, vector<16xf32>,
    } {sc.loop_unroll_factor = 4 : i64, sc.parallel_access}
    %dma_start3A_397 = arith.constant 3 : i32
    %dma_start3A_398 = arith.constant 0 : i32
    %dma_start3A_399 = tpu.memref_slice %arg8[%dma_start3A_397, %dma_start3A_398] : memref<64x128xi32, #tpu.memory_space<vmem>> -> memref<1x128xi32, #tpu.memory_space<vmem>>
    %dma_start3A_400 = tpu.memref_squeeze %dma_start3A_399 : memref<1x128xi32, #tpu.memory_space<vmem>> -> memref<128xi32, #tpu.memory_space<vmem>>
    %dma_start3A_401 = arith.constant 0 : i32
    %dma_start3A_402 = arith.constant 0 : i32
    %dma_start3A_403 = tpu.memref_slice %arg17[%dma_start3A_401, %dma_start3A_402] : memref<16384x16xf32, #tpu.memory_space<vmem_shared>> -> memref<16384x16xf32, #tpu.memory_space<vmem_shared>>
    tpu.enqueue_indirect_dma source(%arg13 : memref<128x16xf32, #tpu.memory_space<vmem>>) target(%dma_start3A_403 : memref<16384x16xf32, #tpu.memory_space<vmem_shared>>) offsets(%dma_start3A_400 : memref<128xi32, #tpu.memory_space<vmem>>) semaphore(%arg25 : memref<!tpu.dma_semaphore, #tpu.memory_space<semaphore_mem>>) {add = true}
    %dma_wait3A_404 = arith.constant 0 : i32
    %dma_wait3A_405 = arith.constant 0 : i32
    %dma_wait3A_406 = tpu.memref_slice %arg8[%dma_wait3A_404, %dma_wait3A_405] : memref<64x128xi32, #tpu.memory_space<vmem>> -> memref<1x128xi32, #tpu.memory_space<vmem>>
    %dma_wait3A_407 = tpu.memref_squeeze %dma_wait3A_406 : memref<1x128xi32, #tpu.memory_space<vmem>> -> memref<128xi32, #tpu.memory_space<vmem>>
    %dma_wait3A_408 = arith.constant 0 : i32
    %dma_wait3A_409 = arith.constant 0 : i32
    %dma_wait3A_410 = tpu.memref_slice %arg17[%dma_wait3A_408, %dma_wait3A_409] : memref<16384x16xf32, #tpu.memory_space<vmem_shared>> -> memref<16384x16xf32, #tpu.memory_space<vmem_shared>>
    tpu.wait_indirect_dma semaphore(%arg24 : memref<!tpu.dma_semaphore, #tpu.memory_space<semaphore_mem>>) src(%arg12 : memref<128x16xf32, #tpu.memory_space<vmem>>) dst(%dma_wait3A_410 : memref<16384x16xf32, #tpu.memory_space<vmem_shared>>)
    %min3A_411 = arith.constant 6 : i32
    %min3A_412 = arith.constant 63 : i32
    %min3A_413 = arith.minsi %min3A_411, %min3A_412 : i32
    %dma_start3A_414 = arith.constant 0 : i32
    %dma_start3A_415 = tpu.memref_slice %arg7[%min3A_413, %dma_start3A_414] : memref<64x128xi32, #tpu.memory_space<vmem>> -> memref<1x128xi32, #tpu.memory_space<vmem>>
    %dma_start3A_416 = tpu.memref_squeeze %dma_start3A_415 : memref<1x128xi32, #tpu.memory_space<vmem>> -> memref<128xi32, #tpu.memory_space<vmem>>
    %dma_start3A_417 = arith.constant 0 : i32
    %dma_start3A_418 = arith.constant 0 : i32
    %dma_start3A_419 = tpu.memref_slice %arg16[%dma_start3A_417, %dma_start3A_418] : memref<16384x16xf32, #tpu.memory_space<vmem_shared>> -> memref<16384x16xf32, #tpu.memory_space<vmem_shared>>
    tpu.enqueue_indirect_dma source(%dma_start3A_419 : memref<16384x16xf32, #tpu.memory_space<vmem_shared>>) target(%arg12 : memref<128x16xf32, #tpu.memory_space<vmem>>) offsets(%dma_start3A_416 : memref<128xi32, #tpu.memory_space<vmem>>) semaphore(%arg20 : memref<!tpu.dma_semaphore, #tpu.memory_space<semaphore_mem>>)
    %scan3A = arith.constant 0 : i32
    %scan3A_420 = arith.constant 1 : i32
    %scan3A_421 = arith.constant 15 : i32
    %scan3A_422 = arith.addi %scan3A_420, %scan3A_421 : i32
    %scan3A_423 = arith.constant 1 : i32
    %scan3A_424 = scf.for %scan3A_691 = %scan3A_420 to %scan3A_422 step %scan3A_423 iter_args(%scan3A_692 = %scan3A) -> (i32)  : i32 {
      %mul3A_693 = arith.constant 4 : i32
      %mul3A_694 = arith.muli %scan3A_691, %mul3A_693 : i32
      %add3A_695 = arith.constant 0 : i32
      %add3A_696 = arith.addi %mul3A_694, %add3A_695 : i32
      %dma_wait3A_697 = arith.constant 0 : i32
      %dma_wait3A_698 = arith.constant 0 : i32
      %dma_wait3A_699 = tpu.memref_slice %arg7[%dma_wait3A_697, %dma_wait3A_698] : memref<64x128xi32, #tpu.memory_space<vmem>> -> memref<1x128xi32, #tpu.memory_space<vmem>>
      %dma_wait3A_700 = tpu.memref_squeeze %dma_wait3A_699 : memref<1x128xi32, #tpu.memory_space<vmem>> -> memref<128xi32, #tpu.memory_space<vmem>>
      %dma_wait3A_701 = arith.constant 0 : i32
      %dma_wait3A_702 = arith.constant 0 : i32
      %dma_wait3A_703 = tpu.memref_slice %arg16[%dma_wait3A_701, %dma_wait3A_702] : memref<16384x16xf32, #tpu.memory_space<vmem_shared>> -> memref<16384x16xf32, #tpu.memory_space<vmem_shared>>
      tpu.wait_indirect_dma semaphore(%arg18 : memref<!tpu.dma_semaphore, #tpu.memory_space<semaphore_mem>>) src(%dma_wait3A_703 : memref<16384x16xf32, #tpu.memory_space<vmem_shared>>) dst(%arg10 : memref<128x16xf32, #tpu.memory_space<vmem>>)
      %parallel_loop3A_704 = arith.constant 0 : i32
      %parallel_loop3A_705 = arith.constant 8 : i32
      %parallel_loop3A_706 = arith.constant 1 : i32
      scf.for %parallel_loop3A_844 = %parallel_loop3A_704 to %parallel_loop3A_705 step %parallel_loop3A_706  : i32 {
        %parallel_loop3A_845 = arith.constant 16 : i32
        %parallel_loop3A_846 = arith.muli %parallel_loop3A_844, %parallel_loop3A_845 : i32
        %parallel_loop3A_847 = arith.index_cast %add3A_696 : i32 to index
        %parallel_loop3A_848 = arith.index_cast %parallel_loop3A_846 : i32 to index
        %parallel_loop3A_849 = tpu.vector_load %arg9[%parallel_loop3A_847, %parallel_loop3A_848] {strides = array<i32>} : memref<64x128xf32, #tpu.memory_space<vmem>>, vector<16xf32>,
        %parallel_loop3A_850 = arith.constant 0 : i32
        %parallel_loop3A_851 = vector.broadcast %parallel_loop3A_850 : i32 to vector<16x1xi32>
        %parallel_loop3A_852 = vector.shape_cast %parallel_loop3A_851 : vector<16x1xi32> to vector<16xi32>
        %parallel_loop3A_853 = tpu.dynamic_gather %parallel_loop3A_849[%parallel_loop3A_852] in [0] : vector<16xf32>, vector<16xi32> -> vector<16xf32>
        %parallel_loop3A_854 = arith.constant 16 : i32
        %parallel_loop3A_855 = arith.muli %parallel_loop3A_844, %parallel_loop3A_854 : i32
        %parallel_loop3A_856 = arith.constant 0 : i32
        %parallel_loop3A_857 = arith.addi %parallel_loop3A_855, %parallel_loop3A_856 : i32
        %parallel_loop3A_858 = arith.index_cast %parallel_loop3A_857 : i32 to index
        %parallel_loop3A_859 = arith.constant 0 : index
        %parallel_loop3A_860 = tpu.vector_load %arg10[%parallel_loop3A_858, %parallel_loop3A_859] {strides = array<i32>} : memref<128x16xf32, #tpu.memory_space<vmem>>, vector<16xf32>,
        %parallel_loop3A_861 = arith.mulf %parallel_loop3A_860, %parallel_loop3A_853 : vector<16xf32>
        %parallel_loop3A_862 = arith.index_cast %parallel_loop3A_857 : i32 to index
        %parallel_loop3A_863 = arith.constant 0 : index
        %parallel_loop3A_864 = tpu.vector_load %arg10[%parallel_loop3A_862, %parallel_loop3A_863] {strides = array<i32>} : memref<128x16xf32, #tpu.memory_space<vmem>>, vector<16xf32>,
        tpu.vector_store %arg10[%parallel_loop3A_862, %parallel_loop3A_863], %parallel_loop3A_861 {strides = array<i32>} : memref<128x16xf32, #tpu.memory_space<vmem>>, vector<16xf32>,
        %parallel_loop3A_865 = arith.constant 1 : i32
        %parallel_loop3A_866 = vector.broadcast %parallel_loop3A_865 : i32 to vector<16x1xi32>
        %parallel_loop3A_867 = vector.shape_cast %parallel_loop3A_866 : vector<16x1xi32> to vector<16xi32>
        %parallel_loop3A_868 = tpu.dynamic_gather %parallel_loop3A_849[%parallel_loop3A_867] in [0] : vector<16xf32>, vector<16xi32> -> vector<16xf32>
        %parallel_loop3A_869 = arith.constant 16 : i32
        %parallel_loop3A_870 = arith.muli %parallel_loop3A_844, %parallel_loop3A_869 : i32
        %parallel_loop3A_871 = arith.constant 1 : i32
        %parallel_loop3A_872 = arith.addi %parallel_loop3A_870, %parallel_loop3A_871 : i32
        %parallel_loop3A_873 = arith.index_cast %parallel_loop3A_872 : i32 to index
        %parallel_loop3A_874 = arith.constant 0 : index
        %parallel_loop3A_875 = tpu.vector_load %arg10[%parallel_loop3A_873, %parallel_loop3A_874] {strides = array<i32>} : memref<128x16xf32, #tpu.memory_space<vmem>>, vector<16xf32>,
        %parallel_loop3A_876 = arith.mulf %parallel_loop3A_875, %parallel_loop3A_868 : vector<16xf32>
        %parallel_loop3A_877 = arith.index_cast %parallel_loop3A_872 : i32 to index
        %parallel_loop3A_878 = arith.constant 0 : index
        %parallel_loop3A_879 = tpu.vector_load %arg10[%parallel_loop3A_877, %parallel_loop3A_878] {strides = array<i32>} : memref<128x16xf32, #tpu.memory_space<vmem>>, vector<16xf32>,
        tpu.vector_store %arg10[%parallel_loop3A_877, %parallel_loop3A_878], %parallel_loop3A_876 {strides = array<i32>} : memref<128x16xf32, #tpu.memory_space<vmem>>, vector<16xf32>,
        %parallel_loop3A_880 = arith.constant 2 : i32
        %parallel_loop3A_881 = vector.broadcast %parallel_loop3A_880 : i32 to vector<16x1xi32>
        %parallel_loop3A_882 = vector.shape_cast %parallel_loop3A_881 : vector<16x1xi32> to vector<16xi32>
        %parallel_loop3A_883 = tpu.dynamic_gather %parallel_loop3A_849[%parallel_loop3A_882] in [0] : vector<16xf32>, vector<16xi32> -> vector<16xf32>
        %parallel_loop3A_884 = arith.constant 16 : i32
        %parallel_loop3A_885 = arith.muli %parallel_loop3A_844, %parallel_loop3A_884 : i32
        %parallel_loop3A_886 = arith.constant 2 : i32
        %parallel_loop3A_887 = arith.addi %parallel_loop3A_885, %parallel_loop3A_886 : i32
        %parallel_loop3A_888 = arith.index_cast %parallel_loop3A_887 : i32 to index
        %parallel_loop3A_889 = arith.constant 0 : index
        %parallel_loop3A_890 = tpu.vector_load %arg10[%parallel_loop3A_888, %parallel_loop3A_889] {strides = array<i32>} : memref<128x16xf32, #tpu.memory_space<vmem>>, vector<16xf32>,
        %parallel_loop3A_891 = arith.mulf %parallel_loop3A_890, %parallel_loop3A_883 : vector<16xf32>
        %parallel_loop3A_892 = arith.index_cast %parallel_loop3A_887 : i32 to index
        %parallel_loop3A_893 = arith.constant 0 : index
        %parallel_loop3A_894 = tpu.vector_load %arg10[%parallel_loop3A_892, %parallel_loop3A_893] {strides = array<i32>} : memref<128x16xf32, #tpu.memory_space<vmem>>, vector<16xf32>,
        tpu.vector_store %arg10[%parallel_loop3A_892, %parallel_loop3A_893], %parallel_loop3A_891 {strides = array<i32>} : memref<128x16xf32, #tpu.memory_space<vmem>>, vector<16xf32>,
        %parallel_loop3A_895 = arith.constant 3 : i32
        %parallel_loop3A_896 = vector.broadcast %parallel_loop3A_895 : i32 to vector<16x1xi32>
        %parallel_loop3A_897 = vector.shape_cast %parallel_loop3A_896 : vector<16x1xi32> to vector<16xi32>
        %parallel_loop3A_898 = tpu.dynamic_gather %parallel_loop3A_849[%parallel_loop3A_897] in [0] : vector<16xf32>, vector<16xi32> -> vector<16xf32>
        %parallel_loop3A_899 = arith.constant 16 : i32
        %parallel_loop3A_900 = arith.muli %parallel_loop3A_844, %parallel_loop3A_899 : i32
        %parallel_loop3A_901 = arith.constant 3 : i32
        %parallel_loop3A_902 = arith.addi %parallel_loop3A_900, %parallel_loop3A_901 : i32
        %parallel_loop3A_903 = arith.index_cast %parallel_loop3A_902 : i32 to index
        %parallel_loop3A_904 = arith.constant 0 : index
        %parallel_loop3A_905 = tpu.vector_load %arg10[%parallel_loop3A_903, %parallel_loop3A_904] {strides = array<i32>} : memref<128x16xf32, #tpu.memory_space<vmem>>, vector<16xf32>,
        %parallel_loop3A_906 = arith.mulf %parallel_loop3A_905, %parallel_loop3A_898 : vector<16xf32>
        %parallel_loop3A_907 = arith.index_cast %parallel_loop3A_902 : i32 to index
        %parallel_loop3A_908 = arith.constant 0 : index
        %parallel_loop3A_909 = tpu.vector_load %arg10[%parallel_loop3A_907, %parallel_loop3A_908] {strides = array<i32>} : memref<128x16xf32, #tpu.memory_space<vmem>>, vector<16xf32>,
        tpu.vector_store %arg10[%parallel_loop3A_907, %parallel_loop3A_908], %parallel_loop3A_906 {strides = array<i32>} : memref<128x16xf32, #tpu.memory_space<vmem>>, vector<16xf32>,
        %parallel_loop3A_910 = arith.constant 4 : i32
        %parallel_loop3A_911 = vector.broadcast %parallel_loop3A_910 : i32 to vector<16x1xi32>
        %parallel_loop3A_912 = vector.shape_cast %parallel_loop3A_911 : vector<16x1xi32> to vector<16xi32>
        %parallel_loop3A_913 = tpu.dynamic_gather %parallel_loop3A_849[%parallel_loop3A_912] in [0] : vector<16xf32>, vector<16xi32> -> vector<16xf32>
        %parallel_loop3A_914 = arith.constant 16 : i32
        %parallel_loop3A_915 = arith.muli %parallel_loop3A_844, %parallel_loop3A_914 : i32
        %parallel_loop3A_916 = arith.constant 4 : i32
        %parallel_loop3A_917 = arith.addi %parallel_loop3A_915, %parallel_loop3A_916 : i32
        %parallel_loop3A_918 = arith.index_cast %parallel_loop3A_917 : i32 to index
        %parallel_loop3A_919 = arith.constant 0 : index
        %parallel_loop3A_920 = tpu.vector_load %arg10[%parallel_loop3A_918, %parallel_loop3A_919] {strides = array<i32>} : memref<128x16xf32, #tpu.memory_space<vmem>>, vector<16xf32>,
        %parallel_loop3A_921 = arith.mulf %parallel_loop3A_920, %parallel_loop3A_913 : vector<16xf32>
        %parallel_loop3A_922 = arith.index_cast %parallel_loop3A_917 : i32 to index
        %parallel_loop3A_923 = arith.constant 0 : index
        %parallel_loop3A_924 = tpu.vector_load %arg10[%parallel_loop3A_922, %parallel_loop3A_923] {strides = array<i32>} : memref<128x16xf32, #tpu.memory_space<vmem>>, vector<16xf32>,
        tpu.vector_store %arg10[%parallel_loop3A_922, %parallel_loop3A_923], %parallel_loop3A_921 {strides = array<i32>} : memref<128x16xf32, #tpu.memory_space<vmem>>, vector<16xf32>,
        %parallel_loop3A_925 = arith.constant 5 : i32
        %parallel_loop3A_926 = vector.broadcast %parallel_loop3A_925 : i32 to vector<16x1xi32>
        %parallel_loop3A_927 = vector.shape_cast %parallel_loop3A_926 : vector<16x1xi32> to vector<16xi32>
        %parallel_loop3A_928 = tpu.dynamic_gather %parallel_loop3A_849[%parallel_loop3A_927] in [0] : vector<16xf32>, vector<16xi32> -> vector<16xf32>
        %parallel_loop3A_929 = arith.constant 16 : i32
        %parallel_loop3A_930 = arith.muli %parallel_loop3A_844, %parallel_loop3A_929 : i32
        %parallel_loop3A_931 = arith.constant 5 : i32
        %parallel_loop3A_932 = arith.addi %parallel_loop3A_930, %parallel_loop3A_931 : i32
        %parallel_loop3A_933 = arith.index_cast %parallel_loop3A_932 : i32 to index
        %parallel_loop3A_934 = arith.constant 0 : index
        %parallel_loop3A_935 = tpu.vector_load %arg10[%parallel_loop3A_933, %parallel_loop3A_934] {strides = array<i32>} : memref<128x16xf32, #tpu.memory_space<vmem>>, vector<16xf32>,
        %parallel_loop3A_936 = arith.mulf %parallel_loop3A_935, %parallel_loop3A_928 : vector<16xf32>
        %parallel_loop3A_937 = arith.index_cast %parallel_loop3A_932 : i32 to index
        %parallel_loop3A_938 = arith.constant 0 : index
        %parallel_loop3A_939 = tpu.vector_load %arg10[%parallel_loop3A_937, %parallel_loop3A_938] {strides = array<i32>} : memref<128x16xf32, #tpu.memory_space<vmem>>, vector<16xf32>,
        tpu.vector_store %arg10[%parallel_loop3A_937, %parallel_loop3A_938], %parallel_loop3A_936 {strides = array<i32>} : memref<128x16xf32, #tpu.memory_space<vmem>>, vector<16xf32>,
        %parallel_loop3A_940 = arith.constant 6 : i32
        %parallel_loop3A_941 = vector.broadcast %parallel_loop3A_940 : i32 to vector<16x1xi32>
        %parallel_loop3A_942 = vector.shape_cast %parallel_loop3A_941 : vector<16x1xi32> to vector<16xi32>
        %parallel_loop3A_943 = tpu.dynamic_gather %parallel_loop3A_849[%parallel_loop3A_942] in [0] : vector<16xf32>, vector<16xi32> -> vector<16xf32>
        %parallel_loop3A_944 = arith.constant 16 : i32
        %parallel_loop3A_945 = arith.muli %parallel_loop3A_844, %parallel_loop3A_944 : i32
        %parallel_loop3A_946 = arith.constant 6 : i32
        %parallel_loop3A_947 = arith.addi %parallel_loop3A_945, %parallel_loop3A_946 : i32
        %parallel_loop3A_948 = arith.index_cast %parallel_loop3A_947 : i32 to index
        %parallel_loop3A_949 = arith.constant 0 : index
        %parallel_loop3A_950 = tpu.vector_load %arg10[%parallel_loop3A_948, %parallel_loop3A_949] {strides = array<i32>} : memref<128x16xf32, #tpu.memory_space<vmem>>, vector<16xf32>,
        %parallel_loop3A_951 = arith.mulf %parallel_loop3A_950, %parallel_loop3A_943 : vector<16xf32>
        %parallel_loop3A_952 = arith.index_cast %parallel_loop3A_947 : i32 to index
        %parallel_loop3A_953 = arith.constant 0 : index
        %parallel_loop3A_954 = tpu.vector_load %arg10[%parallel_loop3A_952, %parallel_loop3A_953] {strides = array<i32>} : memref<128x16xf32, #tpu.memory_space<vmem>>, vector<16xf32>,
        tpu.vector_store %arg10[%parallel_loop3A_952, %parallel_loop3A_953], %parallel_loop3A_951 {strides = array<i32>} : memref<128x16xf32, #tpu.memory_space<vmem>>, vector<16xf32>,
        %parallel_loop3A_955 = arith.constant 7 : i32
        %parallel_loop3A_956 = vector.broadcast %parallel_loop3A_955 : i32 to vector<16x1xi32>
        %parallel_loop3A_957 = vector.shape_cast %parallel_loop3A_956 : vector<16x1xi32> to vector<16xi32>
        %parallel_loop3A_958 = tpu.dynamic_gather %parallel_loop3A_849[%parallel_loop3A_957] in [0] : vector<16xf32>, vector<16xi32> -> vector<16xf32>
        %parallel_loop3A_959 = arith.constant 16 : i32
        %parallel_loop3A_960 = arith.muli %parallel_loop3A_844, %parallel_loop3A_959 : i32
        %parallel_loop3A_961 = arith.constant 7 : i32
        %parallel_loop3A_962 = arith.addi %parallel_loop3A_960, %parallel_loop3A_961 : i32
        %parallel_loop3A_963 = arith.index_cast %parallel_loop3A_962 : i32 to index
        %parallel_loop3A_964 = arith.constant 0 : index
        %parallel_loop3A_965 = tpu.vector_load %arg10[%parallel_loop3A_963, %parallel_loop3A_964] {strides = array<i32>} : memref<128x16xf32, #tpu.memory_space<vmem>>, vector<16xf32>,
        %parallel_loop3A_966 = arith.mulf %parallel_loop3A_965, %parallel_loop3A_958 : vector<16xf32>
        %parallel_loop3A_967 = arith.index_cast %parallel_loop3A_962 : i32 to index
        %parallel_loop3A_968 = arith.constant 0 : index
        %parallel_loop3A_969 = tpu.vector_load %arg10[%parallel_loop3A_967, %parallel_loop3A_968] {strides = array<i32>} : memref<128x16xf32, #tpu.memory_space<vmem>>, vector<16xf32>,
        tpu.vector_store %arg10[%parallel_loop3A_967, %parallel_loop3A_968], %parallel_loop3A_966 {strides = array<i32>} : memref<128x16xf32, #tpu.memory_space<vmem>>, vector<16xf32>,
        %parallel_loop3A_970 = arith.constant 8 : i32
        %parallel_loop3A_971 = vector.broadcast %parallel_loop3A_970 : i32 to vector<16x1xi32>
        %parallel_loop3A_972 = vector.shape_cast %parallel_loop3A_971 : vector<16x1xi32> to vector<16xi32>
        %parallel_loop3A_973 = tpu.dynamic_gather %parallel_loop3A_849[%parallel_loop3A_972] in [0] : vector<16xf32>, vector<16xi32> -> vector<16xf32>
        %parallel_loop3A_974 = arith.constant 16 : i32
        %parallel_loop3A_975 = arith.muli %parallel_loop3A_844, %parallel_loop3A_974 : i32
        %parallel_loop3A_976 = arith.constant 8 : i32
        %parallel_loop3A_977 = arith.addi %parallel_loop3A_975, %parallel_loop3A_976 : i32
        %parallel_loop3A_978 = arith.index_cast %parallel_loop3A_977 : i32 to index
        %parallel_loop3A_979 = arith.constant 0 : index
        %parallel_loop3A_980 = tpu.vector_load %arg10[%parallel_loop3A_978, %parallel_loop3A_979] {strides = array<i32>} : memref<128x16xf32, #tpu.memory_space<vmem>>, vector<16xf32>,
        %parallel_loop3A_981 = arith.mulf %parallel_loop3A_980, %parallel_loop3A_973 : vector<16xf32>
        %parallel_loop3A_982 = arith.index_cast %parallel_loop3A_977 : i32 to index
        %parallel_loop3A_983 = arith.constant 0 : index
        %parallel_loop3A_984 = tpu.vector_load %arg10[%parallel_loop3A_982, %parallel_loop3A_983] {strides = array<i32>} : memref<128x16xf32, #tpu.memory_space<vmem>>, vector<16xf32>,
        tpu.vector_store %arg10[%parallel_loop3A_982, %parallel_loop3A_983], %parallel_loop3A_981 {strides = array<i32>} : memref<128x16xf32, #tpu.memory_space<vmem>>, vector<16xf32>,
        %parallel_loop3A_985 = arith.constant 9 : i32
        %parallel_loop3A_986 = vector.broadcast %parallel_loop3A_985 : i32 to vector<16x1xi32>
        %parallel_loop3A_987 = vector.shape_cast %parallel_loop3A_986 : vector<16x1xi32> to vector<16xi32>
        %parallel_loop3A_988 = tpu.dynamic_gather %parallel_loop3A_849[%parallel_loop3A_987] in [0] : vector<16xf32>, vector<16xi32> -> vector<16xf32>
        %parallel_loop3A_989 = arith.constant 16 : i32
        %parallel_loop3A_990 = arith.muli %parallel_loop3A_844, %parallel_loop3A_989 : i32
        %parallel_loop3A_991 = arith.constant 9 : i32
        %parallel_loop3A_992 = arith.addi %parallel_loop3A_990, %parallel_loop3A_991 : i32
        %parallel_loop3A_993 = arith.index_cast %parallel_loop3A_992 : i32 to index
        %parallel_loop3A_994 = arith.constant 0 : index
        %parallel_loop3A_995 = tpu.vector_load %arg10[%parallel_loop3A_993, %parallel_loop3A_994] {strides = array<i32>} : memref<128x16xf32, #tpu.memory_space<vmem>>, vector<16xf32>,
        %parallel_loop3A_996 = arith.mulf %parallel_loop3A_995, %parallel_loop3A_988 : vector<16xf32>
        %parallel_loop3A_997 = arith.index_cast %parallel_loop3A_992 : i32 to index
        %parallel_loop3A_998 = arith.constant 0 : index
        %parallel_loop3A_999 = tpu.vector_load %arg10[%parallel_loop3A_997, %parallel_loop3A_998] {strides = array<i32>} : memref<128x16xf32, #tpu.memory_space<vmem>>, vector<16xf32>,
        tpu.vector_store %arg10[%parallel_loop3A_997, %parallel_loop3A_998], %parallel_loop3A_996 {strides = array<i32>} : memref<128x16xf32, #tpu.memory_space<vmem>>, vector<16xf32>,
        %parallel_loop3A_1000 = arith.constant 10 : i32
        %parallel_loop3A_1001 = vector.broadcast %parallel_loop3A_1000 : i32 to vector<16x1xi32>
        %parallel_loop3A_1002 = vector.shape_cast %parallel_loop3A_1001 : vector<16x1xi32> to vector<16xi32>
        %parallel_loop3A_1003 = tpu.dynamic_gather %parallel_loop3A_849[%parallel_loop3A_1002] in [0] : vector<16xf32>, vector<16xi32> -> vector<16xf32>
        %parallel_loop3A_1004 = arith.constant 16 : i32
        %parallel_loop3A_1005 = arith.muli %parallel_loop3A_844, %parallel_loop3A_1004 : i32
        %parallel_loop3A_1006 = arith.constant 10 : i32
        %parallel_loop3A_1007 = arith.addi %parallel_loop3A_1005, %parallel_loop3A_1006 : i32
        %parallel_loop3A_1008 = arith.index_cast %parallel_loop3A_1007 : i32 to index
        %parallel_loop3A_1009 = arith.constant 0 : index
        %parallel_loop3A_1010 = tpu.vector_load %arg10[%parallel_loop3A_1008, %parallel_loop3A_1009] {strides = array<i32>} : memref<128x16xf32, #tpu.memory_space<vmem>>, vector<16xf32>,
        %parallel_loop3A_1011 = arith.mulf %parallel_loop3A_1010, %parallel_loop3A_1003 : vector<16xf32>
        %parallel_loop3A_1012 = arith.index_cast %parallel_loop3A_1007 : i32 to index
        %parallel_loop3A_1013 = arith.constant 0 : index
        %parallel_loop3A_1014 = tpu.vector_load %arg10[%parallel_loop3A_1012, %parallel_loop3A_1013] {strides = array<i32>} : memref<128x16xf32, #tpu.memory_space<vmem>>, vector<16xf32>,
        tpu.vector_store %arg10[%parallel_loop3A_1012, %parallel_loop3A_1013], %parallel_loop3A_1011 {strides = array<i32>} : memref<128x16xf32, #tpu.memory_space<vmem>>, vector<16xf32>,
        %parallel_loop3A_1015 = arith.constant 11 : i32
        %parallel_loop3A_1016 = vector.broadcast %parallel_loop3A_1015 : i32 to vector<16x1xi32>
        %parallel_loop3A_1017 = vector.shape_cast %parallel_loop3A_1016 : vector<16x1xi32> to vector<16xi32>
        %parallel_loop3A_1018 = tpu.dynamic_gather %parallel_loop3A_849[%parallel_loop3A_1017] in [0] : vector<16xf32>, vector<16xi32> -> vector<16xf32>
        %parallel_loop3A_1019 = arith.constant 16 : i32
        %parallel_loop3A_1020 = arith.muli %parallel_loop3A_844, %parallel_loop3A_1019 : i32
        %parallel_loop3A_1021 = arith.constant 11 : i32
        %parallel_loop3A_1022 = arith.addi %parallel_loop3A_1020, %parallel_loop3A_1021 : i32
        %parallel_loop3A_1023 = arith.index_cast %parallel_loop3A_1022 : i32 to index
        %parallel_loop3A_1024 = arith.constant 0 : index
        %parallel_loop3A_1025 = tpu.vector_load %arg10[%parallel_loop3A_1023, %parallel_loop3A_1024] {strides = array<i32>} : memref<128x16xf32, #tpu.memory_space<vmem>>, vector<16xf32>,
        %parallel_loop3A_1026 = arith.mulf %parallel_loop3A_1025, %parallel_loop3A_1018 : vector<16xf32>
        %parallel_loop3A_1027 = arith.index_cast %parallel_loop3A_1022 : i32 to index
        %parallel_loop3A_1028 = arith.constant 0 : index
        %parallel_loop3A_1029 = tpu.vector_load %arg10[%parallel_loop3A_1027, %parallel_loop3A_1028] {strides = array<i32>} : memref<128x16xf32, #tpu.memory_space<vmem>>, vector<16xf32>,
        tpu.vector_store %arg10[%parallel_loop3A_1027, %parallel_loop3A_1028], %parallel_loop3A_1026 {strides = array<i32>} : memref<128x16xf32, #tpu.memory_space<vmem>>, vector<16xf32>,
        %parallel_loop3A_1030 = arith.constant 12 : i32
        %parallel_loop3A_1031 = vector.broadcast %parallel_loop3A_1030 : i32 to vector<16x1xi32>
        %parallel_loop3A_1032 = vector.shape_cast %parallel_loop3A_1031 : vector<16x1xi32> to vector<16xi32>
        %parallel_loop3A_1033 = tpu.dynamic_gather %parallel_loop3A_849[%parallel_loop3A_1032] in [0] : vector<16xf32>, vector<16xi32> -> vector<16xf32>
        %parallel_loop3A_1034 = arith.constant 16 : i32
        %parallel_loop3A_1035 = arith.muli %parallel_loop3A_844, %parallel_loop3A_1034 : i32
        %parallel_loop3A_1036 = arith.constant 12 : i32
        %parallel_loop3A_1037 = arith.addi %parallel_loop3A_1035, %parallel_loop3A_1036 : i32
        %parallel_loop3A_1038 = arith.index_cast %parallel_loop3A_1037 : i32 to index
        %parallel_loop3A_1039 = arith.constant 0 : index
        %parallel_loop3A_1040 = tpu.vector_load %arg10[%parallel_loop3A_1038, %parallel_loop3A_1039] {strides = array<i32>} : memref<128x16xf32, #tpu.memory_space<vmem>>, vector<16xf32>,
        %parallel_loop3A_1041 = arith.mulf %parallel_loop3A_1040, %parallel_loop3A_1033 : vector<16xf32>
        %parallel_loop3A_1042 = arith.index_cast %parallel_loop3A_1037 : i32 to index
        %parallel_loop3A_1043 = arith.constant 0 : index
        %parallel_loop3A_1044 = tpu.vector_load %arg10[%parallel_loop3A_1042, %parallel_loop3A_1043] {strides = array<i32>} : memref<128x16xf32, #tpu.memory_space<vmem>>, vector<16xf32>,
        tpu.vector_store %arg10[%parallel_loop3A_1042, %parallel_loop3A_1043], %parallel_loop3A_1041 {strides = array<i32>} : memref<128x16xf32, #tpu.memory_space<vmem>>, vector<16xf32>,
        %parallel_loop3A_1045 = arith.constant 13 : i32
        %parallel_loop3A_1046 = vector.broadcast %parallel_loop3A_1045 : i32 to vector<16x1xi32>
        %parallel_loop3A_1047 = vector.shape_cast %parallel_loop3A_1046 : vector<16x1xi32> to vector<16xi32>
        %parallel_loop3A_1048 = tpu.dynamic_gather %parallel_loop3A_849[%parallel_loop3A_1047] in [0] : vector<16xf32>, vector<16xi32> -> vector<16xf32>
        %parallel_loop3A_1049 = arith.constant 16 : i32
        %parallel_loop3A_1050 = arith.muli %parallel_loop3A_844, %parallel_loop3A_1049 : i32
        %parallel_loop3A_1051 = arith.constant 13 : i32
        %parallel_loop3A_1052 = arith.addi %parallel_loop3A_1050, %parallel_loop3A_1051 : i32
        %parallel_loop3A_1053 = arith.index_cast %parallel_loop3A_1052 : i32 to index
        %parallel_loop3A_1054 = arith.constant 0 : index
        %parallel_loop3A_1055 = tpu.vector_load %arg10[%parallel_loop3A_1053, %parallel_loop3A_1054] {strides = array<i32>} : memref<128x16xf32, #tpu.memory_space<vmem>>, vector<16xf32>,
        %parallel_loop3A_1056 = arith.mulf %parallel_loop3A_1055, %parallel_loop3A_1048 : vector<16xf32>
        %parallel_loop3A_1057 = arith.index_cast %parallel_loop3A_1052 : i32 to index
        %parallel_loop3A_1058 = arith.constant 0 : index
        %parallel_loop3A_1059 = tpu.vector_load %arg10[%parallel_loop3A_1057, %parallel_loop3A_1058] {strides = array<i32>} : memref<128x16xf32, #tpu.memory_space<vmem>>, vector<16xf32>,
        tpu.vector_store %arg10[%parallel_loop3A_1057, %parallel_loop3A_1058], %parallel_loop3A_1056 {strides = array<i32>} : memref<128x16xf32, #tpu.memory_space<vmem>>, vector<16xf32>,
        %parallel_loop3A_1060 = arith.constant 14 : i32
        %parallel_loop3A_1061 = vector.broadcast %parallel_loop3A_1060 : i32 to vector<16x1xi32>
        %parallel_loop3A_1062 = vector.shape_cast %parallel_loop3A_1061 : vector<16x1xi32> to vector<16xi32>
        %parallel_loop3A_1063 = tpu.dynamic_gather %parallel_loop3A_849[%parallel_loop3A_1062] in [0] : vector<16xf32>, vector<16xi32> -> vector<16xf32>
        %parallel_loop3A_1064 = arith.constant 16 : i32
        %parallel_loop3A_1065 = arith.muli %parallel_loop3A_844, %parallel_loop3A_1064 : i32
        %parallel_loop3A_1066 = arith.constant 14 : i32
        %parallel_loop3A_1067 = arith.addi %parallel_loop3A_1065, %parallel_loop3A_1066 : i32
        %parallel_loop3A_1068 = arith.index_cast %parallel_loop3A_1067 : i32 to index
        %parallel_loop3A_1069 = arith.constant 0 : index
        %parallel_loop3A_1070 = tpu.vector_load %arg10[%parallel_loop3A_1068, %parallel_loop3A_1069] {strides = array<i32>} : memref<128x16xf32, #tpu.memory_space<vmem>>, vector<16xf32>,
        %parallel_loop3A_1071 = arith.mulf %parallel_loop3A_1070, %parallel_loop3A_1063 : vector<16xf32>
        %parallel_loop3A_1072 = arith.index_cast %parallel_loop3A_1067 : i32 to index
        %parallel_loop3A_1073 = arith.constant 0 : index
        %parallel_loop3A_1074 = tpu.vector_load %arg10[%parallel_loop3A_1072, %parallel_loop3A_1073] {strides = array<i32>} : memref<128x16xf32, #tpu.memory_space<vmem>>, vector<16xf32>,
        tpu.vector_store %arg10[%parallel_loop3A_1072, %parallel_loop3A_1073], %parallel_loop3A_1071 {strides = array<i32>} : memref<128x16xf32, #tpu.memory_space<vmem>>, vector<16xf32>,
        %parallel_loop3A_1075 = arith.constant 15 : i32
        %parallel_loop3A_1076 = vector.broadcast %parallel_loop3A_1075 : i32 to vector<16x1xi32>
        %parallel_loop3A_1077 = vector.shape_cast %parallel_loop3A_1076 : vector<16x1xi32> to vector<16xi32>
        %parallel_loop3A_1078 = tpu.dynamic_gather %parallel_loop3A_849[%parallel_loop3A_1077] in [0] : vector<16xf32>, vector<16xi32> -> vector<16xf32>
        %parallel_loop3A_1079 = arith.constant 16 : i32
        %parallel_loop3A_1080 = arith.muli %parallel_loop3A_844, %parallel_loop3A_1079 : i32
        %parallel_loop3A_1081 = arith.constant 15 : i32
        %parallel_loop3A_1082 = arith.addi %parallel_loop3A_1080, %parallel_loop3A_1081 : i32
        %parallel_loop3A_1083 = arith.index_cast %parallel_loop3A_1082 : i32 to index
        %parallel_loop3A_1084 = arith.constant 0 : index
        %parallel_loop3A_1085 = tpu.vector_load %arg10[%parallel_loop3A_1083, %parallel_loop3A_1084] {strides = array<i32>} : memref<128x16xf32, #tpu.memory_space<vmem>>, vector<16xf32>,
        %parallel_loop3A_1086 = arith.mulf %parallel_loop3A_1085, %parallel_loop3A_1078 : vector<16xf32>
        %parallel_loop3A_1087 = arith.index_cast %parallel_loop3A_1082 : i32 to index
        %parallel_loop3A_1088 = arith.constant 0 : index
        %parallel_loop3A_1089 = tpu.vector_load %arg10[%parallel_loop3A_1087, %parallel_loop3A_1088] {strides = array<i32>} : memref<128x16xf32, #tpu.memory_space<vmem>>, vector<16xf32>,
        tpu.vector_store %arg10[%parallel_loop3A_1087, %parallel_loop3A_1088], %parallel_loop3A_1086 {strides = array<i32>} : memref<128x16xf32, #tpu.memory_space<vmem>>, vector<16xf32>,
      } {sc.loop_unroll_factor = 4 : i64, sc.parallel_access}
      %dma_start3A_707 = arith.constant 0 : i32
      %dma_start3A_708 = tpu.memref_slice %arg8[%add3A_696, %dma_start3A_707] : memref<64x128xi32, #tpu.memory_space<vmem>> -> memref<1x128xi32, #tpu.memory_space<vmem>>
      %dma_start3A_709 = tpu.memref_squeeze %dma_start3A_708 : memref<1x128xi32, #tpu.memory_space<vmem>> -> memref<128xi32, #tpu.memory_space<vmem>>
      %dma_start3A_710 = arith.constant 0 : i32
      %dma_start3A_711 = arith.constant 0 : i32
      %dma_start3A_712 = tpu.memref_slice %arg17[%dma_start3A_710, %dma_start3A_711] : memref<16384x16xf32, #tpu.memory_space<vmem_shared>> -> memref<16384x16xf32, #tpu.memory_space<vmem_shared>>
      tpu.enqueue_indirect_dma source(%arg10 : memref<128x16xf32, #tpu.memory_space<vmem>>) target(%dma_start3A_712 : memref<16384x16xf32, #tpu.memory_space<vmem_shared>>) offsets(%dma_start3A_709 : memref<128xi32, #tpu.memory_space<vmem>>) semaphore(%arg22 : memref<!tpu.dma_semaphore, #tpu.memory_space<semaphore_mem>>) {add = true}
      %dma_wait3A_713 = arith.constant 0 : i32
      %dma_wait3A_714 = arith.constant 0 : i32
      %dma_wait3A_715 = tpu.memref_slice %arg8[%dma_wait3A_713, %dma_wait3A_714] : memref<64x128xi32, #tpu.memory_space<vmem>> -> memref<1x128xi32, #tpu.memory_space<vmem>>
      %dma_wait3A_716 = tpu.memref_squeeze %dma_wait3A_715 : memref<1x128xi32, #tpu.memory_space<vmem>> -> memref<128xi32, #tpu.memory_space<vmem>>
      %dma_wait3A_717 = arith.constant 0 : i32
      %dma_wait3A_718 = arith.constant 0 : i32
      %dma_wait3A_719 = tpu.memref_slice %arg17[%dma_wait3A_717, %dma_wait3A_718] : memref<16384x16xf32, #tpu.memory_space<vmem_shared>> -> memref<16384x16xf32, #tpu.memory_space<vmem_shared>>
      tpu.wait_indirect_dma semaphore(%arg25 : memref<!tpu.dma_semaphore, #tpu.memory_space<semaphore_mem>>) src(%arg13 : memref<128x16xf32, #tpu.memory_space<vmem>>) dst(%dma_wait3A_719 : memref<16384x16xf32, #tpu.memory_space<vmem_shared>>)
      %add3A_720 = arith.constant 0 : i32
      %add3A_721 = arith.addi %mul3A_694, %add3A_720 : i32
      %add3A_722 = arith.constant 3 : i32
      %add3A_723 = arith.addi %add3A_721, %add3A_722 : i32
      %min3A_724 = arith.constant 63 : i32
      %min3A_725 = arith.minsi %add3A_723, %min3A_724 : i32
      %dma_start3A_726 = arith.constant 0 : i32
      %dma_start3A_727 = tpu.memref_slice %arg7[%min3A_725, %dma_start3A_726] : memref<64x128xi32, #tpu.memory_space<vmem>> -> memref<1x128xi32, #tpu.memory_space<vmem>>
      %dma_start3A_728 = tpu.memref_squeeze %dma_start3A_727 : memref<1x128xi32, #tpu.memory_space<vmem>> -> memref<128xi32, #tpu.memory_space<vmem>>
      %dma_start3A_729 = arith.constant 0 : i32
      %dma_start3A_730 = arith.constant 0 : i32
      %dma_start3A_731 = tpu.memref_slice %arg16[%dma_start3A_729, %dma_start3A_730] : memref<16384x16xf32, #tpu.memory_space<vmem_shared>> -> memref<16384x16xf32, #tpu.memory_space<vmem_shared>>
      tpu.enqueue_indirect_dma source(%dma_start3A_731 : memref<16384x16xf32, #tpu.memory_space<vmem_shared>>) target(%arg13 : memref<128x16xf32, #tpu.memory_space<vmem>>) offsets(%dma_start3A_728 : memref<128xi32, #tpu.memory_space<vmem>>) semaphore(%arg21 : memref<!tpu.dma_semaphore, #tpu.memory_space<semaphore_mem>>)
      %add3A_732 = arith.constant 1 : i32
      %add3A_733 = arith.addi %mul3A_694, %add3A_732 : i32
      %dma_wait3A_734 = arith.constant 0 : i32
      %dma_wait3A_735 = arith.constant 0 : i32
      %dma_wait3A_736 = tpu.memref_slice %arg7[%dma_wait3A_734, %dma_wait3A_735] : memref<64x128xi32, #tpu.memory_space<vmem>> -> memref<1x128xi32, #tpu.memory_space<vmem>>
      %dma_wait3A_737 = tpu.memref_squeeze %dma_wait3A_736 : memref<1x128xi32, #tpu.memory_space<vmem>> -> memref<128xi32, #tpu.memory_space<vmem>>
      %dma_wait3A_738 = arith.constant 0 : i32
      %dma_wait3A_739 = arith.constant 0 : i32
      %dma_wait3A_740 = tpu.memref_slice %arg16[%dma_wait3A_738, %dma_wait3A_739] : memref<16384x16xf32, #tpu.memory_space<vmem_shared>> -> memref<16384x16xf32, #tpu.memory_space<vmem_shared>>
      tpu.wait_indirect_dma semaphore(%arg19 : memref<!tpu.dma_semaphore, #tpu.memory_space<semaphore_mem>>) src(%dma_wait3A_740 : memref<16384x16xf32, #tpu.memory_space<vmem_shared>>) dst(%arg11 : memref<128x16xf32, #tpu.memory_space<vmem>>)
      %parallel_loop3A_741 = arith.constant 0 : i32
      %parallel_loop3A_742 = arith.constant 8 : i32
      %parallel_loop3A_743 = arith.constant 1 : i32
      scf.for %parallel_loop3A_844 = %parallel_loop3A_741 to %parallel_loop3A_742 step %parallel_loop3A_743  : i32 {
        %parallel_loop3A_845 = arith.constant 16 : i32
        %parallel_loop3A_846 = arith.muli %parallel_loop3A_844, %parallel_loop3A_845 : i32
        %parallel_loop3A_847 = arith.index_cast %add3A_733 : i32 to index
        %parallel_loop3A_848 = arith.index_cast %parallel_loop3A_846 : i32 to index
        %parallel_loop3A_849 = tpu.vector_load %arg9[%parallel_loop3A_847, %parallel_loop3A_848] {strides = array<i32>} : memref<64x128xf32, #tpu.memory_space<vmem>>, vector<16xf32>,
        %parallel_loop3A_850 = arith.constant 0 : i32
        %parallel_loop3A_851 = vector.broadcast %parallel_loop3A_850 : i32 to vector<16x1xi32>
        %parallel_loop3A_852 = vector.shape_cast %parallel_loop3A_851 : vector<16x1xi32> to vector<16xi32>
        %parallel_loop3A_853 = tpu.dynamic_gather %parallel_loop3A_849[%parallel_loop3A_852] in [0] : vector<16xf32>, vector<16xi32> -> vector<16xf32>
        %parallel_loop3A_854 = arith.constant 16 : i32
        %parallel_loop3A_855 = arith.muli %parallel_loop3A_844, %parallel_loop3A_854 : i32
        %parallel_loop3A_856 = arith.constant 0 : i32
        %parallel_loop3A_857 = arith.addi %parallel_loop3A_855, %parallel_loop3A_856 : i32
        %parallel_loop3A_858 = arith.index_cast %parallel_loop3A_857 : i32 to index
        %parallel_loop3A_859 = arith.constant 0 : index
        %parallel_loop3A_860 = tpu.vector_load %arg11[%parallel_loop3A_858, %parallel_loop3A_859] {strides = array<i32>} : memref<128x16xf32, #tpu.memory_space<vmem>>, vector<16xf32>,
        %parallel_loop3A_861 = arith.mulf %parallel_loop3A_860, %parallel_loop3A_853 : vector<16xf32>
        %parallel_loop3A_862 = arith.index_cast %parallel_loop3A_857 : i32 to index
        %parallel_loop3A_863 = arith.constant 0 : index
        %parallel_loop3A_864 = tpu.vector_load %arg11[%parallel_loop3A_862, %parallel_loop3A_863] {strides = array<i32>} : memref<128x16xf32, #tpu.memory_space<vmem>>, vector<16xf32>,
        tpu.vector_store %arg11[%parallel_loop3A_862, %parallel_loop3A_863], %parallel_loop3A_861 {strides = array<i32>} : memref<128x16xf32, #tpu.memory_space<vmem>>, vector<16xf32>,
        %parallel_loop3A_865 = arith.constant 1 : i32
        %parallel_loop3A_866 = vector.broadcast %parallel_loop3A_865 : i32 to vector<16x1xi32>
        %parallel_loop3A_867 = vector.shape_cast %parallel_loop3A_866 : vector<16x1xi32> to vector<16xi32>
        %parallel_loop3A_868 = tpu.dynamic_gather %parallel_loop3A_849[%parallel_loop3A_867] in [0] : vector<16xf32>, vector<16xi32> -> vector<16xf32>
        %parallel_loop3A_869 = arith.constant 16 : i32
        %parallel_loop3A_870 = arith.muli %parallel_loop3A_844, %parallel_loop3A_869 : i32
        %parallel_loop3A_871 = arith.constant 1 : i32
        %parallel_loop3A_872 = arith.addi %parallel_loop3A_870, %parallel_loop3A_871 : i32
        %parallel_loop3A_873 = arith.index_cast %parallel_loop3A_872 : i32 to index
        %parallel_loop3A_874 = arith.constant 0 : index
        %parallel_loop3A_875 = tpu.vector_load %arg11[%parallel_loop3A_873, %parallel_loop3A_874] {strides = array<i32>} : memref<128x16xf32, #tpu.memory_space<vmem>>, vector<16xf32>,
        %parallel_loop3A_876 = arith.mulf %parallel_loop3A_875, %parallel_loop3A_868 : vector<16xf32>
        %parallel_loop3A_877 = arith.index_cast %parallel_loop3A_872 : i32 to index
        %parallel_loop3A_878 = arith.constant 0 : index
        %parallel_loop3A_879 = tpu.vector_load %arg11[%parallel_loop3A_877, %parallel_loop3A_878] {strides = array<i32>} : memref<128x16xf32, #tpu.memory_space<vmem>>, vector<16xf32>,
        tpu.vector_store %arg11[%parallel_loop3A_877, %parallel_loop3A_878], %parallel_loop3A_876 {strides = array<i32>} : memref<128x16xf32, #tpu.memory_space<vmem>>, vector<16xf32>,
        %parallel_loop3A_880 = arith.constant 2 : i32
        %parallel_loop3A_881 = vector.broadcast %parallel_loop3A_880 : i32 to vector<16x1xi32>
        %parallel_loop3A_882 = vector.shape_cast %parallel_loop3A_881 : vector<16x1xi32> to vector<16xi32>
        %parallel_loop3A_883 = tpu.dynamic_gather %parallel_loop3A_849[%parallel_loop3A_882] in [0] : vector<16xf32>, vector<16xi32> -> vector<16xf32>
        %parallel_loop3A_884 = arith.constant 16 : i32
        %parallel_loop3A_885 = arith.muli %parallel_loop3A_844, %parallel_loop3A_884 : i32
        %parallel_loop3A_886 = arith.constant 2 : i32
        %parallel_loop3A_887 = arith.addi %parallel_loop3A_885, %parallel_loop3A_886 : i32
        %parallel_loop3A_888 = arith.index_cast %parallel_loop3A_887 : i32 to index
        %parallel_loop3A_889 = arith.constant 0 : index
        %parallel_loop3A_890 = tpu.vector_load %arg11[%parallel_loop3A_888, %parallel_loop3A_889] {strides = array<i32>} : memref<128x16xf32, #tpu.memory_space<vmem>>, vector<16xf32>,
        %parallel_loop3A_891 = arith.mulf %parallel_loop3A_890, %parallel_loop3A_883 : vector<16xf32>
        %parallel_loop3A_892 = arith.index_cast %parallel_loop3A_887 : i32 to index
        %parallel_loop3A_893 = arith.constant 0 : index
        %parallel_loop3A_894 = tpu.vector_load %arg11[%parallel_loop3A_892, %parallel_loop3A_893] {strides = array<i32>} : memref<128x16xf32, #tpu.memory_space<vmem>>, vector<16xf32>,
        tpu.vector_store %arg11[%parallel_loop3A_892, %parallel_loop3A_893], %parallel_loop3A_891 {strides = array<i32>} : memref<128x16xf32, #tpu.memory_space<vmem>>, vector<16xf32>,
        %parallel_loop3A_895 = arith.constant 3 : i32
        %parallel_loop3A_896 = vector.broadcast %parallel_loop3A_895 : i32 to vector<16x1xi32>
        %parallel_loop3A_897 = vector.shape_cast %parallel_loop3A_896 : vector<16x1xi32> to vector<16xi32>
        %parallel_loop3A_898 = tpu.dynamic_gather %parallel_loop3A_849[%parallel_loop3A_897] in [0] : vector<16xf32>, vector<16xi32> -> vector<16xf32>
        %parallel_loop3A_899 = arith.constant 16 : i32
        %parallel_loop3A_900 = arith.muli %parallel_loop3A_844, %parallel_loop3A_899 : i32
        %parallel_loop3A_901 = arith.constant 3 : i32
        %parallel_loop3A_902 = arith.addi %parallel_loop3A_900, %parallel_loop3A_901 : i32
        %parallel_loop3A_903 = arith.index_cast %parallel_loop3A_902 : i32 to index
        %parallel_loop3A_904 = arith.constant 0 : index
        %parallel_loop3A_905 = tpu.vector_load %arg11[%parallel_loop3A_903, %parallel_loop3A_904] {strides = array<i32>} : memref<128x16xf32, #tpu.memory_space<vmem>>, vector<16xf32>,
        %parallel_loop3A_906 = arith.mulf %parallel_loop3A_905, %parallel_loop3A_898 : vector<16xf32>
        %parallel_loop3A_907 = arith.index_cast %parallel_loop3A_902 : i32 to index
        %parallel_loop3A_908 = arith.constant 0 : index
        %parallel_loop3A_909 = tpu.vector_load %arg11[%parallel_loop3A_907, %parallel_loop3A_908] {strides = array<i32>} : memref<128x16xf32, #tpu.memory_space<vmem>>, vector<16xf32>,
        tpu.vector_store %arg11[%parallel_loop3A_907, %parallel_loop3A_908], %parallel_loop3A_906 {strides = array<i32>} : memref<128x16xf32, #tpu.memory_space<vmem>>, vector<16xf32>,
        %parallel_loop3A_910 = arith.constant 4 : i32
        %parallel_loop3A_911 = vector.broadcast %parallel_loop3A_910 : i32 to vector<16x1xi32>
        %parallel_loop3A_912 = vector.shape_cast %parallel_loop3A_911 : vector<16x1xi32> to vector<16xi32>
        %parallel_loop3A_913 = tpu.dynamic_gather %parallel_loop3A_849[%parallel_loop3A_912] in [0] : vector<16xf32>, vector<16xi32> -> vector<16xf32>
        %parallel_loop3A_914 = arith.constant 16 : i32
        %parallel_loop3A_915 = arith.muli %parallel_loop3A_844, %parallel_loop3A_914 : i32
        %parallel_loop3A_916 = arith.constant 4 : i32
        %parallel_loop3A_917 = arith.addi %parallel_loop3A_915, %parallel_loop3A_916 : i32
        %parallel_loop3A_918 = arith.index_cast %parallel_loop3A_917 : i32 to index
        %parallel_loop3A_919 = arith.constant 0 : index
        %parallel_loop3A_920 = tpu.vector_load %arg11[%parallel_loop3A_918, %parallel_loop3A_919] {strides = array<i32>} : memref<128x16xf32, #tpu.memory_space<vmem>>, vector<16xf32>,
        %parallel_loop3A_921 = arith.mulf %parallel_loop3A_920, %parallel_loop3A_913 : vector<16xf32>
        %parallel_loop3A_922 = arith.index_cast %parallel_loop3A_917 : i32 to index
        %parallel_loop3A_923 = arith.constant 0 : index
        %parallel_loop3A_924 = tpu.vector_load %arg11[%parallel_loop3A_922, %parallel_loop3A_923] {strides = array<i32>} : memref<128x16xf32, #tpu.memory_space<vmem>>, vector<16xf32>,
        tpu.vector_store %arg11[%parallel_loop3A_922, %parallel_loop3A_923], %parallel_loop3A_921 {strides = array<i32>} : memref<128x16xf32, #tpu.memory_space<vmem>>, vector<16xf32>,
        %parallel_loop3A_925 = arith.constant 5 : i32
        %parallel_loop3A_926 = vector.broadcast %parallel_loop3A_925 : i32 to vector<16x1xi32>
        %parallel_loop3A_927 = vector.shape_cast %parallel_loop3A_926 : vector<16x1xi32> to vector<16xi32>
        %parallel_loop3A_928 = tpu.dynamic_gather %parallel_loop3A_849[%parallel_loop3A_927] in [0] : vector<16xf32>, vector<16xi32> -> vector<16xf32>
        %parallel_loop3A_929 = arith.constant 16 : i32
        %parallel_loop3A_930 = arith.muli %parallel_loop3A_844, %parallel_loop3A_929 : i32
        %parallel_loop3A_931 = arith.constant 5 : i32
        %parallel_loop3A_932 = arith.addi %parallel_loop3A_930, %parallel_loop3A_931 : i32
        %parallel_loop3A_933 = arith.index_cast %parallel_loop3A_932 : i32 to index
        %parallel_loop3A_934 = arith.constant 0 : index
        %parallel_loop3A_935 = tpu.vector_load %arg11[%parallel_loop3A_933, %parallel_loop3A_934] {strides = array<i32>} : memref<128x16xf32, #tpu.memory_space<vmem>>, vector<16xf32>,
        %parallel_loop3A_936 = arith.mulf %parallel_loop3A_935, %parallel_loop3A_928 : vector<16xf32>
        %parallel_loop3A_937 = arith.index_cast %parallel_loop3A_932 : i32 to index
        %parallel_loop3A_938 = arith.constant 0 : index
        %parallel_loop3A_939 = tpu.vector_load %arg11[%parallel_loop3A_937, %parallel_loop3A_938] {strides = array<i32>} : memref<128x16xf32, #tpu.memory_space<vmem>>, vector<16xf32>,
        tpu.vector_store %arg11[%parallel_loop3A_937, %parallel_loop3A_938], %parallel_loop3A_936 {strides = array<i32>} : memref<128x16xf32, #tpu.memory_space<vmem>>, vector<16xf32>,
        %parallel_loop3A_940 = arith.constant 6 : i32
        %parallel_loop3A_941 = vector.broadcast %parallel_loop3A_940 : i32 to vector<16x1xi32>
        %parallel_loop3A_942 = vector.shape_cast %parallel_loop3A_941 : vector<16x1xi32> to vector<16xi32>
        %parallel_loop3A_943 = tpu.dynamic_gather %parallel_loop3A_849[%parallel_loop3A_942] in [0] : vector<16xf32>, vector<16xi32> -> vector<16xf32>
        %parallel_loop3A_944 = arith.constant 16 : i32
        %parallel_loop3A_945 = arith.muli %parallel_loop3A_844, %parallel_loop3A_944 : i32
        %parallel_loop3A_946 = arith.constant 6 : i32
        %parallel_loop3A_947 = arith.addi %parallel_loop3A_945, %parallel_loop3A_946 : i32
        %parallel_loop3A_948 = arith.index_cast %parallel_loop3A_947 : i32 to index
        %parallel_loop3A_949 = arith.constant 0 : index
        %parallel_loop3A_950 = tpu.vector_load %arg11[%parallel_loop3A_948, %parallel_loop3A_949] {strides = array<i32>} : memref<128x16xf32, #tpu.memory_space<vmem>>, vector<16xf32>,
        %parallel_loop3A_951 = arith.mulf %parallel_loop3A_950, %parallel_loop3A_943 : vector<16xf32>
        %parallel_loop3A_952 = arith.index_cast %parallel_loop3A_947 : i32 to index
        %parallel_loop3A_953 = arith.constant 0 : index
        %parallel_loop3A_954 = tpu.vector_load %arg11[%parallel_loop3A_952, %parallel_loop3A_953] {strides = array<i32>} : memref<128x16xf32, #tpu.memory_space<vmem>>, vector<16xf32>,
        tpu.vector_store %arg11[%parallel_loop3A_952, %parallel_loop3A_953], %parallel_loop3A_951 {strides = array<i32>} : memref<128x16xf32, #tpu.memory_space<vmem>>, vector<16xf32>,
        %parallel_loop3A_955 = arith.constant 7 : i32
        %parallel_loop3A_956 = vector.broadcast %parallel_loop3A_955 : i32 to vector<16x1xi32>
        %parallel_loop3A_957 = vector.shape_cast %parallel_loop3A_956 : vector<16x1xi32> to vector<16xi32>
        %parallel_loop3A_958 = tpu.dynamic_gather %parallel_loop3A_849[%parallel_loop3A_957] in [0] : vector<16xf32>, vector<16xi32> -> vector<16xf32>
        %parallel_loop3A_959 = arith.constant 16 : i32
        %parallel_loop3A_960 = arith.muli %parallel_loop3A_844, %parallel_loop3A_959 : i32
        %parallel_loop3A_961 = arith.constant 7 : i32
        %parallel_loop3A_962 = arith.addi %parallel_loop3A_960, %parallel_loop3A_961 : i32
        %parallel_loop3A_963 = arith.index_cast %parallel_loop3A_962 : i32 to index
        %parallel_loop3A_964 = arith.constant 0 : index
        %parallel_loop3A_965 = tpu.vector_load %arg11[%parallel_loop3A_963, %parallel_loop3A_964] {strides = array<i32>} : memref<128x16xf32, #tpu.memory_space<vmem>>, vector<16xf32>,
        %parallel_loop3A_966 = arith.mulf %parallel_loop3A_965, %parallel_loop3A_958 : vector<16xf32>
        %parallel_loop3A_967 = arith.index_cast %parallel_loop3A_962 : i32 to index
        %parallel_loop3A_968 = arith.constant 0 : index
        %parallel_loop3A_969 = tpu.vector_load %arg11[%parallel_loop3A_967, %parallel_loop3A_968] {strides = array<i32>} : memref<128x16xf32, #tpu.memory_space<vmem>>, vector<16xf32>,
        tpu.vector_store %arg11[%parallel_loop3A_967, %parallel_loop3A_968], %parallel_loop3A_966 {strides = array<i32>} : memref<128x16xf32, #tpu.memory_space<vmem>>, vector<16xf32>,
        %parallel_loop3A_970 = arith.constant 8 : i32
        %parallel_loop3A_971 = vector.broadcast %parallel_loop3A_970 : i32 to vector<16x1xi32>
        %parallel_loop3A_972 = vector.shape_cast %parallel_loop3A_971 : vector<16x1xi32> to vector<16xi32>
        %parallel_loop3A_973 = tpu.dynamic_gather %parallel_loop3A_849[%parallel_loop3A_972] in [0] : vector<16xf32>, vector<16xi32> -> vector<16xf32>
        %parallel_loop3A_974 = arith.constant 16 : i32
        %parallel_loop3A_975 = arith.muli %parallel_loop3A_844, %parallel_loop3A_974 : i32
        %parallel_loop3A_976 = arith.constant 8 : i32
        %parallel_loop3A_977 = arith.addi %parallel_loop3A_975, %parallel_loop3A_976 : i32
        %parallel_loop3A_978 = arith.index_cast %parallel_loop3A_977 : i32 to index
        %parallel_loop3A_979 = arith.constant 0 : index
        %parallel_loop3A_980 = tpu.vector_load %arg11[%parallel_loop3A_978, %parallel_loop3A_979] {strides = array<i32>} : memref<128x16xf32, #tpu.memory_space<vmem>>, vector<16xf32>,
        %parallel_loop3A_981 = arith.mulf %parallel_loop3A_980, %parallel_loop3A_973 : vector<16xf32>
        %parallel_loop3A_982 = arith.index_cast %parallel_loop3A_977 : i32 to index
        %parallel_loop3A_983 = arith.constant 0 : index
        %parallel_loop3A_984 = tpu.vector_load %arg11[%parallel_loop3A_982, %parallel_loop3A_983] {strides = array<i32>} : memref<128x16xf32, #tpu.memory_space<vmem>>, vector<16xf32>,
        tpu.vector_store %arg11[%parallel_loop3A_982, %parallel_loop3A_983], %parallel_loop3A_981 {strides = array<i32>} : memref<128x16xf32, #tpu.memory_space<vmem>>, vector<16xf32>,
        %parallel_loop3A_985 = arith.constant 9 : i32
        %parallel_loop3A_986 = vector.broadcast %parallel_loop3A_985 : i32 to vector<16x1xi32>
        %parallel_loop3A_987 = vector.shape_cast %parallel_loop3A_986 : vector<16x1xi32> to vector<16xi32>
        %parallel_loop3A_988 = tpu.dynamic_gather %parallel_loop3A_849[%parallel_loop3A_987] in [0] : vector<16xf32>, vector<16xi32> -> vector<16xf32>
        %parallel_loop3A_989 = arith.constant 16 : i32
        %parallel_loop3A_990 = arith.muli %parallel_loop3A_844, %parallel_loop3A_989 : i32
        %parallel_loop3A_991 = arith.constant 9 : i32
        %parallel_loop3A_992 = arith.addi %parallel_loop3A_990, %parallel_loop3A_991 : i32
        %parallel_loop3A_993 = arith.index_cast %parallel_loop3A_992 : i32 to index
        %parallel_loop3A_994 = arith.constant 0 : index
        %parallel_loop3A_995 = tpu.vector_load %arg11[%parallel_loop3A_993, %parallel_loop3A_994] {strides = array<i32>} : memref<128x16xf32, #tpu.memory_space<vmem>>, vector<16xf32>,
        %parallel_loop3A_996 = arith.mulf %parallel_loop3A_995, %parallel_loop3A_988 : vector<16xf32>
        %parallel_loop3A_997 = arith.index_cast %parallel_loop3A_992 : i32 to index
        %parallel_loop3A_998 = arith.constant 0 : index
        %parallel_loop3A_999 = tpu.vector_load %arg11[%parallel_loop3A_997, %parallel_loop3A_998] {strides = array<i32>} : memref<128x16xf32, #tpu.memory_space<vmem>>, vector<16xf32>,
        tpu.vector_store %arg11[%parallel_loop3A_997, %parallel_loop3A_998], %parallel_loop3A_996 {strides = array<i32>} : memref<128x16xf32, #tpu.memory_space<vmem>>, vector<16xf32>,
        %parallel_loop3A_1000 = arith.constant 10 : i32
        %parallel_loop3A_1001 = vector.broadcast %parallel_loop3A_1000 : i32 to vector<16x1xi32>
        %parallel_loop3A_1002 = vector.shape_cast %parallel_loop3A_1001 : vector<16x1xi32> to vector<16xi32>
        %parallel_loop3A_1003 = tpu.dynamic_gather %parallel_loop3A_849[%parallel_loop3A_1002] in [0] : vector<16xf32>, vector<16xi32> -> vector<16xf32>
        %parallel_loop3A_1004 = arith.constant 16 : i32
        %parallel_loop3A_1005 = arith.muli %parallel_loop3A_844, %parallel_loop3A_1004 : i32
        %parallel_loop3A_1006 = arith.constant 10 : i32
        %parallel_loop3A_1007 = arith.addi %parallel_loop3A_1005, %parallel_loop3A_1006 : i32
        %parallel_loop3A_1008 = arith.index_cast %parallel_loop3A_1007 : i32 to index
        %parallel_loop3A_1009 = arith.constant 0 : index
        %parallel_loop3A_1010 = tpu.vector_load %arg11[%parallel_loop3A_1008, %parallel_loop3A_1009] {strides = array<i32>} : memref<128x16xf32, #tpu.memory_space<vmem>>, vector<16xf32>,
        %parallel_loop3A_1011 = arith.mulf %parallel_loop3A_1010, %parallel_loop3A_1003 : vector<16xf32>
        %parallel_loop3A_1012 = arith.index_cast %parallel_loop3A_1007 : i32 to index
        %parallel_loop3A_1013 = arith.constant 0 : index
        %parallel_loop3A_1014 = tpu.vector_load %arg11[%parallel_loop3A_1012, %parallel_loop3A_1013] {strides = array<i32>} : memref<128x16xf32, #tpu.memory_space<vmem>>, vector<16xf32>,
        tpu.vector_store %arg11[%parallel_loop3A_1012, %parallel_loop3A_1013], %parallel_loop3A_1011 {strides = array<i32>} : memref<128x16xf32, #tpu.memory_space<vmem>>, vector<16xf32>,
        %parallel_loop3A_1015 = arith.constant 11 : i32
        %parallel_loop3A_1016 = vector.broadcast %parallel_loop3A_1015 : i32 to vector<16x1xi32>
        %parallel_loop3A_1017 = vector.shape_cast %parallel_loop3A_1016 : vector<16x1xi32> to vector<16xi32>
        %parallel_loop3A_1018 = tpu.dynamic_gather %parallel_loop3A_849[%parallel_loop3A_1017] in [0] : vector<16xf32>, vector<16xi32> -> vector<16xf32>
        %parallel_loop3A_1019 = arith.constant 16 : i32
        %parallel_loop3A_1020 = arith.muli %parallel_loop3A_844, %parallel_loop3A_1019 : i32
        %parallel_loop3A_1021 = arith.constant 11 : i32
        %parallel_loop3A_1022 = arith.addi %parallel_loop3A_1020, %parallel_loop3A_1021 : i32
        %parallel_loop3A_1023 = arith.index_cast %parallel_loop3A_1022 : i32 to index
        %parallel_loop3A_1024 = arith.constant 0 : index
        %parallel_loop3A_1025 = tpu.vector_load %arg11[%parallel_loop3A_1023, %parallel_loop3A_1024] {strides = array<i32>} : memref<128x16xf32, #tpu.memory_space<vmem>>, vector<16xf32>,
        %parallel_loop3A_1026 = arith.mulf %parallel_loop3A_1025, %parallel_loop3A_1018 : vector<16xf32>
        %parallel_loop3A_1027 = arith.index_cast %parallel_loop3A_1022 : i32 to index
        %parallel_loop3A_1028 = arith.constant 0 : index
        %parallel_loop3A_1029 = tpu.vector_load %arg11[%parallel_loop3A_1027, %parallel_loop3A_1028] {strides = array<i32>} : memref<128x16xf32, #tpu.memory_space<vmem>>, vector<16xf32>,
        tpu.vector_store %arg11[%parallel_loop3A_1027, %parallel_loop3A_1028], %parallel_loop3A_1026 {strides = array<i32>} : memref<128x16xf32, #tpu.memory_space<vmem>>, vector<16xf32>,
        %parallel_loop3A_1030 = arith.constant 12 : i32
        %parallel_loop3A_1031 = vector.broadcast %parallel_loop3A_1030 : i32 to vector<16x1xi32>
        %parallel_loop3A_1032 = vector.shape_cast %parallel_loop3A_1031 : vector<16x1xi32> to vector<16xi32>
        %parallel_loop3A_1033 = tpu.dynamic_gather %parallel_loop3A_849[%parallel_loop3A_1032] in [0] : vector<16xf32>, vector<16xi32> -> vector<16xf32>
        %parallel_loop3A_1034 = arith.constant 16 : i32
        %parallel_loop3A_1035 = arith.muli %parallel_loop3A_844, %parallel_loop3A_1034 : i32
        %parallel_loop3A_1036 = arith.constant 12 : i32
        %parallel_loop3A_1037 = arith.addi %parallel_loop3A_1035, %parallel_loop3A_1036 : i32
        %parallel_loop3A_1038 = arith.index_cast %parallel_loop3A_1037 : i32 to index
        %parallel_loop3A_1039 = arith.constant 0 : index
        %parallel_loop3A_1040 = tpu.vector_load %arg11[%parallel_loop3A_1038, %parallel_loop3A_1039] {strides = array<i32>} : memref<128x16xf32, #tpu.memory_space<vmem>>, vector<16xf32>,
        %parallel_loop3A_1041 = arith.mulf %parallel_loop3A_1040, %parallel_loop3A_1033 : vector<16xf32>
        %parallel_loop3A_1042 = arith.index_cast %parallel_loop3A_1037 : i32 to index
        %parallel_loop3A_1043 = arith.constant 0 : index
        %parallel_loop3A_1044 = tpu.vector_load %arg11[%parallel_loop3A_1042, %parallel_loop3A_1043] {strides = array<i32>} : memref<128x16xf32, #tpu.memory_space<vmem>>, vector<16xf32>,
        tpu.vector_store %arg11[%parallel_loop3A_1042, %parallel_loop3A_1043], %parallel_loop3A_1041 {strides = array<i32>} : memref<128x16xf32, #tpu.memory_space<vmem>>, vector<16xf32>,
        %parallel_loop3A_1045 = arith.constant 13 : i32
        %parallel_loop3A_1046 = vector.broadcast %parallel_loop3A_1045 : i32 to vector<16x1xi32>
        %parallel_loop3A_1047 = vector.shape_cast %parallel_loop3A_1046 : vector<16x1xi32> to vector<16xi32>
        %parallel_loop3A_1048 = tpu.dynamic_gather %parallel_loop3A_849[%parallel_loop3A_1047] in [0] : vector<16xf32>, vector<16xi32> -> vector<16xf32>
        %parallel_loop3A_1049 = arith.constant 16 : i32
        %parallel_loop3A_1050 = arith.muli %parallel_loop3A_844, %parallel_loop3A_1049 : i32
        %parallel_loop3A_1051 = arith.constant 13 : i32
        %parallel_loop3A_1052 = arith.addi %parallel_loop3A_1050, %parallel_loop3A_1051 : i32
        %parallel_loop3A_1053 = arith.index_cast %parallel_loop3A_1052 : i32 to index
        %parallel_loop3A_1054 = arith.constant 0 : index
        %parallel_loop3A_1055 = tpu.vector_load %arg11[%parallel_loop3A_1053, %parallel_loop3A_1054] {strides = array<i32>} : memref<128x16xf32, #tpu.memory_space<vmem>>, vector<16xf32>,
        %parallel_loop3A_1056 = arith.mulf %parallel_loop3A_1055, %parallel_loop3A_1048 : vector<16xf32>
        %parallel_loop3A_1057 = arith.index_cast %parallel_loop3A_1052 : i32 to index
        %parallel_loop3A_1058 = arith.constant 0 : index
        %parallel_loop3A_1059 = tpu.vector_load %arg11[%parallel_loop3A_1057, %parallel_loop3A_1058] {strides = array<i32>} : memref<128x16xf32, #tpu.memory_space<vmem>>, vector<16xf32>,
        tpu.vector_store %arg11[%parallel_loop3A_1057, %parallel_loop3A_1058], %parallel_loop3A_1056 {strides = array<i32>} : memref<128x16xf32, #tpu.memory_space<vmem>>, vector<16xf32>,
        %parallel_loop3A_1060 = arith.constant 14 : i32
        %parallel_loop3A_1061 = vector.broadcast %parallel_loop3A_1060 : i32 to vector<16x1xi32>
        %parallel_loop3A_1062 = vector.shape_cast %parallel_loop3A_1061 : vector<16x1xi32> to vector<16xi32>
        %parallel_loop3A_1063 = tpu.dynamic_gather %parallel_loop3A_849[%parallel_loop3A_1062] in [0] : vector<16xf32>, vector<16xi32> -> vector<16xf32>
        %parallel_loop3A_1064 = arith.constant 16 : i32
        %parallel_loop3A_1065 = arith.muli %parallel_loop3A_844, %parallel_loop3A_1064 : i32
        %parallel_loop3A_1066 = arith.constant 14 : i32
        %parallel_loop3A_1067 = arith.addi %parallel_loop3A_1065, %parallel_loop3A_1066 : i32
        %parallel_loop3A_1068 = arith.index_cast %parallel_loop3A_1067 : i32 to index
        %parallel_loop3A_1069 = arith.constant 0 : index
        %parallel_loop3A_1070 = tpu.vector_load %arg11[%parallel_loop3A_1068, %parallel_loop3A_1069] {strides = array<i32>} : memref<128x16xf32, #tpu.memory_space<vmem>>, vector<16xf32>,
        %parallel_loop3A_1071 = arith.mulf %parallel_loop3A_1070, %parallel_loop3A_1063 : vector<16xf32>
        %parallel_loop3A_1072 = arith.index_cast %parallel_loop3A_1067 : i32 to index
        %parallel_loop3A_1073 = arith.constant 0 : index
        %parallel_loop3A_1074 = tpu.vector_load %arg11[%parallel_loop3A_1072, %parallel_loop3A_1073] {strides = array<i32>} : memref<128x16xf32, #tpu.memory_space<vmem>>, vector<16xf32>,
        tpu.vector_store %arg11[%parallel_loop3A_1072, %parallel_loop3A_1073], %parallel_loop3A_1071 {strides = array<i32>} : memref<128x16xf32, #tpu.memory_space<vmem>>, vector<16xf32>,
        %parallel_loop3A_1075 = arith.constant 15 : i32
        %parallel_loop3A_1076 = vector.broadcast %parallel_loop3A_1075 : i32 to vector<16x1xi32>
        %parallel_loop3A_1077 = vector.shape_cast %parallel_loop3A_1076 : vector<16x1xi32> to vector<16xi32>
        %parallel_loop3A_1078 = tpu.dynamic_gather %parallel_loop3A_849[%parallel_loop3A_1077] in [0] : vector<16xf32>, vector<16xi32> -> vector<16xf32>
        %parallel_loop3A_1079 = arith.constant 16 : i32
        %parallel_loop3A_1080 = arith.muli %parallel_loop3A_844, %parallel_loop3A_1079 : i32
        %parallel_loop3A_1081 = arith.constant 15 : i32
        %parallel_loop3A_1082 = arith.addi %parallel_loop3A_1080, %parallel_loop3A_1081 : i32
        %parallel_loop3A_1083 = arith.index_cast %parallel_loop3A_1082 : i32 to index
        %parallel_loop3A_1084 = arith.constant 0 : index
        %parallel_loop3A_1085 = tpu.vector_load %arg11[%parallel_loop3A_1083, %parallel_loop3A_1084] {strides = array<i32>} : memref<128x16xf32, #tpu.memory_space<vmem>>, vector<16xf32>,
        %parallel_loop3A_1086 = arith.mulf %parallel_loop3A_1085, %parallel_loop3A_1078 : vector<16xf32>
        %parallel_loop3A_1087 = arith.index_cast %parallel_loop3A_1082 : i32 to index
        %parallel_loop3A_1088 = arith.constant 0 : index
        %parallel_loop3A_1089 = tpu.vector_load %arg11[%parallel_loop3A_1087, %parallel_loop3A_1088] {strides = array<i32>} : memref<128x16xf32, #tpu.memory_space<vmem>>, vector<16xf32>,
        tpu.vector_store %arg11[%parallel_loop3A_1087, %parallel_loop3A_1088], %parallel_loop3A_1086 {strides = array<i32>} : memref<128x16xf32, #tpu.memory_space<vmem>>, vector<16xf32>,
      } {sc.loop_unroll_factor = 4 : i64, sc.parallel_access}
      %dma_start3A_744 = arith.constant 0 : i32
      %dma_start3A_745 = tpu.memref_slice %arg8[%add3A_733, %dma_start3A_744] : memref<64x128xi32, #tpu.memory_space<vmem>> -> memref<1x128xi32, #tpu.memory_space<vmem>>
      %dma_start3A_746 = tpu.memref_squeeze %dma_start3A_745 : memref<1x128xi32, #tpu.memory_space<vmem>> -> memref<128xi32, #tpu.memory_space<vmem>>
      %dma_start3A_747 = arith.constant 0 : i32
      %dma_start3A_748 = arith.constant 0 : i32
      %dma_start3A_749 = tpu.memref_slice %arg17[%dma_start3A_747, %dma_start3A_748] : memref<16384x16xf32, #tpu.memory_space<vmem_shared>> -> memref<16384x16xf32, #tpu.memory_space<vmem_shared>>
      tpu.enqueue_indirect_dma source(%arg11 : memref<128x16xf32, #tpu.memory_space<vmem>>) target(%dma_start3A_749 : memref<16384x16xf32, #tpu.memory_space<vmem_shared>>) offsets(%dma_start3A_746 : memref<128xi32, #tpu.memory_space<vmem>>) semaphore(%arg23 : memref<!tpu.dma_semaphore, #tpu.memory_space<semaphore_mem>>) {add = true}
      %dma_wait3A_750 = arith.constant 0 : i32
      %dma_wait3A_751 = arith.constant 0 : i32
      %dma_wait3A_752 = tpu.memref_slice %arg8[%dma_wait3A_750, %dma_wait3A_751] : memref<64x128xi32, #tpu.memory_space<vmem>> -> memref<1x128xi32, #tpu.memory_space<vmem>>
      %dma_wait3A_753 = tpu.memref_squeeze %dma_wait3A_752 : memref<1x128xi32, #tpu.memory_space<vmem>> -> memref<128xi32, #tpu.memory_space<vmem>>
      %dma_wait3A_754 = arith.constant 0 : i32
      %dma_wait3A_755 = arith.constant 0 : i32
      %dma_wait3A_756 = tpu.memref_slice %arg17[%dma_wait3A_754, %dma_wait3A_755] : memref<16384x16xf32, #tpu.memory_space<vmem_shared>> -> memref<16384x16xf32, #tpu.memory_space<vmem_shared>>
      tpu.wait_indirect_dma semaphore(%arg22 : memref<!tpu.dma_semaphore, #tpu.memory_space<semaphore_mem>>) src(%arg10 : memref<128x16xf32, #tpu.memory_space<vmem>>) dst(%dma_wait3A_756 : memref<16384x16xf32, #tpu.memory_space<vmem_shared>>)
      %add3A_757 = arith.constant 1 : i32
      %add3A_758 = arith.addi %mul3A_694, %add3A_757 : i32
      %add3A_759 = arith.constant 3 : i32
      %add3A_760 = arith.addi %add3A_758, %add3A_759 : i32
      %min3A_761 = arith.constant 63 : i32
      %min3A_762 = arith.minsi %add3A_760, %min3A_761 : i32
      %dma_start3A_763 = arith.constant 0 : i32
      %dma_start3A_764 = tpu.memref_slice %arg7[%min3A_762, %dma_start3A_763] : memref<64x128xi32, #tpu.memory_space<vmem>> -> memref<1x128xi32, #tpu.memory_space<vmem>>
      %dma_start3A_765 = tpu.memref_squeeze %dma_start3A_764 : memref<1x128xi32, #tpu.memory_space<vmem>> -> memref<128xi32, #tpu.memory_space<vmem>>
      %dma_start3A_766 = arith.constant 0 : i32
      %dma_start3A_767 = arith.constant 0 : i32
      %dma_start3A_768 = tpu.memref_slice %arg16[%dma_start3A_766, %dma_start3A_767] : memref<16384x16xf32, #tpu.memory_space<vmem_shared>> -> memref<16384x16xf32, #tpu.memory_space<vmem_shared>>
      tpu.enqueue_indirect_dma source(%dma_start3A_768 : memref<16384x16xf32, #tpu.memory_space<vmem_shared>>) target(%arg10 : memref<128x16xf32, #tpu.memory_space<vmem>>) offsets(%dma_start3A_765 : memref<128xi32, #tpu.memory_space<vmem>>) semaphore(%arg18 : memref<!tpu.dma_semaphore, #tpu.memory_space<semaphore_mem>>)
      %add3A_769 = arith.constant 2 : i32
      %add3A_770 = arith.addi %mul3A_694, %add3A_769 : i32
      %dma_wait3A_771 = arith.constant 0 : i32
      %dma_wait3A_772 = arith.constant 0 : i32
      %dma_wait3A_773 = tpu.memref_slice %arg7[%dma_wait3A_771, %dma_wait3A_772] : memref<64x128xi32, #tpu.memory_space<vmem>> -> memref<1x128xi32, #tpu.memory_space<vmem>>
      %dma_wait3A_774 = tpu.memref_squeeze %dma_wait3A_773 : memref<1x128xi32, #tpu.memory_space<vmem>> -> memref<128xi32, #tpu.memory_space<vmem>>
      %dma_wait3A_775 = arith.constant 0 : i32
      %dma_wait3A_776 = arith.constant 0 : i32
      %dma_wait3A_777 = tpu.memref_slice %arg16[%dma_wait3A_775, %dma_wait3A_776] : memref<16384x16xf32, #tpu.memory_space<vmem_shared>> -> memref<16384x16xf32, #tpu.memory_space<vmem_shared>>
      tpu.wait_indirect_dma semaphore(%arg20 : memref<!tpu.dma_semaphore, #tpu.memory_space<semaphore_mem>>) src(%dma_wait3A_777 : memref<16384x16xf32, #tpu.memory_space<vmem_shared>>) dst(%arg12 : memref<128x16xf32, #tpu.memory_space<vmem>>)
      %parallel_loop3A_778 = arith.constant 0 : i32
      %parallel_loop3A_779 = arith.constant 8 : i32
      %parallel_loop3A_780 = arith.constant 1 : i32
      scf.for %parallel_loop3A_844 = %parallel_loop3A_778 to %parallel_loop3A_779 step %parallel_loop3A_780  : i32 {
        %parallel_loop3A_845 = arith.constant 16 : i32
        %parallel_loop3A_846 = arith.muli %parallel_loop3A_844, %parallel_loop3A_845 : i32
        %parallel_loop3A_847 = arith.index_cast %add3A_770 : i32 to index
        %parallel_loop3A_848 = arith.index_cast %parallel_loop3A_846 : i32 to index
        %parallel_loop3A_849 = tpu.vector_load %arg9[%parallel_loop3A_847, %parallel_loop3A_848] {strides = array<i32>} : memref<64x128xf32, #tpu.memory_space<vmem>>, vector<16xf32>,
        %parallel_loop3A_850 = arith.constant 0 : i32
        %parallel_loop3A_851 = vector.broadcast %parallel_loop3A_850 : i32 to vector<16x1xi32>
        %parallel_loop3A_852 = vector.shape_cast %parallel_loop3A_851 : vector<16x1xi32> to vector<16xi32>
        %parallel_loop3A_853 = tpu.dynamic_gather %parallel_loop3A_849[%parallel_loop3A_852] in [0] : vector<16xf32>, vector<16xi32> -> vector<16xf32>
        %parallel_loop3A_854 = arith.constant 16 : i32
        %parallel_loop3A_855 = arith.muli %parallel_loop3A_844, %parallel_loop3A_854 : i32
        %parallel_loop3A_856 = arith.constant 0 : i32
        %parallel_loop3A_857 = arith.addi %parallel_loop3A_855, %parallel_loop3A_856 : i32
        %parallel_loop3A_858 = arith.index_cast %parallel_loop3A_857 : i32 to index
        %parallel_loop3A_859 = arith.constant 0 : index
        %parallel_loop3A_860 = tpu.vector_load %arg12[%parallel_loop3A_858, %parallel_loop3A_859] {strides = array<i32>} : memref<128x16xf32, #tpu.memory_space<vmem>>, vector<16xf32>,
        %parallel_loop3A_861 = arith.mulf %parallel_loop3A_860, %parallel_loop3A_853 : vector<16xf32>
        %parallel_loop3A_862 = arith.index_cast %parallel_loop3A_857 : i32 to index
        %parallel_loop3A_863 = arith.constant 0 : index
        %parallel_loop3A_864 = tpu.vector_load %arg12[%parallel_loop3A_862, %parallel_loop3A_863] {strides = array<i32>} : memref<128x16xf32, #tpu.memory_space<vmem>>, vector<16xf32>,
        tpu.vector_store %arg12[%parallel_loop3A_862, %parallel_loop3A_863], %parallel_loop3A_861 {strides = array<i32>} : memref<128x16xf32, #tpu.memory_space<vmem>>, vector<16xf32>,
        %parallel_loop3A_865 = arith.constant 1 : i32
        %parallel_loop3A_866 = vector.broadcast %parallel_loop3A_865 : i32 to vector<16x1xi32>
        %parallel_loop3A_867 = vector.shape_cast %parallel_loop3A_866 : vector<16x1xi32> to vector<16xi32>
        %parallel_loop3A_868 = tpu.dynamic_gather %parallel_loop3A_849[%parallel_loop3A_867] in [0] : vector<16xf32>, vector<16xi32> -> vector<16xf32>
        %parallel_loop3A_869 = arith.constant 16 : i32
        %parallel_loop3A_870 = arith.muli %parallel_loop3A_844, %parallel_loop3A_869 : i32
        %parallel_loop3A_871 = arith.constant 1 : i32
        %parallel_loop3A_872 = arith.addi %parallel_loop3A_870, %parallel_loop3A_871 : i32
        %parallel_loop3A_873 = arith.index_cast %parallel_loop3A_872 : i32 to index
        %parallel_loop3A_874 = arith.constant 0 : index
        %parallel_loop3A_875 = tpu.vector_load %arg12[%parallel_loop3A_873, %parallel_loop3A_874] {strides = array<i32>} : memref<128x16xf32, #tpu.memory_space<vmem>>, vector<16xf32>,
        %parallel_loop3A_876 = arith.mulf %parallel_loop3A_875, %parallel_loop3A_868 : vector<16xf32>
        %parallel_loop3A_877 = arith.index_cast %parallel_loop3A_872 : i32 to index
        %parallel_loop3A_878 = arith.constant 0 : index
        %parallel_loop3A_879 = tpu.vector_load %arg12[%parallel_loop3A_877, %parallel_loop3A_878] {strides = array<i32>} : memref<128x16xf32, #tpu.memory_space<vmem>>, vector<16xf32>,
        tpu.vector_store %arg12[%parallel_loop3A_877, %parallel_loop3A_878], %parallel_loop3A_876 {strides = array<i32>} : memref<128x16xf32, #tpu.memory_space<vmem>>, vector<16xf32>,
        %parallel_loop3A_880 = arith.constant 2 : i32
        %parallel_loop3A_881 = vector.broadcast %parallel_loop3A_880 : i32 to vector<16x1xi32>
        %parallel_loop3A_882 = vector.shape_cast %parallel_loop3A_881 : vector<16x1xi32> to vector<16xi32>
        %parallel_loop3A_883 = tpu.dynamic_gather %parallel_loop3A_849[%parallel_loop3A_882] in [0] : vector<16xf32>, vector<16xi32> -> vector<16xf32>
        %parallel_loop3A_884 = arith.constant 16 : i32
        %parallel_loop3A_885 = arith.muli %parallel_loop3A_844, %parallel_loop3A_884 : i32
        %parallel_loop3A_886 = arith.constant 2 : i32
        %parallel_loop3A_887 = arith.addi %parallel_loop3A_885, %parallel_loop3A_886 : i32
        %parallel_loop3A_888 = arith.index_cast %parallel_loop3A_887 : i32 to index
        %parallel_loop3A_889 = arith.constant 0 : index
        %parallel_loop3A_890 = tpu.vector_load %arg12[%parallel_loop3A_888, %parallel_loop3A_889] {strides = array<i32>} : memref<128x16xf32, #tpu.memory_space<vmem>>, vector<16xf32>,
        %parallel_loop3A_891 = arith.mulf %parallel_loop3A_890, %parallel_loop3A_883 : vector<16xf32>
        %parallel_loop3A_892 = arith.index_cast %parallel_loop3A_887 : i32 to index
        %parallel_loop3A_893 = arith.constant 0 : index
        %parallel_loop3A_894 = tpu.vector_load %arg12[%parallel_loop3A_892, %parallel_loop3A_893] {strides = array<i32>} : memref<128x16xf32, #tpu.memory_space<vmem>>, vector<16xf32>,
        tpu.vector_store %arg12[%parallel_loop3A_892, %parallel_loop3A_893], %parallel_loop3A_891 {strides = array<i32>} : memref<128x16xf32, #tpu.memory_space<vmem>>, vector<16xf32>,
        %parallel_loop3A_895 = arith.constant 3 : i32
        %parallel_loop3A_896 = vector.broadcast %parallel_loop3A_895 : i32 to vector<16x1xi32>
        %parallel_loop3A_897 = vector.shape_cast %parallel_loop3A_896 : vector<16x1xi32> to vector<16xi32>
        %parallel_loop3A_898 = tpu.dynamic_gather %parallel_loop3A_849[%parallel_loop3A_897] in [0] : vector<16xf32>, vector<16xi32> -> vector<16xf32>
        %parallel_loop3A_899 = arith.constant 16 : i32
        %parallel_loop3A_900 = arith.muli %parallel_loop3A_844, %parallel_loop3A_899 : i32
        %parallel_loop3A_901 = arith.constant 3 : i32
        %parallel_loop3A_902 = arith.addi %parallel_loop3A_900, %parallel_loop3A_901 : i32
        %parallel_loop3A_903 = arith.index_cast %parallel_loop3A_902 : i32 to index
        %parallel_loop3A_904 = arith.constant 0 : index
        %parallel_loop3A_905 = tpu.vector_load %arg12[%parallel_loop3A_903, %parallel_loop3A_904] {strides = array<i32>} : memref<128x16xf32, #tpu.memory_space<vmem>>, vector<16xf32>,
        %parallel_loop3A_906 = arith.mulf %parallel_loop3A_905, %parallel_loop3A_898 : vector<16xf32>
        %parallel_loop3A_907 = arith.index_cast %parallel_loop3A_902 : i32 to index
        %parallel_loop3A_908 = arith.constant 0 : index
        %parallel_loop3A_909 = tpu.vector_load %arg12[%parallel_loop3A_907, %parallel_loop3A_908] {strides = array<i32>} : memref<128x16xf32, #tpu.memory_space<vmem>>, vector<16xf32>,
        tpu.vector_store %arg12[%parallel_loop3A_907, %parallel_loop3A_908], %parallel_loop3A_906 {strides = array<i32>} : memref<128x16xf32, #tpu.memory_space<vmem>>, vector<16xf32>,
        %parallel_loop3A_910 = arith.constant 4 : i32
        %parallel_loop3A_911 = vector.broadcast %parallel_loop3A_910 : i32 to vector<16x1xi32>
        %parallel_loop3A_912 = vector.shape_cast %parallel_loop3A_911 : vector<16x1xi32> to vector<16xi32>
        %parallel_loop3A_913 = tpu.dynamic_gather %parallel_loop3A_849[%parallel_loop3A_912] in [0] : vector<16xf32>, vector<16xi32> -> vector<16xf32>
        %parallel_loop3A_914 = arith.constant 16 : i32
        %parallel_loop3A_915 = arith.muli %parallel_loop3A_844, %parallel_loop3A_914 : i32
        %parallel_loop3A_916 = arith.constant 4 : i32
        %parallel_loop3A_917 = arith.addi %parallel_loop3A_915, %parallel_loop3A_916 : i32
        %parallel_loop3A_918 = arith.index_cast %parallel_loop3A_917 : i32 to index
        %parallel_loop3A_919 = arith.constant 0 : index
        %parallel_loop3A_920 = tpu.vector_load %arg12[%parallel_loop3A_918, %parallel_loop3A_919] {strides = array<i32>} : memref<128x16xf32, #tpu.memory_space<vmem>>, vector<16xf32>,
        %parallel_loop3A_921 = arith.mulf %parallel_loop3A_920, %parallel_loop3A_913 : vector<16xf32>
        %parallel_loop3A_922 = arith.index_cast %parallel_loop3A_917 : i32 to index
        %parallel_loop3A_923 = arith.constant 0 : index
        %parallel_loop3A_924 = tpu.vector_load %arg12[%parallel_loop3A_922, %parallel_loop3A_923] {strides = array<i32>} : memref<128x16xf32, #tpu.memory_space<vmem>>, vector<16xf32>,
        tpu.vector_store %arg12[%parallel_loop3A_922, %parallel_loop3A_923], %parallel_loop3A_921 {strides = array<i32>} : memref<128x16xf32, #tpu.memory_space<vmem>>, vector<16xf32>,
        %parallel_loop3A_925 = arith.constant 5 : i32
        %parallel_loop3A_926 = vector.broadcast %parallel_loop3A_925 : i32 to vector<16x1xi32>
        %parallel_loop3A_927 = vector.shape_cast %parallel_loop3A_926 : vector<16x1xi32> to vector<16xi32>
        %parallel_loop3A_928 = tpu.dynamic_gather %parallel_loop3A_849[%parallel_loop3A_927] in [0] : vector<16xf32>, vector<16xi32> -> vector<16xf32>
        %parallel_loop3A_929 = arith.constant 16 : i32
        %parallel_loop3A_930 = arith.muli %parallel_loop3A_844, %parallel_loop3A_929 : i32
        %parallel_loop3A_931 = arith.constant 5 : i32
        %parallel_loop3A_932 = arith.addi %parallel_loop3A_930, %parallel_loop3A_931 : i32
        %parallel_loop3A_933 = arith.index_cast %parallel_loop3A_932 : i32 to index
        %parallel_loop3A_934 = arith.constant 0 : index
        %parallel_loop3A_935 = tpu.vector_load %arg12[%parallel_loop3A_933, %parallel_loop3A_934] {strides = array<i32>} : memref<128x16xf32, #tpu.memory_space<vmem>>, vector<16xf32>,
        %parallel_loop3A_936 = arith.mulf %parallel_loop3A_935, %parallel_loop3A_928 : vector<16xf32>
        %parallel_loop3A_937 = arith.index_cast %parallel_loop3A_932 : i32 to index
        %parallel_loop3A_938 = arith.constant 0 : index
        %parallel_loop3A_939 = tpu.vector_load %arg12[%parallel_loop3A_937, %parallel_loop3A_938] {strides = array<i32>} : memref<128x16xf32, #tpu.memory_space<vmem>>, vector<16xf32>,
        tpu.vector_store %arg12[%parallel_loop3A_937, %parallel_loop3A_938], %parallel_loop3A_936 {strides = array<i32>} : memref<128x16xf32, #tpu.memory_space<vmem>>, vector<16xf32>,
        %parallel_loop3A_940 = arith.constant 6 : i32
        %parallel_loop3A_941 = vector.broadcast %parallel_loop3A_940 : i32 to vector<16x1xi32>
        %parallel_loop3A_942 = vector.shape_cast %parallel_loop3A_941 : vector<16x1xi32> to vector<16xi32>
        %parallel_loop3A_943 = tpu.dynamic_gather %parallel_loop3A_849[%parallel_loop3A_942] in [0] : vector<16xf32>, vector<16xi32> -> vector<16xf32>
        %parallel_loop3A_944 = arith.constant 16 : i32
        %parallel_loop3A_945 = arith.muli %parallel_loop3A_844, %parallel_loop3A_944 : i32
        %parallel_loop3A_946 = arith.constant 6 : i32
        %parallel_loop3A_947 = arith.addi %parallel_loop3A_945, %parallel_loop3A_946 : i32
        %parallel_loop3A_948 = arith.index_cast %parallel_loop3A_947 : i32 to index
        %parallel_loop3A_949 = arith.constant 0 : index
        %parallel_loop3A_950 = tpu.vector_load %arg12[%parallel_loop3A_948, %parallel_loop3A_949] {strides = array<i32>} : memref<128x16xf32, #tpu.memory_space<vmem>>, vector<16xf32>,
        %parallel_loop3A_951 = arith.mulf %parallel_loop3A_950, %parallel_loop3A_943 : vector<16xf32>
        %parallel_loop3A_952 = arith.index_cast %parallel_loop3A_947 : i32 to index
        %parallel_loop3A_953 = arith.constant 0 : index
        %parallel_loop3A_954 = tpu.vector_load %arg12[%parallel_loop3A_952, %parallel_loop3A_953] {strides = array<i32>} : memref<128x16xf32, #tpu.memory_space<vmem>>, vector<16xf32>,
        tpu.vector_store %arg12[%parallel_loop3A_952, %parallel_loop3A_953], %parallel_loop3A_951 {strides = array<i32>} : memref<128x16xf32, #tpu.memory_space<vmem>>, vector<16xf32>,
        %parallel_loop3A_955 = arith.constant 7 : i32
        %parallel_loop3A_956 = vector.broadcast %parallel_loop3A_955 : i32 to vector<16x1xi32>
        %parallel_loop3A_957 = vector.shape_cast %parallel_loop3A_956 : vector<16x1xi32> to vector<16xi32>
        %parallel_loop3A_958 = tpu.dynamic_gather %parallel_loop3A_849[%parallel_loop3A_957] in [0] : vector<16xf32>, vector<16xi32> -> vector<16xf32>
        %parallel_loop3A_959 = arith.constant 16 : i32
        %parallel_loop3A_960 = arith.muli %parallel_loop3A_844, %parallel_loop3A_959 : i32
        %parallel_loop3A_961 = arith.constant 7 : i32
        %parallel_loop3A_962 = arith.addi %parallel_loop3A_960, %parallel_loop3A_961 : i32
        %parallel_loop3A_963 = arith.index_cast %parallel_loop3A_962 : i32 to index
        %parallel_loop3A_964 = arith.constant 0 : index
        %parallel_loop3A_965 = tpu.vector_load %arg12[%parallel_loop3A_963, %parallel_loop3A_964] {strides = array<i32>} : memref<128x16xf32, #tpu.memory_space<vmem>>, vector<16xf32>,
        %parallel_loop3A_966 = arith.mulf %parallel_loop3A_965, %parallel_loop3A_958 : vector<16xf32>
        %parallel_loop3A_967 = arith.index_cast %parallel_loop3A_962 : i32 to index
        %parallel_loop3A_968 = arith.constant 0 : index
        %parallel_loop3A_969 = tpu.vector_load %arg12[%parallel_loop3A_967, %parallel_loop3A_968] {strides = array<i32>} : memref<128x16xf32, #tpu.memory_space<vmem>>, vector<16xf32>,
        tpu.vector_store %arg12[%parallel_loop3A_967, %parallel_loop3A_968], %parallel_loop3A_966 {strides = array<i32>} : memref<128x16xf32, #tpu.memory_space<vmem>>, vector<16xf32>,
        %parallel_loop3A_970 = arith.constant 8 : i32
        %parallel_loop3A_971 = vector.broadcast %parallel_loop3A_970 : i32 to vector<16x1xi32>
        %parallel_loop3A_972 = vector.shape_cast %parallel_loop3A_971 : vector<16x1xi32> to vector<16xi32>
        %parallel_loop3A_973 = tpu.dynamic_gather %parallel_loop3A_849[%parallel_loop3A_972] in [0] : vector<16xf32>, vector<16xi32> -> vector<16xf32>
        %parallel_loop3A_974 = arith.constant 16 : i32
        %parallel_loop3A_975 = arith.muli %parallel_loop3A_844, %parallel_loop3A_974 : i32
        %parallel_loop3A_976 = arith.constant 8 : i32
        %parallel_loop3A_977 = arith.addi %parallel_loop3A_975, %parallel_loop3A_976 : i32
        %parallel_loop3A_978 = arith.index_cast %parallel_loop3A_977 : i32 to index
        %parallel_loop3A_979 = arith.constant 0 : index
        %parallel_loop3A_980 = tpu.vector_load %arg12[%parallel_loop3A_978, %parallel_loop3A_979] {strides = array<i32>} : memref<128x16xf32, #tpu.memory_space<vmem>>, vector<16xf32>,
        %parallel_loop3A_981 = arith.mulf %parallel_loop3A_980, %parallel_loop3A_973 : vector<16xf32>
        %parallel_loop3A_982 = arith.index_cast %parallel_loop3A_977 : i32 to index
        %parallel_loop3A_983 = arith.constant 0 : index
        %parallel_loop3A_984 = tpu.vector_load %arg12[%parallel_loop3A_982, %parallel_loop3A_983] {strides = array<i32>} : memref<128x16xf32, #tpu.memory_space<vmem>>, vector<16xf32>,
        tpu.vector_store %arg12[%parallel_loop3A_982, %parallel_loop3A_983], %parallel_loop3A_981 {strides = array<i32>} : memref<128x16xf32, #tpu.memory_space<vmem>>, vector<16xf32>,
        %parallel_loop3A_985 = arith.constant 9 : i32
        %parallel_loop3A_986 = vector.broadcast %parallel_loop3A_985 : i32 to vector<16x1xi32>
        %parallel_loop3A_987 = vector.shape_cast %parallel_loop3A_986 : vector<16x1xi32> to vector<16xi32>
        %parallel_loop3A_988 = tpu.dynamic_gather %parallel_loop3A_849[%parallel_loop3A_987] in [0] : vector<16xf32>, vector<16xi32> -> vector<16xf32>
        %parallel_loop3A_989 = arith.constant 16 : i32
        %parallel_loop3A_990 = arith.muli %parallel_loop3A_844, %parallel_loop3A_989 : i32
        %parallel_loop3A_991 = arith.constant 9 : i32
        %parallel_loop3A_992 = arith.addi %parallel_loop3A_990, %parallel_loop3A_991 : i32
        %parallel_loop3A_993 = arith.index_cast %parallel_loop3A_992 : i32 to index
        %parallel_loop3A_994 = arith.constant 0 : index
        %parallel_loop3A_995 = tpu.vector_load %arg12[%parallel_loop3A_993, %parallel_loop3A_994] {strides = array<i32>} : memref<128x16xf32, #tpu.memory_space<vmem>>, vector<16xf32>,
        %parallel_loop3A_996 = arith.mulf %parallel_loop3A_995, %parallel_loop3A_988 : vector<16xf32>
        %parallel_loop3A_997 = arith.index_cast %parallel_loop3A_992 : i32 to index
        %parallel_loop3A_998 = arith.constant 0 : index
        %parallel_loop3A_999 = tpu.vector_load %arg12[%parallel_loop3A_997, %parallel_loop3A_998] {strides = array<i32>} : memref<128x16xf32, #tpu.memory_space<vmem>>, vector<16xf32>,
        tpu.vector_store %arg12[%parallel_loop3A_997, %parallel_loop3A_998], %parallel_loop3A_996 {strides = array<i32>} : memref<128x16xf32, #tpu.memory_space<vmem>>, vector<16xf32>,
        %parallel_loop3A_1000 = arith.constant 10 : i32
        %parallel_loop3A_1001 = vector.broadcast %parallel_loop3A_1000 : i32 to vector<16x1xi32>
        %parallel_loop3A_1002 = vector.shape_cast %parallel_loop3A_1001 : vector<16x1xi32> to vector<16xi32>
        %parallel_loop3A_1003 = tpu.dynamic_gather %parallel_loop3A_849[%parallel_loop3A_1002] in [0] : vector<16xf32>, vector<16xi32> -> vector<16xf32>
        %parallel_loop3A_1004 = arith.constant 16 : i32
        %parallel_loop3A_1005 = arith.muli %parallel_loop3A_844, %parallel_loop3A_1004 : i32
        %parallel_loop3A_1006 = arith.constant 10 : i32
        %parallel_loop3A_1007 = arith.addi %parallel_loop3A_1005, %parallel_loop3A_1006 : i32
        %parallel_loop3A_1008 = arith.index_cast %parallel_loop3A_1007 : i32 to index
        %parallel_loop3A_1009 = arith.constant 0 : index
        %parallel_loop3A_1010 = tpu.vector_load %arg12[%parallel_loop3A_1008, %parallel_loop3A_1009] {strides = array<i32>} : memref<128x16xf32, #tpu.memory_space<vmem>>, vector<16xf32>,
        %parallel_loop3A_1011 = arith.mulf %parallel_loop3A_1010, %parallel_loop3A_1003 : vector<16xf32>
        %parallel_loop3A_1012 = arith.index_cast %parallel_loop3A_1007 : i32 to index
        %parallel_loop3A_1013 = arith.constant 0 : index
        %parallel_loop3A_1014 = tpu.vector_load %arg12[%parallel_loop3A_1012, %parallel_loop3A_1013] {strides = array<i32>} : memref<128x16xf32, #tpu.memory_space<vmem>>, vector<16xf32>,
        tpu.vector_store %arg12[%parallel_loop3A_1012, %parallel_loop3A_1013], %parallel_loop3A_1011 {strides = array<i32>} : memref<128x16xf32, #tpu.memory_space<vmem>>, vector<16xf32>,
        %parallel_loop3A_1015 = arith.constant 11 : i32
        %parallel_loop3A_1016 = vector.broadcast %parallel_loop3A_1015 : i32 to vector<16x1xi32>
        %parallel_loop3A_1017 = vector.shape_cast %parallel_loop3A_1016 : vector<16x1xi32> to vector<16xi32>
        %parallel_loop3A_1018 = tpu.dynamic_gather %parallel_loop3A_849[%parallel_loop3A_1017] in [0] : vector<16xf32>, vector<16xi32> -> vector<16xf32>
        %parallel_loop3A_1019 = arith.constant 16 : i32
        %parallel_loop3A_1020 = arith.muli %parallel_loop3A_844, %parallel_loop3A_1019 : i32
        %parallel_loop3A_1021 = arith.constant 11 : i32
        %parallel_loop3A_1022 = arith.addi %parallel_loop3A_1020, %parallel_loop3A_1021 : i32
        %parallel_loop3A_1023 = arith.index_cast %parallel_loop3A_1022 : i32 to index
        %parallel_loop3A_1024 = arith.constant 0 : index
        %parallel_loop3A_1025 = tpu.vector_load %arg12[%parallel_loop3A_1023, %parallel_loop3A_1024] {strides = array<i32>} : memref<128x16xf32, #tpu.memory_space<vmem>>, vector<16xf32>,
        %parallel_loop3A_1026 = arith.mulf %parallel_loop3A_1025, %parallel_loop3A_1018 : vector<16xf32>
        %parallel_loop3A_1027 = arith.index_cast %parallel_loop3A_1022 : i32 to index
        %parallel_loop3A_1028 = arith.constant 0 : index
        %parallel_loop3A_1029 = tpu.vector_load %arg12[%parallel_loop3A_1027, %parallel_loop3A_1028] {strides = array<i32>} : memref<128x16xf32, #tpu.memory_space<vmem>>, vector<16xf32>,
        tpu.vector_store %arg12[%parallel_loop3A_1027, %parallel_loop3A_1028], %parallel_loop3A_1026 {strides = array<i32>} : memref<128x16xf32, #tpu.memory_space<vmem>>, vector<16xf32>,
        %parallel_loop3A_1030 = arith.constant 12 : i32
        %parallel_loop3A_1031 = vector.broadcast %parallel_loop3A_1030 : i32 to vector<16x1xi32>
        %parallel_loop3A_1032 = vector.shape_cast %parallel_loop3A_1031 : vector<16x1xi32> to vector<16xi32>
        %parallel_loop3A_1033 = tpu.dynamic_gather %parallel_loop3A_849[%parallel_loop3A_1032] in [0] : vector<16xf32>, vector<16xi32> -> vector<16xf32>
        %parallel_loop3A_1034 = arith.constant 16 : i32
        %parallel_loop3A_1035 = arith.muli %parallel_loop3A_844, %parallel_loop3A_1034 : i32
        %parallel_loop3A_1036 = arith.constant 12 : i32
        %parallel_loop3A_1037 = arith.addi %parallel_loop3A_1035, %parallel_loop3A_1036 : i32
        %parallel_loop3A_1038 = arith.index_cast %parallel_loop3A_1037 : i32 to index
        %parallel_loop3A_1039 = arith.constant 0 : index
        %parallel_loop3A_1040 = tpu.vector_load %arg12[%parallel_loop3A_1038, %parallel_loop3A_1039] {strides = array<i32>} : memref<128x16xf32, #tpu.memory_space<vmem>>, vector<16xf32>,
        %parallel_loop3A_1041 = arith.mulf %parallel_loop3A_1040, %parallel_loop3A_1033 : vector<16xf32>
        %parallel_loop3A_1042 = arith.index_cast %parallel_loop3A_1037 : i32 to index
        %parallel_loop3A_1043 = arith.constant 0 : index
        %parallel_loop3A_1044 = tpu.vector_load %arg12[%parallel_loop3A_1042, %parallel_loop3A_1043] {strides = array<i32>} : memref<128x16xf32, #tpu.memory_space<vmem>>, vector<16xf32>,
        tpu.vector_store %arg12[%parallel_loop3A_1042, %parallel_loop3A_1043], %parallel_loop3A_1041 {strides = array<i32>} : memref<128x16xf32, #tpu.memory_space<vmem>>, vector<16xf32>,
        %parallel_loop3A_1045 = arith.constant 13 : i32
        %parallel_loop3A_1046 = vector.broadcast %parallel_loop3A_1045 : i32 to vector<16x1xi32>
        %parallel_loop3A_1047 = vector.shape_cast %parallel_loop3A_1046 : vector<16x1xi32> to vector<16xi32>
        %parallel_loop3A_1048 = tpu.dynamic_gather %parallel_loop3A_849[%parallel_loop3A_1047] in [0] : vector<16xf32>, vector<16xi32> -> vector<16xf32>
        %parallel_loop3A_1049 = arith.constant 16 : i32
        %parallel_loop3A_1050 = arith.muli %parallel_loop3A_844, %parallel_loop3A_1049 : i32
        %parallel_loop3A_1051 = arith.constant 13 : i32
        %parallel_loop3A_1052 = arith.addi %parallel_loop3A_1050, %parallel_loop3A_1051 : i32
        %parallel_loop3A_1053 = arith.index_cast %parallel_loop3A_1052 : i32 to index
        %parallel_loop3A_1054 = arith.constant 0 : index
        %parallel_loop3A_1055 = tpu.vector_load %arg12[%parallel_loop3A_1053, %parallel_loop3A_1054] {strides = array<i32>} : memref<128x16xf32, #tpu.memory_space<vmem>>, vector<16xf32>,
        %parallel_loop3A_1056 = arith.mulf %parallel_loop3A_1055, %parallel_loop3A_1048 : vector<16xf32>
        %parallel_loop3A_1057 = arith.index_cast %parallel_loop3A_1052 : i32 to index
        %parallel_loop3A_1058 = arith.constant 0 : index
        %parallel_loop3A_1059 = tpu.vector_load %arg12[%parallel_loop3A_1057, %parallel_loop3A_1058] {strides = array<i32>} : memref<128x16xf32, #tpu.memory_space<vmem>>, vector<16xf32>,
        tpu.vector_store %arg12[%parallel_loop3A_1057, %parallel_loop3A_1058], %parallel_loop3A_1056 {strides = array<i32>} : memref<128x16xf32, #tpu.memory_space<vmem>>, vector<16xf32>,
        %parallel_loop3A_1060 = arith.constant 14 : i32
        %parallel_loop3A_1061 = vector.broadcast %parallel_loop3A_1060 : i32 to vector<16x1xi32>
        %parallel_loop3A_1062 = vector.shape_cast %parallel_loop3A_1061 : vector<16x1xi32> to vector<16xi32>
        %parallel_loop3A_1063 = tpu.dynamic_gather %parallel_loop3A_849[%parallel_loop3A_1062] in [0] : vector<16xf32>, vector<16xi32> -> vector<16xf32>
        %parallel_loop3A_1064 = arith.constant 16 : i32
        %parallel_loop3A_1065 = arith.muli %parallel_loop3A_844, %parallel_loop3A_1064 : i32
        %parallel_loop3A_1066 = arith.constant 14 : i32
        %parallel_loop3A_1067 = arith.addi %parallel_loop3A_1065, %parallel_loop3A_1066 : i32
        %parallel_loop3A_1068 = arith.index_cast %parallel_loop3A_1067 : i32 to index
        %parallel_loop3A_1069 = arith.constant 0 : index
        %parallel_loop3A_1070 = tpu.vector_load %arg12[%parallel_loop3A_1068, %parallel_loop3A_1069] {strides = array<i32>} : memref<128x16xf32, #tpu.memory_space<vmem>>, vector<16xf32>,
        %parallel_loop3A_1071 = arith.mulf %parallel_loop3A_1070, %parallel_loop3A_1063 : vector<16xf32>
        %parallel_loop3A_1072 = arith.index_cast %parallel_loop3A_1067 : i32 to index
        %parallel_loop3A_1073 = arith.constant 0 : index
        %parallel_loop3A_1074 = tpu.vector_load %arg12[%parallel_loop3A_1072, %parallel_loop3A_1073] {strides = array<i32>} : memref<128x16xf32, #tpu.memory_space<vmem>>, vector<16xf32>,
        tpu.vector_store %arg12[%parallel_loop3A_1072, %parallel_loop3A_1073], %parallel_loop3A_1071 {strides = array<i32>} : memref<128x16xf32, #tpu.memory_space<vmem>>, vector<16xf32>,
        %parallel_loop3A_1075 = arith.constant 15 : i32
        %parallel_loop3A_1076 = vector.broadcast %parallel_loop3A_1075 : i32 to vector<16x1xi32>
        %parallel_loop3A_1077 = vector.shape_cast %parallel_loop3A_1076 : vector<16x1xi32> to vector<16xi32>
        %parallel_loop3A_1078 = tpu.dynamic_gather %parallel_loop3A_849[%parallel_loop3A_1077] in [0] : vector<16xf32>, vector<16xi32> -> vector<16xf32>
        %parallel_loop3A_1079 = arith.constant 16 : i32
        %parallel_loop3A_1080 = arith.muli %parallel_loop3A_844, %parallel_loop3A_1079 : i32
        %parallel_loop3A_1081 = arith.constant 15 : i32
        %parallel_loop3A_1082 = arith.addi %parallel_loop3A_1080, %parallel_loop3A_1081 : i32
        %parallel_loop3A_1083 = arith.index_cast %parallel_loop3A_1082 : i32 to index
        %parallel_loop3A_1084 = arith.constant 0 : index
        %parallel_loop3A_1085 = tpu.vector_load %arg12[%parallel_loop3A_1083, %parallel_loop3A_1084] {strides = array<i32>} : memref<128x16xf32, #tpu.memory_space<vmem>>, vector<16xf32>,
        %parallel_loop3A_1086 = arith.mulf %parallel_loop3A_1085, %parallel_loop3A_1078 : vector<16xf32>
        %parallel_loop3A_1087 = arith.index_cast %parallel_loop3A_1082 : i32 to index
        %parallel_loop3A_1088 = arith.constant 0 : index
        %parallel_loop3A_1089 = tpu.vector_load %arg12[%parallel_loop3A_1087, %parallel_loop3A_1088] {strides = array<i32>} : memref<128x16xf32, #tpu.memory_space<vmem>>, vector<16xf32>,
        tpu.vector_store %arg12[%parallel_loop3A_1087, %parallel_loop3A_1088], %parallel_loop3A_1086 {strides = array<i32>} : memref<128x16xf32, #tpu.memory_space<vmem>>, vector<16xf32>,
      } {sc.loop_unroll_factor = 4 : i64, sc.parallel_access}
      %dma_start3A_781 = arith.constant 0 : i32
      %dma_start3A_782 = tpu.memref_slice %arg8[%add3A_770, %dma_start3A_781] : memref<64x128xi32, #tpu.memory_space<vmem>> -> memref<1x128xi32, #tpu.memory_space<vmem>>
      %dma_start3A_783 = tpu.memref_squeeze %dma_start3A_782 : memref<1x128xi32, #tpu.memory_space<vmem>> -> memref<128xi32, #tpu.memory_space<vmem>>
      %dma_start3A_784 = arith.constant 0 : i32
      %dma_start3A_785 = arith.constant 0 : i32
      %dma_start3A_786 = tpu.memref_slice %arg17[%dma_start3A_784, %dma_start3A_785] : memref<16384x16xf32, #tpu.memory_space<vmem_shared>> -> memref<16384x16xf32, #tpu.memory_space<vmem_shared>>
      tpu.enqueue_indirect_dma source(%arg12 : memref<128x16xf32, #tpu.memory_space<vmem>>) target(%dma_start3A_786 : memref<16384x16xf32, #tpu.memory_space<vmem_shared>>) offsets(%dma_start3A_783 : memref<128xi32, #tpu.memory_space<vmem>>) semaphore(%arg24 : memref<!tpu.dma_semaphore, #tpu.memory_space<semaphore_mem>>) {add = true}
      %dma_wait3A_787 = arith.constant 0 : i32
      %dma_wait3A_788 = arith.constant 0 : i32
      %dma_wait3A_789 = tpu.memref_slice %arg8[%dma_wait3A_787, %dma_wait3A_788] : memref<64x128xi32, #tpu.memory_space<vmem>> -> memref<1x128xi32, #tpu.memory_space<vmem>>
      %dma_wait3A_790 = tpu.memref_squeeze %dma_wait3A_789 : memref<1x128xi32, #tpu.memory_space<vmem>> -> memref<128xi32, #tpu.memory_space<vmem>>
      %dma_wait3A_791 = arith.constant 0 : i32
      %dma_wait3A_792 = arith.constant 0 : i32
      %dma_wait3A_793 = tpu.memref_slice %arg17[%dma_wait3A_791, %dma_wait3A_792] : memref<16384x16xf32, #tpu.memory_space<vmem_shared>> -> memref<16384x16xf32, #tpu.memory_space<vmem_shared>>
      tpu.wait_indirect_dma semaphore(%arg23 : memref<!tpu.dma_semaphore, #tpu.memory_space<semaphore_mem>>) src(%arg11 : memref<128x16xf32, #tpu.memory_space<vmem>>) dst(%dma_wait3A_793 : memref<16384x16xf32, #tpu.memory_space<vmem_shared>>)
      %add3A_794 = arith.constant 2 : i32
      %add3A_795 = arith.addi %mul3A_694, %add3A_794 : i32
      %add3A_796 = arith.constant 3 : i32
      %add3A_797 = arith.addi %add3A_795, %add3A_796 : i32
      %min3A_798 = arith.constant 63 : i32
      %min3A_799 = arith.minsi %add3A_797, %min3A_798 : i32
      %dma_start3A_800 = arith.constant 0 : i32
      %dma_start3A_801 = tpu.memref_slice %arg7[%min3A_799, %dma_start3A_800] : memref<64x128xi32, #tpu.memory_space<vmem>> -> memref<1x128xi32, #tpu.memory_space<vmem>>
      %dma_start3A_802 = tpu.memref_squeeze %dma_start3A_801 : memref<1x128xi32, #tpu.memory_space<vmem>> -> memref<128xi32, #tpu.memory_space<vmem>>
      %dma_start3A_803 = arith.constant 0 : i32
      %dma_start3A_804 = arith.constant 0 : i32
      %dma_start3A_805 = tpu.memref_slice %arg16[%dma_start3A_803, %dma_start3A_804] : memref<16384x16xf32, #tpu.memory_space<vmem_shared>> -> memref<16384x16xf32, #tpu.memory_space<vmem_shared>>
      tpu.enqueue_indirect_dma source(%dma_start3A_805 : memref<16384x16xf32, #tpu.memory_space<vmem_shared>>) target(%arg11 : memref<128x16xf32, #tpu.memory_space<vmem>>) offsets(%dma_start3A_802 : memref<128xi32, #tpu.memory_space<vmem>>) semaphore(%arg19 : memref<!tpu.dma_semaphore, #tpu.memory_space<semaphore_mem>>)
      %add3A_806 = arith.constant 3 : i32
      %add3A_807 = arith.addi %mul3A_694, %add3A_806 : i32
      %dma_wait3A_808 = arith.constant 0 : i32
      %dma_wait3A_809 = arith.constant 0 : i32
      %dma_wait3A_810 = tpu.memref_slice %arg7[%dma_wait3A_808, %dma_wait3A_809] : memref<64x128xi32, #tpu.memory_space<vmem>> -> memref<1x128xi32, #tpu.memory_space<vmem>>
      %dma_wait3A_811 = tpu.memref_squeeze %dma_wait3A_810 : memref<1x128xi32, #tpu.memory_space<vmem>> -> memref<128xi32, #tpu.memory_space<vmem>>
      %dma_wait3A_812 = arith.constant 0 : i32
      %dma_wait3A_813 = arith.constant 0 : i32
      %dma_wait3A_814 = tpu.memref_slice %arg16[%dma_wait3A_812, %dma_wait3A_813] : memref<16384x16xf32, #tpu.memory_space<vmem_shared>> -> memref<16384x16xf32, #tpu.memory_space<vmem_shared>>
      tpu.wait_indirect_dma semaphore(%arg21 : memref<!tpu.dma_semaphore, #tpu.memory_space<semaphore_mem>>) src(%dma_wait3A_814 : memref<16384x16xf32, #tpu.memory_space<vmem_shared>>) dst(%arg13 : memref<128x16xf32, #tpu.memory_space<vmem>>)
      %parallel_loop3A_815 = arith.constant 0 : i32
      %parallel_loop3A_816 = arith.constant 8 : i32
      %parallel_loop3A_817 = arith.constant 1 : i32
      scf.for %parallel_loop3A_844 = %parallel_loop3A_815 to %parallel_loop3A_816 step %parallel_loop3A_817  : i32 {
        %parallel_loop3A_845 = arith.constant 16 : i32
        %parallel_loop3A_846 = arith.muli %parallel_loop3A_844, %parallel_loop3A_845 : i32
        %parallel_loop3A_847 = arith.index_cast %add3A_807 : i32 to index
        %parallel_loop3A_848 = arith.index_cast %parallel_loop3A_846 : i32 to index
        %parallel_loop3A_849 = tpu.vector_load %arg9[%parallel_loop3A_847, %parallel_loop3A_848] {strides = array<i32>} : memref<64x128xf32, #tpu.memory_space<vmem>>, vector<16xf32>,
        %parallel_loop3A_850 = arith.constant 0 : i32
        %parallel_loop3A_851 = vector.broadcast %parallel_loop3A_850 : i32 to vector<16x1xi32>
        %parallel_loop3A_852 = vector.shape_cast %parallel_loop3A_851 : vector<16x1xi32> to vector<16xi32>
        %parallel_loop3A_853 = tpu.dynamic_gather %parallel_loop3A_849[%parallel_loop3A_852] in [0] : vector<16xf32>, vector<16xi32> -> vector<16xf32>
        %parallel_loop3A_854 = arith.constant 16 : i32
        %parallel_loop3A_855 = arith.muli %parallel_loop3A_844, %parallel_loop3A_854 : i32
        %parallel_loop3A_856 = arith.constant 0 : i32
        %parallel_loop3A_857 = arith.addi %parallel_loop3A_855, %parallel_loop3A_856 : i32
        %parallel_loop3A_858 = arith.index_cast %parallel_loop3A_857 : i32 to index
        %parallel_loop3A_859 = arith.constant 0 : index
        %parallel_loop3A_860 = tpu.vector_load %arg13[%parallel_loop3A_858, %parallel_loop3A_859] {strides = array<i32>} : memref<128x16xf32, #tpu.memory_space<vmem>>, vector<16xf32>,
        %parallel_loop3A_861 = arith.mulf %parallel_loop3A_860, %parallel_loop3A_853 : vector<16xf32>
        %parallel_loop3A_862 = arith.index_cast %parallel_loop3A_857 : i32 to index
        %parallel_loop3A_863 = arith.constant 0 : index
        %parallel_loop3A_864 = tpu.vector_load %arg13[%parallel_loop3A_862, %parallel_loop3A_863] {strides = array<i32>} : memref<128x16xf32, #tpu.memory_space<vmem>>, vector<16xf32>,
        tpu.vector_store %arg13[%parallel_loop3A_862, %parallel_loop3A_863], %parallel_loop3A_861 {strides = array<i32>} : memref<128x16xf32, #tpu.memory_space<vmem>>, vector<16xf32>,
        %parallel_loop3A_865 = arith.constant 1 : i32
        %parallel_loop3A_866 = vector.broadcast %parallel_loop3A_865 : i32 to vector<16x1xi32>
        %parallel_loop3A_867 = vector.shape_cast %parallel_loop3A_866 : vector<16x1xi32> to vector<16xi32>
        %parallel_loop3A_868 = tpu.dynamic_gather %parallel_loop3A_849[%parallel_loop3A_867] in [0] : vector<16xf32>, vector<16xi32> -> vector<16xf32>
        %parallel_loop3A_869 = arith.constant 16 : i32
        %parallel_loop3A_870 = arith.muli %parallel_loop3A_844, %parallel_loop3A_869 : i32
        %parallel_loop3A_871 = arith.constant 1 : i32
        %parallel_loop3A_872 = arith.addi %parallel_loop3A_870, %parallel_loop3A_871 : i32
        %parallel_loop3A_873 = arith.index_cast %parallel_loop3A_872 : i32 to index
        %parallel_loop3A_874 = arith.constant 0 : index
        %parallel_loop3A_875 = tpu.vector_load %arg13[%parallel_loop3A_873, %parallel_loop3A_874] {strides = array<i32>} : memref<128x16xf32, #tpu.memory_space<vmem>>, vector<16xf32>,
        %parallel_loop3A_876 = arith.mulf %parallel_loop3A_875, %parallel_loop3A_868 : vector<16xf32>
        %parallel_loop3A_877 = arith.index_cast %parallel_loop3A_872 : i32 to index
        %parallel_loop3A_878 = arith.constant 0 : index
        %parallel_loop3A_879 = tpu.vector_load %arg13[%parallel_loop3A_877, %parallel_loop3A_878] {strides = array<i32>} : memref<128x16xf32, #tpu.memory_space<vmem>>, vector<16xf32>,
        tpu.vector_store %arg13[%parallel_loop3A_877, %parallel_loop3A_878], %parallel_loop3A_876 {strides = array<i32>} : memref<128x16xf32, #tpu.memory_space<vmem>>, vector<16xf32>,
        %parallel_loop3A_880 = arith.constant 2 : i32
        %parallel_loop3A_881 = vector.broadcast %parallel_loop3A_880 : i32 to vector<16x1xi32>
        %parallel_loop3A_882 = vector.shape_cast %parallel_loop3A_881 : vector<16x1xi32> to vector<16xi32>
        %parallel_loop3A_883 = tpu.dynamic_gather %parallel_loop3A_849[%parallel_loop3A_882] in [0] : vector<16xf32>, vector<16xi32> -> vector<16xf32>
        %parallel_loop3A_884 = arith.constant 16 : i32
        %parallel_loop3A_885 = arith.muli %parallel_loop3A_844, %parallel_loop3A_884 : i32
        %parallel_loop3A_886 = arith.constant 2 : i32
        %parallel_loop3A_887 = arith.addi %parallel_loop3A_885, %parallel_loop3A_886 : i32
        %parallel_loop3A_888 = arith.index_cast %parallel_loop3A_887 : i32 to index
        %parallel_loop3A_889 = arith.constant 0 : index
        %parallel_loop3A_890 = tpu.vector_load %arg13[%parallel_loop3A_888, %parallel_loop3A_889] {strides = array<i32>} : memref<128x16xf32, #tpu.memory_space<vmem>>, vector<16xf32>,
        %parallel_loop3A_891 = arith.mulf %parallel_loop3A_890, %parallel_loop3A_883 : vector<16xf32>
        %parallel_loop3A_892 = arith.index_cast %parallel_loop3A_887 : i32 to index
        %parallel_loop3A_893 = arith.constant 0 : index
        %parallel_loop3A_894 = tpu.vector_load %arg13[%parallel_loop3A_892, %parallel_loop3A_893] {strides = array<i32>} : memref<128x16xf32, #tpu.memory_space<vmem>>, vector<16xf32>,
        tpu.vector_store %arg13[%parallel_loop3A_892, %parallel_loop3A_893], %parallel_loop3A_891 {strides = array<i32>} : memref<128x16xf32, #tpu.memory_space<vmem>>, vector<16xf32>,
        %parallel_loop3A_895 = arith.constant 3 : i32
        %parallel_loop3A_896 = vector.broadcast %parallel_loop3A_895 : i32 to vector<16x1xi32>
        %parallel_loop3A_897 = vector.shape_cast %parallel_loop3A_896 : vector<16x1xi32> to vector<16xi32>
        %parallel_loop3A_898 = tpu.dynamic_gather %parallel_loop3A_849[%parallel_loop3A_897] in [0] : vector<16xf32>, vector<16xi32> -> vector<16xf32>
        %parallel_loop3A_899 = arith.constant 16 : i32
        %parallel_loop3A_900 = arith.muli %parallel_loop3A_844, %parallel_loop3A_899 : i32
        %parallel_loop3A_901 = arith.constant 3 : i32
        %parallel_loop3A_902 = arith.addi %parallel_loop3A_900, %parallel_loop3A_901 : i32
        %parallel_loop3A_903 = arith.index_cast %parallel_loop3A_902 : i32 to index
        %parallel_loop3A_904 = arith.constant 0 : index
        %parallel_loop3A_905 = tpu.vector_load %arg13[%parallel_loop3A_903, %parallel_loop3A_904] {strides = array<i32>} : memref<128x16xf32, #tpu.memory_space<vmem>>, vector<16xf32>,
        %parallel_loop3A_906 = arith.mulf %parallel_loop3A_905, %parallel_loop3A_898 : vector<16xf32>
        %parallel_loop3A_907 = arith.index_cast %parallel_loop3A_902 : i32 to index
        %parallel_loop3A_908 = arith.constant 0 : index
        %parallel_loop3A_909 = tpu.vector_load %arg13[%parallel_loop3A_907, %parallel_loop3A_908] {strides = array<i32>} : memref<128x16xf32, #tpu.memory_space<vmem>>, vector<16xf32>,
        tpu.vector_store %arg13[%parallel_loop3A_907, %parallel_loop3A_908], %parallel_loop3A_906 {strides = array<i32>} : memref<128x16xf32, #tpu.memory_space<vmem>>, vector<16xf32>,
        %parallel_loop3A_910 = arith.constant 4 : i32
        %parallel_loop3A_911 = vector.broadcast %parallel_loop3A_910 : i32 to vector<16x1xi32>
        %parallel_loop3A_912 = vector.shape_cast %parallel_loop3A_911 : vector<16x1xi32> to vector<16xi32>
        %parallel_loop3A_913 = tpu.dynamic_gather %parallel_loop3A_849[%parallel_loop3A_912] in [0] : vector<16xf32>, vector<16xi32> -> vector<16xf32>
        %parallel_loop3A_914 = arith.constant 16 : i32
        %parallel_loop3A_915 = arith.muli %parallel_loop3A_844, %parallel_loop3A_914 : i32
        %parallel_loop3A_916 = arith.constant 4 : i32
        %parallel_loop3A_917 = arith.addi %parallel_loop3A_915, %parallel_loop3A_916 : i32
        %parallel_loop3A_918 = arith.index_cast %parallel_loop3A_917 : i32 to index
        %parallel_loop3A_919 = arith.constant 0 : index
        %parallel_loop3A_920 = tpu.vector_load %arg13[%parallel_loop3A_918, %parallel_loop3A_919] {strides = array<i32>} : memref<128x16xf32, #tpu.memory_space<vmem>>, vector<16xf32>,
        %parallel_loop3A_921 = arith.mulf %parallel_loop3A_920, %parallel_loop3A_913 : vector<16xf32>
        %parallel_loop3A_922 = arith.index_cast %parallel_loop3A_917 : i32 to index
        %parallel_loop3A_923 = arith.constant 0 : index
        %parallel_loop3A_924 = tpu.vector_load %arg13[%parallel_loop3A_922, %parallel_loop3A_923] {strides = array<i32>} : memref<128x16xf32, #tpu.memory_space<vmem>>, vector<16xf32>,
        tpu.vector_store %arg13[%parallel_loop3A_922, %parallel_loop3A_923], %parallel_loop3A_921 {strides = array<i32>} : memref<128x16xf32, #tpu.memory_space<vmem>>, vector<16xf32>,
        %parallel_loop3A_925 = arith.constant 5 : i32
        %parallel_loop3A_926 = vector.broadcast %parallel_loop3A_925 : i32 to vector<16x1xi32>
        %parallel_loop3A_927 = vector.shape_cast %parallel_loop3A_926 : vector<16x1xi32> to vector<16xi32>
        %parallel_loop3A_928 = tpu.dynamic_gather %parallel_loop3A_849[%parallel_loop3A_927] in [0] : vector<16xf32>, vector<16xi32> -> vector<16xf32>
        %parallel_loop3A_929 = arith.constant 16 : i32
        %parallel_loop3A_930 = arith.muli %parallel_loop3A_844, %parallel_loop3A_929 : i32
        %parallel_loop3A_931 = arith.constant 5 : i32
        %parallel_loop3A_932 = arith.addi %parallel_loop3A_930, %parallel_loop3A_931 : i32
        %parallel_loop3A_933 = arith.index_cast %parallel_loop3A_932 : i32 to index
        %parallel_loop3A_934 = arith.constant 0 : index
        %parallel_loop3A_935 = tpu.vector_load %arg13[%parallel_loop3A_933, %parallel_loop3A_934] {strides = array<i32>} : memref<128x16xf32, #tpu.memory_space<vmem>>, vector<16xf32>,
        %parallel_loop3A_936 = arith.mulf %parallel_loop3A_935, %parallel_loop3A_928 : vector<16xf32>
        %parallel_loop3A_937 = arith.index_cast %parallel_loop3A_932 : i32 to index
        %parallel_loop3A_938 = arith.constant 0 : index
        %parallel_loop3A_939 = tpu.vector_load %arg13[%parallel_loop3A_937, %parallel_loop3A_938] {strides = array<i32>} : memref<128x16xf32, #tpu.memory_space<vmem>>, vector<16xf32>,
        tpu.vector_store %arg13[%parallel_loop3A_937, %parallel_loop3A_938], %parallel_loop3A_936 {strides = array<i32>} : memref<128x16xf32, #tpu.memory_space<vmem>>, vector<16xf32>,
        %parallel_loop3A_940 = arith.constant 6 : i32
        %parallel_loop3A_941 = vector.broadcast %parallel_loop3A_940 : i32 to vector<16x1xi32>
        %parallel_loop3A_942 = vector.shape_cast %parallel_loop3A_941 : vector<16x1xi32> to vector<16xi32>
        %parallel_loop3A_943 = tpu.dynamic_gather %parallel_loop3A_849[%parallel_loop3A_942] in [0] : vector<16xf32>, vector<16xi32> -> vector<16xf32>
        %parallel_loop3A_944 = arith.constant 16 : i32
        %parallel_loop3A_945 = arith.muli %parallel_loop3A_844, %parallel_loop3A_944 : i32
        %parallel_loop3A_946 = arith.constant 6 : i32
        %parallel_loop3A_947 = arith.addi %parallel_loop3A_945, %parallel_loop3A_946 : i32
        %parallel_loop3A_948 = arith.index_cast %parallel_loop3A_947 : i32 to index
        %parallel_loop3A_949 = arith.constant 0 : index
        %parallel_loop3A_950 = tpu.vector_load %arg13[%parallel_loop3A_948, %parallel_loop3A_949] {strides = array<i32>} : memref<128x16xf32, #tpu.memory_space<vmem>>, vector<16xf32>,
        %parallel_loop3A_951 = arith.mulf %parallel_loop3A_950, %parallel_loop3A_943 : vector<16xf32>
        %parallel_loop3A_952 = arith.index_cast %parallel_loop3A_947 : i32 to index
        %parallel_loop3A_953 = arith.constant 0 : index
        %parallel_loop3A_954 = tpu.vector_load %arg13[%parallel_loop3A_952, %parallel_loop3A_953] {strides = array<i32>} : memref<128x16xf32, #tpu.memory_space<vmem>>, vector<16xf32>,
        tpu.vector_store %arg13[%parallel_loop3A_952, %parallel_loop3A_953], %parallel_loop3A_951 {strides = array<i32>} : memref<128x16xf32, #tpu.memory_space<vmem>>, vector<16xf32>,
        %parallel_loop3A_955 = arith.constant 7 : i32
        %parallel_loop3A_956 = vector.broadcast %parallel_loop3A_955 : i32 to vector<16x1xi32>
        %parallel_loop3A_957 = vector.shape_cast %parallel_loop3A_956 : vector<16x1xi32> to vector<16xi32>
        %parallel_loop3A_958 = tpu.dynamic_gather %parallel_loop3A_849[%parallel_loop3A_957] in [0] : vector<16xf32>, vector<16xi32> -> vector<16xf32>
        %parallel_loop3A_959 = arith.constant 16 : i32
        %parallel_loop3A_960 = arith.muli %parallel_loop3A_844, %parallel_loop3A_959 : i32
        %parallel_loop3A_961 = arith.constant 7 : i32
        %parallel_loop3A_962 = arith.addi %parallel_loop3A_960, %parallel_loop3A_961 : i32
        %parallel_loop3A_963 = arith.index_cast %parallel_loop3A_962 : i32 to index
        %parallel_loop3A_964 = arith.constant 0 : index
        %parallel_loop3A_965 = tpu.vector_load %arg13[%parallel_loop3A_963, %parallel_loop3A_964] {strides = array<i32>} : memref<128x16xf32, #tpu.memory_space<vmem>>, vector<16xf32>,
        %parallel_loop3A_966 = arith.mulf %parallel_loop3A_965, %parallel_loop3A_958 : vector<16xf32>
        %parallel_loop3A_967 = arith.index_cast %parallel_loop3A_962 : i32 to index
        %parallel_loop3A_968 = arith.constant 0 : index
        %parallel_loop3A_969 = tpu.vector_load %arg13[%parallel_loop3A_967, %parallel_loop3A_968] {strides = array<i32>} : memref<128x16xf32, #tpu.memory_space<vmem>>, vector<16xf32>,
        tpu.vector_store %arg13[%parallel_loop3A_967, %parallel_loop3A_968], %parallel_loop3A_966 {strides = array<i32>} : memref<128x16xf32, #tpu.memory_space<vmem>>, vector<16xf32>,
        %parallel_loop3A_970 = arith.constant 8 : i32
        %parallel_loop3A_971 = vector.broadcast %parallel_loop3A_970 : i32 to vector<16x1xi32>
        %parallel_loop3A_972 = vector.shape_cast %parallel_loop3A_971 : vector<16x1xi32> to vector<16xi32>
        %parallel_loop3A_973 = tpu.dynamic_gather %parallel_loop3A_849[%parallel_loop3A_972] in [0] : vector<16xf32>, vector<16xi32> -> vector<16xf32>
        %parallel_loop3A_974 = arith.constant 16 : i32
        %parallel_loop3A_975 = arith.muli %parallel_loop3A_844, %parallel_loop3A_974 : i32
        %parallel_loop3A_976 = arith.constant 8 : i32
        %parallel_loop3A_977 = arith.addi %parallel_loop3A_975, %parallel_loop3A_976 : i32
        %parallel_loop3A_978 = arith.index_cast %parallel_loop3A_977 : i32 to index
        %parallel_loop3A_979 = arith.constant 0 : index
        %parallel_loop3A_980 = tpu.vector_load %arg13[%parallel_loop3A_978, %parallel_loop3A_979] {strides = array<i32>} : memref<128x16xf32, #tpu.memory_space<vmem>>, vector<16xf32>,
        %parallel_loop3A_981 = arith.mulf %parallel_loop3A_980, %parallel_loop3A_973 : vector<16xf32>
        %parallel_loop3A_982 = arith.index_cast %parallel_loop3A_977 : i32 to index
        %parallel_loop3A_983 = arith.constant 0 : index
        %parallel_loop3A_984 = tpu.vector_load %arg13[%parallel_loop3A_982, %parallel_loop3A_983] {strides = array<i32>} : memref<128x16xf32, #tpu.memory_space<vmem>>, vector<16xf32>,
        tpu.vector_store %arg13[%parallel_loop3A_982, %parallel_loop3A_983], %parallel_loop3A_981 {strides = array<i32>} : memref<128x16xf32, #tpu.memory_space<vmem>>, vector<16xf32>,
        %parallel_loop3A_985 = arith.constant 9 : i32
        %parallel_loop3A_986 = vector.broadcast %parallel_loop3A_985 : i32 to vector<16x1xi32>
        %parallel_loop3A_987 = vector.shape_cast %parallel_loop3A_986 : vector<16x1xi32> to vector<16xi32>
        %parallel_loop3A_988 = tpu.dynamic_gather %parallel_loop3A_849[%parallel_loop3A_987] in [0] : vector<16xf32>, vector<16xi32> -> vector<16xf32>
        %parallel_loop3A_989 = arith.constant 16 : i32
        %parallel_loop3A_990 = arith.muli %parallel_loop3A_844, %parallel_loop3A_989 : i32
        %parallel_loop3A_991 = arith.constant 9 : i32
        %parallel_loop3A_992 = arith.addi %parallel_loop3A_990, %parallel_loop3A_991 : i32
        %parallel_loop3A_993 = arith.index_cast %parallel_loop3A_992 : i32 to index
        %parallel_loop3A_994 = arith.constant 0 : index
        %parallel_loop3A_995 = tpu.vector_load %arg13[%parallel_loop3A_993, %parallel_loop3A_994] {strides = array<i32>} : memref<128x16xf32, #tpu.memory_space<vmem>>, vector<16xf32>,
        %parallel_loop3A_996 = arith.mulf %parallel_loop3A_995, %parallel_loop3A_988 : vector<16xf32>
        %parallel_loop3A_997 = arith.index_cast %parallel_loop3A_992 : i32 to index
        %parallel_loop3A_998 = arith.constant 0 : index
        %parallel_loop3A_999 = tpu.vector_load %arg13[%parallel_loop3A_997, %parallel_loop3A_998] {strides = array<i32>} : memref<128x16xf32, #tpu.memory_space<vmem>>, vector<16xf32>,
        tpu.vector_store %arg13[%parallel_loop3A_997, %parallel_loop3A_998], %parallel_loop3A_996 {strides = array<i32>} : memref<128x16xf32, #tpu.memory_space<vmem>>, vector<16xf32>,
        %parallel_loop3A_1000 = arith.constant 10 : i32
        %parallel_loop3A_1001 = vector.broadcast %parallel_loop3A_1000 : i32 to vector<16x1xi32>
        %parallel_loop3A_1002 = vector.shape_cast %parallel_loop3A_1001 : vector<16x1xi32> to vector<16xi32>
        %parallel_loop3A_1003 = tpu.dynamic_gather %parallel_loop3A_849[%parallel_loop3A_1002] in [0] : vector<16xf32>, vector<16xi32> -> vector<16xf32>
        %parallel_loop3A_1004 = arith.constant 16 : i32
        %parallel_loop3A_1005 = arith.muli %parallel_loop3A_844, %parallel_loop3A_1004 : i32
        %parallel_loop3A_1006 = arith.constant 10 : i32
        %parallel_loop3A_1007 = arith.addi %parallel_loop3A_1005, %parallel_loop3A_1006 : i32
        %parallel_loop3A_1008 = arith.index_cast %parallel_loop3A_1007 : i32 to index
        %parallel_loop3A_1009 = arith.constant 0 : index
        %parallel_loop3A_1010 = tpu.vector_load %arg13[%parallel_loop3A_1008, %parallel_loop3A_1009] {strides = array<i32>} : memref<128x16xf32, #tpu.memory_space<vmem>>, vector<16xf32>,
        %parallel_loop3A_1011 = arith.mulf %parallel_loop3A_1010, %parallel_loop3A_1003 : vector<16xf32>
        %parallel_loop3A_1012 = arith.index_cast %parallel_loop3A_1007 : i32 to index
        %parallel_loop3A_1013 = arith.constant 0 : index
        %parallel_loop3A_1014 = tpu.vector_load %arg13[%parallel_loop3A_1012, %parallel_loop3A_1013] {strides = array<i32>} : memref<128x16xf32, #tpu.memory_space<vmem>>, vector<16xf32>,
        tpu.vector_store %arg13[%parallel_loop3A_1012, %parallel_loop3A_1013], %parallel_loop3A_1011 {strides = array<i32>} : memref<128x16xf32, #tpu.memory_space<vmem>>, vector<16xf32>,
        %parallel_loop3A_1015 = arith.constant 11 : i32
        %parallel_loop3A_1016 = vector.broadcast %parallel_loop3A_1015 : i32 to vector<16x1xi32>
        %parallel_loop3A_1017 = vector.shape_cast %parallel_loop3A_1016 : vector<16x1xi32> to vector<16xi32>
        %parallel_loop3A_1018 = tpu.dynamic_gather %parallel_loop3A_849[%parallel_loop3A_1017] in [0] : vector<16xf32>, vector<16xi32> -> vector<16xf32>
        %parallel_loop3A_1019 = arith.constant 16 : i32
        %parallel_loop3A_1020 = arith.muli %parallel_loop3A_844, %parallel_loop3A_1019 : i32
        %parallel_loop3A_1021 = arith.constant 11 : i32
        %parallel_loop3A_1022 = arith.addi %parallel_loop3A_1020, %parallel_loop3A_1021 : i32
        %parallel_loop3A_1023 = arith.index_cast %parallel_loop3A_1022 : i32 to index
        %parallel_loop3A_1024 = arith.constant 0 : index
        %parallel_loop3A_1025 = tpu.vector_load %arg13[%parallel_loop3A_1023, %parallel_loop3A_1024] {strides = array<i32>} : memref<128x16xf32, #tpu.memory_space<vmem>>, vector<16xf32>,
        %parallel_loop3A_1026 = arith.mulf %parallel_loop3A_1025, %parallel_loop3A_1018 : vector<16xf32>
        %parallel_loop3A_1027 = arith.index_cast %parallel_loop3A_1022 : i32 to index
        %parallel_loop3A_1028 = arith.constant 0 : index
        %parallel_loop3A_1029 = tpu.vector_load %arg13[%parallel_loop3A_1027, %parallel_loop3A_1028] {strides = array<i32>} : memref<128x16xf32, #tpu.memory_space<vmem>>, vector<16xf32>,
        tpu.vector_store %arg13[%parallel_loop3A_1027, %parallel_loop3A_1028], %parallel_loop3A_1026 {strides = array<i32>} : memref<128x16xf32, #tpu.memory_space<vmem>>, vector<16xf32>,
        %parallel_loop3A_1030 = arith.constant 12 : i32
        %parallel_loop3A_1031 = vector.broadcast %parallel_loop3A_1030 : i32 to vector<16x1xi32>
        %parallel_loop3A_1032 = vector.shape_cast %parallel_loop3A_1031 : vector<16x1xi32> to vector<16xi32>
        %parallel_loop3A_1033 = tpu.dynamic_gather %parallel_loop3A_849[%parallel_loop3A_1032] in [0] : vector<16xf32>, vector<16xi32> -> vector<16xf32>
        %parallel_loop3A_1034 = arith.constant 16 : i32
        %parallel_loop3A_1035 = arith.muli %parallel_loop3A_844, %parallel_loop3A_1034 : i32
        %parallel_loop3A_1036 = arith.constant 12 : i32
        %parallel_loop3A_1037 = arith.addi %parallel_loop3A_1035, %parallel_loop3A_1036 : i32
        %parallel_loop3A_1038 = arith.index_cast %parallel_loop3A_1037 : i32 to index
        %parallel_loop3A_1039 = arith.constant 0 : index
        %parallel_loop3A_1040 = tpu.vector_load %arg13[%parallel_loop3A_1038, %parallel_loop3A_1039] {strides = array<i32>} : memref<128x16xf32, #tpu.memory_space<vmem>>, vector<16xf32>,
        %parallel_loop3A_1041 = arith.mulf %parallel_loop3A_1040, %parallel_loop3A_1033 : vector<16xf32>
        %parallel_loop3A_1042 = arith.index_cast %parallel_loop3A_1037 : i32 to index
        %parallel_loop3A_1043 = arith.constant 0 : index
        %parallel_loop3A_1044 = tpu.vector_load %arg13[%parallel_loop3A_1042, %parallel_loop3A_1043] {strides = array<i32>} : memref<128x16xf32, #tpu.memory_space<vmem>>, vector<16xf32>,
        tpu.vector_store %arg13[%parallel_loop3A_1042, %parallel_loop3A_1043], %parallel_loop3A_1041 {strides = array<i32>} : memref<128x16xf32, #tpu.memory_space<vmem>>, vector<16xf32>,
        %parallel_loop3A_1045 = arith.constant 13 : i32
        %parallel_loop3A_1046 = vector.broadcast %parallel_loop3A_1045 : i32 to vector<16x1xi32>
        %parallel_loop3A_1047 = vector.shape_cast %parallel_loop3A_1046 : vector<16x1xi32> to vector<16xi32>
        %parallel_loop3A_1048 = tpu.dynamic_gather %parallel_loop3A_849[%parallel_loop3A_1047] in [0] : vector<16xf32>, vector<16xi32> -> vector<16xf32>
        %parallel_loop3A_1049 = arith.constant 16 : i32
        %parallel_loop3A_1050 = arith.muli %parallel_loop3A_844, %parallel_loop3A_1049 : i32
        %parallel_loop3A_1051 = arith.constant 13 : i32
        %parallel_loop3A_1052 = arith.addi %parallel_loop3A_1050, %parallel_loop3A_1051 : i32
        %parallel_loop3A_1053 = arith.index_cast %parallel_loop3A_1052 : i32 to index
        %parallel_loop3A_1054 = arith.constant 0 : index
        %parallel_loop3A_1055 = tpu.vector_load %arg13[%parallel_loop3A_1053, %parallel_loop3A_1054] {strides = array<i32>} : memref<128x16xf32, #tpu.memory_space<vmem>>, vector<16xf32>,
        %parallel_loop3A_1056 = arith.mulf %parallel_loop3A_1055, %parallel_loop3A_1048 : vector<16xf32>
        %parallel_loop3A_1057 = arith.index_cast %parallel_loop3A_1052 : i32 to index
        %parallel_loop3A_1058 = arith.constant 0 : index
        %parallel_loop3A_1059 = tpu.vector_load %arg13[%parallel_loop3A_1057, %parallel_loop3A_1058] {strides = array<i32>} : memref<128x16xf32, #tpu.memory_space<vmem>>, vector<16xf32>,
        tpu.vector_store %arg13[%parallel_loop3A_1057, %parallel_loop3A_1058], %parallel_loop3A_1056 {strides = array<i32>} : memref<128x16xf32, #tpu.memory_space<vmem>>, vector<16xf32>,
        %parallel_loop3A_1060 = arith.constant 14 : i32
        %parallel_loop3A_1061 = vector.broadcast %parallel_loop3A_1060 : i32 to vector<16x1xi32>
        %parallel_loop3A_1062 = vector.shape_cast %parallel_loop3A_1061 : vector<16x1xi32> to vector<16xi32>
        %parallel_loop3A_1063 = tpu.dynamic_gather %parallel_loop3A_849[%parallel_loop3A_1062] in [0] : vector<16xf32>, vector<16xi32> -> vector<16xf32>
        %parallel_loop3A_1064 = arith.constant 16 : i32
        %parallel_loop3A_1065 = arith.muli %parallel_loop3A_844, %parallel_loop3A_1064 : i32
        %parallel_loop3A_1066 = arith.constant 14 : i32
        %parallel_loop3A_1067 = arith.addi %parallel_loop3A_1065, %parallel_loop3A_1066 : i32
        %parallel_loop3A_1068 = arith.index_cast %parallel_loop3A_1067 : i32 to index
        %parallel_loop3A_1069 = arith.constant 0 : index
        %parallel_loop3A_1070 = tpu.vector_load %arg13[%parallel_loop3A_1068, %parallel_loop3A_1069] {strides = array<i32>} : memref<128x16xf32, #tpu.memory_space<vmem>>, vector<16xf32>,
        %parallel_loop3A_1071 = arith.mulf %parallel_loop3A_1070, %parallel_loop3A_1063 : vector<16xf32>
        %parallel_loop3A_1072 = arith.index_cast %parallel_loop3A_1067 : i32 to index
        %parallel_loop3A_1073 = arith.constant 0 : index
        %parallel_loop3A_1074 = tpu.vector_load %arg13[%parallel_loop3A_1072, %parallel_loop3A_1073] {strides = array<i32>} : memref<128x16xf32, #tpu.memory_space<vmem>>, vector<16xf32>,
        tpu.vector_store %arg13[%parallel_loop3A_1072, %parallel_loop3A_1073], %parallel_loop3A_1071 {strides = array<i32>} : memref<128x16xf32, #tpu.memory_space<vmem>>, vector<16xf32>,
        %parallel_loop3A_1075 = arith.constant 15 : i32
        %parallel_loop3A_1076 = vector.broadcast %parallel_loop3A_1075 : i32 to vector<16x1xi32>
        %parallel_loop3A_1077 = vector.shape_cast %parallel_loop3A_1076 : vector<16x1xi32> to vector<16xi32>
        %parallel_loop3A_1078 = tpu.dynamic_gather %parallel_loop3A_849[%parallel_loop3A_1077] in [0] : vector<16xf32>, vector<16xi32> -> vector<16xf32>
        %parallel_loop3A_1079 = arith.constant 16 : i32
        %parallel_loop3A_1080 = arith.muli %parallel_loop3A_844, %parallel_loop3A_1079 : i32
        %parallel_loop3A_1081 = arith.constant 15 : i32
        %parallel_loop3A_1082 = arith.addi %parallel_loop3A_1080, %parallel_loop3A_1081 : i32
        %parallel_loop3A_1083 = arith.index_cast %parallel_loop3A_1082 : i32 to index
        %parallel_loop3A_1084 = arith.constant 0 : index
        %parallel_loop3A_1085 = tpu.vector_load %arg13[%parallel_loop3A_1083, %parallel_loop3A_1084] {strides = array<i32>} : memref<128x16xf32, #tpu.memory_space<vmem>>, vector<16xf32>,
        %parallel_loop3A_1086 = arith.mulf %parallel_loop3A_1085, %parallel_loop3A_1078 : vector<16xf32>
        %parallel_loop3A_1087 = arith.index_cast %parallel_loop3A_1082 : i32 to index
        %parallel_loop3A_1088 = arith.constant 0 : index
        %parallel_loop3A_1089 = tpu.vector_load %arg13[%parallel_loop3A_1087, %parallel_loop3A_1088] {strides = array<i32>} : memref<128x16xf32, #tpu.memory_space<vmem>>, vector<16xf32>,
        tpu.vector_store %arg13[%parallel_loop3A_1087, %parallel_loop3A_1088], %parallel_loop3A_1086 {strides = array<i32>} : memref<128x16xf32, #tpu.memory_space<vmem>>, vector<16xf32>,
      } {sc.loop_unroll_factor = 4 : i64, sc.parallel_access}
      %dma_start3A_818 = arith.constant 0 : i32
      %dma_start3A_819 = tpu.memref_slice %arg8[%add3A_807, %dma_start3A_818] : memref<64x128xi32, #tpu.memory_space<vmem>> -> memref<1x128xi32, #tpu.memory_space<vmem>>
      %dma_start3A_820 = tpu.memref_squeeze %dma_start3A_819 : memref<1x128xi32, #tpu.memory_space<vmem>> -> memref<128xi32, #tpu.memory_space<vmem>>
      %dma_start3A_821 = arith.constant 0 : i32
      %dma_start3A_822 = arith.constant 0 : i32
      %dma_start3A_823 = tpu.memref_slice %arg17[%dma_start3A_821, %dma_start3A_822] : memref<16384x16xf32, #tpu.memory_space<vmem_shared>> -> memref<16384x16xf32, #tpu.memory_space<vmem_shared>>
      tpu.enqueue_indirect_dma source(%arg13 : memref<128x16xf32, #tpu.memory_space<vmem>>) target(%dma_start3A_823 : memref<16384x16xf32, #tpu.memory_space<vmem_shared>>) offsets(%dma_start3A_820 : memref<128xi32, #tpu.memory_space<vmem>>) semaphore(%arg25 : memref<!tpu.dma_semaphore, #tpu.memory_space<semaphore_mem>>) {add = true}
      %dma_wait3A_824 = arith.constant 0 : i32
      %dma_wait3A_825 = arith.constant 0 : i32
      %dma_wait3A_826 = tpu.memref_slice %arg8[%dma_wait3A_824, %dma_wait3A_825] : memref<64x128xi32, #tpu.memory_space<vmem>> -> memref<1x128xi32, #tpu.memory_space<vmem>>
      %dma_wait3A_827 = tpu.memref_squeeze %dma_wait3A_826 : memref<1x128xi32, #tpu.memory_space<vmem>> -> memref<128xi32, #tpu.memory_space<vmem>>
      %dma_wait3A_828 = arith.constant 0 : i32
      %dma_wait3A_829 = arith.constant 0 : i32
      %dma_wait3A_830 = tpu.memref_slice %arg17[%dma_wait3A_828, %dma_wait3A_829] : memref<16384x16xf32, #tpu.memory_space<vmem_shared>> -> memref<16384x16xf32, #tpu.memory_space<vmem_shared>>
      tpu.wait_indirect_dma semaphore(%arg24 : memref<!tpu.dma_semaphore, #tpu.memory_space<semaphore_mem>>) src(%arg12 : memref<128x16xf32, #tpu.memory_space<vmem>>) dst(%dma_wait3A_830 : memref<16384x16xf32, #tpu.memory_space<vmem_shared>>)
      %add3A_831 = arith.constant 3 : i32
      %add3A_832 = arith.addi %mul3A_694, %add3A_831 : i32
      %add3A_833 = arith.constant 3 : i32
      %add3A_834 = arith.addi %add3A_832, %add3A_833 : i32
      %min3A_835 = arith.constant 63 : i32
      %min3A_836 = arith.minsi %add3A_834, %min3A_835 : i32
      %dma_start3A_837 = arith.constant 0 : i32
      %dma_start3A_838 = tpu.memref_slice %arg7[%min3A_836, %dma_start3A_837] : memref<64x128xi32, #tpu.memory_space<vmem>> -> memref<1x128xi32, #tpu.memory_space<vmem>>
      %dma_start3A_839 = tpu.memref_squeeze %dma_start3A_838 : memref<1x128xi32, #tpu.memory_space<vmem>> -> memref<128xi32, #tpu.memory_space<vmem>>
      %dma_start3A_840 = arith.constant 0 : i32
      %dma_start3A_841 = arith.constant 0 : i32
      %dma_start3A_842 = tpu.memref_slice %arg16[%dma_start3A_840, %dma_start3A_841] : memref<16384x16xf32, #tpu.memory_space<vmem_shared>> -> memref<16384x16xf32, #tpu.memory_space<vmem_shared>>
      tpu.enqueue_indirect_dma source(%dma_start3A_842 : memref<16384x16xf32, #tpu.memory_space<vmem_shared>>) target(%arg12 : memref<128x16xf32, #tpu.memory_space<vmem>>) offsets(%dma_start3A_839 : memref<128xi32, #tpu.memory_space<vmem>>) semaphore(%arg20 : memref<!tpu.dma_semaphore, #tpu.memory_space<semaphore_mem>>)
      %scan3A_843 = arith.constant 0 : i32
      scf.yield %scan3A_843 : i32
    }
    %scan3A_425 = arith.constant 15 : i32
    %dma_wait3A_426 = arith.constant 0 : i32
    %dma_wait3A_427 = arith.constant 0 : i32
    %dma_wait3A_428 = tpu.memref_slice %arg7[%dma_wait3A_426, %dma_wait3A_427] : memref<64x128xi32, #tpu.memory_space<vmem>> -> memref<1x128xi32, #tpu.memory_space<vmem>>
    %dma_wait3A_429 = tpu.memref_squeeze %dma_wait3A_428 : memref<1x128xi32, #tpu.memory_space<vmem>> -> memref<128xi32, #tpu.memory_space<vmem>>
    %dma_wait3A_430 = arith.constant 0 : i32
    %dma_wait3A_431 = arith.constant 0 : i32
    %dma_wait3A_432 = tpu.memref_slice %arg16[%dma_wait3A_430, %dma_wait3A_431] : memref<16384x16xf32, #tpu.memory_space<vmem_shared>> -> memref<16384x16xf32, #tpu.memory_space<vmem_shared>>
    tpu.wait_indirect_dma semaphore(%arg18 : memref<!tpu.dma_semaphore, #tpu.memory_space<semaphore_mem>>) src(%dma_wait3A_432 : memref<16384x16xf32, #tpu.memory_space<vmem_shared>>) dst(%arg10 : memref<128x16xf32, #tpu.memory_space<vmem>>)
    %dma_wait3A_433 = arith.constant 0 : i32
    %dma_wait3A_434 = arith.constant 0 : i32
    %dma_wait3A_435 = tpu.memref_slice %arg7[%dma_wait3A_433, %dma_wait3A_434] : memref<64x128xi32, #tpu.memory_space<vmem>> -> memref<1x128xi32, #tpu.memory_space<vmem>>
    %dma_wait3A_436 = tpu.memref_squeeze %dma_wait3A_435 : memref<1x128xi32, #tpu.memory_space<vmem>> -> memref<128xi32, #tpu.memory_space<vmem>>
    %dma_wait3A_437 = arith.constant 0 : i32
    %dma_wait3A_438 = arith.constant 0 : i32
    %dma_wait3A_439 = tpu.memref_slice %arg16[%dma_wait3A_437, %dma_wait3A_438] : memref<16384x16xf32, #tpu.memory_space<vmem_shared>> -> memref<16384x16xf32, #tpu.memory_space<vmem_shared>>
    tpu.wait_indirect_dma semaphore(%arg19 : memref<!tpu.dma_semaphore, #tpu.memory_space<semaphore_mem>>) src(%dma_wait3A_439 : memref<16384x16xf32, #tpu.memory_space<vmem_shared>>) dst(%arg11 : memref<128x16xf32, #tpu.memory_space<vmem>>)
    %dma_wait3A_440 = arith.constant 0 : i32
    %dma_wait3A_441 = arith.constant 0 : i32
    %dma_wait3A_442 = tpu.memref_slice %arg7[%dma_wait3A_440, %dma_wait3A_441] : memref<64x128xi32, #tpu.memory_space<vmem>> -> memref<1x128xi32, #tpu.memory_space<vmem>>
    %dma_wait3A_443 = tpu.memref_squeeze %dma_wait3A_442 : memref<1x128xi32, #tpu.memory_space<vmem>> -> memref<128xi32, #tpu.memory_space<vmem>>
    %dma_wait3A_444 = arith.constant 0 : i32
    %dma_wait3A_445 = arith.constant 0 : i32
    %dma_wait3A_446 = tpu.memref_slice %arg16[%dma_wait3A_444, %dma_wait3A_445] : memref<16384x16xf32, #tpu.memory_space<vmem_shared>> -> memref<16384x16xf32, #tpu.memory_space<vmem_shared>>
    tpu.wait_indirect_dma semaphore(%arg20 : memref<!tpu.dma_semaphore, #tpu.memory_space<semaphore_mem>>) src(%dma_wait3A_446 : memref<16384x16xf32, #tpu.memory_space<vmem_shared>>) dst(%arg12 : memref<128x16xf32, #tpu.memory_space<vmem>>)
    %dma_wait3A_447 = arith.constant 0 : i32
    %dma_wait3A_448 = arith.constant 0 : i32
    %dma_wait3A_449 = tpu.memref_slice %arg8[%dma_wait3A_447, %dma_wait3A_448] : memref<64x128xi32, #tpu.memory_space<vmem>> -> memref<1x128xi32, #tpu.memory_space<vmem>>
    %dma_wait3A_450 = tpu.memref_squeeze %dma_wait3A_449 : memref<1x128xi32, #tpu.memory_space<vmem>> -> memref<128xi32, #tpu.memory_space<vmem>>
    %dma_wait3A_451 = arith.constant 0 : i32
    %dma_wait3A_452 = arith.constant 0 : i32
    %dma_wait3A_453 = tpu.memref_slice %arg17[%dma_wait3A_451, %dma_wait3A_452] : memref<16384x16xf32, #tpu.memory_space<vmem_shared>> -> memref<16384x16xf32, #tpu.memory_space<vmem_shared>>
    tpu.wait_indirect_dma semaphore(%arg25 : memref<!tpu.dma_semaphore, #tpu.memory_space<semaphore_mem>>) src(%arg13 : memref<128x16xf32, #tpu.memory_space<vmem>>) dst(%dma_wait3A_453 : memref<16384x16xf32, #tpu.memory_space<vmem_shared>>)
    %barrier3A_454 = arith.constant 0 : index
    tpu.barrier barrier_id(%barrier3A_454)
    "tpu.trace_stop"() : () -> ()
    "tpu.trace_start"() <{level = 10 : i32, message = "emit_out"}> : () -> ()
    %mul3A_455 = arith.constant 1024 : i32
    %mul3A_456 = arith.muli %arg1, %mul3A_455 : i32
    %add3A_457 = arith.constant 0 : i32
    %add3A_458 = arith.addi %mul3A_456, %add3A_457 : i32
    %dma_start3A_459 = arith.constant 0 : i32
    %dma_start3A_460 = arith.constant 0 : i32
    %dma_start3A_461 = tpu.memref_slice %arg14[%dma_start3A_459, %dma_start3A_460] : memref<1024x16xf32, #tpu.memory_space<vmem>> -> memref<256x16xf32, #tpu.memory_space<vmem>>
    %dma_start3A_462 = arith.constant 0 : i32
    %dma_start3A_463 = tpu.memref_slice %arg17[%add3A_458, %dma_start3A_462] : memref<16384x16xf32, #tpu.memory_space<vmem_shared>> -> memref<256x16xf32, #tpu.memory_space<vmem_shared>>
    %dma_start3A_464 = arith.constant 0 : i32
    %dma_start3A_465 = arith.constant 0 : i32
    %dma_start3A_466 = tpu.memref_slice %arg14[%dma_start3A_464, %dma_start3A_465] : memref<1024x16xf32, #tpu.memory_space<vmem>> -> memref<256x16xf32, #tpu.memory_space<vmem>>
    %dma_start3A_467 = arith.constant 0 : i32
    %dma_start3A_468 = tpu.memref_slice %arg17[%add3A_458, %dma_start3A_467] : memref<16384x16xf32, #tpu.memory_space<vmem_shared>> -> memref<256x16xf32, #tpu.memory_space<vmem_shared>>
    tpu.enqueue_dma source(%dma_start3A_468 : memref<256x16xf32, #tpu.memory_space<vmem_shared>>) target(%dma_start3A_466 : memref<256x16xf32, #tpu.memory_space<vmem>>) target_semaphore(%arg18 : memref<!tpu.dma_semaphore, #tpu.memory_space<semaphore_mem>>)
    %mul3A_469 = arith.constant 1024 : i32
    %mul3A_470 = arith.muli %arg1, %mul3A_469 : i32
    %add3A_471 = arith.constant 256 : i32
    %add3A_472 = arith.addi %mul3A_470, %add3A_471 : i32
    %dma_start3A_473 = arith.constant 256 : i32
    %dma_start3A_474 = arith.constant 0 : i32
    %dma_start3A_475 = tpu.memref_slice %arg14[%dma_start3A_473, %dma_start3A_474] : memref<1024x16xf32, #tpu.memory_space<vmem>> -> memref<256x16xf32, #tpu.memory_space<vmem>>
    %dma_start3A_476 = arith.constant 0 : i32
    %dma_start3A_477 = tpu.memref_slice %arg17[%add3A_472, %dma_start3A_476] : memref<16384x16xf32, #tpu.memory_space<vmem_shared>> -> memref<256x16xf32, #tpu.memory_space<vmem_shared>>
    %dma_start3A_478 = arith.constant 256 : i32
    %dma_start3A_479 = arith.constant 0 : i32
    %dma_start3A_480 = tpu.memref_slice %arg14[%dma_start3A_478, %dma_start3A_479] : memref<1024x16xf32, #tpu.memory_space<vmem>> -> memref<256x16xf32, #tpu.memory_space<vmem>>
    %dma_start3A_481 = arith.constant 0 : i32
    %dma_start3A_482 = tpu.memref_slice %arg17[%add3A_472, %dma_start3A_481] : memref<16384x16xf32, #tpu.memory_space<vmem_shared>> -> memref<256x16xf32, #tpu.memory_space<vmem_shared>>
    tpu.enqueue_dma source(%dma_start3A_482 : memref<256x16xf32, #tpu.memory_space<vmem_shared>>) target(%dma_start3A_480 : memref<256x16xf32, #tpu.memory_space<vmem>>) target_semaphore(%arg19 : memref<!tpu.dma_semaphore, #tpu.memory_space<semaphore_mem>>)
    %mul3A_483 = arith.constant 1024 : i32
    %mul3A_484 = arith.muli %arg1, %mul3A_483 : i32
    %add3A_485 = arith.constant 512 : i32
    %add3A_486 = arith.addi %mul3A_484, %add3A_485 : i32
    %dma_start3A_487 = arith.constant 512 : i32
    %dma_start3A_488 = arith.constant 0 : i32
    %dma_start3A_489 = tpu.memref_slice %arg14[%dma_start3A_487, %dma_start3A_488] : memref<1024x16xf32, #tpu.memory_space<vmem>> -> memref<256x16xf32, #tpu.memory_space<vmem>>
    %dma_start3A_490 = arith.constant 0 : i32
    %dma_start3A_491 = tpu.memref_slice %arg17[%add3A_486, %dma_start3A_490] : memref<16384x16xf32, #tpu.memory_space<vmem_shared>> -> memref<256x16xf32, #tpu.memory_space<vmem_shared>>
    %dma_start3A_492 = arith.constant 512 : i32
    %dma_start3A_493 = arith.constant 0 : i32
    %dma_start3A_494 = tpu.memref_slice %arg14[%dma_start3A_492, %dma_start3A_493] : memref<1024x16xf32, #tpu.memory_space<vmem>> -> memref<256x16xf32, #tpu.memory_space<vmem>>
    %dma_start3A_495 = arith.constant 0 : i32
    %dma_start3A_496 = tpu.memref_slice %arg17[%add3A_486, %dma_start3A_495] : memref<16384x16xf32, #tpu.memory_space<vmem_shared>> -> memref<256x16xf32, #tpu.memory_space<vmem_shared>>
    tpu.enqueue_dma source(%dma_start3A_496 : memref<256x16xf32, #tpu.memory_space<vmem_shared>>) target(%dma_start3A_494 : memref<256x16xf32, #tpu.memory_space<vmem>>) target_semaphore(%arg20 : memref<!tpu.dma_semaphore, #tpu.memory_space<semaphore_mem>>)
    %mul3A_497 = arith.constant 1024 : i32
    %mul3A_498 = arith.muli %arg1, %mul3A_497 : i32
    %add3A_499 = arith.constant 768 : i32
    %add3A_500 = arith.addi %mul3A_498, %add3A_499 : i32
    %dma_start3A_501 = arith.constant 768 : i32
    %dma_start3A_502 = arith.constant 0 : i32
    %dma_start3A_503 = tpu.memref_slice %arg14[%dma_start3A_501, %dma_start3A_502] : memref<1024x16xf32, #tpu.memory_space<vmem>> -> memref<256x16xf32, #tpu.memory_space<vmem>>
    %dma_start3A_504 = arith.constant 0 : i32
    %dma_start3A_505 = tpu.memref_slice %arg17[%add3A_500, %dma_start3A_504] : memref<16384x16xf32, #tpu.memory_space<vmem_shared>> -> memref<256x16xf32, #tpu.memory_space<vmem_shared>>
    %dma_start3A_506 = arith.constant 768 : i32
    %dma_start3A_507 = arith.constant 0 : i32
    %dma_start3A_508 = tpu.memref_slice %arg14[%dma_start3A_506, %dma_start3A_507] : memref<1024x16xf32, #tpu.memory_space<vmem>> -> memref<256x16xf32, #tpu.memory_space<vmem>>
    %dma_start3A_509 = arith.constant 0 : i32
    %dma_start3A_510 = tpu.memref_slice %arg17[%add3A_500, %dma_start3A_509] : memref<16384x16xf32, #tpu.memory_space<vmem_shared>> -> memref<256x16xf32, #tpu.memory_space<vmem_shared>>
    tpu.enqueue_dma source(%dma_start3A_510 : memref<256x16xf32, #tpu.memory_space<vmem_shared>>) target(%dma_start3A_508 : memref<256x16xf32, #tpu.memory_space<vmem>>) target_semaphore(%arg21 : memref<!tpu.dma_semaphore, #tpu.memory_space<semaphore_mem>>)
    %mul3A_511 = arith.constant 1024 : i32
    %mul3A_512 = arith.muli %arg1, %mul3A_511 : i32
    %dma_wait3A_513 = arith.constant 0 : i32
    %dma_wait3A_514 = arith.constant 0 : i32
    %dma_wait3A_515 = tpu.memref_slice %arg14[%dma_wait3A_513, %dma_wait3A_514] : memref<1024x16xf32, #tpu.memory_space<vmem>> -> memref<256x16xf32, #tpu.memory_space<vmem>>
    %dma_wait3A_516 = arith.constant 0 : i32
    %dma_wait3A_517 = tpu.memref_slice %arg17[%mul3A_512, %dma_wait3A_516] : memref<16384x16xf32, #tpu.memory_space<vmem_shared>> -> memref<256x16xf32, #tpu.memory_space<vmem_shared>>
    %dma_wait3A_518 = arith.constant 0 : i32
    %dma_wait3A_519 = arith.constant 0 : i32
    %dma_wait3A_520 = tpu.memref_slice %arg14[%dma_wait3A_518, %dma_wait3A_519] : memref<1024x16xf32, #tpu.memory_space<vmem>> -> memref<256x16xf32, #tpu.memory_space<vmem>>
    %dma_wait3A_521 = arith.constant 0 : i32
    %dma_wait3A_522 = tpu.memref_slice %arg17[%mul3A_512, %dma_wait3A_521] : memref<16384x16xf32, #tpu.memory_space<vmem_shared>> -> memref<256x16xf32, #tpu.memory_space<vmem_shared>>
    tpu.wait_dma2 semaphore(%arg18 : memref<!tpu.dma_semaphore, #tpu.memory_space<semaphore_mem>>) src(%dma_wait3A_522 : memref<256x16xf32, #tpu.memory_space<vmem_shared>>) dst(%dma_wait3A_520 : memref<256x16xf32, #tpu.memory_space<vmem>>)
    %parallel_loop3A_523 = arith.constant 0 : i32
    %parallel_loop3A_524 = arith.constant 256 : i32
    %parallel_loop3A_525 = arith.constant 1 : i32
    scf.for %parallel_loop3A_691 = %parallel_loop3A_523 to %parallel_loop3A_524 step %parallel_loop3A_525  : i32 {
      %parallel_loop3A_692 = arith.index_cast %parallel_loop3A_691 : i32 to index
      %parallel_loop3A_693 = arith.constant 0 : index
      %parallel_loop3A_694 = tpu.vector_load %arg14[%parallel_loop3A_692, %parallel_loop3A_693] {strides = array<i32>} : memref<1024x16xf32, #tpu.memory_space<vmem>>, vector<16xf32>,
      %parallel_loop3A_695 = vector.broadcast %parallel_loop3A_691 : i32 to vector<16xi32>
      tpu.vector_store_idx %arg15[%iota3A, %parallel_loop3A_695], %parallel_loop3A_694 : memref<16x1024xf32, #tpu.memory_space<vmem>>[vector<16xi32>, vector<16xi32>], vector<16xf32>,
    } {sc.loop_unroll_factor = 16 : i64, sc.parallel_access}
    %mul3A_526 = arith.constant 1024 : i32
    %mul3A_527 = arith.muli %arg1, %mul3A_526 : i32
    %add3A_528 = arith.constant 0 : i32
    %add3A_529 = arith.addi %mul3A_527, %add3A_528 : i32
    %dma_start3A_530 = arith.constant 0 : i32
    %dma_start3A_531 = arith.constant 0 : i32
    %dma_start3A_532 = tpu.memref_slice %arg15[%dma_start3A_530, %dma_start3A_531] : memref<16x1024xf32, #tpu.memory_space<vmem>> -> memref<16x256xf32, #tpu.memory_space<vmem>>
    %dma_start3A_533 = arith.constant 0 : i32
    %dma_start3A_534 = tpu.memref_slice %arg6[%arg0, %dma_start3A_533, %add3A_529] : memref<2x16x16384xf32, #tpu.memory_space<hbm>> -> memref<1x16x256xf32, #tpu.memory_space<hbm>>
    %dma_start3A_535 = tpu.memref_squeeze %dma_start3A_534 : memref<1x16x256xf32, #tpu.memory_space<hbm>> -> memref<16x256xf32, #tpu.memory_space<hbm>>
    %dma_start3A_536 = arith.constant 0 : i32
    %dma_start3A_537 = tpu.memref_slice %arg6[%arg0, %dma_start3A_536, %add3A_529] : memref<2x16x16384xf32, #tpu.memory_space<hbm>> -> memref<1x16x256xf32, #tpu.memory_space<hbm>>
    %dma_start3A_538 = tpu.memref_squeeze %dma_start3A_537 : memref<1x16x256xf32, #tpu.memory_space<hbm>> -> memref<16x256xf32, #tpu.memory_space<hbm>>
    %dma_start3A_539 = arith.constant 0 : i32
    %dma_start3A_540 = arith.constant 0 : i32
    %dma_start3A_541 = tpu.memref_slice %arg15[%dma_start3A_539, %dma_start3A_540] : memref<16x1024xf32, #tpu.memory_space<vmem>> -> memref<16x256xf32, #tpu.memory_space<vmem>>
    tpu.enqueue_dma source(%dma_start3A_541 : memref<16x256xf32, #tpu.memory_space<vmem>>) target(%dma_start3A_538 : memref<16x256xf32, #tpu.memory_space<hbm>>) target_semaphore(%arg22 : memref<!tpu.dma_semaphore, #tpu.memory_space<semaphore_mem>>)
    %mul3A_542 = arith.constant 1024 : i32
    %mul3A_543 = arith.muli %arg1, %mul3A_542 : i32
    %dma_wait3A_544 = arith.constant 256 : i32
    %dma_wait3A_545 = arith.constant 0 : i32
    %dma_wait3A_546 = tpu.memref_slice %arg14[%dma_wait3A_544, %dma_wait3A_545] : memref<1024x16xf32, #tpu.memory_space<vmem>> -> memref<256x16xf32, #tpu.memory_space<vmem>>
    %dma_wait3A_547 = arith.constant 0 : i32
    %dma_wait3A_548 = tpu.memref_slice %arg17[%mul3A_543, %dma_wait3A_547] : memref<16384x16xf32, #tpu.memory_space<vmem_shared>> -> memref<256x16xf32, #tpu.memory_space<vmem_shared>>
    %dma_wait3A_549 = arith.constant 256 : i32
    %dma_wait3A_550 = arith.constant 0 : i32
    %dma_wait3A_551 = tpu.memref_slice %arg14[%dma_wait3A_549, %dma_wait3A_550] : memref<1024x16xf32, #tpu.memory_space<vmem>> -> memref<256x16xf32, #tpu.memory_space<vmem>>
    %dma_wait3A_552 = arith.constant 0 : i32
    %dma_wait3A_553 = tpu.memref_slice %arg17[%mul3A_543, %dma_wait3A_552] : memref<16384x16xf32, #tpu.memory_space<vmem_shared>> -> memref<256x16xf32, #tpu.memory_space<vmem_shared>>
    tpu.wait_dma2 semaphore(%arg19 : memref<!tpu.dma_semaphore, #tpu.memory_space<semaphore_mem>>) src(%dma_wait3A_553 : memref<256x16xf32, #tpu.memory_space<vmem_shared>>) dst(%dma_wait3A_551 : memref<256x16xf32, #tpu.memory_space<vmem>>)
    %parallel_loop3A_554 = arith.constant 256 : i32
    %parallel_loop3A_555 = arith.constant 512 : i32
    %parallel_loop3A_556 = arith.constant 1 : i32
    scf.for %parallel_loop3A_691 = %parallel_loop3A_554 to %parallel_loop3A_555 step %parallel_loop3A_556  : i32 {
      %parallel_loop3A_692 = arith.index_cast %parallel_loop3A_691 : i32 to index
      %parallel_loop3A_693 = arith.constant 0 : index
      %parallel_loop3A_694 = tpu.vector_load %arg14[%parallel_loop3A_692, %parallel_loop3A_693] {strides = array<i32>} : memref<1024x16xf32, #tpu.memory_space<vmem>>, vector<16xf32>,
      %parallel_loop3A_695 = vector.broadcast %parallel_loop3A_691 : i32 to vector<16xi32>
      tpu.vector_store_idx %arg15[%iota3A, %parallel_loop3A_695], %parallel_loop3A_694 : memref<16x1024xf32, #tpu.memory_space<vmem>>[vector<16xi32>, vector<16xi32>], vector<16xf32>,
    } {sc.loop_unroll_factor = 16 : i64, sc.parallel_access}
    %mul3A_557 = arith.constant 1024 : i32
    %mul3A_558 = arith.muli %arg1, %mul3A_557 : i32
    %add3A_559 = arith.constant 256 : i32
    %add3A_560 = arith.addi %mul3A_558, %add3A_559 : i32
    %dma_start3A_561 = arith.constant 0 : i32
    %dma_start3A_562 = arith.constant 256 : i32
    %dma_start3A_563 = tpu.memref_slice %arg15[%dma_start3A_561, %dma_start3A_562] : memref<16x1024xf32, #tpu.memory_space<vmem>> -> memref<16x256xf32, #tpu.memory_space<vmem>>
    %dma_start3A_564 = arith.constant 0 : i32
    %dma_start3A_565 = tpu.memref_slice %arg6[%arg0, %dma_start3A_564, %add3A_560] : memref<2x16x16384xf32, #tpu.memory_space<hbm>> -> memref<1x16x256xf32, #tpu.memory_space<hbm>>
    %dma_start3A_566 = tpu.memref_squeeze %dma_start3A_565 : memref<1x16x256xf32, #tpu.memory_space<hbm>> -> memref<16x256xf32, #tpu.memory_space<hbm>>
    %dma_start3A_567 = arith.constant 0 : i32
    %dma_start3A_568 = tpu.memref_slice %arg6[%arg0, %dma_start3A_567, %add3A_560] : memref<2x16x16384xf32, #tpu.memory_space<hbm>> -> memref<1x16x256xf32, #tpu.memory_space<hbm>>
    %dma_start3A_569 = tpu.memref_squeeze %dma_start3A_568 : memref<1x16x256xf32, #tpu.memory_space<hbm>> -> memref<16x256xf32, #tpu.memory_space<hbm>>
    %dma_start3A_570 = arith.constant 0 : i32
    %dma_start3A_571 = arith.constant 256 : i32
    %dma_start3A_572 = tpu.memref_slice %arg15[%dma_start3A_570, %dma_start3A_571] : memref<16x1024xf32, #tpu.memory_space<vmem>> -> memref<16x256xf32, #tpu.memory_space<vmem>>
    tpu.enqueue_dma source(%dma_start3A_572 : memref<16x256xf32, #tpu.memory_space<vmem>>) target(%dma_start3A_569 : memref<16x256xf32, #tpu.memory_space<hbm>>) target_semaphore(%arg22 : memref<!tpu.dma_semaphore, #tpu.memory_space<semaphore_mem>>)
    %mul3A_573 = arith.constant 1024 : i32
    %mul3A_574 = arith.muli %arg1, %mul3A_573 : i32
    %dma_wait3A_575 = arith.constant 512 : i32
    %dma_wait3A_576 = arith.constant 0 : i32
    %dma_wait3A_577 = tpu.memref_slice %arg14[%dma_wait3A_575, %dma_wait3A_576] : memref<1024x16xf32, #tpu.memory_space<vmem>> -> memref<256x16xf32, #tpu.memory_space<vmem>>
    %dma_wait3A_578 = arith.constant 0 : i32
    %dma_wait3A_579 = tpu.memref_slice %arg17[%mul3A_574, %dma_wait3A_578] : memref<16384x16xf32, #tpu.memory_space<vmem_shared>> -> memref<256x16xf32, #tpu.memory_space<vmem_shared>>
    %dma_wait3A_580 = arith.constant 512 : i32
    %dma_wait3A_581 = arith.constant 0 : i32
    %dma_wait3A_582 = tpu.memref_slice %arg14[%dma_wait3A_580, %dma_wait3A_581] : memref<1024x16xf32, #tpu.memory_space<vmem>> -> memref<256x16xf32, #tpu.memory_space<vmem>>
    %dma_wait3A_583 = arith.constant 0 : i32
    %dma_wait3A_584 = tpu.memref_slice %arg17[%mul3A_574, %dma_wait3A_583] : memref<16384x16xf32, #tpu.memory_space<vmem_shared>> -> memref<256x16xf32, #tpu.memory_space<vmem_shared>>
    tpu.wait_dma2 semaphore(%arg20 : memref<!tpu.dma_semaphore, #tpu.memory_space<semaphore_mem>>) src(%dma_wait3A_584 : memref<256x16xf32, #tpu.memory_space<vmem_shared>>) dst(%dma_wait3A_582 : memref<256x16xf32, #tpu.memory_space<vmem>>)
    %parallel_loop3A_585 = arith.constant 512 : i32
    %parallel_loop3A_586 = arith.constant 768 : i32
    %parallel_loop3A_587 = arith.constant 1 : i32
    scf.for %parallel_loop3A_691 = %parallel_loop3A_585 to %parallel_loop3A_586 step %parallel_loop3A_587  : i32 {
      %parallel_loop3A_692 = arith.index_cast %parallel_loop3A_691 : i32 to index
      %parallel_loop3A_693 = arith.constant 0 : index
      %parallel_loop3A_694 = tpu.vector_load %arg14[%parallel_loop3A_692, %parallel_loop3A_693] {strides = array<i32>} : memref<1024x16xf32, #tpu.memory_space<vmem>>, vector<16xf32>,
      %parallel_loop3A_695 = vector.broadcast %parallel_loop3A_691 : i32 to vector<16xi32>
      tpu.vector_store_idx %arg15[%iota3A, %parallel_loop3A_695], %parallel_loop3A_694 : memref<16x1024xf32, #tpu.memory_space<vmem>>[vector<16xi32>, vector<16xi32>], vector<16xf32>,
    } {sc.loop_unroll_factor = 16 : i64, sc.parallel_access}
    %mul3A_588 = arith.constant 1024 : i32
    %mul3A_589 = arith.muli %arg1, %mul3A_588 : i32
    %add3A_590 = arith.constant 512 : i32
    %add3A_591 = arith.addi %mul3A_589, %add3A_590 : i32
    %dma_start3A_592 = arith.constant 0 : i32
    %dma_start3A_593 = arith.constant 512 : i32
    %dma_start3A_594 = tpu.memref_slice %arg15[%dma_start3A_592, %dma_start3A_593] : memref<16x1024xf32, #tpu.memory_space<vmem>> -> memref<16x256xf32, #tpu.memory_space<vmem>>
    %dma_start3A_595 = arith.constant 0 : i32
    %dma_start3A_596 = tpu.memref_slice %arg6[%arg0, %dma_start3A_595, %add3A_591] : memref<2x16x16384xf32, #tpu.memory_space<hbm>> -> memref<1x16x256xf32, #tpu.memory_space<hbm>>
    %dma_start3A_597 = tpu.memref_squeeze %dma_start3A_596 : memref<1x16x256xf32, #tpu.memory_space<hbm>> -> memref<16x256xf32, #tpu.memory_space<hbm>>
    %dma_start3A_598 = arith.constant 0 : i32
    %dma_start3A_599 = tpu.memref_slice %arg6[%arg0, %dma_start3A_598, %add3A_591] : memref<2x16x16384xf32, #tpu.memory_space<hbm>> -> memref<1x16x256xf32, #tpu.memory_space<hbm>>
    %dma_start3A_600 = tpu.memref_squeeze %dma_start3A_599 : memref<1x16x256xf32, #tpu.memory_space<hbm>> -> memref<16x256xf32, #tpu.memory_space<hbm>>
    %dma_start3A_601 = arith.constant 0 : i32
    %dma_start3A_602 = arith.constant 512 : i32
    %dma_start3A_603 = tpu.memref_slice %arg15[%dma_start3A_601, %dma_start3A_602] : memref<16x1024xf32, #tpu.memory_space<vmem>> -> memref<16x256xf32, #tpu.memory_space<vmem>>
    tpu.enqueue_dma source(%dma_start3A_603 : memref<16x256xf32, #tpu.memory_space<vmem>>) target(%dma_start3A_600 : memref<16x256xf32, #tpu.memory_space<hbm>>) target_semaphore(%arg22 : memref<!tpu.dma_semaphore, #tpu.memory_space<semaphore_mem>>)
    %mul3A_604 = arith.constant 1024 : i32
    %mul3A_605 = arith.muli %arg1, %mul3A_604 : i32
    %dma_wait3A_606 = arith.constant 768 : i32
    %dma_wait3A_607 = arith.constant 0 : i32
    %dma_wait3A_608 = tpu.memref_slice %arg14[%dma_wait3A_606, %dma_wait3A_607] : memref<1024x16xf32, #tpu.memory_space<vmem>> -> memref<256x16xf32, #tpu.memory_space<vmem>>
    %dma_wait3A_609 = arith.constant 0 : i32
    %dma_wait3A_610 = tpu.memref_slice %arg17[%mul3A_605, %dma_wait3A_609] : memref<16384x16xf32, #tpu.memory_space<vmem_shared>> -> memref<256x16xf32, #tpu.memory_space<vmem_shared>>
    %dma_wait3A_611 = arith.constant 768 : i32
    %dma_wait3A_612 = arith.constant 0 : i32
    %dma_wait3A_613 = tpu.memref_slice %arg14[%dma_wait3A_611, %dma_wait3A_612] : memref<1024x16xf32, #tpu.memory_space<vmem>> -> memref<256x16xf32, #tpu.memory_space<vmem>>
    %dma_wait3A_614 = arith.constant 0 : i32
    %dma_wait3A_615 = tpu.memref_slice %arg17[%mul3A_605, %dma_wait3A_614] : memref<16384x16xf32, #tpu.memory_space<vmem_shared>> -> memref<256x16xf32, #tpu.memory_space<vmem_shared>>
    tpu.wait_dma2 semaphore(%arg21 : memref<!tpu.dma_semaphore, #tpu.memory_space<semaphore_mem>>) src(%dma_wait3A_615 : memref<256x16xf32, #tpu.memory_space<vmem_shared>>) dst(%dma_wait3A_613 : memref<256x16xf32, #tpu.memory_space<vmem>>)
    %parallel_loop3A_616 = arith.constant 768 : i32
    %parallel_loop3A_617 = arith.constant 1024 : i32
    %parallel_loop3A_618 = arith.constant 1 : i32
    scf.for %parallel_loop3A_691 = %parallel_loop3A_616 to %parallel_loop3A_617 step %parallel_loop3A_618  : i32 {
      %parallel_loop3A_692 = arith.index_cast %parallel_loop3A_691 : i32 to index
      %parallel_loop3A_693 = arith.constant 0 : index
      %parallel_loop3A_694 = tpu.vector_load %arg14[%parallel_loop3A_692, %parallel_loop3A_693] {strides = array<i32>} : memref<1024x16xf32, #tpu.memory_space<vmem>>, vector<16xf32>,
      %parallel_loop3A_695 = vector.broadcast %parallel_loop3A_691 : i32 to vector<16xi32>
      tpu.vector_store_idx %arg15[%iota3A, %parallel_loop3A_695], %parallel_loop3A_694 : memref<16x1024xf32, #tpu.memory_space<vmem>>[vector<16xi32>, vector<16xi32>], vector<16xf32>,
    } {sc.loop_unroll_factor = 16 : i64, sc.parallel_access}
    %mul3A_619 = arith.constant 1024 : i32
    %mul3A_620 = arith.muli %arg1, %mul3A_619 : i32
    %add3A_621 = arith.constant 768 : i32
    %add3A_622 = arith.addi %mul3A_620, %add3A_621 : i32
    %dma_start3A_623 = arith.constant 0 : i32
    %dma_start3A_624 = arith.constant 768 : i32
    %dma_start3A_625 = tpu.memref_slice %arg15[%dma_start3A_623, %dma_start3A_624] : memref<16x1024xf32, #tpu.memory_space<vmem>> -> memref<16x256xf32, #tpu.memory_space<vmem>>
    %dma_start3A_626 = arith.constant 0 : i32
    %dma_start3A_627 = tpu.memref_slice %arg6[%arg0, %dma_start3A_626, %add3A_622] : memref<2x16x16384xf32, #tpu.memory_space<hbm>> -> memref<1x16x256xf32, #tpu.memory_space<hbm>>
    %dma_start3A_628 = tpu.memref_squeeze %dma_start3A_627 : memref<1x16x256xf32, #tpu.memory_space<hbm>> -> memref<16x256xf32, #tpu.memory_space<hbm>>
    %dma_start3A_629 = arith.constant 0 : i32
    %dma_start3A_630 = tpu.memref_slice %arg6[%arg0, %dma_start3A_629, %add3A_622] : memref<2x16x16384xf32, #tpu.memory_space<hbm>> -> memref<1x16x256xf32, #tpu.memory_space<hbm>>
    %dma_start3A_631 = tpu.memref_squeeze %dma_start3A_630 : memref<1x16x256xf32, #tpu.memory_space<hbm>> -> memref<16x256xf32, #tpu.memory_space<hbm>>
    %dma_start3A_632 = arith.constant 0 : i32
    %dma_start3A_633 = arith.constant 768 : i32
    %dma_start3A_634 = tpu.memref_slice %arg15[%dma_start3A_632, %dma_start3A_633] : memref<16x1024xf32, #tpu.memory_space<vmem>> -> memref<16x256xf32, #tpu.memory_space<vmem>>
    tpu.enqueue_dma source(%dma_start3A_634 : memref<16x256xf32, #tpu.memory_space<vmem>>) target(%dma_start3A_631 : memref<16x256xf32, #tpu.memory_space<hbm>>) target_semaphore(%arg22 : memref<!tpu.dma_semaphore, #tpu.memory_space<semaphore_mem>>)
    %mul3A_635 = arith.constant 1024 : i32
    %mul3A_636 = arith.muli %arg1, %mul3A_635 : i32
    %dma_wait3A_637 = arith.constant 0 : i32
    %dma_wait3A_638 = arith.constant 0 : i32
    %dma_wait3A_639 = tpu.memref_slice %arg15[%dma_wait3A_637, %dma_wait3A_638] : memref<16x1024xf32, #tpu.memory_space<vmem>> -> memref<16x256xf32, #tpu.memory_space<vmem>>
    %dma_wait3A_640 = arith.constant 0 : i32
    %dma_wait3A_641 = tpu.memref_slice %arg6[%arg0, %dma_wait3A_640, %mul3A_636] : memref<2x16x16384xf32, #tpu.memory_space<hbm>> -> memref<1x16x256xf32, #tpu.memory_space<hbm>>
    %dma_wait3A_642 = tpu.memref_squeeze %dma_wait3A_641 : memref<1x16x256xf32, #tpu.memory_space<hbm>> -> memref<16x256xf32, #tpu.memory_space<hbm>>
    %dma_wait3A_643 = arith.constant 0 : i32
    %dma_wait3A_644 = tpu.memref_slice %arg6[%arg0, %dma_wait3A_643, %mul3A_636] : memref<2x16x16384xf32, #tpu.memory_space<hbm>> -> memref<1x16x256xf32, #tpu.memory_space<hbm>>
    %dma_wait3A_645 = tpu.memref_squeeze %dma_wait3A_644 : memref<1x16x256xf32, #tpu.memory_space<hbm>> -> memref<16x256xf32, #tpu.memory_space<hbm>>
    %dma_wait3A_646 = arith.constant 0 : i32
    %dma_wait3A_647 = arith.constant 0 : i32
    %dma_wait3A_648 = tpu.memref_slice %arg15[%dma_wait3A_646, %dma_wait3A_647] : memref<16x1024xf32, #tpu.memory_space<vmem>> -> memref<16x256xf32, #tpu.memory_space<vmem>>
    tpu.wait_dma2 semaphore(%arg22 : memref<!tpu.dma_semaphore, #tpu.memory_space<semaphore_mem>>) src(%dma_wait3A_648 : memref<16x256xf32, #tpu.memory_space<vmem>>) dst(%dma_wait3A_645 : memref<16x256xf32, #tpu.memory_space<hbm>>)
    %mul3A_649 = arith.constant 1024 : i32
    %mul3A_650 = arith.muli %arg1, %mul3A_649 : i32
    %dma_wait3A_651 = arith.constant 0 : i32
    %dma_wait3A_652 = arith.constant 0 : i32
    %dma_wait3A_653 = tpu.memref_slice %arg15[%dma_wait3A_651, %dma_wait3A_652] : memref<16x1024xf32, #tpu.memory_space<vmem>> -> memref<16x256xf32, #tpu.memory_space<vmem>>
    %dma_wait3A_654 = arith.constant 0 : i32
    %dma_wait3A_655 = tpu.memref_slice %arg6[%arg0, %dma_wait3A_654, %mul3A_650] : memref<2x16x16384xf32, #tpu.memory_space<hbm>> -> memref<1x16x256xf32, #tpu.memory_space<hbm>>
    %dma_wait3A_656 = tpu.memref_squeeze %dma_wait3A_655 : memref<1x16x256xf32, #tpu.memory_space<hbm>> -> memref<16x256xf32, #tpu.memory_space<hbm>>
    %dma_wait3A_657 = arith.constant 0 : i32
    %dma_wait3A_658 = tpu.memref_slice %arg6[%arg0, %dma_wait3A_657, %mul3A_650] : memref<2x16x16384xf32, #tpu.memory_space<hbm>> -> memref<1x16x256xf32, #tpu.memory_space<hbm>>
    %dma_wait3A_659 = tpu.memref_squeeze %dma_wait3A_658 : memref<1x16x256xf32, #tpu.memory_space<hbm>> -> memref<16x256xf32, #tpu.memory_space<hbm>>
    %dma_wait3A_660 = arith.constant 0 : i32
    %dma_wait3A_661 = arith.constant 0 : i32
    %dma_wait3A_662 = tpu.memref_slice %arg15[%dma_wait3A_660, %dma_wait3A_661] : memref<16x1024xf32, #tpu.memory_space<vmem>> -> memref<16x256xf32, #tpu.memory_space<vmem>>
    tpu.wait_dma2 semaphore(%arg22 : memref<!tpu.dma_semaphore, #tpu.memory_space<semaphore_mem>>) src(%dma_wait3A_662 : memref<16x256xf32, #tpu.memory_space<vmem>>) dst(%dma_wait3A_659 : memref<16x256xf32, #tpu.memory_space<hbm>>)
    %mul3A_663 = arith.constant 1024 : i32
    %mul3A_664 = arith.muli %arg1, %mul3A_663 : i32
    %dma_wait3A_665 = arith.constant 0 : i32
    %dma_wait3A_666 = arith.constant 0 : i32
    %dma_wait3A_667 = tpu.memref_slice %arg15[%dma_wait3A_665, %dma_wait3A_666] : memref<16x1024xf32, #tpu.memory_space<vmem>> -> memref<16x256xf32, #tpu.memory_space<vmem>>
    %dma_wait3A_668 = arith.constant 0 : i32
    %dma_wait3A_669 = tpu.memref_slice %arg6[%arg0, %dma_wait3A_668, %mul3A_664] : memref<2x16x16384xf32, #tpu.memory_space<hbm>> -> memref<1x16x256xf32, #tpu.memory_space<hbm>>
    %dma_wait3A_670 = tpu.memref_squeeze %dma_wait3A_669 : memref<1x16x256xf32, #tpu.memory_space<hbm>> -> memref<16x256xf32, #tpu.memory_space<hbm>>
    %dma_wait3A_671 = arith.constant 0 : i32
    %dma_wait3A_672 = tpu.memref_slice %arg6[%arg0, %dma_wait3A_671, %mul3A_664] : memref<2x16x16384xf32, #tpu.memory_space<hbm>> -> memref<1x16x256xf32, #tpu.memory_space<hbm>>
    %dma_wait3A_673 = tpu.memref_squeeze %dma_wait3A_672 : memref<1x16x256xf32, #tpu.memory_space<hbm>> -> memref<16x256xf32, #tpu.memory_space<hbm>>
    %dma_wait3A_674 = arith.constant 0 : i32
    %dma_wait3A_675 = arith.constant 0 : i32
    %dma_wait3A_676 = tpu.memref_slice %arg15[%dma_wait3A_674, %dma_wait3A_675] : memref<16x1024xf32, #tpu.memory_space<vmem>> -> memref<16x256xf32, #tpu.memory_space<vmem>>
    tpu.wait_dma2 semaphore(%arg22 : memref<!tpu.dma_semaphore, #tpu.memory_space<semaphore_mem>>) src(%dma_wait3A_676 : memref<16x256xf32, #tpu.memory_space<vmem>>) dst(%dma_wait3A_673 : memref<16x256xf32, #tpu.memory_space<hbm>>)
    %mul3A_677 = arith.constant 1024 : i32
    %mul3A_678 = arith.muli %arg1, %mul3A_677 : i32
    %dma_wait3A_679 = arith.constant 0 : i32
    %dma_wait3A_680 = arith.constant 0 : i32
    %dma_wait3A_681 = tpu.memref_slice %arg15[%dma_wait3A_679, %dma_wait3A_680] : memref<16x1024xf32, #tpu.memory_space<vmem>> -> memref<16x256xf32, #tpu.memory_space<vmem>>
    %dma_wait3A_682 = arith.constant 0 : i32
    %dma_wait3A_683 = tpu.memref_slice %arg6[%arg0, %dma_wait3A_682, %mul3A_678] : memref<2x16x16384xf32, #tpu.memory_space<hbm>> -> memref<1x16x256xf32, #tpu.memory_space<hbm>>
    %dma_wait3A_684 = tpu.memref_squeeze %dma_wait3A_683 : memref<1x16x256xf32, #tpu.memory_space<hbm>> -> memref<16x256xf32, #tpu.memory_space<hbm>>
    %dma_wait3A_685 = arith.constant 0 : i32
    %dma_wait3A_686 = tpu.memref_slice %arg6[%arg0, %dma_wait3A_685, %mul3A_678] : memref<2x16x16384xf32, #tpu.memory_space<hbm>> -> memref<1x16x256xf32, #tpu.memory_space<hbm>>
    %dma_wait3A_687 = tpu.memref_squeeze %dma_wait3A_686 : memref<1x16x256xf32, #tpu.memory_space<hbm>> -> memref<16x256xf32, #tpu.memory_space<hbm>>
    %dma_wait3A_688 = arith.constant 0 : i32
    %dma_wait3A_689 = arith.constant 0 : i32
    %dma_wait3A_690 = tpu.memref_slice %arg15[%dma_wait3A_688, %dma_wait3A_689] : memref<16x1024xf32, #tpu.memory_space<vmem>> -> memref<16x256xf32, #tpu.memory_space<vmem>>
    tpu.wait_dma2 semaphore(%arg22 : memref<!tpu.dma_semaphore, #tpu.memory_space<semaphore_mem>>) src(%dma_wait3A_690 : memref<16x256xf32, #tpu.memory_space<vmem>>) dst(%dma_wait3A_687 : memref<16x256xf32, #tpu.memory_space<hbm>>)
    "tpu.trace_stop"() : () -> ()
    return
  }
}

module attributes {stable_mosaic.version = 14 : i64} {
  func.func @_combine_body(%arg0: memref<2x16x16384xf32, #tpu.memory_space<vmem>>, %arg1: memref<1x16384xf32, #tpu.memory_space<vmem>>, %arg2: memref<16x16384xf32, #tpu.memory_space<vmem>>) attributes {dimension_semantics = [], scalar_prefetch = 0 : i64, scratch_operands = 0 : i64, tpu.core_type = #tpu.core_type<tc>} {
    %get3A = arith.constant 0 : index
    %get3A_0 = arith.constant 0 : index
    %get3A_1 = arith.constant 0 : index
    %get3A_2 = vector.load %arg0[%get3A, %get3A_0, %get3A_1] : memref<2x16x16384xf32, #tpu.memory_space<vmem>>, vector<1x16x16384xf32>
    %get3A_3 = vector.shape_cast %get3A_2 : vector<1x16x16384xf32> to vector<16x16384xf32>
    %get3A_4 = arith.constant 1 : index
    %get3A_5 = arith.constant 0 : index
    %get3A_6 = arith.constant 0 : index
    %get3A_7 = vector.load %arg0[%get3A_4, %get3A_5, %get3A_6] : memref<2x16x16384xf32, #tpu.memory_space<vmem>>, vector<1x16x16384xf32>
    %get3A_8 = vector.shape_cast %get3A_7 : vector<1x16x16384xf32> to vector<16x16384xf32>
    %add3A = arith.addf %get3A_3, %get3A_8 : vector<16x16384xf32>
    %get3A_9 = arith.constant 0 : index
    %get3A_10 = arith.constant 0 : index
    %get3A_11 = vector.load %arg1[%get3A_9, %get3A_10] : memref<1x16384xf32, #tpu.memory_space<vmem>>, vector<1x16384xf32>
    %add3A_12 = vector.broadcast %get3A_11 : vector<1x16384xf32> to vector<16x16384xf32>
    %add3A_13 = arith.addf %add3A, %add3A_12 : vector<16x16384xf32>
    %swap3A = arith.constant 0 : index
    %swap3A_14 = arith.constant 0 : index
    %swap3A_15 = vector.load %arg2[%swap3A, %swap3A_14] : memref<16x16384xf32, #tpu.memory_space<vmem>>, vector<16x16384xf32>
    tpu.vector_store %arg2[%swap3A, %swap3A_14], %add3A_13 {strides = array<i32>} : memref<16x16384xf32, #tpu.memory_space<vmem>>, vector<16x16384xf32>,
    return
  }
}

</mosaic_0001>

<sc_bundles>
// kernel: kernel.4.cloned.1.call-start
scs
__scs_entry_jumppad:
0x0: {  	(pc) =	sbr.rel $0x88, $3  }
0x1: {  	(tag) =	ssettag $0x0;
	lr =	simm.s32 $0x1  }
0x2: {  	[smem:$0x3F9D] =	sst lr;
	_ =	strace $0xD0000000  }
0x3: {  	_ = 	snop  }
0x4: {  	_ = 	snop  }
0x5: {  	_ = 	snop  }
0x6: {  	_ = 	snop  }
0x7: {  	_ = 	snop  }
__scs_overlays_trampoline_lowered:
0x8: {  	[smem:$0x3FAC] =	sst s0  }
0x9: {  	[smem:$0x3FAD] =	sst s1  }
0xa: {  	[smem:$0x3FAE] =	sst s2  }
0xb: {  	[smem:$0x3FAF] =	sst s3  }
0xc: {  	[smem:$0x3FB0] =	sst s4  }
0xd: {  	[smem:$0x3FB1] =	sst s5  }
0xe: {  	[smem:$0x3FB2] =	sst s6  }
0xf: {  	[smem:$0x3FB3] =	sst s7  }
0x10: {  	[smem:$0x3FB4] =	sst s8  }
0x11: {  	[smem:$0x3FB5] =	sst s9;
	s0 =	simm.s32 @!p0 $0x0  }
0x12: {  	s1 =	sld [smem:$0x3F9B];
	s0 =	simm.s32 @p0 $0x1  }
0x13: {  	[smem:$0x3FB6] =	sst s0;
	s0 =	simm.s32 @!p1 $0x0  }
0x14: {  	s2 =	sld [smem:$0x3F9A];
	s0 =	simm.s32 @p1 $0x1  }
0x15: {  	[smem:$0x3FB7] =	sst s0;
	s0 =	simm.s32 @!p2 $0x0  }
0x16: {  	s3 =	sld [smem:$0x3FDB];
	s0 =	simm.s32 @p2 $0x1  }
0x17: {  	s4 =	simm.s32 $0x1BF5;
	[smem:$0x3FB9] =	sst s0  }
0x18: {  	s0 =	sld [smem:$0x3F9C];
	_ =	swait.ge [sflag:s4], $0x0  }
0x19: {  	s7 =	sld [smem:$0x3F9D]  }
0x1a: {  	s8 =	sadd.s32 $0xFFFFE003, lr  }
0x1b: {  	s9 =	sadd.s32 $0xFFFFFEF7, lr;
	s5 =	simm.s32 $0xFFFFFFFF;
	p2 =	slt.u32 s8, $0xFFFFF086  }
0x1c: {  	p1 =	slt.u32 s9, $0xF7A;
	s5 =	simm.s32 @!p2 $0x0  }
0x1d: {  	s5 =	simm.s32 @p1 $0x1;
	p0 =	seq.s32 s7, s2  }
0x1e: {  	s7 =	smul.u32 @!p0 $0xF7A, s2;
	p2 =	seq.s32 @!p0 s5, $0x0  }
0x1f: {  	s9 =	smul.u32 $0xF7A, s1;
	s8 =	simm.s32 @!p0 $0x1BF5;
	p2 =	por !p2, p0  }
0x20: {  	[sflag:s8] =	ssyncset.s32 @!p0 $0xFFFFF086;
	s6 =	sadd.s32 @!p0 s3, s7;
	s7 =	simm.s32 @!p0 $0x108  }
0x21: {  	s3 =	sadd.s32 s3, s9;
	s6 =	sadd.s32 @!p0 $0x88, s6;
	s7 =	simm.s32 @p2 $0x1082  }
0x22: {  	[simem:s7], [sflag:s8] =	dma.local @!p0 [hbm:s6], $0xF7A  }
0x23: {  	s9 =	sor.u32 $0xD0000000, s2;
	s6 =	simm.s32 $0x108;
	_ =	swait.ge @!p0 [sflag:s8], $0x0  }
0x24: {  	s3 =	sadd.s32 $0x88, s3;
	s6 =	simm.s32 @!p1 $0x1082;
	[sflag:s4] =	ssyncset.s32 $0xFFFFF086  }
0x25: {  	[simem:s6], [sflag:s4] =	dma.local [hbm:s3], $0xF7A  }
0x26: {  	[smem:$0x3F9D] =	sst s1;
	(tag) =	ssettag s2;
	_ =	strace s9  }
0x27: {  	s1 =	sld [smem:$0x3FAD]  }
0x28: {  	s2 =	sld [smem:$0x3FAE]  }
0x29: {  	s4 =	sld [smem:$0x3FB0]  }
0x2a: {  	p0 =	seq.s32 s5, $0x0;
	s5 =	sld [smem:$0x3FB1]  }
0x2b: {  	s6 =	sld [smem:$0x3FB2]  }
0x2c: {  	s7 =	sld [smem:$0x3FB3]  }
0x2d: {  	s3 =	simm.s32 $0x108;
	s8 =	sld [smem:$0x3FB4]  }
0x2e: {  	s3 =	simm.s32 @!p0 $0x1082;
	s9 =	sld [smem:$0x3FB5]  }
0x2f: {  	lr =	sadd.s32 s0, s3;
	s0 =	sld [smem:$0x3FAC]  }
0x30: {  	s3 =	sld [smem:$0x3FAF]  }
0x31: {  	[smem:$0x3FB8] =	sst s10  }
0x32: {  	s10 =	sld [smem:$0x3FB6];
	_ =	sdelay $0x3  }
0x33: {  	p0 =	seq.s32 s10, $0x1;
	s10 =	sld [smem:$0x3FB8];
	_ =	sdelay $0x3  }
0x34: {  	[smem:$0x3FB8] =	sst s10  }
0x35: {  	s10 =	sld [smem:$0x3FB7];
	_ =	sdelay $0x3  }
0x36: {  	p1 =	seq.s32 s10, $0x1;
	s10 =	sld [smem:$0x3FB8];
	_ =	sdelay $0x3  }
0x37: {  	[smem:$0x3FB8] =	sst s10  }
0x38: {  	s10 =	sld [smem:$0x3FB9]  }
0x39: {  	_ = 	snop;
	(pc) =	sbr.ind lr, $3  }
0x3a: {  	_ = 	snop  }
0x3b: {  	_ = 	snop  }
0x3c: {  	p2 =	seq.s32 s10, $0x1;
	s10 =	sld [smem:$0x3FB8]  }
0x3d: {  	_ =	shalt  }
0x3e: {  	_ =	shalt  }
0x3f: {  	_ =	shalt  }
0x40: {  	_ =	shalt  }
0x41: {  	_ =	shalt  }
0x42: {  	_ =	shalt  }
0x43: {  	_ =	shalt  }
0x44: {  	_ =	shalt  }
0x45: {  	_ =	shalt  }
0x46: {  	_ =	shalt  }
0x47: {  	_ =	shalt  }
0x48: {  	_ =	shalt  }
0x49: {  	_ =	shalt  }
0x4a: {  	_ =	shalt  }
0x4b: {  	_ =	shalt  }
0x4c: {  	_ =	shalt  }
0x4d: {  	_ =	shalt  }
0x4e: {  	_ =	shalt  }
0x4f: {  	_ =	shalt  }
0x50: {  	_ =	shalt  }
0x51: {  	_ =	shalt  }
0x52: {  	_ =	shalt  }
0x53: {  	_ =	shalt  }
0x54: {  	_ =	shalt  }
0x55: {  	_ =	shalt  }
0x56: {  	_ =	shalt  }
0x57: {  	_ =	shalt  }
0x58: {  	_ =	shalt  }
0x59: {  	_ =	shalt  }
0x5a: {  	_ =	shalt  }
0x5b: {  	_ =	shalt  }
0x5c: {  	_ =	shalt  }
0x5d: {  	_ =	shalt  }
0x5e: {  	_ =	shalt  }
0x5f: {  	_ =	shalt  }
0x60: {  	_ =	shalt  }
0x61: {  	_ =	shalt  }
0x62: {  	_ =	shalt  }
0x63: {  	_ =	shalt  }
0x64: {  	_ =	shalt  }
0x65: {  	_ =	shalt  }
0x66: {  	_ =	shalt  }
0x67: {  	_ =	shalt  }
0x68: {  	_ =	shalt  }
0x69: {  	_ =	shalt  }
0x6a: {  	_ =	shalt  }
0x6b: {  	_ =	shalt  }
0x6c: {  	_ =	shalt  }
0x6d: {  	_ =	shalt  }
0x6e: {  	_ =	shalt  }
0x6f: {  	_ =	shalt  }
0x70: {  	_ =	shalt  }
0x71: {  	_ =	shalt  }
0x72: {  	_ =	shalt  }
0x73: {  	_ =	shalt  }
0x74: {  	_ =	shalt  }
0x75: {  	_ =	shalt  }
0x76: {  	_ =	shalt  }
0x77: {  	_ =	shalt  }
0x78: {  	_ =	shalt  }
0x79: {  	_ =	shalt  }
0x7a: {  	_ =	shalt  }
0x7b: {  	_ =	shalt  }
0x7c: {  	_ =	shalt  }
0x7d: {  	_ =	shalt  }
0x7e: {  	_ =	shalt  }
0x7f: {  	_ =	shalt  }
0x80: {  	_ =	shalt  }
0x81: {  	_ =	shalt  }
0x82: {  	_ =	shalt  }
0x83: {  	_ =	shalt  }
0x84: {  	_ =	shalt  }
0x85: {  	_ =	shalt  }
0x86: {  	_ =	shalt  }
0x87: {  	_ =	shalt  }
.Lfunc_end0:
.L_simem_size_0:
called_computation_lowered:
.L_overlay_start_0:
0x88: {  	s2 =	sld [smem:$0x3FD9]  }
0x89: {  	s3 =	sld [smem:$0x3FFE];
	_ =	sdelay $0x1  }
0x8a: {  	s1 =	srdreg.scid  }
0x8b: {  	s0 =	sand.u32 $0x1, s1  }
0x8c: {  	s17 =	sshll.u32 s0, $0xA;
	s2 =	sadd.s32 s3, s2  }
0x8d: {  	s2 =	sadd.s32 s2, s17  }
0x8e: {  	[smem:$0x3FC4] =	sst s2  }
0x8f: {  	_ = 	snop  }
0x90: {  	s2 =	sld [smem:$0x3FC9]  }
0x91: {  	s18 =	sld [smem:$0x3FC8]  }
0x92: {  	s4 =	sld [smem:$0x3FD0];
	(tm) =	ssettm $0x1  }
0x93: {  	s5 =	sld [smem:$0x3FFB];
	_ =	sdelay $0x3  }
0x94: {  	_ =	strace s5  }
0x95: {  	s5 =	sld [smem:$0x3FFC];
	_ =	sdelay $0x3  }
0x96: {  	_ =	strace s5  }
0x97: {  	s5 =	sld [smem:$0x3FFD];
	_ =	sdelay $0x3  }
0x98: {  	_ =	strace s5  }
0x99: {  	_ =	strace $0x8FFFFFFF  }
0x9a: {  	s19 =	sld [smem:$0x3FDB];
	_ =	sdelay $0x1  }
0x9b: {  	s6 =	simm.s32 $_scs_section_size  }
0x9c: {  	s7 =	simm.s32 $_size__tile_overlayer_lowered;
	s8 =	simm.s32 $_tile_overlayer_lowered  }
0x9d: {  	s22 =	simm.s32 $0x1BFF;
	s21 =	sshll.u32 s8, $0x1;
	s5 =	sadd.s32 s6, s19  }
0x9e: {  	s9 =	simm.s32 $0x0;
	s20 =	sshll.u32 s7, $0x1;
	s7 =	sadd.s32 s21, s5  }
0x9f: {  	[timem:s9], [sflag:s22] =	dma.local [hbm:s7], s20  }
0xa0: {  	_ =	swait.ge [sflag:s22], s20  }
0xa1: {  	s6 =	ssub.s32 $0x0, s20;
	[sflag:s22] =	ssyncset.done $0x0  }
0xa2: {  	[sflag:s22] =	ssyncadd.s32 s6;
	_ =	sdelay $0x1  }
0xa3: {  	s23 =	simm.s32 $0x1B8B  }
0xa4: {  	_ =	swait.ge [sflag:s23], $0x1  }
0xa5: {  	[sflag:s23] =	ssyncset.done $0x0  }
0xa6: {  	s25 =	simm.s32 $0x1B8E;
	s24 =	sld [smem:$0x3FFE];
	[sflag:s23] =	ssyncadd.s32 $0xFFFFFFFF  }
0xa7: {  	s26 =	simm.s32 $execute0_lowered;
	[smem:$0x3FD2] =	sst s25  }
0xa8: {  	s7 =	sshll.u32 s26, $0x1;
	_ =	strace $0x80000046;
	[dreg:$0x1] =	wrdreg $0xFFFFFFFF  }
0xa9: {  	s28 =	simm.s32 $_size_execute0_lowered;
	s5 =	sadd.s32 s5, s7;
	[dreg:$0x0] =	wrdreg $0x0  }
0xaa: {  	s7 =	sshll.u32 s28, $0x1;
	[dreg:$0x2] =	wrdreg s5  }
0xab: {  	[dreg:$0x3] =	wrdreg s7  }
0xac: {  	[dreg:$0x4] =	wrdreg $0xC0  }
0xad: {  	_ =	task [dreg:s9], $0x5FFFF  }
0xae: {  	[dreg:$0x1] =	wrdreg $0xFFFFFFFF  }
0xaf: {  	[dreg:$0x0] =	wrdreg $0x60  }
0xb0: {  	[dreg:$0x2] =	wrdreg s2  }
0xb1: {  	[dreg:$0x3] =	wrdreg s24  }
0xb2: {  	[dreg:$0x4] =	wrdreg s4  }
0xb3: {  	[dreg:$0x5] =	wrdreg s18  }
0xb4: {  	[dreg:$0x6] =	wrdreg $0x140000  }
0xb5: {  	[dreg:$0x7] =	wrdreg $0x100000  }
0xb6: {  	[dreg:$0x8] =	wrdreg $0x9  }
0xb7: {  	_ =	task.clear_ibuf [dreg:s9], $0x9FFFF;
	_ =	strace $0x90000046  }
0xb8: {  	s29 =	simm.s32 $0x9;
	_ =	strace $0x8000004B  }
0xb9: {  	_ =	swait.ge [sflag:s29], $0x1  }
0xba: {  	[sflag:s29] =	ssyncadd.s32 $0xFFFFFFFF  }
0xbb: {  	_ =	strace $0x9000004B  }
0xbc: {  	_ =	sfence  }
0xbd: {  	s30 =	sld [smem:$0x0];
	_ =	sdelay $0x2  }
0xbe: {  	s31 =	sshll.u32 s1, $0xD;
	s1 =	sshrl.u32 s1, $0x2  }
0xbf: {  	s3 =	sand.u32 $0x4000, s31;
	s1 =	sadd.s32 s1, s30  }
0xc0: {  	s0 =	sor.u32 s3, s0;
	s1 =	sshll.u32 s1, $0x11  }
0xc1: {  	s0 =	sor.u32 s1, s0  }
0xc2: {  	s0 =	sadd.s32 $0x8F2B, s0  }
0xc3: {  	[sflag:s0] =	ssyncadd.remote.s32 $0x1  }
0xc4: {  	_ =	sfence.sel $0xFFFF  }
0xc5: {  	[dreg:$0x0] =	wrdreg $0xFFFFFFFF;
	(pc) =	sbr.abs _section_cstart, $3  }
0xc6: {  	[dreg:$0x1] =	wrdreg $0xFFFFFFFF  }
0xc7: {  	_ =	task.clear_ibuf [dreg:s9], $0x2FFFF;
	_ =	strace $0x9FFFFFFF  }
0xc8: {  	(tm) =	ssettm $0x7FFFFFFF  }
0xc9: {  	_ =	shalt  }
tec
execute0_lowered:
.L_overlay_start_1:
0x0: {  	(tag) =	ssettag $0x1  }
0x1: {  	s0 =	rddreg [dreg:$0x0]  }
0x2: {  	s2 =	rddreg [dreg:$0x1]  }
0x3: {  	s5 =	rddreg [dreg:$0x2]  }
0x4: {  	s6 =	rddreg [dreg:$0x3]  }
0x5: {  	s1 =	rddreg [dreg:$0x4]  }
0x6: {  	s3 =	rddreg [dreg:$0x5];
	s7 =	srdreg.scid  }
0x7: {  	s4 =	simm.s32 $0x0;
	s14 =	stileid.u32;
	s29 =	simm.s32 $0xC000  }
0x8: {  	s31 =	simm.s32 $0x6000;
	s28 =	simm.s32 $0x4;
	s30 =	simm.s32 $0x5  }
0x9: {  	s7 =	sand.u32 $0x1, s7;
	[smem:$0x7FF] =	sst s4;
	s10 =	sshll.u32 s14, $0xA  }
0xa: {  	s13 =	sshll.u32 s14, $0x7;
	s8 =	sshll.u32 s7, $0xE;
	_ =	strace $0x80000047  }
0xb: {  	s9 =	ssub.s32 $0x2, s7;
	s0 =	sadd.s32 s0, s13;
	s23 =	sor.u32 $0x100, s10  }
0xc: {  	s26 =	sor.u32 $0x200, s10;
	s18 =	sor.u32 $0x300, s10;
	s7 =	sshll.u32 s7, $0x12  }
0xd: {  	s8 =	sor.u32 s10, s8;
	s12 =	sshrl.u32 s9, $0x1;
	[dreg:$0x7] =	wrdreg s0  }
0xe: {  	s0 =	sshll.u32 s14, $0xE;
	s25 =	sshll.u32 s23, $0x4;
	s16 =	sshll.u32 s26, $0x4  }
0xf: {  	s10 =	sor.u32 s10, s7;
	s11 =	sadd.s32 s8, s2;
	s2 =	sadd.s32 $0x8800, s2  }
0x10: {  	s12 =	ssub.s32 s9, s12;
	s20 =	sadd.s32 s5, s8;
	s21 =	sadd.s32 s6, s8  }
0x11: {  	s22 =	sadd.s32 s0, s1;
	s14 =	sadd.s32 s25, s1;
	s17 =	sadd.s32 s16, s1  }
0x12: {  	s10 =	sshrl.u32 s10, $0x3;
	s5 =	sor.u32 s7, s23;
	[dreg:$0x9] =	wrdreg s20  }
0x13: {  	s8 =	sor.u32 s7, s26;
	s7 =	sor.u32 s7, s18;
	[dreg:$0xa] =	wrdreg s21  }
0x14: {  	s0 =	sadd.s32 s0, s3;
	s23 =	sadd.s32 s25, s3;
	[dreg:$0xd] =	wrdreg s14  }
0x15: {  	s6 =	simm.s32 $0x6800;
	s19 =	sadd.s32 $0x800, s11;
	[dreg:$0xf] =	wrdreg s17  }
0x16: {  	s24 =	sadd.s32 $0x800, s22;
	s15 =	sadd.s32 $0x1800, s22;
	[dreg:$0xb] =	wrdreg s22  }
0x17: {  	s20 =	sshll.u32 s18, $0x4;
	s10 =	sadd.s32 s2, s10;
	[dreg:$0x14] =	wrdreg s0  }
0x18: {  	s5 =	sshrl.u32 s5, $0x3;
	s8 =	sshrl.u32 s8, $0x3;
	[dreg:$0x15] =	wrdreg s23  }
0x19: {  	v0 =	vlaneseq.u32;
	s7 =	sshrl.u32 s7, $0x3;
	s26 =	smax.u32 s12, $0x1;
	[dreg:$0x8] =	wrdreg s19  }
0x1a: {  	v1 =	vimm.s32 $0x0;
	vm0 =	vcmask $0x300;
	v2 =	vimm.f32 $0.0e+00;
	s0 =	simm.s32 $0x1;
	s12 =	simm.s32 $0x7;
	[dreg:$0xc] =	wrdreg s24  }
0x1b: {  	v11 =	vimm.s32 $0x1;
	v12 =	vimm.s32 $0x2;
	v13 =	vimm.s32 $0x3;
	s14 =	simm.s32 $0x8;
	s11 =	simm.s32 $0x0;
	[dreg:$0xe] =	wrdreg s15  }
0x1c: {  	v14 =	vimm.s32 $0x4;
	v15 =	vimm.s32 $0x5;
	v16 =	vimm.s32 $0x6;
	s19 =	sadd.s32 $0x2800, s22;
	s21 =	sadd.s32 s20, s1;
	[dreg:$0x12] =	wrdreg s10  }
0x1d: {  	v17 =	vimm.s32 $0x7;
	v18 =	vimm.s32 $0x8;
	v19 =	vimm.s32 $0x9;
	s17 =	sadd.s32 s2, s5;
	s18 =	sadd.s32 s2, s8;
	[dreg:$0x18] =	wrdreg s26  }
0x1e: {  	v20 =	vimm.s32 $0xA;
	v21 =	vimm.s32 $0xB;
	v0 =	vmul.u32 $0x400, v0;
	s22 =	sadd.s32 $0x3800, s22;
	s24 =	sadd.s32 s16, s3;
	[dreg:$0x10] =	wrdreg s19  }
0x1f: {  	v22 =	vimm.s32 $0xC;
	v23 =	vimm.s32 $0xD;
	v24 =	vimm.s32 $0xE;
	s25 =	sadd.s32 s20, s3;
	s26 =	simm.s32 $0x3;
	[dreg:$0x11] =	wrdreg s21  }
0x20: {  	v25 =	vimm.s32 $0xF;
	v3 =	vsel vm0, $0x3, v1;
	v4 =	vor.u32 $0x1, v0;
	s5 =	simm.s32 $0x80;
	s8 =	simm.s32 $0x7800;
	[dreg:$0x13] =	wrdreg s22  }
0x21: {  	v5 =	vor.u32 $0x2, v0;
	v6 =	vor.u32 $0x3, v0;
	v7 =	vor.u32 $0x4, v0;
	s10 =	simm.s32 $0x6;
	s19 =	sadd.s32 s2, s7;
	[dreg:$0x16] =	wrdreg s24  }
0x22: {  	v8 =	vor.u32 $0x5, v0;
	v9 =	vor.u32 $0x6, v0;
	v10 =	vor.u32 $0x7, v0;
	[dreg:$0x17] =	wrdreg s25;
	s2 =	simm.s32 $0x2;
	s7 =	simm.s32 $0x7000  }
.LBB2_1:
0x23: {  	[dreg:$0x19] =	wrdreg s11  }
0x24: {  	_ =	strace $0x80000048  }
0x25: {  	s21 =	simm.s32 $0x400;
	s13 =	simm.s32 $0x4000;
	s9 =	rddreg [dreg:$0x7]  }
0x26: {  	[tilespmem:s29], [sflag:$0x1] =	stream.strided.gather [hbm4b:s9+s21], $0x4000, s13, s21, $0x200038;
	[tilespmem:$0x18000] =	vst v63  }
0x27: {  	s22 =	rddreg [dreg:$0x8]  }
0x28: {  	[tilespmem:s4], [sflag:$0x2] =	stream.linear.gather [hbm4b:s22+s4], $0x2000, $0x200038;
	[tilespmem:$0x18000] =	vst v63  }
0x29: {  	s24 =	simm.s32 $0x2000;
	s23 =	rddreg [dreg:$0x9]  }
0x2a: {  	[tilespmem:s24], [sflag:$0x3] =	stream.linear.gather [hbm4b:s23+s4], $0x2000, $0x200038;
	[tilespmem:$0x18000] =	vst v63  }
0x2b: {  	s11 =	simm.s32 $0x6040;
	s25 =	rddreg [dreg:$0xa]  }
0x2c: {  	[tilespmem:s13], [sflag:$0x4] =	stream.linear.gather [hbm4b:s25+s4], $0x2000, $0x200038;
	[tilespmem:$0x18000] =	vst v63  }
0x2d: {  	[tilespmem:s11+$0xFFFFFFC0] =	vst v2  }
0x2e: {  	[tilespmem:s11+$0x30] =	vst v2  }
0x2f: {  	[tilespmem:s11+$0x20] =	vst v2  }
0x30: {  	[tilespmem:s11+$0x10] =	vst v2  }
0x31: {  	[tilespmem:s11+$0x0] =	vst v2  }
0x32: {  	[tilespmem:s11+$0xFFFFFFF0] =	vst v2  }
0x33: {  	s13 =	simm.s32 $0x0;
	[tilespmem:s11+$0xFFFFFFE0] =	vst v2  }
.LBB2_2:
0x34: {  	s13 =	sadd.s32 $0x8, s13;
	[tilespmem:s11+$0xFFFFFFD0] =	vst v2;
	s11 =	sadd.s32 $0x80, s11  }
0x35: {  	[tilespmem:s11+$0xFFFFFFC0] =	vst v2;
	p0 =	slt.u32 s13, $0x78  }
0x36: {  	[tilespmem:s11+$0x30] =	vst v2  }
.Ltmp0:
0x37: {  	[tilespmem:s11+$0x20] =	vst v2;
	(pc) =	sbr.rel @p0 .LBB2_2-.Ltmp0, $4  }
0x38: {  	[tilespmem:s11+$0x10] =	vst v2  }
0x39: {  	[tilespmem:s11+$0x0] =	vst v2  }
0x3a: {  	[tilespmem:s11+$0xFFFFFFF0] =	vst v2  }
0x3b: {  	[tilespmem:s11+$0xFFFFFFE0] =	vst v2  }
0x3c: {  	[tilespmem:s11+$0xFFFFFFD0] =	vst v2  }
0x3d: {  	s21 =	simm.s32 $0x0;
	s9 =	rddreg [dreg:$0xb]  }
0x3e: {  	s22 =	simm.s32 $0x2;
	s23 =	simm.s32 $0x3;
	s11 =	rddreg [dreg:$0xc]  }
0x3f: {  	[spmem:s9] =	stream.linear.scatter [tilespmem:s31], [sflag:$0x5], $0x800, $0x200038;
	[tilespmem:$0x18000] =	vst v63  }
0x40: {  	s24 =	simm.s32 $0x4;
	s25 =	simm.s32 $0x8;
	s13 =	rddreg [dreg:$0xd]  }
0x41: {  	v26 =	vmov s21;
	v28 =	vmov s22;
	v29 =	vmov s24;
	[spmem:s11] =	stream.linear.scatter [tilespmem:s31], [sflag:$0x5], $0x800, $0x200038;
	[tilespmem:$0x18000] =	vst v63  }
0x42: {  	s15 =	rddreg [dreg:$0xe];
	s21 =	simm.s32 $0xC;
	v30 =	vmov s23;
	s22 =	simm.s32 $0xF;
	v31 =	vmov s25;
	v26 =	vshrl.u32 v26, $0x3  }
0x43: {  	v33 =	vmov s21;
	v34 =	vor.u32 s22, v10;
	v31 =	vshrl.u32 v31, $0x3;
	[spmem:s13] =	stream.linear.scatter [tilespmem:s31], [sflag:$0x5], $0x800, $0x200038;
	[tilespmem:$0x18000] =	vst v63  }
0x44: {  	s9 =	simm.s32 $0xB;
	v28 =	vshrl.u32 v28, $0x3;
	s21 =	simm.s32 $0x9;
	s22 =	simm.s32 $0xD;
	v30 =	vshrl.u32 v30, $0x3;
	v29 =	vshrl.u32 v29, $0x3  }
0x45: {  	v26 =	vshll.u32 v26, v3;
	v32 =	vmov s9;
	v31 =	vshll.u32 v31, v3;
	[spmem:s15] =	stream.linear.scatter [tilespmem:s31], [sflag:$0x5], $0x800, $0x200038;
	[tilespmem:$0x18000] =	vst v63  }
0x46: {  	s16 =	rddreg [dreg:$0xf];
	v38 =	vmov s21;
	v39 =	vmov s22;
	v30 =	vshll.u32 v30, v3  }
0x47: {  	v33 =	vshrl.u32 v33, $0x3;
	v28 =	vshll.u32 v28, v3;
	v29 =	vshll.u32 v29, v3;
	[spmem:s16] =	stream.linear.scatter [tilespmem:s31], [sflag:$0x5], $0x800, $0x200038;
	[tilespmem:$0x18000] =	vst v63  }
0x48: {  	s20 =	rddreg [dreg:$0x10];
	v31 =	vbroadcast v31, $0x0;
	v32 =	vshrl.u32 v32, $0x3;
	v39 =	vshrl.u32 v39, $0x3;
	s15 =	simm.s32 $0xE  }
0x49: {  	v30 =	vbroadcast v30, $0x0;
	v28 =	vbroadcast v28, $0x0;
	v61 =	vshrl.u32 v38, $0x3;
	[spmem:s20] =	stream.linear.scatter [tilespmem:s31], [sflag:$0x5], $0x800, $0x200038;
	[tilespmem:$0x18000] =	vst v63  }
0x4a: {  	s23 =	rddreg [dreg:$0x11];
	v26 =	vbroadcast v26, $0x0;
	v32 =	vshll.u32 v32, v3;
	v35 =	vmov s15  }
0x4b: {  	v39 =	vshll.u32 v39, v3;
	v31 =	vor.u32 v0, v31;
	v35 =	vshrl.u32 v35, $0x3;
	[spmem:s23] =	stream.linear.scatter [tilespmem:s31], [sflag:$0x5], $0x800, $0x200038;
	[tilespmem:$0x18000] =	vst v63  }
0x4c: {  	s24 =	rddreg [dreg:$0x13];
	s13 =	simm.s32 $0x1;
	v32 =	vbroadcast v32, $0x0;
	v39 =	vbroadcast v39, $0x0;
	v35 =	vshll.u32 v35, v3  }
0x4d: {  	v40 =	vor.u32 v6, v30;
	v30 =	vshll.u32 v33, v3;
	v35 =	vbroadcast v35, $0x0;
	[spmem:s24] =	stream.linear.scatter [tilespmem:s31], [sflag:$0x5], $0x800, $0x200038;
	[tilespmem:$0x18000] =	vst v63  }
0x4e: {  	v33 =	vshll.u32 v61, v3;
	v27 =	vmov s13;
	v30 =	vbroadcast v30, $0x0;
	_ =	swait.ge [sflag:s0], $0x4000  }
0x4f: {  	v27 =	vshrl.u32 v27, $0x3;
	v32 =	vor.u32 v6, v32;
	s20 =	simm.s32 $0xA;
	v35 =	vor.u32 v9, v35;
	[sflag:s0] =	ssyncset.done $0x0  }
0x50: {  	v39 =	vor.u32 v8, v39;
	v27 =	vshll.u32 v27, v3;
	s16 =	simm.s32 $0x6;
	v36 =	vmov s20;
	[sflag:s0] =	ssyncadd.s32 $0xFFFFC000  }
0x51: {  	v43 =	vbroadcast v27, $0x0;
	v37 =	vmov s16;
	v63 =	vshrl.u32 v36, $0x3;
	v62 =	vld.idx.msk [tilespmem:v34+s29+$0x0], $0xffff  }
0x52: {  	v27 =	vbroadcast v29, $0x0;
	v29 =	vshrl.u32 v37, $0x3;
	v41 =	vld.idx.msk [tilespmem:v31+s29+$0x0], $0xffff;
	v31 =	vshll.u32 v63, v3  }
0x53: {  	v42 =	vbroadcast v33, $0x0;
	v29 =	vshll.u32 v29, v3;
	v31 =	vbroadcast v31, $0x0  }
0x54: {  	s25 =	simm.s32 $0x5;
	v30 =	vor.u32 v7, v30;
	v36 =	vor.u32 v5, v28;
	v37 =	vbroadcast v29, $0x0;
	v34 =	vld.idx.msk [tilespmem:v35+s29+$0x0], $0xffff  }
0x55: {  	s11 =	simm.s32 $0x8080;
	v33 =	vld.idx.msk [tilespmem:v40+s29+$0x0], $0xffff;
	v28 =	vor.u32 v5, v31;
	v31 =	vor.u32 v7, v27;
	v27 =	vmov s25  }
0x56: {  	v29 =	vor.u32 v4, v43;
	v32 =	vld.idx.msk [tilespmem:v32+s29+$0x0], $0xffff;
	v35 =	vor.u32 v0, v26;
	v26 =	vshrl.u32 v27, $0x3;
	[tilespmem:s11+$0x70] =	vst v62  }
0x57: {  	s22 =	simm.s32 $0x7;
	s21 =	simm.s32 $0x10;
	s13 =	simm.s32 $0x8180;
	v27 =	vld.idx.msk [tilespmem:v39+s29+$0x0], $0xffff;
	[tilespmem:s11+$0x0] =	vst v41;
	v38 =	vshll.u32 v26, v3;
	v26 =	vor.u32 v4, v42  }
.LBB2_4:
0x58: {  	s24 =	sadd.s32 $0x1, s21  }
0x59: {  	v39 =	vmov s21;
	s25 =	sadd.s32 $0x2, s21;
	s15 =	sadd.s32 $0x3, s21;
	v36 =	vld.idx.msk [tilespmem:v36+s29+$0x0], $0xffff;
	v37 =	vor.u32 v9, v37;
	v40 =	vor.u32 s22, v10;
	[tilespmem:s11+$0x60] =	vst v34;
	s23 =	smov.u32 s21  }
0x5a: {  	s22 =	sadd.s32 $0x4, s21;
	v38 =	vbroadcast v38, $0x0;
	v34 =	vmov s24;
	v41 =	vmov s25;
	s24 =	sadd.s32 $0x6, s21;
	s25 =	sadd.s32 $0xC, s21  }
0x5b: {  	s9 =	sadd.s32 $0x8, s21;
	s20 =	sadd.s32 $0xA, s21;
	s16 =	sadd.s32 $0xF, s21;
	v39 =	vshrl.u32 v39, $0x3;
	v42 =	vmov s22;
	v34 =	vshrl.u32 v34, $0x3;
	[tilespmem:s11+$0xFFFFFFB0] =	vst v33;
	v30 =	vld.idx.msk [tilespmem:v30+s29+$0x0], $0xffff  }
0x5c: {  	s22 =	sadd.s32 $0x7, s21;
	v43 =	vmov s9;
	s9 =	sadd.s32 $0xB, s21;
	v39 =	vshll.u32 v39, v3;
	v33 =	vmov s15;
	s15 =	sadd.s32 $0xD, s21;
	v35 =	vld.idx.msk [tilespmem:v35+s29+$0x0], $0xffff;
	[tilespmem:s11+$0x30] =	vst v32  }
0x5d: {  	p0 =	slt.u32 s21, $0xF0;
	v45 =	vor.u32 s16, v10;
	v44 =	vmov s25;
	s21 =	sadd.s32 $0x10, s21;
	v32 =	vmov s9;
	s9 =	sadd.s32 $0xE, s23;
	v31 =	vld.idx.msk [tilespmem:v31+s29+$0x0], $0xffff  }
0x5e: {  	v43 =	vshrl.u32 v43, $0x3;
	v38 =	vor.u32 v8, v38;
	v46 =	vmov s9;
	v28 =	vld.idx.msk [tilespmem:v28+s29+$0x0], $0xffff  }
0x5f: {  	v41 =	vshrl.u32 v41, $0x3;
	v47 =	vmov s24;
	v43 =	vshll.u32 v43, v3;
	[tilespmem:s11+$0xFFFFFFA0] =	vst v36;
	v36 =	vld.idx.msk [tilespmem:v37+s29+$0x0], $0xffff  }
0x60: {  	s9 =	sadd.s32 $0x9, s23;
	v37 =	vshll.u32 v34, v3;
	v34 =	vbroadcast v43, $0x0;
	v43 =	vmov s20;
	v29 =	vld.idx.msk [tilespmem:v29+s29+$0x0], $0xffff;
	[tilespmem:s11+$0x50] =	vst v27  }
0x61: {  	v32 =	vshrl.u32 v32, $0x3;
	v27 =	vshrl.u32 v33, $0x3;
	v33 =	vmov s9;
	v26 =	vld.idx.msk [tilespmem:v26+s29+$0x0], $0xffff  }
0x62: {  	v48 =	vmov s15;
	v46 =	vshrl.u32 v46, $0x3;
	v34 =	vor.u32 v0, v34;
	[tilespmem:s11+$0xFFFFFF80] =	vst v35;
	v35 =	vld.idx.msk [tilespmem:v40+s29+$0x0], $0xffff  }
0x63: {  	v46 =	vshll.u32 v46, v3;
	v27 =	vshll.u32 v27, v3;
	v40 =	vshrl.u32 v48, $0x3;
	v38 =	vld.idx.msk [tilespmem:v38+s29+$0x0], $0xffff;
	[tilespmem:s11+$0x40] =	vst v30  }
0x64: {  	v30 =	vshll.u32 v32, v3;
	v32 =	vshrl.u32 v44, $0x3;
	v44 =	vbroadcast v46, $0x0;
	[tilespmem:s11+$0xFFFFFFC0] =	vst v31  }
0x65: {  	v27 =	vbroadcast v27, $0x0;
	v40 =	vshll.u32 v40, v3;
	v31 =	vshll.u32 v41, v3;
	v41 =	vld.idx.msk [tilespmem:v45+s29+$0x0], $0xffff;
	[tilespmem:s11+$0x20] =	vst v28  }
0x66: {  	v40 =	vbroadcast v40, $0x0;
	v28 =	vbroadcast v30, $0x0;
	v44 =	vor.u32 v9, v44;
	[tilespmem:s11+$0xFFFFFF90] =	vst v29  }
0x67: {  	v27 =	vor.u32 v6, v27;
	v30 =	vshll.u32 v32, v3;
	v29 =	vbroadcast v31, $0x0;
	v31 =	vld.idx.msk [tilespmem:v34+s29+$0x0], $0xffff;
	[tilespmem:s11+$0x10] =	vst v26  }
0x68: {  	v26 =	vshrl.u32 v33, $0x3;
	v32 =	vor.u32 v6, v28;
	v28 =	vbroadcast v30, $0x0;
	[tilespmem:s11+$0xFFFFFFF0] =	vst v35  }
0x69: {  	v33 =	vshrl.u32 v42, $0x3;
	v30 =	vshrl.u32 v43, $0x3;
	v26 =	vshll.u32 v26, v3;
	[tilespmem:s11+$0xFFFFFFD0] =	vst v38  }
0x6a: {  	v34 =	vshll.u32 v30, v3;
	v30 =	vor.u32 v7, v28;
	v38 =	vor.u32 v8, v40;
	[tilespmem:s11+$0xFFFFFFE0] =	vst v36;
	s11 =	smov.u32 s13  }
0x6b: {  	v28 =	vshll.u32 v33, v3;
	v26 =	vbroadcast v26, $0x0;
	v35 =	vbroadcast v34, $0x0;
	v34 =	vld.idx.msk [tilespmem:v44+s29+$0x0], $0xffff;
	[tilespmem:s13+$0x70] =	vst v41  }
.Ltmp1:
0x6c: {  	v40 =	vbroadcast v37, $0x0;
	v36 =	vor.u32 v5, v29;
	v33 =	vld.idx.msk [tilespmem:v27+s29+$0x0], $0xffff;
	v27 =	vbroadcast v28, $0x0;
	(pc) =	sbr.rel @p0 .LBB2_4-.Ltmp1, $4  }
0x6d: {  	s9 =	sadd.s32 $0x5, s23;
	v37 =	vshrl.u32 v47, $0x3;
	v29 =	vbroadcast v39, $0x0;
	v28 =	vor.u32 v5, v35;
	[tilespmem:s13+$0x0] =	vst v31;
	v32 =	vld.idx.msk [tilespmem:v32+s29+$0x0], $0xffff  }
0x6e: {  	v37 =	vshll.u32 v37, v3;
	v31 =	vor.u32 v7, v27;
	v27 =	vmov s9  }
0x6f: {  	v37 =	vbroadcast v37, $0x0;
	v35 =	vor.u32 v0, v29;
	v39 =	vshrl.u32 v27, $0x3;
	v27 =	vld.idx.msk [tilespmem:v38+s29+$0x0], $0xffff  }
0x70: {  	v26 =	vor.u32 v4, v26;
	v29 =	vor.u32 v4, v40;
	s13 =	sadd.s32 $0x100, s13;
	v38 =	vshll.u32 v39, v3  }
0x71: {  	_ =	sdelay $0x3  }
0x72: {  	v36 =	vld.idx.msk [tilespmem:v36+s29+$0x0], $0xffff  }
0x73: {  	v30 =	vld.idx.msk [tilespmem:v30+s29+$0x0], $0xffff;
	[tilespmem:s11+$0x60] =	vst v34  }
0x74: {  	v38 =	vbroadcast v38, $0x0;
	v37 =	vor.u32 v9, v37;
	v39 =	vor.u32 s22, v10;
	s9 =	simm.s32 $0x100;
	s13 =	simm.s32 $0x101;
	v60 =	vld.idx.msk [tilespmem:v35+s29+$0x0], $0xffff;
	s21 =	simm.s32 $0x102;
	[tilespmem:s11+$0xFFFFFFB0] =	vst v33  }
0x75: {  	v31 =	vld.idx.msk [tilespmem:v31+s29+$0x0], $0xffff;
	s22 =	simm.s32 $0x103;
	s23 =	simm.s32 $0x104;
	s24 =	simm.s32 $0x108;
	v62 =	vmov s9;
	v40 =	vmov s13;
	v63 =	vmov s21  }
0x76: {  	s15 =	simm.s32 $0x10C;
	s25 =	simm.s32 $0x10B;
	[tilespmem:s11+$0x30] =	vst v32;
	v48 =	vmov s23;
	v41 =	vmov s22;
	v49 =	vmov s24  }
0x77: {  	v28 =	vld.idx.msk [tilespmem:v28+s29+$0x0], $0xffff;
	s20 =	simm.s32 $0x10A;
	v42 =	vmov s25;
	v43 =	vmov s15;
	v61 =	vor.u32 v8, v38;
	[tilespmem:s11+$0x50] =	vst v27  }
0x78: {  	v29 =	vld.idx.msk [tilespmem:v29+s29+$0x0], $0xffff;
	s13 =	simm.s32 $0x10E;
	s15 =	simm.s32 $0x106;
	v53 =	vmov s20;
	v38 =	vshrl.u32 v62, $0x3;
	v40 =	vshrl.u32 v40, $0x3;
	[tilespmem:s11+$0xFFFFFFA0] =	vst v36  }
0x79: {  	v26 =	vld.idx.msk [tilespmem:v26+s29+$0x0], $0xffff;
	s21 =	simm.s32 $0x109;
	v44 =	vmov s13;
	v33 =	vshrl.u32 v63, $0x3;
	v45 =	vmov s15;
	[tilespmem:s11+$0xFFFFFF80] =	vst v60  }
0x7a: {  	v54 =	vmov s21;
	v55 =	vshrl.u32 v42, $0x3;
	v57 =	vshrl.u32 v43, $0x3;
	v51 =	vld.idx.msk [tilespmem:v39+s29+$0x0], $0xffff;
	[tilespmem:s11+$0x40] =	vst v30  }
0x7b: {  	s16 =	simm.s32 $0x10F;
	v32 =	vshrl.u32 v48, $0x3;
	v34 =	vshrl.u32 v53, $0x3;
	v38 =	vshll.u32 v38, v3;
	[tilespmem:s11+$0xFFFFFFC0] =	vst v31;
	v37 =	vld.idx.msk [tilespmem:v37+s29+$0x0], $0xffff  }
0x7c: {  	v27 =	vor.u32 s16, v10;
	v52 =	vshll.u32 v40, v3;
	v36 =	vshrl.u32 v49, $0x3;
	[tilespmem:s11+$0x20] =	vst v28;
	v35 =	vld.idx.msk [tilespmem:v61+s29+$0x0], $0xffff  }
0x7d: {  	v56 =	vshrl.u32 v44, $0x3;
	v33 =	vshll.u32 v33, v3;
	[tilespmem:s11+$0xFFFFFF90] =	vst v29;
	v50 =	vshll.u32 v36, v3  }
0x7e: {  	v59 =	vshrl.u32 v54, $0x3;
	v32 =	vshll.u32 v32, v3;
	[tilespmem:s11+$0x10] =	vst v26;
	v30 =	vbroadcast v50, $0x0  }
0x7f: {  	v63 =	vshrl.u32 v45, $0x3;
	v33 =	vbroadcast v33, $0x0;
	v31 =	vshrl.u32 v41, $0x3;
	[tilespmem:s11+$0xFFFFFFF0] =	vst v51  }
0x80: {  	s22 =	simm.s32 $0x10D;
	v29 =	vshll.u32 v31, v3;
	v31 =	vshll.u32 v56, v3;
	v28 =	vor.u32 v0, v30;
	[tilespmem:s11+$0xFFFFFFE0] =	vst v37  }
0x81: {  	v32 =	vbroadcast v32, $0x0;
	v31 =	vbroadcast v31, $0x0;
	v30 =	vmov s22;
	[tilespmem:s11+$0xFFFFFFD0] =	vst v35  }
0x82: {  	s24 =	simm.s32 $0x8000;
	v26 =	vshll.u32 v55, v3;
	v29 =	vbroadcast v29, $0x0;
	v30 =	vshrl.u32 v30, $0x3;
	s23 =	rddreg [dreg:$0x14]  }
0x83: {  	v26 =	vbroadcast v26, $0x0;
	v31 =	vor.u32 v9, v31;
	v30 =	vshll.u32 v30, v3;
	[spmem:s23] =	stream.linear.scatter [tilespmem:s24], [sflag:$0x1], $0x1000, $0x200038;
	[tilespmem:$0x18000] =	vst v63  }
0x84: {  	v62 =	vbroadcast v38, $0x0;
	v29 =	vor.u32 v6, v29;
	v58 =	vbroadcast v30, $0x0;
	v27 =	vld.idx.msk [tilespmem:v27+s29+$0x0], $0xffff  }
0x85: {  	v39 =	vbroadcast v52, $0x0;
	v26 =	vor.u32 v6, v26;
	v30 =	vshll.u32 v57, v3;
	v37 =	vld.idx.msk [tilespmem:v28+s29+$0x0], $0xffff  }
0x86: {  	v36 =	vshll.u32 v59, v3;
	v30 =	vbroadcast v30, $0x0;
	v60 =	vor.u32 v8, v58  }
0x87: {  	v61 =	vbroadcast v36, $0x0;
	v36 =	vor.u32 v5, v33;
	v28 =	vshll.u32 v34, v3  }
0x88: {  	s25 =	simm.s32 $0x105;
	s11 =	simm.s32 $0x90F0;
	v35 =	vor.u32 v0, v62;
	v30 =	vor.u32 v7, v30;
	v34 =	vld.idx.msk [tilespmem:v31+s29+$0x0], $0xffff;
	v28 =	vbroadcast v28, $0x0  }
0x89: {  	v33 =	vld.idx.msk [tilespmem:v29+s29+$0x0], $0xffff;
	v31 =	vor.u32 v7, v32;
	v29 =	vshll.u32 v63, v3;
	[tilespmem:s11+$0x0] =	vst v27;
	v27 =	vmov s25  }
0x8a: {  	v32 =	vld.idx.msk [tilespmem:v26+s29+$0x0], $0xffff;
	v28 =	vor.u32 v5, v28;
	[tilespmem:s11+$0xFFFFFF90] =	vst v37;
	v37 =	vbroadcast v29, $0x0;
	v26 =	vshrl.u32 v27, $0x3  }
0x8b: {  	s21 =	simm.s32 $0x110;
	s13 =	simm.s32 $0x91F0;
	s22 =	simm.s32 $0x107;
	v29 =	vor.u32 v4, v39;
	v27 =	vld.idx.msk [tilespmem:v60+s29+$0x0], $0xffff;
	v38 =	vshll.u32 v26, v3;
	v26 =	vor.u32 v4, v61  }
.LBB2_6:
0x8c: {  	s9 =	sadd.s32 $0x1, s21  }
0x8d: {  	v39 =	vmov s21;
	s15 =	sadd.s32 $0x2, s21;
	s16 =	sadd.s32 $0x3, s21;
	v36 =	vld.idx.msk [tilespmem:v36+s29+$0x0], $0xffff;
	v37 =	vor.u32 v9, v37;
	v40 =	vor.u32 s22, v10;
	[tilespmem:s11+$0xFFFFFFF0] =	vst v34;
	s23 =	smov.u32 s21  }
0x8e: {  	s20 =	sadd.s32 $0xC, s21;
	v38 =	vbroadcast v38, $0x0;
	v34 =	vmov s9;
	v41 =	vmov s15;
	s9 =	sadd.s32 $0x4, s21;
	s15 =	sadd.s32 $0x6, s21  }
0x8f: {  	s24 =	sadd.s32 $0xA, s21;
	s25 =	sadd.s32 $0xF, s21;
	v39 =	vshrl.u32 v39, $0x3;
	v34 =	vshrl.u32 v34, $0x3;
	v42 =	vmov s9;
	s9 =	sadd.s32 $0x8, s21;
	[tilespmem:s11+$0xFFFFFF40] =	vst v33;
	v30 =	vld.idx.msk [tilespmem:v30+s29+$0x0], $0xffff  }
0x90: {  	s22 =	sadd.s32 $0x7, s21;
	v39 =	vshll.u32 v39, v3;
	v33 =	vmov s16;
	s16 =	sadd.s32 $0xD, s21;
	v43 =	vmov s9;
	s9 =	sadd.s32 $0xB, s21;
	v35 =	vld.idx.msk [tilespmem:v35+s29+$0x0], $0xffff;
	[tilespmem:s11+$0xFFFFFFC0] =	vst v32  }
0x91: {  	p0 =	slt.u32 s21, $0x1F0;
	v44 =	vmov s20;
	v45 =	vor.u32 s25, v10;
	s21 =	sadd.s32 $0x10, s21;
	v32 =	vmov s9;
	s9 =	sadd.s32 $0xE, s23;
	v31 =	vld.idx.msk [tilespmem:v31+s29+$0x0], $0xffff  }
0x92: {  	v38 =	vor.u32 v8, v38;
	v43 =	vshrl.u32 v43, $0x3;
	v46 =	vmov s9;
	v28 =	vld.idx.msk [tilespmem:v28+s29+$0x0], $0xffff  }
0x93: {  	v41 =	vshrl.u32 v41, $0x3;
	v47 =	vmov s15;
	v43 =	vshll.u32 v43, v3;
	[tilespmem:s11+$0xFFFFFF30] =	vst v36;
	v36 =	vld.idx.msk [tilespmem:v37+s29+$0x0], $0xffff  }
0x94: {  	s9 =	sadd.s32 $0x9, s23;
	v37 =	vshll.u32 v34, v3;
	v34 =	vbroadcast v43, $0x0;
	v43 =	vmov s24;
	v29 =	vld.idx.msk [tilespmem:v29+s29+$0x0], $0xffff;
	[tilespmem:s11+$0xFFFFFFE0] =	vst v27  }
0x95: {  	v32 =	vshrl.u32 v32, $0x3;
	v27 =	vshrl.u32 v33, $0x3;
	v33 =	vmov s9;
	v26 =	vld.idx.msk [tilespmem:v26+s29+$0x0], $0xffff  }
0x96: {  	v48 =	vmov s16;
	v46 =	vshrl.u32 v46, $0x3;
	v34 =	vor.u32 v0, v34;
	[tilespmem:s11+$0xFFFFFF10] =	vst v35;
	v35 =	vld.idx.msk [tilespmem:v40+s29+$0x0], $0xffff  }
0x97: {  	v46 =	vshll.u32 v46, v3;
	v27 =	vshll.u32 v27, v3;
	v40 =	vshrl.u32 v48, $0x3;
	v38 =	vld.idx.msk [tilespmem:v38+s29+$0x0], $0xffff;
	[tilespmem:s11+$0xFFFFFFD0] =	vst v30  }
0x98: {  	v30 =	vshll.u32 v32, v3;
	v32 =	vshrl.u32 v44, $0x3;
	v44 =	vbroadcast v46, $0x0;
	[tilespmem:s11+$0xFFFFFF50] =	vst v31  }
0x99: {  	v27 =	vbroadcast v27, $0x0;
	v40 =	vshll.u32 v40, v3;
	v31 =	vshll.u32 v41, v3;
	v41 =	vld.idx.msk [tilespmem:v45+s29+$0x0], $0xffff;
	[tilespmem:s11+$0xFFFFFFB0] =	vst v28  }
0x9a: {  	v40 =	vbroadcast v40, $0x0;
	v28 =	vbroadcast v30, $0x0;
	v44 =	vor.u32 v9, v44;
	[tilespmem:s11+$0xFFFFFF20] =	vst v29  }
0x9b: {  	v27 =	vor.u32 v6, v27;
	v30 =	vshll.u32 v32, v3;
	v29 =	vbroadcast v31, $0x0;
	v31 =	vld.idx.msk [tilespmem:v34+s29+$0x0], $0xffff;
	[tilespmem:s11+$0xFFFFFFA0] =	vst v26  }
0x9c: {  	v26 =	vshrl.u32 v33, $0x3;
	v32 =	vor.u32 v6, v28;
	v28 =	vbroadcast v30, $0x0;
	[tilespmem:s11+$0xFFFFFF80] =	vst v35  }
0x9d: {  	v33 =	vshrl.u32 v42, $0x3;
	v30 =	vshrl.u32 v43, $0x3;
	v26 =	vshll.u32 v26, v3;
	[tilespmem:s11+$0xFFFFFF60] =	vst v38  }
0x9e: {  	v34 =	vshll.u32 v30, v3;
	v30 =	vor.u32 v7, v28;
	v38 =	vor.u32 v8, v40;
	[tilespmem:s11+$0xFFFFFF70] =	vst v36;
	s11 =	smov.u32 s13  }
0x9f: {  	v28 =	vshll.u32 v33, v3;
	v26 =	vbroadcast v26, $0x0;
	v35 =	vbroadcast v34, $0x0;
	v34 =	vld.idx.msk [tilespmem:v44+s29+$0x0], $0xffff;
	[tilespmem:s13+$0x0] =	vst v41  }
.Ltmp2:
0xa0: {  	v40 =	vbroadcast v37, $0x0;
	v36 =	vor.u32 v5, v29;
	v33 =	vld.idx.msk [tilespmem:v27+s29+$0x0], $0xffff;
	v27 =	vbroadcast v28, $0x0;
	(pc) =	sbr.rel @p0 .LBB2_6-.Ltmp2, $4  }
0xa1: {  	s9 =	sadd.s32 $0x5, s23;
	v37 =	vshrl.u32 v47, $0x3;
	v29 =	vbroadcast v39, $0x0;
	v28 =	vor.u32 v5, v35;
	[tilespmem:s13+$0xFFFFFF90] =	vst v31;
	v32 =	vld.idx.msk [tilespmem:v32+s29+$0x0], $0xffff  }
0xa2: {  	v37 =	vshll.u32 v37, v3;
	v31 =	vor.u32 v7, v27;
	v27 =	vmov s9  }
0xa3: {  	v37 =	vbroadcast v37, $0x0;
	v35 =	vor.u32 v0, v29;
	v39 =	vshrl.u32 v27, $0x3;
	v27 =	vld.idx.msk [tilespmem:v38+s29+$0x0], $0xffff  }
0xa4: {  	v26 =	vor.u32 v4, v26;
	v29 =	vor.u32 v4, v40;
	s13 =	sadd.s32 $0x100, s13;
	v38 =	vshll.u32 v39, v3  }
0xa5: {  	_ =	sdelay $0x3  }
0xa6: {  	v36 =	vld.idx.msk [tilespmem:v36+s29+$0x0], $0xffff  }
0xa7: {  	v30 =	vld.idx.msk [tilespmem:v30+s29+$0x0], $0xffff;
	[tilespmem:s11+$0xFFFFFFF0] =	vst v34  }
0xa8: {  	v38 =	vbroadcast v38, $0x0;
	v37 =	vor.u32 v9, v37;
	v39 =	vor.u32 s22, v10;
	s9 =	simm.s32 $0x200;
	s13 =	simm.s32 $0x201;
	v60 =	vld.idx.msk [tilespmem:v35+s29+$0x0], $0xffff;
	s21 =	simm.s32 $0x202;
	[tilespmem:s11+$0xFFFFFF40] =	vst v33  }
0xa9: {  	v31 =	vld.idx.msk [tilespmem:v31+s29+$0x0], $0xffff;
	s22 =	simm.s32 $0x203;
	s23 =	simm.s32 $0x204;
	s24 =	simm.s32 $0x208;
	v62 =	vmov s9;
	v40 =	vmov s13;
	v63 =	vmov s21  }
0xaa: {  	s15 =	simm.s32 $0x20C;
	s25 =	simm.s32 $0x20B;
	[tilespmem:s11+$0xFFFFFFC0] =	vst v32;
	v48 =	vmov s23;
	v41 =	vmov s22;
	v49 =	vmov s24  }
0xab: {  	v28 =	vld.idx.msk [tilespmem:v28+s29+$0x0], $0xffff;
	s20 =	simm.s32 $0x20A;
	v42 =	vmov s25;
	v43 =	vmov s15;
	v61 =	vor.u32 v8, v38;
	[tilespmem:s11+$0xFFFFFFE0] =	vst v27  }
0xac: {  	v29 =	vld.idx.msk [tilespmem:v29+s29+$0x0], $0xffff;
	s13 =	simm.s32 $0x20E;
	s15 =	simm.s32 $0x206;
	v53 =	vmov s20;
	v38 =	vshrl.u32 v62, $0x3;
	v40 =	vshrl.u32 v40, $0x3;
	[tilespmem:s11+$0xFFFFFF30] =	vst v36  }
0xad: {  	v26 =	vld.idx.msk [tilespmem:v26+s29+$0x0], $0xffff;
	s21 =	simm.s32 $0x209;
	v44 =	vmov s13;
	v33 =	vshrl.u32 v63, $0x3;
	v45 =	vmov s15;
	[tilespmem:s11+$0xFFFFFF10] =	vst v60  }
0xae: {  	v54 =	vmov s21;
	v55 =	vshrl.u32 v42, $0x3;
	v57 =	vshrl.u32 v43, $0x3;
	v51 =	vld.idx.msk [tilespmem:v39+s29+$0x0], $0xffff;
	[tilespmem:s11+$0xFFFFFFD0] =	vst v30  }
0xaf: {  	s16 =	simm.s32 $0x20F;
	v32 =	vshrl.u32 v48, $0x3;
	v34 =	vshrl.u32 v53, $0x3;
	v38 =	vshll.u32 v38, v3;
	[tilespmem:s11+$0xFFFFFF50] =	vst v31;
	v37 =	vld.idx.msk [tilespmem:v37+s29+$0x0], $0xffff  }
0xb0: {  	v27 =	vor.u32 s16, v10;
	v52 =	vshll.u32 v40, v3;
	v36 =	vshrl.u32 v49, $0x3;
	[tilespmem:s11+$0xFFFFFFB0] =	vst v28;
	v35 =	vld.idx.msk [tilespmem:v61+s29+$0x0], $0xffff  }
0xb1: {  	v56 =	vshrl.u32 v44, $0x3;
	v33 =	vshll.u32 v33, v3;
	[tilespmem:s11+$0xFFFFFF20] =	vst v29;
	v50 =	vshll.u32 v36, v3  }
0xb2: {  	v59 =	vshrl.u32 v54, $0x3;
	v32 =	vshll.u32 v32, v3;
	[tilespmem:s11+$0xFFFFFFA0] =	vst v26;
	v30 =	vbroadcast v50, $0x0  }
0xb3: {  	v63 =	vshrl.u32 v45, $0x3;
	v33 =	vbroadcast v33, $0x0;
	v31 =	vshrl.u32 v41, $0x3;
	[tilespmem:s11+$0xFFFFFF80] =	vst v51  }
0xb4: {  	s22 =	simm.s32 $0x20D;
	v29 =	vshll.u32 v31, v3;
	v31 =	vshll.u32 v56, v3;
	v28 =	vor.u32 v0, v30;
	[tilespmem:s11+$0xFFFFFF70] =	vst v37  }
0xb5: {  	v32 =	vbroadcast v32, $0x0;
	v31 =	vbroadcast v31, $0x0;
	v30 =	vmov s22;
	[tilespmem:s11+$0xFFFFFF60] =	vst v35  }
0xb6: {  	s24 =	simm.s32 $0x9000;
	v26 =	vshll.u32 v55, v3;
	v29 =	vbroadcast v29, $0x0;
	v30 =	vshrl.u32 v30, $0x3;
	s23 =	rddreg [dreg:$0x15]  }
0xb7: {  	v26 =	vbroadcast v26, $0x0;
	v31 =	vor.u32 v9, v31;
	v30 =	vshll.u32 v30, v3;
	[spmem:s23] =	stream.linear.scatter [tilespmem:s24], [sflag:$0x1], $0x1000, $0x200038;
	[tilespmem:$0x18000] =	vst v63  }
0xb8: {  	v62 =	vbroadcast v38, $0x0;
	v29 =	vor.u32 v6, v29;
	v58 =	vbroadcast v30, $0x0;
	v27 =	vld.idx.msk [tilespmem:v27+s29+$0x0], $0xffff  }
0xb9: {  	v39 =	vbroadcast v52, $0x0;
	v26 =	vor.u32 v6, v26;
	v30 =	vshll.u32 v57, v3;
	v37 =	vld.idx.msk [tilespmem:v28+s29+$0x0], $0xffff  }
0xba: {  	v36 =	vshll.u32 v59, v3;
	v30 =	vbroadcast v30, $0x0;
	v60 =	vor.u32 v8, v58  }
0xbb: {  	v61 =	vbroadcast v36, $0x0;
	v36 =	vor.u32 v5, v33;
	v28 =	vshll.u32 v34, v3  }
0xbc: {  	s25 =	simm.s32 $0x205;
	s11 =	simm.s32 $0xA0F0;
	v35 =	vor.u32 v0, v62;
	v30 =	vor.u32 v7, v30;
	v34 =	vld.idx.msk [tilespmem:v31+s29+$0x0], $0xffff;
	v28 =	vbroadcast v28, $0x0  }
0xbd: {  	v33 =	vld.idx.msk [tilespmem:v29+s29+$0x0], $0xffff;
	v31 =	vor.u32 v7, v32;
	v29 =	vshll.u32 v63, v3;
	[tilespmem:s11+$0x0] =	vst v27;
	v27 =	vmov s25  }
0xbe: {  	v32 =	vld.idx.msk [tilespmem:v26+s29+$0x0], $0xffff;
	v28 =	vor.u32 v5, v28;
	[tilespmem:s11+$0xFFFFFF90] =	vst v37;
	v37 =	vbroadcast v29, $0x0;
	v26 =	vshrl.u32 v27, $0x3  }
0xbf: {  	s21 =	simm.s32 $0x210;
	s13 =	simm.s32 $0xA1F0;
	s22 =	simm.s32 $0x207;
	v29 =	vor.u32 v4, v39;
	v27 =	vld.idx.msk [tilespmem:v60+s29+$0x0], $0xffff;
	v38 =	vshll.u32 v26, v3;
	v26 =	vor.u32 v4, v61  }
.LBB2_8:
0xc0: {  	s9 =	sadd.s32 $0x1, s21  }
0xc1: {  	v39 =	vmov s21;
	s15 =	sadd.s32 $0x2, s21;
	s16 =	sadd.s32 $0x3, s21;
	v36 =	vld.idx.msk [tilespmem:v36+s29+$0x0], $0xffff;
	v37 =	vor.u32 v9, v37;
	v40 =	vor.u32 s22, v10;
	[tilespmem:s11+$0xFFFFFFF0] =	vst v34;
	s23 =	smov.u32 s21  }
0xc2: {  	s20 =	sadd.s32 $0xC, s21;
	v38 =	vbroadcast v38, $0x0;
	v34 =	vmov s9;
	v41 =	vmov s15;
	s9 =	sadd.s32 $0x4, s21;
	s15 =	sadd.s32 $0x6, s21  }
0xc3: {  	s24 =	sadd.s32 $0xA, s21;
	s25 =	sadd.s32 $0xF, s21;
	v39 =	vshrl.u32 v39, $0x3;
	v34 =	vshrl.u32 v34, $0x3;
	v42 =	vmov s9;
	s9 =	sadd.s32 $0x8, s21;
	[tilespmem:s11+$0xFFFFFF40] =	vst v33;
	v30 =	vld.idx.msk [tilespmem:v30+s29+$0x0], $0xffff  }
0xc4: {  	s22 =	sadd.s32 $0x7, s21;
	v39 =	vshll.u32 v39, v3;
	v33 =	vmov s16;
	s16 =	sadd.s32 $0xD, s21;
	v43 =	vmov s9;
	s9 =	sadd.s32 $0xB, s21;
	v35 =	vld.idx.msk [tilespmem:v35+s29+$0x0], $0xffff;
	[tilespmem:s11+$0xFFFFFFC0] =	vst v32  }
0xc5: {  	p0 =	slt.u32 s21, $0x2F0;
	v44 =	vmov s20;
	v45 =	vor.u32 s25, v10;
	s21 =	sadd.s32 $0x10, s21;
	v32 =	vmov s9;
	s9 =	sadd.s32 $0xE, s23;
	v31 =	vld.idx.msk [tilespmem:v31+s29+$0x0], $0xffff  }
0xc6: {  	v38 =	vor.u32 v8, v38;
	v43 =	vshrl.u32 v43, $0x3;
	v46 =	vmov s9;
	v28 =	vld.idx.msk [tilespmem:v28+s29+$0x0], $0xffff  }
0xc7: {  	v41 =	vshrl.u32 v41, $0x3;
	v47 =	vmov s15;
	v43 =	vshll.u32 v43, v3;
	[tilespmem:s11+$0xFFFFFF30] =	vst v36;
	v36 =	vld.idx.msk [tilespmem:v37+s29+$0x0], $0xffff  }
0xc8: {  	s9 =	sadd.s32 $0x9, s23;
	v37 =	vshll.u32 v34, v3;
	v34 =	vbroadcast v43, $0x0;
	v43 =	vmov s24;
	v29 =	vld.idx.msk [tilespmem:v29+s29+$0x0], $0xffff;
	[tilespmem:s11+$0xFFFFFFE0] =	vst v27  }
0xc9: {  	v32 =	vshrl.u32 v32, $0x3;
	v27 =	vshrl.u32 v33, $0x3;
	v33 =	vmov s9;
	v26 =	vld.idx.msk [tilespmem:v26+s29+$0x0], $0xffff  }
0xca: {  	v48 =	vmov s16;
	v46 =	vshrl.u32 v46, $0x3;
	v34 =	vor.u32 v0, v34;
	[tilespmem:s11+$0xFFFFFF10] =	vst v35;
	v35 =	vld.idx.msk [tilespmem:v40+s29+$0x0], $0xffff  }
0xcb: {  	v46 =	vshll.u32 v46, v3;
	v27 =	vshll.u32 v27, v3;
	v40 =	vshrl.u32 v48, $0x3;
	v38 =	vld.idx.msk [tilespmem:v38+s29+$0x0], $0xffff;
	[tilespmem:s11+$0xFFFFFFD0] =	vst v30  }
0xcc: {  	v30 =	vshll.u32 v32, v3;
	v32 =	vshrl.u32 v44, $0x3;
	v44 =	vbroadcast v46, $0x0;
	[tilespmem:s11+$0xFFFFFF50] =	vst v31  }
0xcd: {  	v27 =	vbroadcast v27, $0x0;
	v40 =	vshll.u32 v40, v3;
	v31 =	vshll.u32 v41, v3;
	v41 =	vld.idx.msk [tilespmem:v45+s29+$0x0], $0xffff;
	[tilespmem:s11+$0xFFFFFFB0] =	vst v28  }
0xce: {  	v40 =	vbroadcast v40, $0x0;
	v28 =	vbroadcast v30, $0x0;
	v44 =	vor.u32 v9, v44;
	[tilespmem:s11+$0xFFFFFF20] =	vst v29  }
0xcf: {  	v27 =	vor.u32 v6, v27;
	v30 =	vshll.u32 v32, v3;
	v29 =	vbroadcast v31, $0x0;
	v31 =	vld.idx.msk [tilespmem:v34+s29+$0x0], $0xffff;
	[tilespmem:s11+$0xFFFFFFA0] =	vst v26  }
0xd0: {  	v26 =	vshrl.u32 v33, $0x3;
	v32 =	vor.u32 v6, v28;
	v28 =	vbroadcast v30, $0x0;
	[tilespmem:s11+$0xFFFFFF80] =	vst v35  }
0xd1: {  	v33 =	vshrl.u32 v42, $0x3;
	v30 =	vshrl.u32 v43, $0x3;
	v26 =	vshll.u32 v26, v3;
	[tilespmem:s11+$0xFFFFFF60] =	vst v38  }
0xd2: {  	v34 =	vshll.u32 v30, v3;
	v30 =	vor.u32 v7, v28;
	v38 =	vor.u32 v8, v40;
	[tilespmem:s11+$0xFFFFFF70] =	vst v36;
	s11 =	smov.u32 s13  }
0xd3: {  	v28 =	vshll.u32 v33, v3;
	v26 =	vbroadcast v26, $0x0;
	v35 =	vbroadcast v34, $0x0;
	v34 =	vld.idx.msk [tilespmem:v44+s29+$0x0], $0xffff;
	[tilespmem:s13+$0x0] =	vst v41  }
.Ltmp3:
0xd4: {  	v40 =	vbroadcast v37, $0x0;
	v36 =	vor.u32 v5, v29;
	v33 =	vld.idx.msk [tilespmem:v27+s29+$0x0], $0xffff;
	v27 =	vbroadcast v28, $0x0;
	(pc) =	sbr.rel @p0 .LBB2_8-.Ltmp3, $4  }
0xd5: {  	s9 =	sadd.s32 $0x5, s23;
	v37 =	vshrl.u32 v47, $0x3;
	v29 =	vbroadcast v39, $0x0;
	v28 =	vor.u32 v5, v35;
	[tilespmem:s13+$0xFFFFFF90] =	vst v31;
	v32 =	vld.idx.msk [tilespmem:v32+s29+$0x0], $0xffff  }
0xd6: {  	v37 =	vshll.u32 v37, v3;
	v31 =	vor.u32 v7, v27;
	v27 =	vmov s9  }
0xd7: {  	v37 =	vbroadcast v37, $0x0;
	v35 =	vor.u32 v0, v29;
	v39 =	vshrl.u32 v27, $0x3;
	v27 =	vld.idx.msk [tilespmem:v38+s29+$0x0], $0xffff  }
0xd8: {  	v26 =	vor.u32 v4, v26;
	v29 =	vor.u32 v4, v40;
	s13 =	sadd.s32 $0x100, s13;
	v38 =	vshll.u32 v39, v3  }
0xd9: {  	_ =	sdelay $0x3  }
0xda: {  	v36 =	vld.idx.msk [tilespmem:v36+s29+$0x0], $0xffff;
	v38 =	vbroadcast v38, $0x0;
	s9 =	simm.s32 $0x300  }
0xdb: {  	v37 =	vor.u32 v9, v37;
	v39 =	vor.u32 s22, v10;
	v30 =	vld.idx.msk [tilespmem:v30+s29+$0x0], $0xffff;
	s13 =	simm.s32 $0x301;
	[tilespmem:s11+$0xFFFFFFF0] =	vst v34;
	s21 =	simm.s32 $0x302;
	s23 =	simm.s32 $0x304;
	v59 =	vmov s9  }
0xdc: {  	v57 =	vld.idx.msk [tilespmem:v35+s29+$0x0], $0xffff;
	s22 =	simm.s32 $0x303;
	s24 =	simm.s32 $0x308;
	s25 =	simm.s32 $0x30B;
	v40 =	vmov s13;
	v60 =	vmov s21;
	v61 =	vmov s23  }
0xdd: {  	[tilespmem:s11+$0xFFFFFF40] =	vst v33;
	s15 =	simm.s32 $0x30C;
	s20 =	simm.s32 $0x30A;
	v41 =	vmov s22;
	v62 =	vmov s24;
	v42 =	vmov s25  }
0xde: {  	v31 =	vld.idx.msk [tilespmem:v31+s29+$0x0], $0xffff;
	[tilespmem:s11+$0xFFFFFFC0] =	vst v32;
	v43 =	vmov s15;
	s13 =	simm.s32 $0x30E;
	v47 =	vmov s20;
	v58 =	vor.u32 v8, v38  }
0xdf: {  	v28 =	vld.idx.msk [tilespmem:v28+s29+$0x0], $0xffff;
	s15 =	simm.s32 $0x306;
	s21 =	simm.s32 $0x309;
	v38 =	vshrl.u32 v59, $0x3;
	v40 =	vshrl.u32 v40, $0x3;
	v44 =	vmov s13;
	[tilespmem:s11+$0xFFFFFFE0] =	vst v27  }
0xe0: {  	v29 =	vld.idx.msk [tilespmem:v29+s29+$0x0], $0xffff;
	s22 =	simm.s32 $0x30D;
	v33 =	vshrl.u32 v60, $0x3;
	v45 =	vmov s15;
	v48 =	vmov s21;
	[tilespmem:s11+$0xFFFFFF30] =	vst v36  }
0xe1: {  	s16 =	simm.s32 $0x30F;
	v26 =	vld.idx.msk [tilespmem:v26+s29+$0x0], $0xffff;
	v49 =	vshrl.u32 v42, $0x3;
	v50 =	vmov s22;
	v53 =	vshrl.u32 v43, $0x3;
	[tilespmem:s11+$0xFFFFFF10] =	vst v57  }
0xe2: {  	v59 =	vshrl.u32 v47, $0x3;
	v38 =	vshll.u32 v38, v3;
	v27 =	vor.u32 s16, v10;
	v46 =	vld.idx.msk [tilespmem:v39+s29+$0x0], $0xffff;
	[tilespmem:s11+$0xFFFFFFD0] =	vst v30  }
0xe3: {  	v51 =	vshrl.u32 v44, $0x3;
	v33 =	vshll.u32 v33, v3;
	v54 =	vshll.u32 v53, v3;
	[tilespmem:s11+$0xFFFFFF50] =	vst v31;
	v37 =	vld.idx.msk [tilespmem:v37+s29+$0x0], $0xffff  }
0xe4: {  	v55 =	vshrl.u32 v48, $0x3;
	v52 =	vshll.u32 v51, v3;
	v36 =	vshrl.u32 v62, $0x3;
	[tilespmem:s11+$0xFFFFFFB0] =	vst v28;
	v35 =	vld.idx.msk [tilespmem:v58+s29+$0x0], $0xffff  }
0xe5: {  	v33 =	vbroadcast v33, $0x0;
	v31 =	vshrl.u32 v41, $0x3;
	[tilespmem:s11+$0xFFFFFF20] =	vst v29;
	v63 =	vshll.u32 v36, v3  }
0xe6: {  	v38 =	vbroadcast v38, $0x0;
	[tilespmem:s11+$0xFFFFFFA0] =	vst v26;
	v29 =	vshll.u32 v31, v3;
	v34 =	vbroadcast v63, $0x0  }
0xe7: {  	v30 =	vshll.u32 v40, v3;
	v26 =	vshll.u32 v49, v3;
	v29 =	vbroadcast v29, $0x0;
	[tilespmem:s11+$0xFFFFFF80] =	vst v46  }
0xe8: {  	v31 =	vshrl.u32 v50, $0x3;
	v28 =	vor.u32 v0, v34;
	v34 =	vbroadcast v52, $0x0;
	[tilespmem:s11+$0xFFFFFF70] =	vst v37  }
0xe9: {  	v26 =	vbroadcast v26, $0x0;
	v30 =	vbroadcast v30, $0x0;
	v29 =	vor.u32 v6, v29;
	[tilespmem:s11+$0xFFFFFF60] =	vst v35  }
0xea: {  	s24 =	simm.s32 $0xA000;
	v31 =	vshll.u32 v31, v3;
	v63 =	vshrl.u32 v45, $0x3;
	v34 =	vor.u32 v9, v34;
	s23 =	rddreg [dreg:$0x16]  }
0xeb: {  	v31 =	vbroadcast v31, $0x0;
	v56 =	vor.u32 v6, v26;
	v26 =	vbroadcast v54, $0x0;
	[spmem:s23] =	stream.linear.scatter [tilespmem:s24], [sflag:$0x1], $0x1000, $0x200038;
	[tilespmem:$0x18000] =	vst v63  }
0xec: {  	v36 =	vshll.u32 v59, v3;
	v58 =	vshll.u32 v55, v3;
	v41 =	vshll.u32 v63, v3;
	v57 =	vld.idx.msk [tilespmem:v27+s29+$0x0], $0xffff  }
0xed: {  	v30 =	vor.u32 v4, v30;
	v26 =	vor.u32 v7, v26;
	v60 =	vor.u32 v8, v31;
	v28 =	vld.idx.msk [tilespmem:v28+s29+$0x0], $0xffff  }
0xee: {  	s25 =	simm.s32 $0x305;
	v31 =	vbroadcast v36, $0x0;
	v36 =	vor.u32 v5, v33;
	v27 =	vshrl.u32 v61, $0x3;
	v32 =	vld.idx.msk [tilespmem:v29+s29+$0x0], $0xffff  }
0xef: {  	v35 =	vor.u32 v0, v38;
	v29 =	vmov s25;
	v27 =	vshll.u32 v27, v3;
	v34 =	vld.idx.msk [tilespmem:v34+s29+$0x0], $0xffff  }
0xf0: {  	s11 =	simm.s32 $0xB0F0;
	v61 =	vbroadcast v58, $0x0;
	v29 =	vshrl.u32 v29, $0x3;
	v62 =	vbroadcast v27, $0x0  }
0xf1: {  	v33 =	vld.idx.msk [tilespmem:v56+s29+$0x0], $0xffff;
	v27 =	vor.u32 v5, v31;
	v38 =	vshll.u32 v29, v3;
	[tilespmem:s11+$0x0] =	vst v57  }
0xf2: {  	s22 =	simm.s32 $0x307;
	s21 =	simm.s32 $0x310;
	s13 =	simm.s32 $0xB1F0;
	v37 =	vbroadcast v41, $0x0;
	v29 =	vor.u32 v4, v61;
	v31 =	vor.u32 v7, v62;
	[tilespmem:s11+$0xFFFFFF90] =	vst v28;
	v28 =	vld.idx.msk [tilespmem:v60+s29+$0x0], $0xffff  }
.LBB2_10:
0xf3: {  	s9 =	sadd.s32 $0x1, s21  }
0xf4: {  	v39 =	vmov s21;
	s15 =	sadd.s32 $0x2, s21;
	s16 =	sadd.s32 $0x3, s21;
	v36 =	vld.idx.msk [tilespmem:v36+s29+$0x0], $0xffff;
	v37 =	vor.u32 v9, v37;
	v40 =	vor.u32 s22, v10;
	[tilespmem:s11+$0xFFFFFFF0] =	vst v34;
	s23 =	smov.u32 s21  }
0xf5: {  	s20 =	sadd.s32 $0xC, s21;
	v38 =	vbroadcast v38, $0x0;
	v34 =	vmov s9;
	v41 =	vmov s15;
	s9 =	sadd.s32 $0x4, s21;
	s15 =	sadd.s32 $0x6, s21  }
0xf6: {  	s24 =	sadd.s32 $0xA, s21;
	s25 =	sadd.s32 $0xF, s21;
	v39 =	vshrl.u32 v39, $0x3;
	v34 =	vshrl.u32 v34, $0x3;
	v42 =	vmov s9;
	s9 =	sadd.s32 $0x8, s21;
	[tilespmem:s11+$0xFFFFFF40] =	vst v32;
	v26 =	vld.idx.msk [tilespmem:v26+s29+$0x0], $0xffff  }
0xf7: {  	s22 =	sadd.s32 $0x7, s21;
	v39 =	vshll.u32 v39, v3;
	v32 =	vmov s16;
	s16 =	sadd.s32 $0xD, s21;
	v43 =	vmov s9;
	s9 =	sadd.s32 $0xB, s21;
	v35 =	vld.idx.msk [tilespmem:v35+s29+$0x0], $0xffff;
	[tilespmem:s11+$0xFFFFFFC0] =	vst v33  }
0xf8: {  	p0 =	slt.u32 s21, $0x3F0;
	v44 =	vmov s20;
	v45 =	vor.u32 s25, v10;
	s21 =	sadd.s32 $0x10, s21;
	v33 =	vmov s9;
	s9 =	sadd.s32 $0xE, s23;
	v31 =	vld.idx.msk [tilespmem:v31+s29+$0x0], $0xffff  }
0xf9: {  	v38 =	vor.u32 v8, v38;
	v43 =	vshrl.u32 v43, $0x3;
	v46 =	vmov s9;
	v27 =	vld.idx.msk [tilespmem:v27+s29+$0x0], $0xffff  }
0xfa: {  	v41 =	vshrl.u32 v41, $0x3;
	v47 =	vmov s15;
	v43 =	vshll.u32 v43, v3;
	[tilespmem:s11+$0xFFFFFF30] =	vst v36;
	v36 =	vld.idx.msk [tilespmem:v37+s29+$0x0], $0xffff  }
0xfb: {  	s9 =	sadd.s32 $0x9, s23;
	v37 =	vshll.u32 v34, v3;
	v34 =	vbroadcast v43, $0x0;
	v43 =	vmov s24;
	v30 =	vld.idx.msk [tilespmem:v30+s29+$0x0], $0xffff;
	[tilespmem:s11+$0xFFFFFFE0] =	vst v28  }
0xfc: {  	v33 =	vshrl.u32 v33, $0x3;
	v28 =	vshrl.u32 v32, $0x3;
	v32 =	vmov s9;
	v29 =	vld.idx.msk [tilespmem:v29+s29+$0x0], $0xffff  }
0xfd: {  	v48 =	vmov s16;
	v46 =	vshrl.u32 v46, $0x3;
	v34 =	vor.u32 v0, v34;
	[tilespmem:s11+$0xFFFFFF10] =	vst v35;
	v35 =	vld.idx.msk [tilespmem:v40+s29+$0x0], $0xffff  }
0xfe: {  	v46 =	vshll.u32 v46, v3;
	v28 =	vshll.u32 v28, v3;
	v40 =	vshrl.u32 v48, $0x3;
	v38 =	vld.idx.msk [tilespmem:v38+s29+$0x0], $0xffff;
	[tilespmem:s11+$0xFFFFFFD0] =	vst v26  }
0xff: {  	v26 =	vshll.u32 v33, v3;
	v33 =	vshrl.u32 v44, $0x3;
	v44 =	vbroadcast v46, $0x0;
	[tilespmem:s11+$0xFFFFFF50] =	vst v31  }
0x100: {  	v28 =	vbroadcast v28, $0x0;
	v40 =	vshll.u32 v40, v3;
	v31 =	vshll.u32 v41, v3;
	v41 =	vld.idx.msk [tilespmem:v45+s29+$0x0], $0xffff;
	[tilespmem:s11+$0xFFFFFFB0] =	vst v27  }
0x101: {  	v26 =	vbroadcast v26, $0x0;
	v27 =	vbroadcast v40, $0x0;
	v40 =	vor.u32 v9, v44;
	[tilespmem:s11+$0xFFFFFF20] =	vst v30  }
0x102: {  	v28 =	vor.u32 v6, v28;
	v33 =	vshll.u32 v33, v3;
	v30 =	vbroadcast v31, $0x0;
	v31 =	vld.idx.msk [tilespmem:v34+s29+$0x0], $0xffff;
	[tilespmem:s11+$0xFFFFFFA0] =	vst v29  }
0x103: {  	v44 =	vor.u32 v6, v26;
	v26 =	vbroadcast v33, $0x0;
	v29 =	vshrl.u32 v32, $0x3;
	[tilespmem:s11+$0xFFFFFF80] =	vst v35  }
0x104: {  	v33 =	vshrl.u32 v43, $0x3;
	v32 =	vshrl.u32 v42, $0x3;
	v29 =	vshll.u32 v29, v3;
	[tilespmem:s11+$0xFFFFFF60] =	vst v38  }
0x105: {  	v33 =	vshll.u32 v33, v3;
	v26 =	vor.u32 v7, v26;
	v38 =	vor.u32 v8, v27;
	[tilespmem:s11+$0xFFFFFF70] =	vst v36;
	s11 =	smov.u32 s13  }
0x106: {  	v33 =	vbroadcast v33, $0x0;
	v27 =	vshll.u32 v32, v3;
	v29 =	vbroadcast v29, $0x0;
	v34 =	vld.idx.msk [tilespmem:v40+s29+$0x0], $0xffff;
	[tilespmem:s13+$0x0] =	vst v41  }
.Ltmp4:
0x107: {  	v36 =	vor.u32 v5, v30;
	v40 =	vbroadcast v37, $0x0;
	v32 =	vld.idx.msk [tilespmem:v28+s29+$0x0], $0xffff;
	v28 =	vbroadcast v27, $0x0;
	(pc) =	sbr.rel @p0 .LBB2_10-.Ltmp4, $4  }
0x108: {  	s9 =	sadd.s32 $0x5, s23;
	v35 =	vshrl.u32 v47, $0x3;
	v30 =	vbroadcast v39, $0x0;
	v27 =	vor.u32 v5, v33;
	[tilespmem:s13+$0xFFFFFF90] =	vst v31;
	v33 =	vld.idx.msk [tilespmem:v44+s29+$0x0], $0xffff  }
0x109: {  	v37 =	vshll.u32 v35, v3;
	v31 =	vor.u32 v7, v28;
	v28 =	vmov s9  }
0x10a: {  	v35 =	vor.u32 v0, v30;
	v37 =	vbroadcast v37, $0x0;
	v39 =	vshrl.u32 v28, $0x3;
	v28 =	vld.idx.msk [tilespmem:v38+s29+$0x0], $0xffff  }
0x10b: {  	v29 =	vor.u32 v4, v29;
	v30 =	vor.u32 v4, v40;
	s13 =	sadd.s32 $0x100, s13;
	v38 =	vshll.u32 v39, v3  }
0x10c: {  	_ =	sdelay $0x3  }
0x10d: {  	v36 =	vld.idx.msk [tilespmem:v36+s29+$0x0], $0xffff  }
0x10e: {  	[tilespmem:s11+$0xFFFFFFF0] =	vst v34;
	v35 =	vld.idx.msk [tilespmem:v35+s29+$0x0], $0xffff  }
0x10f: {  	v57 =	vbroadcast v38, $0x0;
	v58 =	vor.u32 s22, v10;
	[tilespmem:s11+$0xFFFFFF40] =	vst v32;
	v26 =	vld.idx.msk [tilespmem:v26+s29+$0x0], $0xffff  }
0x110: {  	v31 =	vld.idx.msk [tilespmem:v31+s29+$0x0], $0xffff;
	v60 =	vor.u32 v9, v37;
	[tilespmem:s11+$0xFFFFFFC0] =	vst v33  }
0x111: {  	v27 =	vld.idx.msk [tilespmem:v27+s29+$0x0], $0xffff;
	v59 =	vor.u32 v8, v57;
	[tilespmem:s11+$0xFFFFFFE0] =	vst v28  }
0x112: {  	v30 =	vld.idx.msk [tilespmem:v30+s29+$0x0], $0xffff;
	[tilespmem:s11+$0xFFFFFF30] =	vst v36  }
0x113: {  	v61 =	vld.idx.msk [tilespmem:v29+s29+$0x0], $0xffff;
	[tilespmem:s11+$0xFFFFFF10] =	vst v35  }
0x114: {  	v62 =	vld.idx.msk [tilespmem:v58+s29+$0x0], $0xffff;
	[tilespmem:s11+$0xFFFFFFD0] =	vst v26  }
0x115: {  	[tilespmem:s11+$0xFFFFFF50] =	vst v31;
	v63 =	vld.idx.msk [tilespmem:v60+s29+$0x0], $0xffff  }
0x116: {  	[tilespmem:s11+$0xFFFFFFB0] =	vst v27;
	v26 =	vld.idx.msk [tilespmem:v59+s29+$0x0], $0xffff  }
0x117: {  	[tilespmem:s11+$0xFFFFFF20] =	vst v30  }
0x118: {  	[tilespmem:s11+$0xFFFFFFA0] =	vst v61  }
0x119: {  	[tilespmem:s11+$0xFFFFFF80] =	vst v62  }
0x11a: {  	[tilespmem:s11+$0xFFFFFF70] =	vst v63  }
0x11b: {  	[tilespmem:s11+$0xFFFFFF60] =	vst v26  }
0x11c: {  	s24 =	simm.s32 $0xB000;
	s9 =	rddreg [dreg:$0x17]  }
0x11d: {  	[spmem:s9] =	stream.linear.scatter [tilespmem:s24], [sflag:$0x1], $0x1000, $0x200038;
	[tilespmem:$0x18000] =	vst v63  }
0x11e: {  	_ =	swait.ge [sflag:s0], $0x1000  }
0x11f: {  	[sflag:s0] =	ssyncset.done $0x0  }
0x120: {  	[sflag:s0] =	ssyncadd.s32 $0xFFFFF000  }
0x121: {  	_ =	swait.ge [sflag:s0], $0x1000  }
0x122: {  	[sflag:s0] =	ssyncset.done $0x0  }
0x123: {  	[sflag:s0] =	ssyncadd.s32 $0xFFFFF000  }
0x124: {  	_ =	swait.ge [sflag:s0], $0x1000  }
0x125: {  	[sflag:s0] =	ssyncset.done $0x0  }
0x126: {  	[sflag:s0] =	ssyncadd.s32 $0xFFFFF000  }
0x127: {  	_ =	swait.ge [sflag:s0], $0x1000  }
0x128: {  	[sflag:s0] =	ssyncset.done $0x0  }
0x129: {  	[sflag:s0] =	ssyncadd.s32 $0xFFFFF000  }
0x12a: {  	_ =	swait.ge [sflag:s2], $0x2000  }
0x12b: {  	[sflag:s2] =	ssyncset.done $0x0  }
0x12c: {  	[sflag:s2] =	ssyncadd.s32 $0xFFFFE000  }
0x12d: {  	_ =	swait.ge [sflag:s26], $0x2000  }
0x12e: {  	[sflag:s26] =	ssyncset.done $0x0  }
0x12f: {  	[sflag:s26] =	ssyncadd.s32 $0xFFFFE000  }
0x130: {  	_ =	swait.ge [sflag:s28], $0x2000  }
0x131: {  	[sflag:s28] =	ssyncset.done $0x0  }
0x132: {  	[sflag:s28] =	ssyncadd.s32 $0xFFFFE000  }
0x133: {  	_ =	swait.ge [sflag:s30], $0x800  }
0x134: {  	[sflag:s30] =	ssyncset.done $0x0  }
0x135: {  	[sflag:s30] =	ssyncadd.s32 $0xFFFFF800  }
0x136: {  	_ =	swait.ge [sflag:s30], $0x800  }
0x137: {  	[sflag:s30] =	ssyncset.done $0x0  }
0x138: {  	[sflag:s30] =	ssyncadd.s32 $0xFFFFF800  }
0x139: {  	_ =	swait.ge [sflag:s30], $0x800  }
0x13a: {  	[sflag:s30] =	ssyncset.done $0x0  }
0x13b: {  	[sflag:s30] =	ssyncadd.s32 $0xFFFFF800  }
0x13c: {  	_ =	swait.ge [sflag:s30], $0x800  }
0x13d: {  	[sflag:s30] =	ssyncset.done $0x0  }
0x13e: {  	[sflag:s30] =	ssyncadd.s32 $0xFFFFF800  }
0x13f: {  	_ =	swait.ge [sflag:s30], $0x800  }
0x140: {  	[sflag:s30] =	ssyncset.done $0x0  }
0x141: {  	[sflag:s30] =	ssyncadd.s32 $0xFFFFF800  }
0x142: {  	_ =	swait.ge [sflag:s30], $0x800  }
0x143: {  	[sflag:s30] =	ssyncset.done $0x0  }
0x144: {  	[sflag:s30] =	ssyncadd.s32 $0xFFFFF800  }
0x145: {  	_ =	swait.ge [sflag:s30], $0x800  }
0x146: {  	[sflag:s30] =	ssyncset.done $0x0  }
0x147: {  	[sflag:s30] =	ssyncadd.s32 $0xFFFFF800  }
0x148: {  	_ =	swait.ge [sflag:s30], $0x800  }
0x149: {  	[sflag:s30] =	ssyncset.done $0x0  }
0x14a: {  	[sflag:s30] =	ssyncadd.s32 $0xFFFFF800  }
0x14b: {  	[bflag:$0x0] =	sbarrier.arrive $0xFFFF  }
0x14c: {  	_ =	strace $0x90000048  }
0x14d: {  	s11 =	simm.s32 $0x0;
	_ =	strace $0x80000049  }
0x14e: {  	[tilespmem:s31], [sflag:$0x1] =	stream.indirect.gather [spmem:s3], $0x10, s11, s5, $0x2000b8;
	[tilespmem:$0x18000] =	vst v63  }
0x14f: {  	_ = 	snop  }
0x150: {  	[tilespmem:s6], [sflag:$0x2] =	stream.indirect.gather [spmem:s3], $0x10, s5, s5, $0x2000b8;
	[tilespmem:$0x18000] =	vst v63  }
0x151: {  	s25 =	simm.s32 $0x100  }
0x152: {  	[tilespmem:s7], [sflag:$0x3] =	stream.indirect.gather [spmem:s3], $0x10, s25, s5, $0x2000b8;
	[tilespmem:$0x18000] =	vst v63  }
0x153: {  	_ =	swait.ge [sflag:s0], $0x800  }
0x154: {  	[sflag:s0] =	ssyncset.done $0x0  }
0x155: {  	p0 =	por $0x1, $0x1;
	[sflag:s0] =	ssyncadd.s32 $0xFFFFF800  }
.LBB2_12:
0x156: {  	s21 =	sshll.u32 s11, $0x4  }
0x157: {  	s22 =	sshll.u32 s11, $0x8;
	s9 =	sand.u32 $0x3FFFFFF0, s21;
	v37 =	vld [tilespmem:s21+$0x4010]  }
0x158: {  	s11 =	sand.u32 $0x3FFFFF00, s22;
	v26 =	vld [tilespmem:s9+$0x4000]  }
0x159: {  	v27 =	vld [tilespmem:s11+$0x6000]  }
0x15a: {  	v28 =	vld [tilespmem:s11+$0x6010]  }
0x15b: {  	v29 =	vld [tilespmem:s11+$0x6020]  }
0x15c: {  	v30 =	vld [tilespmem:s11+$0x6030]  }
0x15d: {  	v31 =	vld [tilespmem:s11+$0x6040]  }
0x15e: {  	v32 =	vld [tilespmem:s11+$0x6050]  }
0x15f: {  	v34 =	vld [tilespmem:s11+$0x6060];
	v57 =	vperm.xlane v37, v1;
	v33 =	vperm.xlane v26, v1  }
0x160: {  	v36 =	vld [tilespmem:s11+$0x6070];
	v35 =	vperm.xlane v26, v11;
	v46 =	vperm.xlane v26, v12  }
0x161: {  	s23 =	sor.u32 $0x100, s22;
	v38 =	vld [tilespmem:s11+$0x6080];
	v47 =	vperm.xlane v26, v13;
	v27 =	vmul.f32 v27, v33  }
0x162: {  	s9 =	sand.u32 $0x3FFFFF00, s23;
	v52 =	vld [tilespmem:s11+$0x6090];
	v48 =	vperm.xlane v26, v14;
	v28 =	vmul.f32 v28, v35  }
0x163: {  	v49 =	vld [tilespmem:s9+$0x6000];
	v51 =	vperm.xlane v26, v15;
	[tilespmem:s11+$0x6000] =	vst v27;
	v27 =	vmul.f32 v29, v46  }
0x164: {  	v54 =	vld [tilespmem:s11+$0x60A0];
	v53 =	vperm.xlane v26, v16;
	v50 =	vmul.f32 v30, v47;
	[tilespmem:s11+$0x6010] =	vst v28  }
0x165: {  	v56 =	vld [tilespmem:s11+$0x60B0];
	v58 =	vperm.xlane v26, v17;
	[tilespmem:s11+$0x6020] =	vst v27;
	v27 =	vmul.f32 v31, v48  }
0x166: {  	v59 =	vld [tilespmem:s11+$0x60C0];
	v60 =	vperm.xlane v26, v18;
	v55 =	vmul.f32 v32, v51;
	[tilespmem:s11+$0x6030] =	vst v50  }
0x167: {  	v61 =	vld [tilespmem:s11+$0x60D0];
	v62 =	vperm.xlane v26, v19;
	[tilespmem:s11+$0x6040] =	vst v27;
	v27 =	vmul.f32 v34, v53  }
0x168: {  	v63 =	vld [tilespmem:s11+$0x60E0];
	v40 =	vperm.xlane v26, v20;
	v32 =	vmul.f32 v49, v57;
	[tilespmem:s11+$0x6050] =	vst v55  }
0x169: {  	v41 =	vld [tilespmem:s11+$0x60F0];
	v42 =	vperm.xlane v26, v21;
	[tilespmem:s11+$0x6060] =	vst v27;
	v27 =	vmul.f32 v36, v58  }
0x16a: {  	v45 =	vperm.xlane v26, v22;
	v44 =	vmul.f32 v54, v40;
	v35 =	vld [tilespmem:s21+$0x4020];
	[tilespmem:s9+$0x6000] =	vst v32  }
0x16b: {  	v47 =	vperm.xlane v26, v23;
	v43 =	vld [tilespmem:s11+$0x6110];
	[tilespmem:s11+$0x6070] =	vst v27;
	v27 =	vmul.f32 v52, v62  }
0x16c: {  	v49 =	vmul.f32 v59, v45;
	v54 =	vperm.xlane v37, v11;
	[tilespmem:s11+$0x60A0] =	vst v44;
	v46 =	vld [tilespmem:s11+$0x6120]  }
0x16d: {  	v28 =	vmul.f32 v38, v60;
	v51 =	vld [tilespmem:s11+$0x6140];
	[tilespmem:s11+$0x6090] =	vst v27;
	v27 =	vmul.f32 v56, v42  }
0x16e: {  	v50 =	vperm.xlane v26, v24;
	v26 =	vperm.xlane v26, v25;
	[tilespmem:s11+$0x60C0] =	vst v49;
	v55 =	vld [tilespmem:s11+$0x6160]  }
0x16f: {  	v40 =	vperm.xlane v37, v17;
	v48 =	vld [tilespmem:s11+$0x6130];
	[tilespmem:s11+$0x60B0] =	vst v27;
	v27 =	vmul.f32 v61, v47  }
0x170: {  	v44 =	vperm.xlane v37, v18;
	v59 =	vld [tilespmem:s11+$0x6180];
	[tilespmem:s11+$0x6080] =	vst v28;
	v26 =	vmul.f32 v41, v26  }
0x171: {  	s24 =	sor.u32 $0x200, s22;
	v49 =	vld [tilespmem:s11+$0x61E0];
	v53 =	vmul.f32 v63, v50;
	[tilespmem:s11+$0x60D0] =	vst v27;
	v27 =	vperm.xlane v37, v12  }
0x172: {  	s9 =	sand.u32 $0x3FFFFF00, s24;
	v45 =	vld [tilespmem:s11+$0x61C0];
	[tilespmem:s11+$0x60F0] =	vst v26;
	v57 =	vmul.f32 v43, v54;
	v58 =	vperm.xlane v37, v13  }
0x173: {  	[tilespmem:s11+$0x60E0] =	vst v53;
	v62 =	vld [tilespmem:s9+$0x6000];
	v26 =	vmul.f32 v46, v27;
	v27 =	vperm.xlane v37, v14  }
0x174: {  	v41 =	vld [tilespmem:s11+$0x61A0];
	[tilespmem:s11+$0x6110] =	vst v57;
	v60 =	vmul.f32 v48, v58;
	v57 =	vperm.xlane v37, v24  }
0x175: {  	v52 =	vld [tilespmem:s11+$0x6150];
	[tilespmem:s11+$0x6120] =	vst v26;
	v26 =	vmul.f32 v51, v27;
	v27 =	vperm.xlane v37, v16  }
0x176: {  	v63 =	vld [tilespmem:s11+$0x6190];
	[tilespmem:s11+$0x6130] =	vst v60;
	v42 =	vperm.xlane v35, v1;
	v60 =	vmul.f32 v49, v57  }
0x177: {  	v50 =	vperm.xlane v37, v21;
	v34 =	vld [tilespmem:s21+$0x4030];
	[tilespmem:s11+$0x6140] =	vst v26;
	v26 =	vmul.f32 v55, v27  }
0x178: {  	v61 =	vperm.xlane v37, v15;
	[tilespmem:s11+$0x61E0] =	vst v60;
	v31 =	vmul.f32 v62, v42;
	v27 =	vld [tilespmem:s11+$0x61B0]  }
0x179: {  	v56 =	vld [tilespmem:s11+$0x6170];
	v47 =	vmul.f32 v59, v44;
	[tilespmem:s11+$0x6160] =	vst v26;
	v26 =	vperm.xlane v37, v19  }
0x17a: {  	v48 =	vperm.xlane v37, v20;
	v39 =	vmul.f32 v52, v61;
	[tilespmem:s9+$0x6000] =	vst v31;
	v46 =	vld [tilespmem:s11+$0x61D0]  }
0x17b: {  	v53 =	vperm.xlane v37, v22;
	[tilespmem:s11+$0x6180] =	vst v47;
	v54 =	vld [tilespmem:s11+$0x6210];
	v26 =	vmul.f32 v63, v26  }
0x17c: {  	v57 =	vperm.xlane v35, v22;
	v52 =	vmul.f32 v41, v48;
	[tilespmem:s11+$0x6150] =	vst v39;
	v51 =	vld [tilespmem:s11+$0x61F0]  }
0x17d: {  	v58 =	vld [tilespmem:s11+$0x6230];
	[tilespmem:s11+$0x6190] =	vst v26;
	v26 =	vmul.f32 v27, v50;
	v27 =	vperm.xlane v37, v23  }
0x17e: {  	v61 =	vperm.xlane v35, v11;
	v43 =	vmul.f32 v56, v40;
	[tilespmem:s11+$0x61A0] =	vst v52;
	v55 =	vld [tilespmem:s11+$0x6220]  }
0x17f: {  	s25 =	sor.u32 $0x300, s22;
	v59 =	vld [tilespmem:s11+$0x6240];
	[tilespmem:s11+$0x61B0] =	vst v26;
	v26 =	vmul.f32 v46, v27;
	v27 =	vperm.xlane v37, v25  }
0x180: {  	v47 =	vperm.xlane v35, v17;
	v56 =	vmul.f32 v45, v53;
	s9 =	sand.u32 $0x3FFFFF00, s25;
	v41 =	vld [tilespmem:s11+$0x6270];
	[tilespmem:s11+$0x6170] =	vst v43  }
0x181: {  	v45 =	vld [tilespmem:s9+$0x6000];
	[tilespmem:s11+$0x61D0] =	vst v26;
	v26 =	vmul.f32 v51, v27;
	v27 =	vperm.xlane v35, v12  }
0x182: {  	v40 =	vperm.xlane v35, v13;
	[tilespmem:s11+$0x61C0] =	vst v56;
	v39 =	vmul.f32 v54, v61;
	v63 =	vld [tilespmem:s11+$0x6260]  }
0x183: {  	v53 =	vld [tilespmem:s11+$0x62C0];
	[tilespmem:s11+$0x61F0] =	vst v26;
	v26 =	vmul.f32 v55, v27;
	v27 =	vperm.xlane v35, v14  }
0x184: {  	v44 =	vld [tilespmem:s11+$0x6280];
	v52 =	vperm.xlane v34, v1;
	v42 =	vmul.f32 v58, v40;
	[tilespmem:s11+$0x6210] =	vst v39  }
0x185: {  	v49 =	vld [tilespmem:s11+$0x62A0];
	[tilespmem:s11+$0x6220] =	vst v26;
	v26 =	vmul.f32 v59, v27;
	v27 =	vperm.xlane v35, v16  }
0x186: {  	v48 =	vld [tilespmem:s11+$0x6290];
	v43 =	vperm.xlane v35, v15;
	v30 =	vmul.f32 v45, v52;
	[tilespmem:s11+$0x6230] =	vst v42  }
0x187: {  	v56 =	vld [tilespmem:s11+$0x62E0];
	[tilespmem:s11+$0x6240] =	vst v26;
	v26 =	vmul.f32 v63, v27;
	v27 =	vperm.xlane v35, v18  }
0x188: {  	v54 =	vperm.xlane v35, v20;
	v60 =	vmul.f32 v53, v57;
	[tilespmem:s9+$0x6000] =	vst v30;
	v51 =	vld [tilespmem:s11+$0x62B0]  }
0x189: {  	v62 =	vld [tilespmem:s11+$0x6250];
	[tilespmem:s11+$0x6260] =	vst v26;
	v26 =	vmul.f32 v44, v27;
	v27 =	vperm.xlane v35, v19  }
0x18a: {  	v61 =	vperm.xlane v35, v24;
	v28 =	vmul.f32 v49, v54;
	[tilespmem:s11+$0x62C0] =	vst v60;
	v55 =	vld [tilespmem:s11+$0x62D0]  }
0x18b: {  	[tilespmem:s11+$0x6280] =	vst v26;
	v26 =	vmul.f32 v48, v27;
	v27 =	vperm.xlane v35, v21  }
0x18c: {  	v58 =	vld [tilespmem:s11+$0x62F0];
	v36 =	vmul.f32 v56, v61;
	[tilespmem:s11+$0x62A0] =	vst v28;
	v50 =	vmul.f32 v41, v47  }
0x18d: {  	v47 =	vld [tilespmem:s11+$0x6390];
	[tilespmem:s11+$0x6290] =	vst v26;
	v26 =	vmul.f32 v51, v27;
	v27 =	vperm.xlane v35, v23  }
0x18e: {  	[tilespmem:s11+$0x62E0] =	vst v36;
	v46 =	vmul.f32 v62, v43;
	v62 =	vld [tilespmem:s11+$0x6320]  }
0x18f: {  	v43 =	vld [tilespmem:s11+$0x6370];
	[tilespmem:s11+$0x62B0] =	vst v26;
	v26 =	vmul.f32 v55, v27;
	v27 =	vperm.xlane v35, v25  }
0x190: {  	v53 =	vperm.xlane v34, v19;
	v38 =	vld [tilespmem:s11+$0x6340];
	[tilespmem:s11+$0x6270] =	vst v50  }
0x191: {  	v59 =	vld [tilespmem:s11+$0x6310];
	[tilespmem:s11+$0x62D0] =	vst v26;
	v26 =	vmul.f32 v58, v27;
	v27 =	vperm.xlane v34, v12  }
0x192: {  	v49 =	vperm.xlane v34, v17;
	v42 =	vld [tilespmem:s11+$0x6360];
	[tilespmem:s11+$0x6250] =	vst v46;
	v56 =	vmul.f32 v47, v53  }
0x193: {  	v39 =	vld [tilespmem:s11+$0x6350];
	[tilespmem:s11+$0x62F0] =	vst v26;
	v26 =	vmul.f32 v62, v27;
	v27 =	vperm.xlane v34, v14  }
0x194: {  	v37 =	vperm.xlane v34, v11;
	v46 =	vld [tilespmem:s11+$0x6380];
	v52 =	vmul.f32 v43, v49;
	[tilespmem:s11+$0x6390] =	vst v56  }
0x195: {  	v63 =	vld [tilespmem:s11+$0x6330];
	[tilespmem:s11+$0x6320] =	vst v26;
	v26 =	vmul.f32 v38, v27;
	v27 =	vperm.xlane v34, v16  }
0x196: {  	v45 =	vperm.xlane v34, v15;
	v50 =	vld [tilespmem:s11+$0x63A0];
	[tilespmem:s11+$0x6370] =	vst v52;
	v40 =	vmul.f32 v59, v37  }
0x197: {  	v51 =	vld [tilespmem:s11+$0x63B0];
	[tilespmem:s11+$0x6340] =	vst v26;
	v26 =	vmul.f32 v42, v27;
	v27 =	vperm.xlane v34, v18  }
0x198: {  	v54 =	vld [tilespmem:s11+$0x63C0];
	v41 =	vperm.xlane v34, v13;
	v48 =	vmul.f32 v39, v45;
	[tilespmem:s11+$0x6310] =	vst v40  }
0x199: {  	v55 =	vld [tilespmem:s11+$0x63D0];
	[tilespmem:s11+$0x6360] =	vst v26;
	v26 =	vmul.f32 v46, v27;
	v27 =	vperm.xlane v34, v20  }
0x19a: {  	v57 =	vperm.xlane v34, v21;
	v44 =	vmul.f32 v63, v41;
	[tilespmem:s11+$0x6350] =	vst v48;
	v58 =	vld [tilespmem:s11+$0x63E0]  }
0x19b: {  	v59 =	vld [tilespmem:s11+$0x63F0];
	[tilespmem:s11+$0x6380] =	vst v26;
	v26 =	vmul.f32 v50, v27;
	v27 =	vperm.xlane v34, v22  }
0x19c: {  	v61 =	vperm.xlane v34, v23;
	[tilespmem:s11+$0x6330] =	vst v44;
	v60 =	vmul.f32 v51, v57  }
0x19d: {  	p1 =	por p0, p0;
	[tilespmem:s11+$0x63A0] =	vst v26;
	v26 =	vmul.f32 v54, v27;
	v27 =	vperm.xlane v34, v24  }
.Ltmp5:
0x19e: {  	v63 =	vperm.xlane v34, v25;
	[tilespmem:s11+$0x63B0] =	vst v60;
	v62 =	vmul.f32 v55, v61;
	(pc) =	sbr.rel @p1 .LBB2_12-.Ltmp5, $4  }
0x19f: {  	[tilespmem:s11+$0x63C0] =	vst v26;
	v26 =	vmul.f32 v58, v27  }
0x1a0: {  	[tilespmem:s11+$0x63D0] =	vst v62;
	v27 =	vmul.f32 v59, v63  }
0x1a1: {  	[tilespmem:s11+$0x63E0] =	vst v26  }
0x1a2: {  	p0 =	por $0x0, $0x0;
	[tilespmem:s11+$0x63F0] =	vst v27;
	s11 =	simm.s32 $0x4  }
0x1a3: {  	s9 =	simm.s32 $0x2000  }
0x1a4: {  	[spmem:s1] =	stream.indirect.scatter.add.f32 [tilespmem:s31], [sflag:$0x5], $0x10, s9, s5, $0x2000b8;
	[tilespmem:$0x18000] =	vst v63  }
0x1a5: {  	s25 =	simm.s32 $0x180  }
0x1a6: {  	[tilespmem:s8], [sflag:$0x4] =	stream.indirect.gather [spmem:s3], $0x10, s25, s5, $0x2000b8;
	[tilespmem:$0x18000] =	vst v63  }
0x1a7: {  	_ =	swait.ge [sflag:s2], $0x800  }
0x1a8: {  	[sflag:s2] =	ssyncset.done $0x0  }
0x1a9: {  	s11 =	simm.s32 $0x0;
	p0 =	por $0x1, $0x1;
	[sflag:s2] =	ssyncadd.s32 $0xFFFFF800  }
.LBB2_14:
0x1aa: {  	s9 =	sshll.u32 s11, $0x4  }
0x1ab: {  	s25 =	sshll.u32 s11, $0x8;
	s21 =	sand.u32 $0x3FFFFFF0, s9  }
0x1ac: {  	s11 =	sand.u32 $0x3FFFFF00, s25;
	v26 =	vld [tilespmem:s21+$0x4080]  }
0x1ad: {  	v27 =	vld [tilespmem:s11+$0x6800]  }
0x1ae: {  	v28 =	vld [tilespmem:s11+$0x6810]  }
0x1af: {  	v29 =	vld [tilespmem:s11+$0x6820]  }
0x1b0: {  	v30 =	vld [tilespmem:s11+$0x6830]  }
0x1b1: {  	v31 =	vld [tilespmem:s11+$0x6840]  }
0x1b2: {  	v32 =	vld [tilespmem:s11+$0x6850]  }
0x1b3: {  	v34 =	vld [tilespmem:s11+$0x6860];
	v33 =	vperm.xlane v26, v1  }
0x1b4: {  	v36 =	vld [tilespmem:s11+$0x6870];
	v35 =	vperm.xlane v26, v11;
	v44 =	vperm.xlane v26, v12  }
0x1b5: {  	v37 =	vld [tilespmem:s11+$0x6880];
	v45 =	vperm.xlane v26, v13;
	v27 =	vmul.f32 v27, v33  }
0x1b6: {  	v38 =	vld [tilespmem:s11+$0x6890];
	v46 =	vperm.xlane v26, v14;
	v28 =	vmul.f32 v28, v35  }
0x1b7: {  	v47 =	vld [tilespmem:s11+$0x68A0];
	v49 =	vperm.xlane v26, v15;
	v48 =	vmul.f32 v30, v45;
	[tilespmem:s11+$0x6800] =	vst v27  }
0x1b8: {  	v50 =	vld [tilespmem:s11+$0x68B0];
	v51 =	vperm.xlane v26, v16;
	v27 =	vmul.f32 v29, v44;
	[tilespmem:s11+$0x6810] =	vst v28  }
0x1b9: {  	v52 =	vld [tilespmem:s11+$0x68C0];
	v54 =	vperm.xlane v26, v17;
	v53 =	vmul.f32 v32, v49;
	[tilespmem:s11+$0x6830] =	vst v48  }
0x1ba: {  	v55 =	vld [tilespmem:s11+$0x68D0];
	v56 =	vperm.xlane v26, v18;
	[tilespmem:s11+$0x6820] =	vst v27;
	v27 =	vmul.f32 v31, v46  }
0x1bb: {  	v57 =	vld [tilespmem:s11+$0x68E0];
	v59 =	vperm.xlane v26, v19;
	v58 =	vmul.f32 v36, v54;
	[tilespmem:s11+$0x6850] =	vst v53  }
0x1bc: {  	v60 =	vld [tilespmem:s11+$0x68F0];
	v61 =	vperm.xlane v26, v20;
	[tilespmem:s11+$0x6840] =	vst v27;
	v27 =	vmul.f32 v34, v51  }
0x1bd: {  	v40 =	vld [tilespmem:s11+$0x6900];
	v63 =	vperm.xlane v26, v21;
	v62 =	vmul.f32 v38, v59;
	[tilespmem:s11+$0x6870] =	vst v58  }
0x1be: {  	v41 =	vperm.xlane v26, v22;
	[tilespmem:s11+$0x6860] =	vst v27;
	v27 =	vmul.f32 v37, v56;
	v37 =	vld [tilespmem:s21+$0x4090]  }
0x1bf: {  	v42 =	vld [tilespmem:s11+$0x6910];
	v43 =	vmul.f32 v50, v63;
	[tilespmem:s11+$0x6890] =	vst v62;
	v44 =	vperm.xlane v26, v23  }
0x1c0: {  	v45 =	vld [tilespmem:s11+$0x6920];
	v46 =	vperm.xlane v26, v24;
	[tilespmem:s11+$0x6880] =	vst v27;
	v27 =	vmul.f32 v47, v61  }
0x1c1: {  	v49 =	vld [tilespmem:s11+$0x6940];
	[tilespmem:s11+$0x68B0] =	vst v43;
	v48 =	vmul.f32 v55, v44;
	v26 =	vperm.xlane v26, v25  }
0x1c2: {  	v47 =	vld [tilespmem:s11+$0x6930];
	[tilespmem:s11+$0x68A0] =	vst v27;
	v27 =	vmul.f32 v52, v41  }
0x1c3: {  	v59 =	vld [tilespmem:s11+$0x6990];
	[tilespmem:s11+$0x68D0] =	vst v48;
	v26 =	vmul.f32 v60, v26;
	v52 =	vperm.xlane v37, v11  }
0x1c4: {  	v51 =	vld [tilespmem:s11+$0x6950];
	v50 =	vperm.xlane v37, v1;
	[tilespmem:s11+$0x68C0] =	vst v27;
	v27 =	vmul.f32 v57, v46  }
0x1c5: {  	v63 =	vld [tilespmem:s11+$0x69B0];
	[tilespmem:s11+$0x68F0] =	vst v26;
	v56 =	vperm.xlane v37, v13;
	v26 =	vmul.f32 v42, v52  }
0x1c6: {  	v55 =	vld [tilespmem:s11+$0x6970];
	v54 =	vperm.xlane v37, v12;
	[tilespmem:s11+$0x68E0] =	vst v27;
	v27 =	vmul.f32 v40, v50  }
0x1c7: {  	v53 =	vld [tilespmem:s11+$0x6960];
	v60 =	vperm.xlane v37, v15;
	[tilespmem:s11+$0x6910] =	vst v26;
	v26 =	vmul.f32 v47, v56  }
0x1c8: {  	v35 =	vld [tilespmem:s21+$0x40A0];
	v58 =	vperm.xlane v37, v14;
	[tilespmem:s11+$0x6900] =	vst v27;
	v27 =	vmul.f32 v45, v54  }
0x1c9: {  	v39 =	vperm.xlane v37, v17;
	v57 =	vld [tilespmem:s11+$0x6980];
	[tilespmem:s11+$0x6930] =	vst v26;
	v26 =	vmul.f32 v51, v60  }
0x1ca: {  	v44 =	vld [tilespmem:s11+$0x69E0];
	v62 =	vperm.xlane v37, v16;
	[tilespmem:s11+$0x6920] =	vst v27;
	v27 =	vmul.f32 v49, v58  }
0x1cb: {  	v61 =	vld [tilespmem:s11+$0x69A0];
	v43 =	vperm.xlane v37, v19;
	[tilespmem:s11+$0x6950] =	vst v26;
	v26 =	vmul.f32 v55, v39  }
0x1cc: {  	v41 =	vperm.xlane v37, v18;
	v42 =	vld [tilespmem:s11+$0x69D0];
	[tilespmem:s11+$0x6940] =	vst v27;
	v27 =	vmul.f32 v53, v62  }
0x1cd: {  	v40 =	vld [tilespmem:s11+$0x69C0];
	v47 =	vperm.xlane v37, v21;
	[tilespmem:s11+$0x6970] =	vst v26;
	v26 =	vmul.f32 v59, v43  }
0x1ce: {  	v46 =	vld [tilespmem:s11+$0x69F0];
	v45 =	vperm.xlane v37, v20;
	[tilespmem:s11+$0x6960] =	vst v27;
	v27 =	vmul.f32 v57, v41  }
0x1cf: {  	v34 =	vld [tilespmem:s21+$0x40B0];
	v50 =	vperm.xlane v37, v23;
	[tilespmem:s11+$0x6990] =	vst v26;
	v26 =	vmul.f32 v63, v47  }
0x1d0: {  	v48 =	vperm.xlane v37, v22;
	v51 =	vld [tilespmem:s11+$0x6A10];
	[tilespmem:s11+$0x6980] =	vst v27;
	v27 =	vmul.f32 v61, v45  }
0x1d1: {  	v54 =	vperm.xlane v37, v25;
	v49 =	vld [tilespmem:s11+$0x6A00];
	[tilespmem:s11+$0x69B0] =	vst v26;
	v26 =	vmul.f32 v42, v50  }
0x1d2: {  	v52 =	vperm.xlane v37, v24;
	v55 =	vld [tilespmem:s11+$0x6A30];
	[tilespmem:s11+$0x69A0] =	vst v27;
	v27 =	vmul.f32 v40, v48  }
0x1d3: {  	v58 =	vperm.xlane v35, v11;
	v53 =	vld [tilespmem:s11+$0x6A20];
	[tilespmem:s11+$0x69D0] =	vst v26;
	v26 =	vmul.f32 v46, v54  }
0x1d4: {  	v56 =	vperm.xlane v35, v1;
	v59 =	vld [tilespmem:s11+$0x6A50];
	[tilespmem:s11+$0x69C0] =	vst v27;
	v27 =	vmul.f32 v44, v52  }
0x1d5: {  	v62 =	vperm.xlane v35, v13;
	v57 =	vld [tilespmem:s11+$0x6A40];
	[tilespmem:s11+$0x69F0] =	vst v26;
	v26 =	vmul.f32 v51, v58  }
0x1d6: {  	v60 =	vperm.xlane v35, v12;
	v63 =	vld [tilespmem:s11+$0x6A70];
	[tilespmem:s11+$0x69E0] =	vst v27;
	v27 =	vmul.f32 v49, v56  }
0x1d7: {  	v41 =	vperm.xlane v35, v15;
	v61 =	vld [tilespmem:s11+$0x6A60];
	[tilespmem:s11+$0x6A10] =	vst v26;
	v26 =	vmul.f32 v55, v62  }
0x1d8: {  	v39 =	vperm.xlane v35, v14;
	v42 =	vld [tilespmem:s11+$0x6A90];
	[tilespmem:s11+$0x6A00] =	vst v27;
	v27 =	vmul.f32 v53, v60  }
0x1d9: {  	v45 =	vperm.xlane v35, v17;
	v40 =	vld [tilespmem:s11+$0x6A80];
	[tilespmem:s11+$0x6A30] =	vst v26;
	v26 =	vmul.f32 v59, v41  }
0x1da: {  	v43 =	vperm.xlane v35, v16;
	v46 =	vld [tilespmem:s11+$0x6AB0];
	[tilespmem:s11+$0x6A20] =	vst v27;
	v27 =	vmul.f32 v57, v39  }
0x1db: {  	v44 =	vld [tilespmem:s11+$0x6AA0];
	v49 =	vperm.xlane v35, v19;
	[tilespmem:s11+$0x6A50] =	vst v26;
	v26 =	vmul.f32 v63, v45  }
0x1dc: {  	v47 =	vperm.xlane v35, v18;
	v50 =	vld [tilespmem:s11+$0x6AD0];
	[tilespmem:s11+$0x6A40] =	vst v27;
	v27 =	vmul.f32 v61, v43  }
0x1dd: {  	v48 =	vld [tilespmem:s11+$0x6AC0];
	v53 =	vperm.xlane v35, v21;
	[tilespmem:s11+$0x6A70] =	vst v26;
	v26 =	vmul.f32 v42, v49  }
0x1de: {  	v51 =	vperm.xlane v35, v20;
	v55 =	vld [tilespmem:s11+$0x6AF0];
	[tilespmem:s11+$0x6A60] =	vst v27;
	v27 =	vmul.f32 v40, v47  }
0x1df: {  	v52 =	vld [tilespmem:s11+$0x6AE0];
	v56 =	vperm.xlane v35, v23;
	[tilespmem:s11+$0x6A90] =	vst v26;
	v26 =	vmul.f32 v46, v53  }
0x1e0: {  	v54 =	vperm.xlane v35, v22;
	v59 =	vld [tilespmem:s11+$0x6B10];
	[tilespmem:s11+$0x6A80] =	vst v27;
	v27 =	vmul.f32 v44, v51  }
0x1e1: {  	v60 =	vperm.xlane v35, v25;
	v57 =	vld [tilespmem:s11+$0x6B00];
	[tilespmem:s11+$0x6AB0] =	vst v26;
	v26 =	vmul.f32 v50, v56  }
0x1e2: {  	v58 =	vperm.xlane v35, v24;
	v63 =	vld [tilespmem:s11+$0x6B30];
	[tilespmem:s11+$0x6AA0] =	vst v27;
	v27 =	vmul.f32 v48, v54  }
0x1e3: {  	v37 =	vperm.xlane v34, v11;
	v61 =	vld [tilespmem:s11+$0x6B20];
	[tilespmem:s11+$0x6AD0] =	vst v26;
	v26 =	vmul.f32 v55, v60  }
0x1e4: {  	v62 =	vperm.xlane v34, v1;
	v40 =	vld [tilespmem:s11+$0x6B50];
	[tilespmem:s11+$0x6AC0] =	vst v27;
	v27 =	vmul.f32 v52, v58  }
0x1e5: {  	v38 =	vld [tilespmem:s11+$0x6B40];
	v41 =	vperm.xlane v34, v13;
	[tilespmem:s11+$0x6AF0] =	vst v26;
	v26 =	vmul.f32 v59, v37  }
0x1e6: {  	v39 =	vperm.xlane v34, v12;
	v44 =	vld [tilespmem:s11+$0x6B70];
	[tilespmem:s11+$0x6AE0] =	vst v27;
	v27 =	vmul.f32 v57, v62  }
0x1e7: {  	v45 =	vperm.xlane v34, v15;
	v42 =	vld [tilespmem:s11+$0x6B60];
	[tilespmem:s11+$0x6B10] =	vst v26;
	v26 =	vmul.f32 v63, v41  }
0x1e8: {  	v43 =	vperm.xlane v34, v14;
	v48 =	vld [tilespmem:s11+$0x6B90];
	[tilespmem:s11+$0x6B00] =	vst v27;
	v27 =	vmul.f32 v61, v39  }
0x1e9: {  	v49 =	vperm.xlane v34, v17;
	v46 =	vld [tilespmem:s11+$0x6B80];
	[tilespmem:s11+$0x6B30] =	vst v26;
	v26 =	vmul.f32 v40, v45  }
0x1ea: {  	v47 =	vperm.xlane v34, v16;
	v52 =	vld [tilespmem:s11+$0x6BB0];
	[tilespmem:s11+$0x6B20] =	vst v27;
	v27 =	vmul.f32 v38, v43  }
0x1eb: {  	v53 =	vperm.xlane v34, v19;
	v50 =	vld [tilespmem:s11+$0x6BA0];
	[tilespmem:s11+$0x6B50] =	vst v26;
	v26 =	vmul.f32 v44, v49  }
0x1ec: {  	v51 =	vperm.xlane v34, v18;
	v56 =	vld [tilespmem:s11+$0x6BD0];
	[tilespmem:s11+$0x6B40] =	vst v27;
	v27 =	vmul.f32 v42, v47  }
0x1ed: {  	v54 =	vld [tilespmem:s11+$0x6BC0];
	v57 =	vperm.xlane v34, v21;
	[tilespmem:s11+$0x6B70] =	vst v26;
	v26 =	vmul.f32 v48, v53  }
0x1ee: {  	v55 =	vperm.xlane v34, v20;
	v60 =	vld [tilespmem:s11+$0x6BF0];
	[tilespmem:s11+$0x6B60] =	vst v27;
	v27 =	vmul.f32 v46, v51  }
0x1ef: {  	v58 =	vld [tilespmem:s11+$0x6BE0];
	v61 =	vperm.xlane v34, v23;
	[tilespmem:s11+$0x6B90] =	vst v26;
	v26 =	vmul.f32 v52, v57  }
0x1f0: {  	v59 =	vperm.xlane v34, v22;
	[tilespmem:s11+$0x6B80] =	vst v27;
	v27 =	vmul.f32 v50, v55  }
0x1f1: {  	p1 =	por p0, p0;
	v63 =	vperm.xlane v34, v25;
	[tilespmem:s11+$0x6BB0] =	vst v26;
	v26 =	vmul.f32 v56, v61  }
.Ltmp6:
0x1f2: {  	v62 =	vperm.xlane v34, v24;
	[tilespmem:s11+$0x6BA0] =	vst v27;
	v27 =	vmul.f32 v54, v59;
	(pc) =	sbr.rel @p1 .LBB2_14-.Ltmp6, $4  }
0x1f3: {  	[tilespmem:s11+$0x6BD0] =	vst v26;
	v26 =	vmul.f32 v60, v63  }
0x1f4: {  	[tilespmem:s11+$0x6BC0] =	vst v27;
	v27 =	vmul.f32 v58, v62  }
0x1f5: {  	[tilespmem:s11+$0x6BF0] =	vst v26  }
0x1f6: {  	p0 =	por $0x0, $0x0;
	[tilespmem:s11+$0x6BE0] =	vst v27;
	s11 =	simm.s32 $0x4  }
0x1f7: {  	s9 =	simm.s32 $0x2080  }
0x1f8: {  	[spmem:s1] =	stream.indirect.scatter.add.f32 [tilespmem:s6], [sflag:$0x6], $0x10, s9, s5, $0x2000b8;
	[tilespmem:$0x18000] =	vst v63  }
0x1f9: {  	_ =	swait.ge [sflag:s30], $0x800  }
0x1fa: {  	[sflag:s30] =	ssyncset.done $0x0  }
0x1fb: {  	s25 =	simm.s32 $0x200;
	[sflag:s30] =	ssyncadd.s32 $0xFFFFF800  }
0x1fc: {  	[tilespmem:s31], [sflag:$0x1] =	stream.indirect.gather [spmem:s3], $0x10, s25, s5, $0x2000b8;
	[tilespmem:$0x18000] =	vst v63  }
0x1fd: {  	_ =	swait.ge [sflag:s26], $0x800  }
0x1fe: {  	[sflag:s26] =	ssyncset.done $0x0  }
0x1ff: {  	s11 =	simm.s32 $0x0;
	p0 =	por $0x1, $0x1;
	[sflag:s26] =	ssyncadd.s32 $0xFFFFF800  }
.LBB2_16:
0x200: {  	s9 =	sshll.u32 s11, $0x4  }
0x201: {  	s25 =	sshll.u32 s11, $0x8;
	s21 =	sand.u32 $0x3FFFFFF0, s9  }
0x202: {  	s11 =	sand.u32 $0x3FFFFF00, s25;
	v26 =	vld [tilespmem:s21+$0x4100]  }
0x203: {  	v27 =	vld [tilespmem:s11+$0x7000]  }
0x204: {  	v28 =	vld [tilespmem:s11+$0x7010]  }
0x205: {  	v29 =	vld [tilespmem:s11+$0x7020]  }
0x206: {  	v30 =	vld [tilespmem:s11+$0x7030]  }
0x207: {  	v31 =	vld [tilespmem:s11+$0x7040]  }
0x208: {  	v32 =	vld [tilespmem:s11+$0x7050]  }
0x209: {  	v34 =	vld [tilespmem:s11+$0x7060];
	v33 =	vperm.xlane v26, v1  }
0x20a: {  	v36 =	vld [tilespmem:s11+$0x7070];
	v35 =	vperm.xlane v26, v11;
	v44 =	vperm.xlane v26, v12  }
0x20b: {  	v37 =	vld [tilespmem:s11+$0x7080];
	v45 =	vperm.xlane v26, v13;
	v27 =	vmul.f32 v27, v33  }
0x20c: {  	v38 =	vld [tilespmem:s11+$0x7090];
	v46 =	vperm.xlane v26, v14;
	v28 =	vmul.f32 v28, v35  }
0x20d: {  	v47 =	vld [tilespmem:s11+$0x70A0];
	v49 =	vperm.xlane v26, v15;
	v48 =	vmul.f32 v30, v45;
	[tilespmem:s11+$0x7000] =	vst v27  }
0x20e: {  	v50 =	vld [tilespmem:s11+$0x70B0];
	v51 =	vperm.xlane v26, v16;
	v27 =	vmul.f32 v29, v44;
	[tilespmem:s11+$0x7010] =	vst v28  }
0x20f: {  	v52 =	vld [tilespmem:s11+$0x70C0];
	v54 =	vperm.xlane v26, v17;
	v53 =	vmul.f32 v32, v49;
	[tilespmem:s11+$0x7030] =	vst v48  }
0x210: {  	v55 =	vld [tilespmem:s11+$0x70D0];
	v56 =	vperm.xlane v26, v18;
	[tilespmem:s11+$0x7020] =	vst v27;
	v27 =	vmul.f32 v31, v46  }
0x211: {  	v57 =	vld [tilespmem:s11+$0x70E0];
	v59 =	vperm.xlane v26, v19;
	v58 =	vmul.f32 v36, v54;
	[tilespmem:s11+$0x7050] =	vst v53  }
0x212: {  	v60 =	vld [tilespmem:s11+$0x70F0];
	v61 =	vperm.xlane v26, v20;
	[tilespmem:s11+$0x7040] =	vst v27;
	v27 =	vmul.f32 v34, v51  }
0x213: {  	v40 =	vld [tilespmem:s11+$0x7100];
	v63 =	vperm.xlane v26, v21;
	v62 =	vmul.f32 v38, v59;
	[tilespmem:s11+$0x7070] =	vst v58  }
0x214: {  	v41 =	vperm.xlane v26, v22;
	[tilespmem:s11+$0x7060] =	vst v27;
	v27 =	vmul.f32 v37, v56;
	v37 =	vld [tilespmem:s21+$0x4110]  }
0x215: {  	v42 =	vld [tilespmem:s11+$0x7110];
	v43 =	vmul.f32 v50, v63;
	[tilespmem:s11+$0x7090] =	vst v62;
	v44 =	vperm.xlane v26, v23  }
0x216: {  	v45 =	vld [tilespmem:s11+$0x7120];
	v46 =	vperm.xlane v26, v24;
	[tilespmem:s11+$0x7080] =	vst v27;
	v27 =	vmul.f32 v47, v61  }
0x217: {  	v49 =	vld [tilespmem:s11+$0x7140];
	[tilespmem:s11+$0x70B0] =	vst v43;
	v48 =	vmul.f32 v55, v44;
	v26 =	vperm.xlane v26, v25  }
0x218: {  	v47 =	vld [tilespmem:s11+$0x7130];
	[tilespmem:s11+$0x70A0] =	vst v27;
	v27 =	vmul.f32 v52, v41  }
0x219: {  	v59 =	vld [tilespmem:s11+$0x7190];
	[tilespmem:s11+$0x70D0] =	vst v48;
	v26 =	vmul.f32 v60, v26;
	v52 =	vperm.xlane v37, v11  }
0x21a: {  	v51 =	vld [tilespmem:s11+$0x7150];
	v50 =	vperm.xlane v37, v1;
	[tilespmem:s11+$0x70C0] =	vst v27;
	v27 =	vmul.f32 v57, v46  }
0x21b: {  	v63 =	vld [tilespmem:s11+$0x71B0];
	[tilespmem:s11+$0x70F0] =	vst v26;
	v56 =	vperm.xlane v37, v13;
	v26 =	vmul.f32 v42, v52  }
0x21c: {  	v55 =	vld [tilespmem:s11+$0x7170];
	v54 =	vperm.xlane v37, v12;
	[tilespmem:s11+$0x70E0] =	vst v27;
	v27 =	vmul.f32 v40, v50  }
0x21d: {  	v53 =	vld [tilespmem:s11+$0x7160];
	v60 =	vperm.xlane v37, v15;
	[tilespmem:s11+$0x7110] =	vst v26;
	v26 =	vmul.f32 v47, v56  }
0x21e: {  	v35 =	vld [tilespmem:s21+$0x4120];
	v58 =	vperm.xlane v37, v14;
	[tilespmem:s11+$0x7100] =	vst v27;
	v27 =	vmul.f32 v45, v54  }
0x21f: {  	v39 =	vperm.xlane v37, v17;
	v57 =	vld [tilespmem:s11+$0x7180];
	[tilespmem:s11+$0x7130] =	vst v26;
	v26 =	vmul.f32 v51, v60  }
0x220: {  	v44 =	vld [tilespmem:s11+$0x71E0];
	v62 =	vperm.xlane v37, v16;
	[tilespmem:s11+$0x7120] =	vst v27;
	v27 =	vmul.f32 v49, v58  }
0x221: {  	v61 =	vld [tilespmem:s11+$0x71A0];
	v43 =	vperm.xlane v37, v19;
	[tilespmem:s11+$0x7150] =	vst v26;
	v26 =	vmul.f32 v55, v39  }
0x222: {  	v41 =	vperm.xlane v37, v18;
	v42 =	vld [tilespmem:s11+$0x71D0];
	[tilespmem:s11+$0x7140] =	vst v27;
	v27 =	vmul.f32 v53, v62  }
0x223: {  	v40 =	vld [tilespmem:s11+$0x71C0];
	v47 =	vperm.xlane v37, v21;
	[tilespmem:s11+$0x7170] =	vst v26;
	v26 =	vmul.f32 v59, v43  }
0x224: {  	v46 =	vld [tilespmem:s11+$0x71F0];
	v45 =	vperm.xlane v37, v20;
	[tilespmem:s11+$0x7160] =	vst v27;
	v27 =	vmul.f32 v57, v41  }
0x225: {  	v34 =	vld [tilespmem:s21+$0x4130];
	v50 =	vperm.xlane v37, v23;
	[tilespmem:s11+$0x7190] =	vst v26;
	v26 =	vmul.f32 v63, v47  }
0x226: {  	v48 =	vperm.xlane v37, v22;
	v51 =	vld [tilespmem:s11+$0x7210];
	[tilespmem:s11+$0x7180] =	vst v27;
	v27 =	vmul.f32 v61, v45  }
0x227: {  	v54 =	vperm.xlane v37, v25;
	v49 =	vld [tilespmem:s11+$0x7200];
	[tilespmem:s11+$0x71B0] =	vst v26;
	v26 =	vmul.f32 v42, v50  }
0x228: {  	v52 =	vperm.xlane v37, v24;
	v55 =	vld [tilespmem:s11+$0x7230];
	[tilespmem:s11+$0x71A0] =	vst v27;
	v27 =	vmul.f32 v40, v48  }
0x229: {  	v58 =	vperm.xlane v35, v11;
	v53 =	vld [tilespmem:s11+$0x7220];
	[tilespmem:s11+$0x71D0] =	vst v26;
	v26 =	vmul.f32 v46, v54  }
0x22a: {  	v56 =	vperm.xlane v35, v1;
	v59 =	vld [tilespmem:s11+$0x7250];
	[tilespmem:s11+$0x71C0] =	vst v27;
	v27 =	vmul.f32 v44, v52  }
0x22b: {  	v62 =	vperm.xlane v35, v13;
	v57 =	vld [tilespmem:s11+$0x7240];
	[tilespmem:s11+$0x71F0] =	vst v26;
	v26 =	vmul.f32 v51, v58  }
0x22c: {  	v60 =	vperm.xlane v35, v12;
	v63 =	vld [tilespmem:s11+$0x7270];
	[tilespmem:s11+$0x71E0] =	vst v27;
	v27 =	vmul.f32 v49, v56  }
0x22d: {  	v41 =	vperm.xlane v35, v15;
	v61 =	vld [tilespmem:s11+$0x7260];
	[tilespmem:s11+$0x7210] =	vst v26;
	v26 =	vmul.f32 v55, v62  }
0x22e: {  	v39 =	vperm.xlane v35, v14;
	v42 =	vld [tilespmem:s11+$0x7290];
	[tilespmem:s11+$0x7200] =	vst v27;
	v27 =	vmul.f32 v53, v60  }
0x22f: {  	v45 =	vperm.xlane v35, v17;
	v40 =	vld [tilespmem:s11+$0x7280];
	[tilespmem:s11+$0x7230] =	vst v26;
	v26 =	vmul.f32 v59, v41  }
0x230: {  	v43 =	vperm.xlane v35, v16;
	v46 =	vld [tilespmem:s11+$0x72B0];
	[tilespmem:s11+$0x7220] =	vst v27;
	v27 =	vmul.f32 v57, v39  }
0x231: {  	v44 =	vld [tilespmem:s11+$0x72A0];
	v49 =	vperm.xlane v35, v19;
	[tilespmem:s11+$0x7250] =	vst v26;
	v26 =	vmul.f32 v63, v45  }
0x232: {  	v47 =	vperm.xlane v35, v18;
	v50 =	vld [tilespmem:s11+$0x72D0];
	[tilespmem:s11+$0x7240] =	vst v27;
	v27 =	vmul.f32 v61, v43  }
0x233: {  	v48 =	vld [tilespmem:s11+$0x72C0];
	v53 =	vperm.xlane v35, v21;
	[tilespmem:s11+$0x7270] =	vst v26;
	v26 =	vmul.f32 v42, v49  }
0x234: {  	v51 =	vperm.xlane v35, v20;
	v55 =	vld [tilespmem:s11+$0x72F0];
	[tilespmem:s11+$0x7260] =	vst v27;
	v27 =	vmul.f32 v40, v47  }
0x235: {  	v52 =	vld [tilespmem:s11+$0x72E0];
	v56 =	vperm.xlane v35, v23;
	[tilespmem:s11+$0x7290] =	vst v26;
	v26 =	vmul.f32 v46, v53  }
0x236: {  	v54 =	vperm.xlane v35, v22;
	v59 =	vld [tilespmem:s11+$0x7310];
	[tilespmem:s11+$0x7280] =	vst v27;
	v27 =	vmul.f32 v44, v51  }
0x237: {  	v60 =	vperm.xlane v35, v25;
	v57 =	vld [tilespmem:s11+$0x7300];
	[tilespmem:s11+$0x72B0] =	vst v26;
	v26 =	vmul.f32 v50, v56  }
0x238: {  	v58 =	vperm.xlane v35, v24;
	v63 =	vld [tilespmem:s11+$0x7330];
	[tilespmem:s11+$0x72A0] =	vst v27;
	v27 =	vmul.f32 v48, v54  }
0x239: {  	v37 =	vperm.xlane v34, v11;
	v61 =	vld [tilespmem:s11+$0x7320];
	[tilespmem:s11+$0x72D0] =	vst v26;
	v26 =	vmul.f32 v55, v60  }
0x23a: {  	v62 =	vperm.xlane v34, v1;
	v40 =	vld [tilespmem:s11+$0x7350];
	[tilespmem:s11+$0x72C0] =	vst v27;
	v27 =	vmul.f32 v52, v58  }
0x23b: {  	v38 =	vld [tilespmem:s11+$0x7340];
	v41 =	vperm.xlane v34, v13;
	[tilespmem:s11+$0x72F0] =	vst v26;
	v26 =	vmul.f32 v59, v37  }
0x23c: {  	v39 =	vperm.xlane v34, v12;
	v44 =	vld [tilespmem:s11+$0x7370];
	[tilespmem:s11+$0x72E0] =	vst v27;
	v27 =	vmul.f32 v57, v62  }
0x23d: {  	v45 =	vperm.xlane v34, v15;
	v42 =	vld [tilespmem:s11+$0x7360];
	[tilespmem:s11+$0x7310] =	vst v26;
	v26 =	vmul.f32 v63, v41  }
0x23e: {  	v43 =	vperm.xlane v34, v14;
	v48 =	vld [tilespmem:s11+$0x7390];
	[tilespmem:s11+$0x7300] =	vst v27;
	v27 =	vmul.f32 v61, v39  }
0x23f: {  	v49 =	vperm.xlane v34, v17;
	v46 =	vld [tilespmem:s11+$0x7380];
	[tilespmem:s11+$0x7330] =	vst v26;
	v26 =	vmul.f32 v40, v45  }
0x240: {  	v47 =	vperm.xlane v34, v16;
	v52 =	vld [tilespmem:s11+$0x73B0];
	[tilespmem:s11+$0x7320] =	vst v27;
	v27 =	vmul.f32 v38, v43  }
0x241: {  	v53 =	vperm.xlane v34, v19;
	v50 =	vld [tilespmem:s11+$0x73A0];
	[tilespmem:s11+$0x7350] =	vst v26;
	v26 =	vmul.f32 v44, v49  }
0x242: {  	v51 =	vperm.xlane v34, v18;
	v56 =	vld [tilespmem:s11+$0x73D0];
	[tilespmem:s11+$0x7340] =	vst v27;
	v27 =	vmul.f32 v42, v47  }
0x243: {  	v54 =	vld [tilespmem:s11+$0x73C0];
	v57 =	vperm.xlane v34, v21;
	[tilespmem:s11+$0x7370] =	vst v26;
	v26 =	vmul.f32 v48, v53  }
0x244: {  	v55 =	vperm.xlane v34, v20;
	v60 =	vld [tilespmem:s11+$0x73F0];
	[tilespmem:s11+$0x7360] =	vst v27;
	v27 =	vmul.f32 v46, v51  }
0x245: {  	v58 =	vld [tilespmem:s11+$0x73E0];
	v61 =	vperm.xlane v34, v23;
	[tilespmem:s11+$0x7390] =	vst v26;
	v26 =	vmul.f32 v52, v57  }
0x246: {  	v59 =	vperm.xlane v34, v22;
	[tilespmem:s11+$0x7380] =	vst v27;
	v27 =	vmul.f32 v50, v55  }
0x247: {  	p1 =	por p0, p0;
	v63 =	vperm.xlane v34, v25;
	[tilespmem:s11+$0x73B0] =	vst v26;
	v26 =	vmul.f32 v56, v61  }
.Ltmp7:
0x248: {  	v62 =	vperm.xlane v34, v24;
	[tilespmem:s11+$0x73A0] =	vst v27;
	v27 =	vmul.f32 v54, v59;
	(pc) =	sbr.rel @p1 .LBB2_16-.Ltmp7, $4  }
0x249: {  	[tilespmem:s11+$0x73D0] =	vst v26;
	v26 =	vmul.f32 v60, v63  }
0x24a: {  	[tilespmem:s11+$0x73C0] =	vst v27;
	v27 =	vmul.f32 v58, v62  }
0x24b: {  	[tilespmem:s11+$0x73F0] =	vst v26  }
0x24c: {  	p0 =	por $0x0, $0x0;
	[tilespmem:s11+$0x73E0] =	vst v27;
	s11 =	simm.s32 $0x4  }
0x24d: {  	s9 =	simm.s32 $0x2100  }
0x24e: {  	[spmem:s1] =	stream.indirect.scatter.add.f32 [tilespmem:s7], [sflag:$0x7], $0x10, s9, s5, $0x2000b8;
	[tilespmem:$0x18000] =	vst v63  }
0x24f: {  	_ =	swait.ge [sflag:s10], $0x800  }
0x250: {  	[sflag:s10] =	ssyncset.done $0x0  }
0x251: {  	s25 =	simm.s32 $0x280;
	[sflag:s10] =	ssyncadd.s32 $0xFFFFF800  }
0x252: {  	[tilespmem:s6], [sflag:$0x2] =	stream.indirect.gather [spmem:s3], $0x10, s25, s5, $0x2000b8;
	[tilespmem:$0x18000] =	vst v63  }
0x253: {  	_ =	swait.ge [sflag:s28], $0x800  }
0x254: {  	[sflag:s28] =	ssyncset.done $0x0  }
0x255: {  	s11 =	simm.s32 $0x0;
	p0 =	por $0x1, $0x1;
	[sflag:s28] =	ssyncadd.s32 $0xFFFFF800  }
.LBB2_18:
0x256: {  	s9 =	sshll.u32 s11, $0x4  }
0x257: {  	s25 =	sshll.u32 s11, $0x8;
	s21 =	sand.u32 $0x3FFFFFF0, s9  }
0x258: {  	s11 =	sand.u32 $0x3FFFFF00, s25;
	v26 =	vld [tilespmem:s21+$0x4180]  }
0x259: {  	v27 =	vld [tilespmem:s11+$0x7800]  }
0x25a: {  	v28 =	vld [tilespmem:s11+$0x7810]  }
0x25b: {  	v29 =	vld [tilespmem:s11+$0x7820]  }
0x25c: {  	v30 =	vld [tilespmem:s11+$0x7830]  }
0x25d: {  	v31 =	vld [tilespmem:s11+$0x7840]  }
0x25e: {  	v32 =	vld [tilespmem:s11+$0x7850]  }
0x25f: {  	v34 =	vld [tilespmem:s11+$0x7860];
	v33 =	vperm.xlane v26, v1  }
0x260: {  	v36 =	vld [tilespmem:s11+$0x7870];
	v35 =	vperm.xlane v26, v11;
	v44 =	vperm.xlane v26, v12  }
0x261: {  	v37 =	vld [tilespmem:s11+$0x7880];
	v45 =	vperm.xlane v26, v13;
	v27 =	vmul.f32 v27, v33  }
0x262: {  	v38 =	vld [tilespmem:s11+$0x7890];
	v46 =	vperm.xlane v26, v14;
	v28 =	vmul.f32 v28, v35  }
0x263: {  	v47 =	vld [tilespmem:s11+$0x78A0];
	v49 =	vperm.xlane v26, v15;
	v48 =	vmul.f32 v30, v45;
	[tilespmem:s11+$0x7800] =	vst v27  }
0x264: {  	v50 =	vld [tilespmem:s11+$0x78B0];
	v51 =	vperm.xlane v26, v16;
	v27 =	vmul.f32 v29, v44;
	[tilespmem:s11+$0x7810] =	vst v28  }
0x265: {  	v52 =	vld [tilespmem:s11+$0x78C0];
	v54 =	vperm.xlane v26, v17;
	v53 =	vmul.f32 v32, v49;
	[tilespmem:s11+$0x7830] =	vst v48  }
0x266: {  	v55 =	vld [tilespmem:s11+$0x78D0];
	v56 =	vperm.xlane v26, v18;
	[tilespmem:s11+$0x7820] =	vst v27;
	v27 =	vmul.f32 v31, v46  }
0x267: {  	v57 =	vld [tilespmem:s11+$0x78E0];
	v59 =	vperm.xlane v26, v19;
	v58 =	vmul.f32 v36, v54;
	[tilespmem:s11+$0x7850] =	vst v53  }
0x268: {  	v60 =	vld [tilespmem:s11+$0x78F0];
	v61 =	vperm.xlane v26, v20;
	[tilespmem:s11+$0x7840] =	vst v27;
	v27 =	vmul.f32 v34, v51  }
0x269: {  	v40 =	vld [tilespmem:s11+$0x7900];
	v63 =	vperm.xlane v26, v21;
	v62 =	vmul.f32 v38, v59;
	[tilespmem:s11+$0x7870] =	vst v58  }
0x26a: {  	v41 =	vperm.xlane v26, v22;
	[tilespmem:s11+$0x7860] =	vst v27;
	v27 =	vmul.f32 v37, v56;
	v37 =	vld [tilespmem:s21+$0x4190]  }
0x26b: {  	v42 =	vld [tilespmem:s11+$0x7910];
	v43 =	vmul.f32 v50, v63;
	[tilespmem:s11+$0x7890] =	vst v62;
	v44 =	vperm.xlane v26, v23  }
0x26c: {  	v45 =	vld [tilespmem:s11+$0x7920];
	v46 =	vperm.xlane v26, v24;
	[tilespmem:s11+$0x7880] =	vst v27;
	v27 =	vmul.f32 v47, v61  }
0x26d: {  	v49 =	vld [tilespmem:s11+$0x7940];
	[tilespmem:s11+$0x78B0] =	vst v43;
	v48 =	vmul.f32 v55, v44;
	v26 =	vperm.xlane v26, v25  }
0x26e: {  	v47 =	vld [tilespmem:s11+$0x7930];
	[tilespmem:s11+$0x78A0] =	vst v27;
	v27 =	vmul.f32 v52, v41  }
0x26f: {  	v59 =	vld [tilespmem:s11+$0x7990];
	[tilespmem:s11+$0x78D0] =	vst v48;
	v26 =	vmul.f32 v60, v26;
	v52 =	vperm.xlane v37, v11  }
0x270: {  	v51 =	vld [tilespmem:s11+$0x7950];
	v50 =	vperm.xlane v37, v1;
	[tilespmem:s11+$0x78C0] =	vst v27;
	v27 =	vmul.f32 v57, v46  }
0x271: {  	v63 =	vld [tilespmem:s11+$0x79B0];
	[tilespmem:s11+$0x78F0] =	vst v26;
	v56 =	vperm.xlane v37, v13;
	v26 =	vmul.f32 v42, v52  }
0x272: {  	v55 =	vld [tilespmem:s11+$0x7970];
	v54 =	vperm.xlane v37, v12;
	[tilespmem:s11+$0x78E0] =	vst v27;
	v27 =	vmul.f32 v40, v50  }
0x273: {  	v53 =	vld [tilespmem:s11+$0x7960];
	v60 =	vperm.xlane v37, v15;
	[tilespmem:s11+$0x7910] =	vst v26;
	v26 =	vmul.f32 v47, v56  }
0x274: {  	v35 =	vld [tilespmem:s21+$0x41A0];
	v58 =	vperm.xlane v37, v14;
	[tilespmem:s11+$0x7900] =	vst v27;
	v27 =	vmul.f32 v45, v54  }
0x275: {  	v39 =	vperm.xlane v37, v17;
	v57 =	vld [tilespmem:s11+$0x7980];
	[tilespmem:s11+$0x7930] =	vst v26;
	v26 =	vmul.f32 v51, v60  }
0x276: {  	v44 =	vld [tilespmem:s11+$0x79E0];
	v62 =	vperm.xlane v37, v16;
	[tilespmem:s11+$0x7920] =	vst v27;
	v27 =	vmul.f32 v49, v58  }
0x277: {  	v61 =	vld [tilespmem:s11+$0x79A0];
	v43 =	vperm.xlane v37, v19;
	[tilespmem:s11+$0x7950] =	vst v26;
	v26 =	vmul.f32 v55, v39  }
0x278: {  	v41 =	vperm.xlane v37, v18;
	v42 =	vld [tilespmem:s11+$0x79D0];
	[tilespmem:s11+$0x7940] =	vst v27;
	v27 =	vmul.f32 v53, v62  }
0x279: {  	v40 =	vld [tilespmem:s11+$0x79C0];
	v47 =	vperm.xlane v37, v21;
	[tilespmem:s11+$0x7970] =	vst v26;
	v26 =	vmul.f32 v59, v43  }
0x27a: {  	v46 =	vld [tilespmem:s11+$0x79F0];
	v45 =	vperm.xlane v37, v20;
	[tilespmem:s11+$0x7960] =	vst v27;
	v27 =	vmul.f32 v57, v41  }
0x27b: {  	v34 =	vld [tilespmem:s21+$0x41B0];
	v50 =	vperm.xlane v37, v23;
	[tilespmem:s11+$0x7990] =	vst v26;
	v26 =	vmul.f32 v63, v47  }
0x27c: {  	v48 =	vperm.xlane v37, v22;
	v51 =	vld [tilespmem:s11+$0x7A10];
	[tilespmem:s11+$0x7980] =	vst v27;
	v27 =	vmul.f32 v61, v45  }
0x27d: {  	v54 =	vperm.xlane v37, v25;
	v49 =	vld [tilespmem:s11+$0x7A00];
	[tilespmem:s11+$0x79B0] =	vst v26;
	v26 =	vmul.f32 v42, v50  }
0x27e: {  	v52 =	vperm.xlane v37, v24;
	v55 =	vld [tilespmem:s11+$0x7A30];
	[tilespmem:s11+$0x79A0] =	vst v27;
	v27 =	vmul.f32 v40, v48  }
0x27f: {  	v58 =	vperm.xlane v35, v11;
	v53 =	vld [tilespmem:s11+$0x7A20];
	[tilespmem:s11+$0x79D0] =	vst v26;
	v26 =	vmul.f32 v46, v54  }
0x280: {  	v56 =	vperm.xlane v35, v1;
	v59 =	vld [tilespmem:s11+$0x7A50];
	[tilespmem:s11+$0x79C0] =	vst v27;
	v27 =	vmul.f32 v44, v52  }
0x281: {  	v62 =	vperm.xlane v35, v13;
	v57 =	vld [tilespmem:s11+$0x7A40];
	[tilespmem:s11+$0x79F0] =	vst v26;
	v26 =	vmul.f32 v51, v58  }
0x282: {  	v60 =	vperm.xlane v35, v12;
	v63 =	vld [tilespmem:s11+$0x7A70];
	[tilespmem:s11+$0x79E0] =	vst v27;
	v27 =	vmul.f32 v49, v56  }
0x283: {  	v41 =	vperm.xlane v35, v15;
	v61 =	vld [tilespmem:s11+$0x7A60];
	[tilespmem:s11+$0x7A10] =	vst v26;
	v26 =	vmul.f32 v55, v62  }
0x284: {  	v39 =	vperm.xlane v35, v14;
	v42 =	vld [tilespmem:s11+$0x7A90];
	[tilespmem:s11+$0x7A00] =	vst v27;
	v27 =	vmul.f32 v53, v60  }
0x285: {  	v45 =	vperm.xlane v35, v17;
	v40 =	vld [tilespmem:s11+$0x7A80];
	[tilespmem:s11+$0x7A30] =	vst v26;
	v26 =	vmul.f32 v59, v41  }
0x286: {  	v43 =	vperm.xlane v35, v16;
	v46 =	vld [tilespmem:s11+$0x7AB0];
	[tilespmem:s11+$0x7A20] =	vst v27;
	v27 =	vmul.f32 v57, v39  }
0x287: {  	v44 =	vld [tilespmem:s11+$0x7AA0];
	v49 =	vperm.xlane v35, v19;
	[tilespmem:s11+$0x7A50] =	vst v26;
	v26 =	vmul.f32 v63, v45  }
0x288: {  	v47 =	vperm.xlane v35, v18;
	v50 =	vld [tilespmem:s11+$0x7AD0];
	[tilespmem:s11+$0x7A40] =	vst v27;
	v27 =	vmul.f32 v61, v43  }
0x289: {  	v48 =	vld [tilespmem:s11+$0x7AC0];
	v53 =	vperm.xlane v35, v21;
	[tilespmem:s11+$0x7A70] =	vst v26;
	v26 =	vmul.f32 v42, v49  }
0x28a: {  	v51 =	vperm.xlane v35, v20;
	v55 =	vld [tilespmem:s11+$0x7AF0];
	[tilespmem:s11+$0x7A60] =	vst v27;
	v27 =	vmul.f32 v40, v47  }
0x28b: {  	v52 =	vld [tilespmem:s11+$0x7AE0];
	v56 =	vperm.xlane v35, v23;
	[tilespmem:s11+$0x7A90] =	vst v26;
	v26 =	vmul.f32 v46, v53  }
0x28c: {  	v54 =	vperm.xlane v35, v22;
	v59 =	vld [tilespmem:s11+$0x7B10];
	[tilespmem:s11+$0x7A80] =	vst v27;
	v27 =	vmul.f32 v44, v51  }
0x28d: {  	v60 =	vperm.xlane v35, v25;
	v57 =	vld [tilespmem:s11+$0x7B00];
	[tilespmem:s11+$0x7AB0] =	vst v26;
	v26 =	vmul.f32 v50, v56  }
0x28e: {  	v58 =	vperm.xlane v35, v24;
	v63 =	vld [tilespmem:s11+$0x7B30];
	[tilespmem:s11+$0x7AA0] =	vst v27;
	v27 =	vmul.f32 v48, v54  }
0x28f: {  	v37 =	vperm.xlane v34, v11;
	v61 =	vld [tilespmem:s11+$0x7B20];
	[tilespmem:s11+$0x7AD0] =	vst v26;
	v26 =	vmul.f32 v55, v60  }
0x290: {  	v62 =	vperm.xlane v34, v1;
	v40 =	vld [tilespmem:s11+$0x7B50];
	[tilespmem:s11+$0x7AC0] =	vst v27;
	v27 =	vmul.f32 v52, v58  }
0x291: {  	v38 =	vld [tilespmem:s11+$0x7B40];
	v41 =	vperm.xlane v34, v13;
	[tilespmem:s11+$0x7AF0] =	vst v26;
	v26 =	vmul.f32 v59, v37  }
0x292: {  	v39 =	vperm.xlane v34, v12;
	v44 =	vld [tilespmem:s11+$0x7B70];
	[tilespmem:s11+$0x7AE0] =	vst v27;
	v27 =	vmul.f32 v57, v62  }
0x293: {  	v45 =	vperm.xlane v34, v15;
	v42 =	vld [tilespmem:s11+$0x7B60];
	[tilespmem:s11+$0x7B10] =	vst v26;
	v26 =	vmul.f32 v63, v41  }
0x294: {  	v43 =	vperm.xlane v34, v14;
	v48 =	vld [tilespmem:s11+$0x7B90];
	[tilespmem:s11+$0x7B00] =	vst v27;
	v27 =	vmul.f32 v61, v39  }
0x295: {  	v49 =	vperm.xlane v34, v17;
	v46 =	vld [tilespmem:s11+$0x7B80];
	[tilespmem:s11+$0x7B30] =	vst v26;
	v26 =	vmul.f32 v40, v45  }
0x296: {  	v47 =	vperm.xlane v34, v16;
	v52 =	vld [tilespmem:s11+$0x7BB0];
	[tilespmem:s11+$0x7B20] =	vst v27;
	v27 =	vmul.f32 v38, v43  }
0x297: {  	v53 =	vperm.xlane v34, v19;
	v50 =	vld [tilespmem:s11+$0x7BA0];
	[tilespmem:s11+$0x7B50] =	vst v26;
	v26 =	vmul.f32 v44, v49  }
0x298: {  	v51 =	vperm.xlane v34, v18;
	v56 =	vld [tilespmem:s11+$0x7BD0];
	[tilespmem:s11+$0x7B40] =	vst v27;
	v27 =	vmul.f32 v42, v47  }
0x299: {  	v54 =	vld [tilespmem:s11+$0x7BC0];
	v57 =	vperm.xlane v34, v21;
	[tilespmem:s11+$0x7B70] =	vst v26;
	v26 =	vmul.f32 v48, v53  }
0x29a: {  	v55 =	vperm.xlane v34, v20;
	v60 =	vld [tilespmem:s11+$0x7BF0];
	[tilespmem:s11+$0x7B60] =	vst v27;
	v27 =	vmul.f32 v46, v51  }
0x29b: {  	v58 =	vld [tilespmem:s11+$0x7BE0];
	v61 =	vperm.xlane v34, v23;
	[tilespmem:s11+$0x7B90] =	vst v26;
	v26 =	vmul.f32 v52, v57  }
0x29c: {  	v59 =	vperm.xlane v34, v22;
	[tilespmem:s11+$0x7B80] =	vst v27;
	v27 =	vmul.f32 v50, v55  }
0x29d: {  	p1 =	por p0, p0;
	v63 =	vperm.xlane v34, v25;
	[tilespmem:s11+$0x7BB0] =	vst v26;
	v26 =	vmul.f32 v56, v61  }
.Ltmp8:
0x29e: {  	v62 =	vperm.xlane v34, v24;
	[tilespmem:s11+$0x7BA0] =	vst v27;
	v27 =	vmul.f32 v54, v59;
	(pc) =	sbr.rel @p1 .LBB2_18-.Ltmp8, $4  }
0x29f: {  	[tilespmem:s11+$0x7BD0] =	vst v26;
	v26 =	vmul.f32 v60, v63  }
0x2a0: {  	[tilespmem:s11+$0x7BC0] =	vst v27;
	v27 =	vmul.f32 v58, v62  }
0x2a1: {  	[tilespmem:s11+$0x7BF0] =	vst v26  }
0x2a2: {  	p0 =	por $0x0, $0x0;
	[tilespmem:s11+$0x7BE0] =	vst v27;
	s11 =	simm.s32 $0x4  }
0x2a3: {  	s9 =	simm.s32 $0x2180  }
0x2a4: {  	[spmem:s1] =	stream.indirect.scatter.add.f32 [tilespmem:s8], [sflag:$0x8], $0x10, s9, s5, $0x2000b8;
	[tilespmem:$0x18000] =	vst v63  }
0x2a5: {  	_ =	swait.ge [sflag:s12], $0x800  }
0x2a6: {  	[sflag:s12] =	ssyncset.done $0x0  }
0x2a7: {  	s25 =	simm.s32 $0x300;
	s21 =	simm.s32 $0x1;
	[sflag:s12] =	ssyncadd.s32 $0xFFFFF800  }
0x2a8: {  	[tilespmem:s7], [sflag:$0x3] =	stream.indirect.gather [spmem:s3], $0x10, s25, s5, $0x2000b8;
	[tilespmem:$0x18000] =	vst v63  }
.LBB2_20:
0x2a9: {  	s24 =	sshll.u32 s21, $0xB  }
0x2aa: {  	s22 =	sshrl.u32 s24, $0x2  }
0x2ab: {  	s9 =	sadd.s32 $0x4000, s22  }
0x2ac: {  	_ =	swait.ge [sflag:s0], $0x800;
	v26 =	vmov s9  }
0x2ad: {  	[sflag:s0] =	ssyncset.done $0x0  }
0x2ae: {  	s13 =	simm.s32 $0x0;
	p0 =	por $0x1, $0x1;
	[sflag:s0] =	ssyncadd.s32 $0xFFFFF800  }
.LBB2_21:
0x2af: {  	s11 =	sshll.u32 s13, $0x4  }
0x2b0: {  	s15 =	sshll.u32 s13, $0x8;
	s9 =	sand.u32 $0x3FFFFFF0, s11  }
0x2b1: {  	s23 =	sand.u32 $0x3FFFFF00, s15;
	v27 =	vld.idx.msk [tilespmem:v26+s9+$0x0 ss:$0x1], $0xffff  }
0x2b2: {  	v28 =	vld [tilespmem:s23+$0x6000]  }
0x2b3: {  	v29 =	vld [tilespmem:s23+$0x6010]  }
0x2b4: {  	v30 =	vld [tilespmem:s23+$0x6020]  }
0x2b5: {  	v31 =	vld [tilespmem:s23+$0x6030]  }
0x2b6: {  	v32 =	vld [tilespmem:s23+$0x6040]  }
0x2b7: {  	v33 =	vld [tilespmem:s23+$0x6050]  }
0x2b8: {  	v35 =	vld [tilespmem:s23+$0x6060];
	v34 =	vperm.xlane v27, v1  }
0x2b9: {  	s16 =	sor.u32 $0x10, s11;
	v37 =	vld [tilespmem:s23+$0x6070];
	v36 =	vperm.xlane v27, v11  }
0x2ba: {  	v38 =	vld.idx.msk [tilespmem:v26+s16+$0x0 ss:$0x1], $0xffff;
	s9 =	sshll.u32 s16, $0x4;
	v56 =	vperm.xlane v27, v12;
	v28 =	vmul.f32 v28, v34  }
0x2bb: {  	v39 =	vld [tilespmem:s23+$0x6080];
	s9 =	sand.u32 $0x3FFFFF00, s9;
	v57 =	vperm.xlane v27, v13;
	v29 =	vmul.f32 v29, v36  }
0x2bc: {  	v60 =	vld [tilespmem:s9+$0x6000];
	v59 =	vperm.xlane v27, v14;
	v58 =	vmul.f32 v30, v56;
	[tilespmem:s23+$0x6000] =	vst v28  }
0x2bd: {  	v63 =	vld [tilespmem:s23+$0x6090];
	v62 =	vperm.xlane v27, v15;
	v61 =	vmul.f32 v31, v57;
	[tilespmem:s23+$0x6010] =	vst v29  }
0x2be: {  	v44 =	vld [tilespmem:s23+$0x60A0];
	v43 =	vperm.xlane v27, v16;
	v42 =	vmul.f32 v32, v59;
	[tilespmem:s23+$0x6020] =	vst v58  }
0x2bf: {  	v46 =	vld [tilespmem:s23+$0x60B0];
	v47 =	vperm.xlane v38, v1;
	v45 =	vmul.f32 v33, v62;
	[tilespmem:s23+$0x6030] =	vst v61  }
0x2c0: {  	v50 =	vld [tilespmem:s23+$0x60C0];
	v49 =	vperm.xlane v27, v17;
	v48 =	vmul.f32 v35, v43;
	[tilespmem:s23+$0x6040] =	vst v42  }
0x2c1: {  	v52 =	vld [tilespmem:s23+$0x60D0];
	v51 =	vperm.xlane v27, v18;
	v33 =	vmul.f32 v60, v47;
	[tilespmem:s23+$0x6050] =	vst v45  }
0x2c2: {  	v55 =	vld [tilespmem:s23+$0x60E0];
	v54 =	vperm.xlane v27, v19;
	v53 =	vmul.f32 v37, v49;
	[tilespmem:s23+$0x6060] =	vst v48  }
0x2c3: {  	s20 =	sor.u32 $0x20, s11;
	v56 =	vperm.xlane v27, v20;
	v57 =	vld [tilespmem:s23+$0x60F0];
	v29 =	vmul.f32 v39, v51;
	[tilespmem:s9+$0x6000] =	vst v33  }
0x2c4: {  	s25 =	sor.u32 $0x30, s11;
	v59 =	vperm.xlane v27, v21;
	v36 =	vld.idx.msk [tilespmem:v26+s20+$0x0 ss:$0x1], $0xffff;
	[tilespmem:s23+$0x6070] =	vst v53;
	v58 =	vmul.f32 v63, v54  }
0x2c5: {  	v62 =	vperm.xlane v27, v22;
	v35 =	vld.idx.msk [tilespmem:v26+s25+$0x0 ss:$0x1], $0xffff;
	v61 =	vmul.f32 v44, v56;
	[tilespmem:s23+$0x6080] =	vst v29  }
0x2c6: {  	v43 =	vperm.xlane v27, v23;
	v42 =	vmul.f32 v46, v59;
	v60 =	vld [tilespmem:s23+$0x6110];
	[tilespmem:s23+$0x6090] =	vst v58  }
0x2c7: {  	v45 =	vmul.f32 v50, v62;
	v46 =	vperm.xlane v27, v24;
	v63 =	vld [tilespmem:s23+$0x6120];
	[tilespmem:s23+$0x60A0] =	vst v61  }
0x2c8: {  	v48 =	vmul.f32 v52, v43;
	v27 =	vperm.xlane v27, v25;
	v44 =	vld [tilespmem:s23+$0x6130];
	[tilespmem:s23+$0x60B0] =	vst v42  }
0x2c9: {  	v51 =	vperm.xlane v38, v11;
	s9 =	sshll.u32 s20, $0x4;
	v54 =	vld [tilespmem:s23+$0x6170];
	[tilespmem:s23+$0x60C0] =	vst v45;
	v50 =	vmul.f32 v55, v46  }
0x2ca: {  	v53 =	vperm.xlane v38, v12;
	v47 =	vld [tilespmem:s23+$0x6140];
	s9 =	sand.u32 $0x3FFFFF00, s9;
	[tilespmem:s23+$0x60D0] =	vst v48;
	v27 =	vmul.f32 v57, v27  }
0x2cb: {  	v56 =	vperm.xlane v38, v13;
	v61 =	vld [tilespmem:s9+$0x6000];
	[tilespmem:s23+$0x60E0] =	vst v50;
	v55 =	vmul.f32 v60, v51  }
0x2cc: {  	v40 =	vperm.xlane v38, v17;
	v52 =	vld [tilespmem:s23+$0x6160];
	[tilespmem:s23+$0x60F0] =	vst v27;
	v27 =	vmul.f32 v63, v53  }
0x2cd: {  	v58 =	vld [tilespmem:s23+$0x6180];
	v57 =	vperm.xlane v38, v14;
	v59 =	vmul.f32 v44, v56;
	[tilespmem:s23+$0x6110] =	vst v55  }
0x2ce: {  	v49 =	vld [tilespmem:s23+$0x6150];
	v43 =	vperm.xlane v36, v1;
	v44 =	vmul.f32 v54, v40;
	[tilespmem:s23+$0x6120] =	vst v27  }
0x2cf: {  	v62 =	vperm.xlane v38, v16;
	v46 =	vld [tilespmem:s23+$0x61C0];
	v27 =	vmul.f32 v47, v57;
	[tilespmem:s23+$0x6130] =	vst v59  }
0x2d0: {  	v45 =	vperm.xlane v38, v18;
	v63 =	vld [tilespmem:s23+$0x6190];
	v32 =	vmul.f32 v61, v43;
	[tilespmem:s23+$0x6170] =	vst v44  }
0x2d1: {  	v41 =	vld [tilespmem:s23+$0x61A0];
	v60 =	vperm.xlane v38, v15;
	[tilespmem:s23+$0x6140] =	vst v27;
	v27 =	vmul.f32 v52, v62  }
0x2d2: {  	v42 =	vld [tilespmem:s23+$0x61B0];
	v54 =	vperm.xlane v38, v22;
	v48 =	vmul.f32 v58, v45;
	[tilespmem:s9+$0x6000] =	vst v32  }
0x2d3: {  	v50 =	vld [tilespmem:s23+$0x61E0];
	v39 =	vmul.f32 v49, v60;
	[tilespmem:s23+$0x6160] =	vst v27;
	v27 =	vperm.xlane v38, v19  }
0x2d4: {  	v47 =	vld [tilespmem:s23+$0x61D0];
	v49 =	vperm.xlane v38, v20;
	v58 =	vmul.f32 v46, v54;
	[tilespmem:s23+$0x6180] =	vst v48  }
0x2d5: {  	v51 =	vperm.xlane v38, v21;
	[tilespmem:s23+$0x6150] =	vst v39;
	v55 =	vld [tilespmem:s23+$0x6210];
	v27 =	vmul.f32 v63, v27  }
0x2d6: {  	v59 =	vperm.xlane v38, v24;
	v52 =	vld [tilespmem:s23+$0x61F0];
	v53 =	vmul.f32 v41, v49;
	[tilespmem:s23+$0x61C0] =	vst v58  }
0x2d7: {  	v56 =	vperm.xlane v38, v23;
	v60 =	vld [tilespmem:s23+$0x6230];
	[tilespmem:s23+$0x6190] =	vst v27;
	v27 =	vmul.f32 v42, v51  }
0x2d8: {  	v40 =	vperm.xlane v36, v11;
	v57 =	vld [tilespmem:s23+$0x6220];
	[tilespmem:s23+$0x61A0] =	vst v53;
	v63 =	vmul.f32 v50, v59  }
0x2d9: {  	v61 =	vperm.xlane v38, v25;
	v41 =	vld [tilespmem:s23+$0x6250];
	[tilespmem:s23+$0x61B0] =	vst v27;
	v27 =	vmul.f32 v47, v56  }
0x2da: {  	v45 =	vperm.xlane v36, v13;
	v62 =	vld [tilespmem:s23+$0x6240];
	v44 =	vmul.f32 v55, v40;
	[tilespmem:s23+$0x61E0] =	vst v63  }
0x2db: {  	s9 =	sshll.u32 s25, $0x4;
	v46 =	vld [tilespmem:s23+$0x6270];
	v42 =	vperm.xlane v36, v12;
	[tilespmem:s23+$0x61D0] =	vst v27;
	v27 =	vmul.f32 v52, v61  }
0x2dc: {  	v43 =	vld [tilespmem:s23+$0x6260];
	v49 =	vperm.xlane v36, v15;
	s9 =	sand.u32 $0x3FFFFF00, s9;
	v48 =	vmul.f32 v60, v45;
	[tilespmem:s23+$0x6210] =	vst v44  }
0x2dd: {  	v47 =	vperm.xlane v36, v14;
	v52 =	vld [tilespmem:s9+$0x6000];
	[tilespmem:s23+$0x61F0] =	vst v27;
	v27 =	vmul.f32 v57, v42  }
0x2de: {  	v54 =	vperm.xlane v36, v17;
	v50 =	vld [tilespmem:s23+$0x6280];
	v53 =	vmul.f32 v41, v49;
	[tilespmem:s23+$0x6230] =	vst v48  }
0x2df: {  	v51 =	vperm.xlane v36, v16;
	v57 =	vld [tilespmem:s23+$0x62A0];
	[tilespmem:s23+$0x6220] =	vst v27;
	v27 =	vmul.f32 v62, v47  }
0x2e0: {  	v55 =	vld [tilespmem:s23+$0x6290];
	v58 =	vmul.f32 v46, v54;
	v60 =	vperm.xlane v35, v1;
	[tilespmem:s23+$0x6250] =	vst v53  }
0x2e1: {  	v56 =	vperm.xlane v36, v18;
	v42 =	vld [tilespmem:s23+$0x62E0];
	[tilespmem:s23+$0x6240] =	vst v27;
	v27 =	vmul.f32 v43, v51  }
0x2e2: {  	v59 =	vld [tilespmem:s23+$0x62B0];
	v63 =	vperm.xlane v36, v20;
	[tilespmem:s23+$0x6270] =	vst v58;
	v31 =	vmul.f32 v52, v60  }
0x2e3: {  	v61 =	vperm.xlane v36, v19;
	v62 =	vld [tilespmem:s23+$0x62C0];
	[tilespmem:s23+$0x6260] =	vst v27;
	v27 =	vmul.f32 v50, v56  }
0x2e4: {  	v40 =	vld [tilespmem:s23+$0x62D0];
	v48 =	vperm.xlane v36, v24;
	v29 =	vmul.f32 v57, v63;
	[tilespmem:s9+$0x6000] =	vst v31  }
0x2e5: {  	v41 =	vperm.xlane v36, v21;
	v46 =	vld [tilespmem:s23+$0x6310];
	[tilespmem:s23+$0x6280] =	vst v27;
	v27 =	vmul.f32 v55, v61  }
0x2e6: {  	v44 =	vld [tilespmem:s23+$0x62F0];
	v43 =	vperm.xlane v36, v22;
	v52 =	vmul.f32 v42, v48;
	[tilespmem:s23+$0x62A0] =	vst v29  }
0x2e7: {  	v45 =	vperm.xlane v36, v23;
	v51 =	vld [tilespmem:s23+$0x6330];
	[tilespmem:s23+$0x6290] =	vst v27;
	v27 =	vmul.f32 v59, v41  }
0x2e8: {  	v53 =	vperm.xlane v35, v11;
	v49 =	vld [tilespmem:s23+$0x6320];
	v47 =	vmul.f32 v62, v43;
	[tilespmem:s23+$0x62E0] =	vst v52  }
0x2e9: {  	v50 =	vperm.xlane v36, v25;
	v56 =	vld [tilespmem:s23+$0x6350];
	[tilespmem:s23+$0x62B0] =	vst v27;
	v27 =	vmul.f32 v40, v45  }
0x2ea: {  	v58 =	vperm.xlane v35, v13;
	v54 =	vld [tilespmem:s23+$0x6340];
	[tilespmem:s23+$0x62C0] =	vst v47;
	v57 =	vmul.f32 v46, v53  }
0x2eb: {  	v55 =	vperm.xlane v35, v12;
	v61 =	vld [tilespmem:s23+$0x6370];
	[tilespmem:s23+$0x62D0] =	vst v27;
	v27 =	vmul.f32 v44, v50  }
0x2ec: {  	v63 =	vperm.xlane v35, v15;
	v59 =	vld [tilespmem:s23+$0x6360];
	v62 =	vmul.f32 v51, v58;
	[tilespmem:s23+$0x6310] =	vst v57  }
0x2ed: {  	v60 =	vperm.xlane v35, v14;
	v42 =	vld [tilespmem:s23+$0x6390];
	[tilespmem:s23+$0x62F0] =	vst v27;
	v27 =	vmul.f32 v49, v55  }
0x2ee: {  	v43 =	vmul.f32 v56, v63;
	v40 =	vld [tilespmem:s23+$0x6380];
	[tilespmem:s23+$0x6330] =	vst v62;
	v44 =	vperm.xlane v35, v17  }
0x2ef: {  	v41 =	vperm.xlane v35, v16;
	v57 =	vld [tilespmem:s23+$0x63F0];
	[tilespmem:s23+$0x6320] =	vst v27;
	v27 =	vmul.f32 v54, v60  }
0x2f0: {  	v45 =	vld [tilespmem:s23+$0x63A0];
	[tilespmem:s23+$0x6350] =	vst v43;
	v48 =	vmul.f32 v61, v44;
	v49 =	vperm.xlane v35, v19  }
0x2f1: {  	v47 =	vld [tilespmem:s23+$0x63B0];
	v46 =	vperm.xlane v35, v18;
	[tilespmem:s23+$0x6340] =	vst v27;
	v27 =	vmul.f32 v59, v41  }
0x2f2: {  	v62 =	vperm.xlane v35, v25;
	v50 =	vld [tilespmem:s23+$0x63C0];
	[tilespmem:s23+$0x6370] =	vst v48;
	v53 =	vmul.f32 v42, v49  }
0x2f3: {  	v52 =	vld [tilespmem:s23+$0x63D0];
	v51 =	vperm.xlane v35, v20;
	[tilespmem:s23+$0x6360] =	vst v27;
	v27 =	vmul.f32 v40, v46  }
0x2f4: {  	v55 =	vld [tilespmem:s23+$0x63E0];
	v54 =	vperm.xlane v35, v21;
	v63 =	vmul.f32 v57, v62;
	[tilespmem:s23+$0x6390] =	vst v53  }
0x2f5: {  	v56 =	vperm.xlane v35, v22;
	[tilespmem:s23+$0x6380] =	vst v27;
	v27 =	vmul.f32 v45, v51  }
0x2f6: {  	p1 =	por p0, p0;
	v58 =	vmul.f32 v47, v54;
	v59 =	vperm.xlane v35, v23;
	[tilespmem:s23+$0x63F0] =	vst v63  }
.Ltmp9:
0x2f7: {  	v60 =	vperm.xlane v35, v24;
	[tilespmem:s23+$0x63A0] =	vst v27;
	v27 =	vmul.f32 v50, v56;
	(pc) =	sbr.rel @p1 .LBB2_21-.Ltmp9, $4  }
0x2f8: {  	[tilespmem:s23+$0x63B0] =	vst v58;
	v61 =	vmul.f32 v52, v59  }
0x2f9: {  	[tilespmem:s23+$0x63C0] =	vst v27;
	v27 =	vmul.f32 v55, v60  }
0x2fa: {  	[tilespmem:s23+$0x63D0] =	vst v61  }
0x2fb: {  	s13 =	simm.s32 $0x4;
	p0 =	por $0x0, $0x0;
	[tilespmem:s23+$0x63E0] =	vst v27  }
0x2fc: {  	s9 =	sadd.s32 $0x2000, s22  }
0x2fd: {  	[spmem:s1] =	stream.indirect.scatter.add.f32 [tilespmem:s31], [sflag:$0x5], $0x10, s9, s5, $0x2000b8;
	[tilespmem:$0x18000] =	vst v63  }
0x2fe: {  	s25 =	sor.u32 $0x200, s24;
	_ =	swait.ge [sflag:s14], $0x800  }
0x2ff: {  	s23 =	sor.u32 $0x600, s24;
	s25 =	sshrl.u32 s25, $0x2;
	[sflag:s14] =	ssyncset.done $0x0  }
0x300: {  	s22 =	sshrl.u32 s23, $0x2;
	s9 =	sadd.s32 $0x4000, s25;
	[sflag:s14] =	ssyncadd.s32 $0xFFFFF800  }
0x301: {  	[tilespmem:s8], [sflag:$0x4] =	stream.indirect.gather [spmem:s3], $0x10, s22, s5, $0x2000b8;
	[tilespmem:$0x18000] =	vst v63  }
0x302: {  	v26 =	vmov s9;
	_ =	swait.ge [sflag:s2], $0x800  }
0x303: {  	s11 =	simm.s32 $0x0;
	[sflag:s2] =	ssyncset.done $0x0  }
0x304: {  	p0 =	por $0x1, $0x1;
	s23 =	sshll.u32 s21, $0x2;
	[sflag:s2] =	ssyncadd.s32 $0xFFFFF800  }
.LBB2_23:
0x305: {  	s13 =	sshll.u32 s11, $0x4  }
0x306: {  	s20 =	sshll.u32 s11, $0x8;
	s9 =	sand.u32 $0x3FFFFFF0, s13  }
0x307: {  	s11 =	sand.u32 $0x3FFFFF00, s20;
	v27 =	vld.idx.msk [tilespmem:v26+s9+$0x0 ss:$0x1], $0xffff  }
0x308: {  	v28 =	vld [tilespmem:s11+$0x6800]  }
0x309: {  	v29 =	vld [tilespmem:s11+$0x6810]  }
0x30a: {  	v30 =	vld [tilespmem:s11+$0x6820]  }
0x30b: {  	v31 =	vld [tilespmem:s11+$0x6830]  }
0x30c: {  	v32 =	vld [tilespmem:s11+$0x6840]  }
0x30d: {  	v33 =	vld [tilespmem:s11+$0x6850]  }
0x30e: {  	v35 =	vld [tilespmem:s11+$0x6860];
	v34 =	vperm.xlane v27, v1  }
0x30f: {  	s15 =	sor.u32 $0x10, s13;
	v37 =	vld [tilespmem:s11+$0x6870];
	v36 =	vperm.xlane v27, v11  }
0x310: {  	v38 =	vld.idx.msk [tilespmem:v26+s15+$0x0 ss:$0x1], $0xffff;
	s9 =	sshll.u32 s15, $0x4;
	v56 =	vperm.xlane v27, v12;
	v28 =	vmul.f32 v28, v34  }
0x311: {  	v39 =	vld [tilespmem:s11+$0x6880];
	s9 =	sand.u32 $0x3FFFFF00, s9;
	v57 =	vperm.xlane v27, v13;
	v29 =	vmul.f32 v29, v36  }
0x312: {  	v60 =	vld [tilespmem:s9+$0x6800];
	v59 =	vperm.xlane v27, v14;
	v58 =	vmul.f32 v30, v56;
	[tilespmem:s11+$0x6800] =	vst v28  }
0x313: {  	v63 =	vld [tilespmem:s11+$0x6890];
	v62 =	vperm.xlane v27, v15;
	v61 =	vmul.f32 v31, v57;
	[tilespmem:s11+$0x6810] =	vst v29  }
0x314: {  	v44 =	vld [tilespmem:s11+$0x68A0];
	v43 =	vperm.xlane v27, v16;
	v42 =	vmul.f32 v32, v59;
	[tilespmem:s11+$0x6820] =	vst v58  }
0x315: {  	v46 =	vld [tilespmem:s11+$0x68B0];
	v47 =	vperm.xlane v38, v1;
	v45 =	vmul.f32 v33, v62;
	[tilespmem:s11+$0x6830] =	vst v61  }
0x316: {  	v50 =	vld [tilespmem:s11+$0x68C0];
	v49 =	vperm.xlane v27, v17;
	v48 =	vmul.f32 v35, v43;
	[tilespmem:s11+$0x6840] =	vst v42  }
0x317: {  	v52 =	vld [tilespmem:s11+$0x68D0];
	v51 =	vperm.xlane v27, v18;
	v33 =	vmul.f32 v60, v47;
	[tilespmem:s11+$0x6850] =	vst v45  }
0x318: {  	v55 =	vld [tilespmem:s11+$0x68E0];
	v54 =	vperm.xlane v27, v19;
	v53 =	vmul.f32 v37, v49;
	[tilespmem:s11+$0x6860] =	vst v48  }
0x319: {  	s16 =	sor.u32 $0x20, s13;
	v56 =	vperm.xlane v27, v20;
	v57 =	vld [tilespmem:s11+$0x68F0];
	v29 =	vmul.f32 v39, v51;
	[tilespmem:s9+$0x6800] =	vst v33  }
0x31a: {  	s20 =	sor.u32 $0x30, s13;
	v59 =	vperm.xlane v27, v21;
	v36 =	vld.idx.msk [tilespmem:v26+s16+$0x0 ss:$0x1], $0xffff;
	[tilespmem:s11+$0x6870] =	vst v53;
	v58 =	vmul.f32 v63, v54  }
0x31b: {  	v62 =	vperm.xlane v27, v22;
	v35 =	vld.idx.msk [tilespmem:v26+s20+$0x0 ss:$0x1], $0xffff;
	v61 =	vmul.f32 v44, v56;
	[tilespmem:s11+$0x6880] =	vst v29  }
0x31c: {  	v43 =	vperm.xlane v27, v23;
	v42 =	vmul.f32 v46, v59;
	v60 =	vld [tilespmem:s11+$0x6910];
	[tilespmem:s11+$0x6890] =	vst v58  }
0x31d: {  	v45 =	vmul.f32 v50, v62;
	v46 =	vperm.xlane v27, v24;
	v63 =	vld [tilespmem:s11+$0x6920];
	[tilespmem:s11+$0x68A0] =	vst v61  }
0x31e: {  	v48 =	vmul.f32 v52, v43;
	v27 =	vperm.xlane v27, v25;
	v44 =	vld [tilespmem:s11+$0x6930];
	[tilespmem:s11+$0x68B0] =	vst v42  }
0x31f: {  	v51 =	vperm.xlane v38, v11;
	s9 =	sshll.u32 s16, $0x4;
	v54 =	vld [tilespmem:s11+$0x6970];
	[tilespmem:s11+$0x68C0] =	vst v45;
	v50 =	vmul.f32 v55, v46  }
0x320: {  	v53 =	vperm.xlane v38, v12;
	v47 =	vld [tilespmem:s11+$0x6940];
	s9 =	sand.u32 $0x3FFFFF00, s9;
	[tilespmem:s11+$0x68D0] =	vst v48;
	v27 =	vmul.f32 v57, v27  }
0x321: {  	v56 =	vperm.xlane v38, v13;
	v61 =	vld [tilespmem:s9+$0x6800];
	[tilespmem:s11+$0x68E0] =	vst v50;
	v55 =	vmul.f32 v60, v51  }
0x322: {  	v40 =	vperm.xlane v38, v17;
	v52 =	vld [tilespmem:s11+$0x6960];
	[tilespmem:s11+$0x68F0] =	vst v27;
	v27 =	vmul.f32 v63, v53  }
0x323: {  	v58 =	vld [tilespmem:s11+$0x6980];
	v57 =	vperm.xlane v38, v14;
	v59 =	vmul.f32 v44, v56;
	[tilespmem:s11+$0x6910] =	vst v55  }
0x324: {  	v49 =	vld [tilespmem:s11+$0x6950];
	v43 =	vperm.xlane v36, v1;
	v44 =	vmul.f32 v54, v40;
	[tilespmem:s11+$0x6920] =	vst v27  }
0x325: {  	v62 =	vperm.xlane v38, v16;
	v46 =	vld [tilespmem:s11+$0x69C0];
	v27 =	vmul.f32 v47, v57;
	[tilespmem:s11+$0x6930] =	vst v59  }
0x326: {  	v45 =	vperm.xlane v38, v18;
	v63 =	vld [tilespmem:s11+$0x6990];
	v32 =	vmul.f32 v61, v43;
	[tilespmem:s11+$0x6970] =	vst v44  }
0x327: {  	v41 =	vld [tilespmem:s11+$0x69A0];
	v60 =	vperm.xlane v38, v15;
	[tilespmem:s11+$0x6940] =	vst v27;
	v27 =	vmul.f32 v52, v62  }
0x328: {  	v42 =	vld [tilespmem:s11+$0x69B0];
	v54 =	vperm.xlane v38, v22;
	v48 =	vmul.f32 v58, v45;
	[tilespmem:s9+$0x6800] =	vst v32  }
0x329: {  	v50 =	vld [tilespmem:s11+$0x69E0];
	v39 =	vmul.f32 v49, v60;
	[tilespmem:s11+$0x6960] =	vst v27;
	v27 =	vperm.xlane v38, v19  }
0x32a: {  	v47 =	vld [tilespmem:s11+$0x69D0];
	v49 =	vperm.xlane v38, v20;
	v58 =	vmul.f32 v46, v54;
	[tilespmem:s11+$0x6980] =	vst v48  }
0x32b: {  	v51 =	vperm.xlane v38, v21;
	[tilespmem:s11+$0x6950] =	vst v39;
	v55 =	vld [tilespmem:s11+$0x6A10];
	v27 =	vmul.f32 v63, v27  }
0x32c: {  	v59 =	vperm.xlane v38, v24;
	v52 =	vld [tilespmem:s11+$0x69F0];
	v53 =	vmul.f32 v41, v49;
	[tilespmem:s11+$0x69C0] =	vst v58  }
0x32d: {  	v56 =	vperm.xlane v38, v23;
	v60 =	vld [tilespmem:s11+$0x6A30];
	[tilespmem:s11+$0x6990] =	vst v27;
	v27 =	vmul.f32 v42, v51  }
0x32e: {  	v40 =	vperm.xlane v36, v11;
	v57 =	vld [tilespmem:s11+$0x6A20];
	[tilespmem:s11+$0x69A0] =	vst v53;
	v63 =	vmul.f32 v50, v59  }
0x32f: {  	v61 =	vperm.xlane v38, v25;
	v41 =	vld [tilespmem:s11+$0x6A50];
	[tilespmem:s11+$0x69B0] =	vst v27;
	v27 =	vmul.f32 v47, v56  }
0x330: {  	v45 =	vperm.xlane v36, v13;
	v62 =	vld [tilespmem:s11+$0x6A40];
	v44 =	vmul.f32 v55, v40;
	[tilespmem:s11+$0x69E0] =	vst v63  }
0x331: {  	s9 =	sshll.u32 s20, $0x4;
	v46 =	vld [tilespmem:s11+$0x6A70];
	v42 =	vperm.xlane v36, v12;
	[tilespmem:s11+$0x69D0] =	vst v27;
	v27 =	vmul.f32 v52, v61  }
0x332: {  	v43 =	vld [tilespmem:s11+$0x6A60];
	v49 =	vperm.xlane v36, v15;
	s9 =	sand.u32 $0x3FFFFF00, s9;
	v48 =	vmul.f32 v60, v45;
	[tilespmem:s11+$0x6A10] =	vst v44  }
0x333: {  	v47 =	vperm.xlane v36, v14;
	v52 =	vld [tilespmem:s9+$0x6800];
	[tilespmem:s11+$0x69F0] =	vst v27;
	v27 =	vmul.f32 v57, v42  }
0x334: {  	v54 =	vperm.xlane v36, v17;
	v50 =	vld [tilespmem:s11+$0x6A80];
	v53 =	vmul.f32 v41, v49;
	[tilespmem:s11+$0x6A30] =	vst v48  }
0x335: {  	v51 =	vperm.xlane v36, v16;
	v57 =	vld [tilespmem:s11+$0x6AA0];
	[tilespmem:s11+$0x6A20] =	vst v27;
	v27 =	vmul.f32 v62, v47  }
0x336: {  	v55 =	vld [tilespmem:s11+$0x6A90];
	v58 =	vmul.f32 v46, v54;
	v60 =	vperm.xlane v35, v1;
	[tilespmem:s11+$0x6A50] =	vst v53  }
0x337: {  	v56 =	vperm.xlane v36, v18;
	v42 =	vld [tilespmem:s11+$0x6AE0];
	[tilespmem:s11+$0x6A40] =	vst v27;
	v27 =	vmul.f32 v43, v51  }
0x338: {  	v59 =	vld [tilespmem:s11+$0x6AB0];
	v63 =	vperm.xlane v36, v20;
	[tilespmem:s11+$0x6A70] =	vst v58;
	v31 =	vmul.f32 v52, v60  }
0x339: {  	v61 =	vperm.xlane v36, v19;
	v62 =	vld [tilespmem:s11+$0x6AC0];
	[tilespmem:s11+$0x6A60] =	vst v27;
	v27 =	vmul.f32 v50, v56  }
0x33a: {  	v40 =	vld [tilespmem:s11+$0x6AD0];
	v48 =	vperm.xlane v36, v24;
	v29 =	vmul.f32 v57, v63;
	[tilespmem:s9+$0x6800] =	vst v31  }
0x33b: {  	v41 =	vperm.xlane v36, v21;
	v46 =	vld [tilespmem:s11+$0x6B10];
	[tilespmem:s11+$0x6A80] =	vst v27;
	v27 =	vmul.f32 v55, v61  }
0x33c: {  	v44 =	vld [tilespmem:s11+$0x6AF0];
	v43 =	vperm.xlane v36, v22;
	v52 =	vmul.f32 v42, v48;
	[tilespmem:s11+$0x6AA0] =	vst v29  }
0x33d: {  	v45 =	vperm.xlane v36, v23;
	v51 =	vld [tilespmem:s11+$0x6B30];
	[tilespmem:s11+$0x6A90] =	vst v27;
	v27 =	vmul.f32 v59, v41  }
0x33e: {  	v53 =	vperm.xlane v35, v11;
	v49 =	vld [tilespmem:s11+$0x6B20];
	v47 =	vmul.f32 v62, v43;
	[tilespmem:s11+$0x6AE0] =	vst v52  }
0x33f: {  	v50 =	vperm.xlane v36, v25;
	v56 =	vld [tilespmem:s11+$0x6B50];
	[tilespmem:s11+$0x6AB0] =	vst v27;
	v27 =	vmul.f32 v40, v45  }
0x340: {  	v58 =	vperm.xlane v35, v13;
	v54 =	vld [tilespmem:s11+$0x6B40];
	[tilespmem:s11+$0x6AC0] =	vst v47;
	v57 =	vmul.f32 v46, v53  }
0x341: {  	v55 =	vperm.xlane v35, v12;
	v61 =	vld [tilespmem:s11+$0x6B70];
	[tilespmem:s11+$0x6AD0] =	vst v27;
	v27 =	vmul.f32 v44, v50  }
0x342: {  	v63 =	vperm.xlane v35, v15;
	v59 =	vld [tilespmem:s11+$0x6B60];
	v62 =	vmul.f32 v51, v58;
	[tilespmem:s11+$0x6B10] =	vst v57  }
0x343: {  	v60 =	vperm.xlane v35, v14;
	v42 =	vld [tilespmem:s11+$0x6B90];
	[tilespmem:s11+$0x6AF0] =	vst v27;
	v27 =	vmul.f32 v49, v55  }
0x344: {  	v43 =	vmul.f32 v56, v63;
	v40 =	vld [tilespmem:s11+$0x6B80];
	[tilespmem:s11+$0x6B30] =	vst v62;
	v44 =	vperm.xlane v35, v17  }
0x345: {  	v41 =	vperm.xlane v35, v16;
	v57 =	vld [tilespmem:s11+$0x6BF0];
	[tilespmem:s11+$0x6B20] =	vst v27;
	v27 =	vmul.f32 v54, v60  }
0x346: {  	v45 =	vld [tilespmem:s11+$0x6BA0];
	[tilespmem:s11+$0x6B50] =	vst v43;
	v48 =	vmul.f32 v61, v44;
	v49 =	vperm.xlane v35, v19  }
0x347: {  	v47 =	vld [tilespmem:s11+$0x6BB0];
	v46 =	vperm.xlane v35, v18;
	[tilespmem:s11+$0x6B40] =	vst v27;
	v27 =	vmul.f32 v59, v41  }
0x348: {  	v62 =	vperm.xlane v35, v25;
	v50 =	vld [tilespmem:s11+$0x6BC0];
	[tilespmem:s11+$0x6B70] =	vst v48;
	v53 =	vmul.f32 v42, v49  }
0x349: {  	v52 =	vld [tilespmem:s11+$0x6BD0];
	v51 =	vperm.xlane v35, v20;
	[tilespmem:s11+$0x6B60] =	vst v27;
	v27 =	vmul.f32 v40, v46  }
0x34a: {  	v55 =	vld [tilespmem:s11+$0x6BE0];
	v54 =	vperm.xlane v35, v21;
	v63 =	vmul.f32 v57, v62;
	[tilespmem:s11+$0x6B90] =	vst v53  }
0x34b: {  	v56 =	vperm.xlane v35, v22;
	[tilespmem:s11+$0x6B80] =	vst v27;
	v27 =	vmul.f32 v45, v51  }
0x34c: {  	p1 =	por p0, p0;
	v58 =	vmul.f32 v47, v54;
	v59 =	vperm.xlane v35, v23;
	[tilespmem:s11+$0x6BF0] =	vst v63  }
.Ltmp10:
0x34d: {  	v60 =	vperm.xlane v35, v24;
	[tilespmem:s11+$0x6BA0] =	vst v27;
	v27 =	vmul.f32 v50, v56;
	(pc) =	sbr.rel @p1 .LBB2_23-.Ltmp10, $4  }
0x34e: {  	[tilespmem:s11+$0x6BB0] =	vst v58;
	v61 =	vmul.f32 v52, v59  }
0x34f: {  	[tilespmem:s11+$0x6BC0] =	vst v27;
	v27 =	vmul.f32 v55, v60  }
0x350: {  	[tilespmem:s11+$0x6BD0] =	vst v61  }
0x351: {  	p0 =	por $0x0, $0x0;
	[tilespmem:s11+$0x6BE0] =	vst v27;
	s11 =	simm.s32 $0x4  }
0x352: {  	s9 =	sadd.s32 $0x2000, s25  }
0x353: {  	[spmem:s1] =	stream.indirect.scatter.add.f32 [tilespmem:s6], [sflag:$0x6], $0x10, s9, s5, $0x2000b8;
	[tilespmem:$0x18000] =	vst v63  }
0x354: {  	s20 =	smin.u32 s23, $0x3B;
	_ =	swait.ge [sflag:s30], $0x800  }
0x355: {  	s25 =	sor.u32 $0x400, s24;
	s9 =	sshll.u32 s20, $0x7;
	[sflag:s30] =	ssyncset.done $0x0  }
0x356: {  	s24 =	sshrl.u32 s25, $0x2;
	s9 =	sadd.s32 $0x200, s9;
	[sflag:s30] =	ssyncadd.s32 $0xFFFFF800  }
0x357: {  	[tilespmem:s31], [sflag:$0x1] =	stream.indirect.gather [spmem:s3], $0x10, s9, s5, $0x2000b8;
	[tilespmem:$0x18000] =	vst v63  }
0x358: {  	s9 =	sadd.s32 $0x4000, s24  }
0x359: {  	_ =	swait.ge [sflag:s26], $0x800;
	v26 =	vmov s9  }
0x35a: {  	[sflag:s26] =	ssyncset.done $0x0  }
0x35b: {  	s11 =	simm.s32 $0x0;
	p0 =	por $0x1, $0x1;
	[sflag:s26] =	ssyncadd.s32 $0xFFFFF800  }
.LBB2_25:
0x35c: {  	s13 =	sshll.u32 s11, $0x4  }
0x35d: {  	s15 =	sshll.u32 s11, $0x8;
	s9 =	sand.u32 $0x3FFFFFF0, s13  }
0x35e: {  	s11 =	sand.u32 $0x3FFFFF00, s15;
	v27 =	vld.idx.msk [tilespmem:v26+s9+$0x0 ss:$0x1], $0xffff  }
0x35f: {  	v28 =	vld [tilespmem:s11+$0x7000]  }
0x360: {  	v29 =	vld [tilespmem:s11+$0x7010]  }
0x361: {  	v30 =	vld [tilespmem:s11+$0x7020]  }
0x362: {  	v31 =	vld [tilespmem:s11+$0x7030]  }
0x363: {  	v32 =	vld [tilespmem:s11+$0x7040]  }
0x364: {  	v33 =	vld [tilespmem:s11+$0x7050]  }
0x365: {  	v35 =	vld [tilespmem:s11+$0x7060];
	v34 =	vperm.xlane v27, v1  }
0x366: {  	s16 =	sor.u32 $0x10, s13;
	v37 =	vld [tilespmem:s11+$0x7070];
	v36 =	vperm.xlane v27, v11  }
0x367: {  	v38 =	vld.idx.msk [tilespmem:v26+s16+$0x0 ss:$0x1], $0xffff;
	s9 =	sshll.u32 s16, $0x4;
	v56 =	vperm.xlane v27, v12;
	v28 =	vmul.f32 v28, v34  }
0x368: {  	v39 =	vld [tilespmem:s11+$0x7080];
	s9 =	sand.u32 $0x3FFFFF00, s9;
	v57 =	vperm.xlane v27, v13;
	v29 =	vmul.f32 v29, v36  }
0x369: {  	v60 =	vld [tilespmem:s9+$0x7000];
	v59 =	vperm.xlane v27, v14;
	v58 =	vmul.f32 v30, v56;
	[tilespmem:s11+$0x7000] =	vst v28  }
0x36a: {  	v63 =	vld [tilespmem:s11+$0x7090];
	v62 =	vperm.xlane v27, v15;
	v61 =	vmul.f32 v31, v57;
	[tilespmem:s11+$0x7010] =	vst v29  }
0x36b: {  	v44 =	vld [tilespmem:s11+$0x70A0];
	v43 =	vperm.xlane v27, v16;
	v42 =	vmul.f32 v32, v59;
	[tilespmem:s11+$0x7020] =	vst v58  }
0x36c: {  	v46 =	vld [tilespmem:s11+$0x70B0];
	v47 =	vperm.xlane v38, v1;
	v45 =	vmul.f32 v33, v62;
	[tilespmem:s11+$0x7030] =	vst v61  }
0x36d: {  	v50 =	vld [tilespmem:s11+$0x70C0];
	v49 =	vperm.xlane v27, v17;
	v48 =	vmul.f32 v35, v43;
	[tilespmem:s11+$0x7040] =	vst v42  }
0x36e: {  	v52 =	vld [tilespmem:s11+$0x70D0];
	v51 =	vperm.xlane v27, v18;
	v33 =	vmul.f32 v60, v47;
	[tilespmem:s11+$0x7050] =	vst v45  }
0x36f: {  	v55 =	vld [tilespmem:s11+$0x70E0];
	v54 =	vperm.xlane v27, v19;
	v53 =	vmul.f32 v37, v49;
	[tilespmem:s11+$0x7060] =	vst v48  }
0x370: {  	s20 =	sor.u32 $0x20, s13;
	v56 =	vperm.xlane v27, v20;
	v57 =	vld [tilespmem:s11+$0x70F0];
	v29 =	vmul.f32 v39, v51;
	[tilespmem:s9+$0x7000] =	vst v33  }
0x371: {  	s25 =	sor.u32 $0x30, s13;
	v59 =	vperm.xlane v27, v21;
	v36 =	vld.idx.msk [tilespmem:v26+s20+$0x0 ss:$0x1], $0xffff;
	[tilespmem:s11+$0x7070] =	vst v53;
	v58 =	vmul.f32 v63, v54  }
0x372: {  	v62 =	vperm.xlane v27, v22;
	v35 =	vld.idx.msk [tilespmem:v26+s25+$0x0 ss:$0x1], $0xffff;
	v61 =	vmul.f32 v44, v56;
	[tilespmem:s11+$0x7080] =	vst v29  }
0x373: {  	v43 =	vperm.xlane v27, v23;
	v42 =	vmul.f32 v46, v59;
	v60 =	vld [tilespmem:s11+$0x7110];
	[tilespmem:s11+$0x7090] =	vst v58  }
0x374: {  	v45 =	vmul.f32 v50, v62;
	v46 =	vperm.xlane v27, v24;
	v63 =	vld [tilespmem:s11+$0x7120];
	[tilespmem:s11+$0x70A0] =	vst v61  }
0x375: {  	v48 =	vmul.f32 v52, v43;
	v27 =	vperm.xlane v27, v25;
	v44 =	vld [tilespmem:s11+$0x7130];
	[tilespmem:s11+$0x70B0] =	vst v42  }
0x376: {  	v51 =	vperm.xlane v38, v11;
	s9 =	sshll.u32 s20, $0x4;
	v54 =	vld [tilespmem:s11+$0x7170];
	[tilespmem:s11+$0x70C0] =	vst v45;
	v50 =	vmul.f32 v55, v46  }
0x377: {  	v53 =	vperm.xlane v38, v12;
	v47 =	vld [tilespmem:s11+$0x7140];
	s9 =	sand.u32 $0x3FFFFF00, s9;
	[tilespmem:s11+$0x70D0] =	vst v48;
	v27 =	vmul.f32 v57, v27  }
0x378: {  	v56 =	vperm.xlane v38, v13;
	v61 =	vld [tilespmem:s9+$0x7000];
	[tilespmem:s11+$0x70E0] =	vst v50;
	v55 =	vmul.f32 v60, v51  }
0x379: {  	v40 =	vperm.xlane v38, v17;
	v52 =	vld [tilespmem:s11+$0x7160];
	[tilespmem:s11+$0x70F0] =	vst v27;
	v27 =	vmul.f32 v63, v53  }
0x37a: {  	v58 =	vld [tilespmem:s11+$0x7180];
	v57 =	vperm.xlane v38, v14;
	v59 =	vmul.f32 v44, v56;
	[tilespmem:s11+$0x7110] =	vst v55  }
0x37b: {  	v49 =	vld [tilespmem:s11+$0x7150];
	v43 =	vperm.xlane v36, v1;
	v44 =	vmul.f32 v54, v40;
	[tilespmem:s11+$0x7120] =	vst v27  }
0x37c: {  	v62 =	vperm.xlane v38, v16;
	v46 =	vld [tilespmem:s11+$0x71C0];
	v27 =	vmul.f32 v47, v57;
	[tilespmem:s11+$0x7130] =	vst v59  }
0x37d: {  	v45 =	vperm.xlane v38, v18;
	v63 =	vld [tilespmem:s11+$0x7190];
	v32 =	vmul.f32 v61, v43;
	[tilespmem:s11+$0x7170] =	vst v44  }
0x37e: {  	v41 =	vld [tilespmem:s11+$0x71A0];
	v60 =	vperm.xlane v38, v15;
	[tilespmem:s11+$0x7140] =	vst v27;
	v27 =	vmul.f32 v52, v62  }
0x37f: {  	v42 =	vld [tilespmem:s11+$0x71B0];
	v54 =	vperm.xlane v38, v22;
	v48 =	vmul.f32 v58, v45;
	[tilespmem:s9+$0x7000] =	vst v32  }
0x380: {  	v50 =	vld [tilespmem:s11+$0x71E0];
	v39 =	vmul.f32 v49, v60;
	[tilespmem:s11+$0x7160] =	vst v27;
	v27 =	vperm.xlane v38, v19  }
0x381: {  	v47 =	vld [tilespmem:s11+$0x71D0];
	v49 =	vperm.xlane v38, v20;
	v58 =	vmul.f32 v46, v54;
	[tilespmem:s11+$0x7180] =	vst v48  }
0x382: {  	v51 =	vperm.xlane v38, v21;
	[tilespmem:s11+$0x7150] =	vst v39;
	v55 =	vld [tilespmem:s11+$0x7210];
	v27 =	vmul.f32 v63, v27  }
0x383: {  	v59 =	vperm.xlane v38, v24;
	v52 =	vld [tilespmem:s11+$0x71F0];
	v53 =	vmul.f32 v41, v49;
	[tilespmem:s11+$0x71C0] =	vst v58  }
0x384: {  	v56 =	vperm.xlane v38, v23;
	v60 =	vld [tilespmem:s11+$0x7230];
	[tilespmem:s11+$0x7190] =	vst v27;
	v27 =	vmul.f32 v42, v51  }
0x385: {  	v40 =	vperm.xlane v36, v11;
	v57 =	vld [tilespmem:s11+$0x7220];
	[tilespmem:s11+$0x71A0] =	vst v53;
	v63 =	vmul.f32 v50, v59  }
0x386: {  	v61 =	vperm.xlane v38, v25;
	v41 =	vld [tilespmem:s11+$0x7250];
	[tilespmem:s11+$0x71B0] =	vst v27;
	v27 =	vmul.f32 v47, v56  }
0x387: {  	v45 =	vperm.xlane v36, v13;
	v62 =	vld [tilespmem:s11+$0x7240];
	v44 =	vmul.f32 v55, v40;
	[tilespmem:s11+$0x71E0] =	vst v63  }
0x388: {  	s9 =	sshll.u32 s25, $0x4;
	v46 =	vld [tilespmem:s11+$0x7270];
	v42 =	vperm.xlane v36, v12;
	[tilespmem:s11+$0x71D0] =	vst v27;
	v27 =	vmul.f32 v52, v61  }
0x389: {  	v43 =	vld [tilespmem:s11+$0x7260];
	v49 =	vperm.xlane v36, v15;
	s9 =	sand.u32 $0x3FFFFF00, s9;
	v48 =	vmul.f32 v60, v45;
	[tilespmem:s11+$0x7210] =	vst v44  }
0x38a: {  	v47 =	vperm.xlane v36, v14;
	v52 =	vld [tilespmem:s9+$0x7000];
	[tilespmem:s11+$0x71F0] =	vst v27;
	v27 =	vmul.f32 v57, v42  }
0x38b: {  	v54 =	vperm.xlane v36, v17;
	v50 =	vld [tilespmem:s11+$0x7280];
	v53 =	vmul.f32 v41, v49;
	[tilespmem:s11+$0x7230] =	vst v48  }
0x38c: {  	v51 =	vperm.xlane v36, v16;
	v57 =	vld [tilespmem:s11+$0x72A0];
	[tilespmem:s11+$0x7220] =	vst v27;
	v27 =	vmul.f32 v62, v47  }
0x38d: {  	v55 =	vld [tilespmem:s11+$0x7290];
	v58 =	vmul.f32 v46, v54;
	v60 =	vperm.xlane v35, v1;
	[tilespmem:s11+$0x7250] =	vst v53  }
0x38e: {  	v56 =	vperm.xlane v36, v18;
	v42 =	vld [tilespmem:s11+$0x72E0];
	[tilespmem:s11+$0x7240] =	vst v27;
	v27 =	vmul.f32 v43, v51  }
0x38f: {  	v59 =	vld [tilespmem:s11+$0x72B0];
	v63 =	vperm.xlane v36, v20;
	[tilespmem:s11+$0x7270] =	vst v58;
	v31 =	vmul.f32 v52, v60  }
0x390: {  	v61 =	vperm.xlane v36, v19;
	v62 =	vld [tilespmem:s11+$0x72C0];
	[tilespmem:s11+$0x7260] =	vst v27;
	v27 =	vmul.f32 v50, v56  }
0x391: {  	v40 =	vld [tilespmem:s11+$0x72D0];
	v48 =	vperm.xlane v36, v24;
	v29 =	vmul.f32 v57, v63;
	[tilespmem:s9+$0x7000] =	vst v31  }
0x392: {  	v41 =	vperm.xlane v36, v21;
	v46 =	vld [tilespmem:s11+$0x7310];
	[tilespmem:s11+$0x7280] =	vst v27;
	v27 =	vmul.f32 v55, v61  }
0x393: {  	v44 =	vld [tilespmem:s11+$0x72F0];
	v43 =	vperm.xlane v36, v22;
	v52 =	vmul.f32 v42, v48;
	[tilespmem:s11+$0x72A0] =	vst v29  }
0x394: {  	v45 =	vperm.xlane v36, v23;
	v51 =	vld [tilespmem:s11+$0x7330];
	[tilespmem:s11+$0x7290] =	vst v27;
	v27 =	vmul.f32 v59, v41  }
0x395: {  	v53 =	vperm.xlane v35, v11;
	v49 =	vld [tilespmem:s11+$0x7320];
	v47 =	vmul.f32 v62, v43;
	[tilespmem:s11+$0x72E0] =	vst v52  }
0x396: {  	v50 =	vperm.xlane v36, v25;
	v56 =	vld [tilespmem:s11+$0x7350];
	[tilespmem:s11+$0x72B0] =	vst v27;
	v27 =	vmul.f32 v40, v45  }
0x397: {  	v58 =	vperm.xlane v35, v13;
	v54 =	vld [tilespmem:s11+$0x7340];
	[tilespmem:s11+$0x72C0] =	vst v47;
	v57 =	vmul.f32 v46, v53  }
0x398: {  	v55 =	vperm.xlane v35, v12;
	v61 =	vld [tilespmem:s11+$0x7370];
	[tilespmem:s11+$0x72D0] =	vst v27;
	v27 =	vmul.f32 v44, v50  }
0x399: {  	v63 =	vperm.xlane v35, v15;
	v59 =	vld [tilespmem:s11+$0x7360];
	v62 =	vmul.f32 v51, v58;
	[tilespmem:s11+$0x7310] =	vst v57  }
0x39a: {  	v60 =	vperm.xlane v35, v14;
	v42 =	vld [tilespmem:s11+$0x7390];
	[tilespmem:s11+$0x72F0] =	vst v27;
	v27 =	vmul.f32 v49, v55  }
0x39b: {  	v43 =	vmul.f32 v56, v63;
	v40 =	vld [tilespmem:s11+$0x7380];
	[tilespmem:s11+$0x7330] =	vst v62;
	v44 =	vperm.xlane v35, v17  }
0x39c: {  	v41 =	vperm.xlane v35, v16;
	v57 =	vld [tilespmem:s11+$0x73F0];
	[tilespmem:s11+$0x7320] =	vst v27;
	v27 =	vmul.f32 v54, v60  }
0x39d: {  	v45 =	vld [tilespmem:s11+$0x73A0];
	[tilespmem:s11+$0x7350] =	vst v43;
	v48 =	vmul.f32 v61, v44;
	v49 =	vperm.xlane v35, v19  }
0x39e: {  	v47 =	vld [tilespmem:s11+$0x73B0];
	v46 =	vperm.xlane v35, v18;
	[tilespmem:s11+$0x7340] =	vst v27;
	v27 =	vmul.f32 v59, v41  }
0x39f: {  	v62 =	vperm.xlane v35, v25;
	v50 =	vld [tilespmem:s11+$0x73C0];
	[tilespmem:s11+$0x7370] =	vst v48;
	v53 =	vmul.f32 v42, v49  }
0x3a0: {  	v52 =	vld [tilespmem:s11+$0x73D0];
	v51 =	vperm.xlane v35, v20;
	[tilespmem:s11+$0x7360] =	vst v27;
	v27 =	vmul.f32 v40, v46  }
0x3a1: {  	v55 =	vld [tilespmem:s11+$0x73E0];
	v54 =	vperm.xlane v35, v21;
	v63 =	vmul.f32 v57, v62;
	[tilespmem:s11+$0x7390] =	vst v53  }
0x3a2: {  	v56 =	vperm.xlane v35, v22;
	[tilespmem:s11+$0x7380] =	vst v27;
	v27 =	vmul.f32 v45, v51  }
0x3a3: {  	p1 =	por p0, p0;
	v58 =	vmul.f32 v47, v54;
	v59 =	vperm.xlane v35, v23;
	[tilespmem:s11+$0x73F0] =	vst v63  }
.Ltmp11:
0x3a4: {  	v60 =	vperm.xlane v35, v24;
	[tilespmem:s11+$0x73A0] =	vst v27;
	v27 =	vmul.f32 v50, v56;
	(pc) =	sbr.rel @p1 .LBB2_25-.Ltmp11, $4  }
0x3a5: {  	[tilespmem:s11+$0x73B0] =	vst v58;
	v61 =	vmul.f32 v52, v59  }
0x3a6: {  	[tilespmem:s11+$0x73C0] =	vst v27;
	v27 =	vmul.f32 v55, v60  }
0x3a7: {  	[tilespmem:s11+$0x73D0] =	vst v61  }
0x3a8: {  	p0 =	por $0x0, $0x0;
	[tilespmem:s11+$0x73E0] =	vst v27;
	s11 =	simm.s32 $0x4  }
0x3a9: {  	s9 =	sadd.s32 $0x2000, s24  }
0x3aa: {  	[spmem:s1] =	stream.indirect.scatter.add.f32 [tilespmem:s7], [sflag:$0x7], $0x10, s9, s5, $0x2000b8;
	[tilespmem:$0x18000] =	vst v63  }
0x3ab: {  	s24 =	smin.u32 s23, $0x3A;
	_ =	swait.ge [sflag:s10], $0x800  }
0x3ac: {  	s9 =	sshll.u32 s24, $0x7;
	[sflag:s10] =	ssyncset.done $0x0  }
0x3ad: {  	s25 =	sadd.s32 $0x4000, s22;
	s9 =	sadd.s32 $0x280, s9;
	[sflag:s10] =	ssyncadd.s32 $0xFFFFF800  }
0x3ae: {  	[tilespmem:s6], [sflag:$0x2] =	stream.indirect.gather [spmem:s3], $0x10, s9, s5, $0x2000b8;
	[tilespmem:$0x18000] =	vst v63  }
0x3af: {  	v26 =	vmov s25;
	_ =	swait.ge [sflag:s28], $0x800  }
0x3b0: {  	[sflag:s28] =	ssyncset.done $0x0  }
0x3b1: {  	s11 =	simm.s32 $0x0;
	p0 =	por $0x1, $0x1;
	[sflag:s28] =	ssyncadd.s32 $0xFFFFF800  }
.LBB2_27:
0x3b2: {  	s13 =	sshll.u32 s11, $0x4  }
0x3b3: {  	s16 =	sshll.u32 s11, $0x8;
	s9 =	sand.u32 $0x3FFFFFF0, s13  }
0x3b4: {  	s11 =	sand.u32 $0x3FFFFF00, s16;
	v27 =	vld.idx.msk [tilespmem:v26+s9+$0x0 ss:$0x1], $0xffff  }
0x3b5: {  	v28 =	vld [tilespmem:s11+$0x7800]  }
0x3b6: {  	v29 =	vld [tilespmem:s11+$0x7810]  }
0x3b7: {  	v30 =	vld [tilespmem:s11+$0x7820]  }
0x3b8: {  	v31 =	vld [tilespmem:s11+$0x7830]  }
0x3b9: {  	v32 =	vld [tilespmem:s11+$0x7840]  }
0x3ba: {  	v33 =	vld [tilespmem:s11+$0x7850]  }
0x3bb: {  	v35 =	vld [tilespmem:s11+$0x7860];
	v34 =	vperm.xlane v27, v1  }
0x3bc: {  	s20 =	sor.u32 $0x10, s13;
	v37 =	vld [tilespmem:s11+$0x7870];
	v36 =	vperm.xlane v27, v11  }
0x3bd: {  	v38 =	vld.idx.msk [tilespmem:v26+s20+$0x0 ss:$0x1], $0xffff;
	s9 =	sshll.u32 s20, $0x4;
	v56 =	vperm.xlane v27, v12;
	v28 =	vmul.f32 v28, v34  }
0x3be: {  	v39 =	vld [tilespmem:s11+$0x7880];
	s9 =	sand.u32 $0x3FFFFF00, s9;
	v57 =	vperm.xlane v27, v13;
	v29 =	vmul.f32 v29, v36  }
0x3bf: {  	v60 =	vld [tilespmem:s9+$0x7800];
	v59 =	vperm.xlane v27, v14;
	v58 =	vmul.f32 v30, v56;
	[tilespmem:s11+$0x7800] =	vst v28  }
0x3c0: {  	v63 =	vld [tilespmem:s11+$0x7890];
	v62 =	vperm.xlane v27, v15;
	v61 =	vmul.f32 v31, v57;
	[tilespmem:s11+$0x7810] =	vst v29  }
0x3c1: {  	v44 =	vld [tilespmem:s11+$0x78A0];
	v43 =	vperm.xlane v27, v16;
	v42 =	vmul.f32 v32, v59;
	[tilespmem:s11+$0x7820] =	vst v58  }
0x3c2: {  	v46 =	vld [tilespmem:s11+$0x78B0];
	v47 =	vperm.xlane v38, v1;
	v45 =	vmul.f32 v33, v62;
	[tilespmem:s11+$0x7830] =	vst v61  }
0x3c3: {  	v50 =	vld [tilespmem:s11+$0x78C0];
	v49 =	vperm.xlane v27, v17;
	v48 =	vmul.f32 v35, v43;
	[tilespmem:s11+$0x7840] =	vst v42  }
0x3c4: {  	v52 =	vld [tilespmem:s11+$0x78D0];
	v51 =	vperm.xlane v27, v18;
	v33 =	vmul.f32 v60, v47;
	[tilespmem:s11+$0x7850] =	vst v45  }
0x3c5: {  	v55 =	vld [tilespmem:s11+$0x78E0];
	v54 =	vperm.xlane v27, v19;
	v53 =	vmul.f32 v37, v49;
	[tilespmem:s11+$0x7860] =	vst v48  }
0x3c6: {  	s24 =	sor.u32 $0x20, s13;
	v56 =	vperm.xlane v27, v20;
	v57 =	vld [tilespmem:s11+$0x78F0];
	v29 =	vmul.f32 v39, v51;
	[tilespmem:s9+$0x7800] =	vst v33  }
0x3c7: {  	s25 =	sor.u32 $0x30, s13;
	v59 =	vperm.xlane v27, v21;
	v36 =	vld.idx.msk [tilespmem:v26+s24+$0x0 ss:$0x1], $0xffff;
	[tilespmem:s11+$0x7870] =	vst v53;
	v58 =	vmul.f32 v63, v54  }
0x3c8: {  	v62 =	vperm.xlane v27, v22;
	v35 =	vld.idx.msk [tilespmem:v26+s25+$0x0 ss:$0x1], $0xffff;
	v61 =	vmul.f32 v44, v56;
	[tilespmem:s11+$0x7880] =	vst v29  }
0x3c9: {  	v43 =	vperm.xlane v27, v23;
	v42 =	vmul.f32 v46, v59;
	v60 =	vld [tilespmem:s11+$0x7910];
	[tilespmem:s11+$0x7890] =	vst v58  }
0x3ca: {  	v45 =	vmul.f32 v50, v62;
	v46 =	vperm.xlane v27, v24;
	v63 =	vld [tilespmem:s11+$0x7920];
	[tilespmem:s11+$0x78A0] =	vst v61  }
0x3cb: {  	v48 =	vmul.f32 v52, v43;
	v27 =	vperm.xlane v27, v25;
	v44 =	vld [tilespmem:s11+$0x7930];
	[tilespmem:s11+$0x78B0] =	vst v42  }
0x3cc: {  	v51 =	vperm.xlane v38, v11;
	s9 =	sshll.u32 s24, $0x4;
	v54 =	vld [tilespmem:s11+$0x7970];
	[tilespmem:s11+$0x78C0] =	vst v45;
	v50 =	vmul.f32 v55, v46  }
0x3cd: {  	v53 =	vperm.xlane v38, v12;
	v47 =	vld [tilespmem:s11+$0x7940];
	s9 =	sand.u32 $0x3FFFFF00, s9;
	[tilespmem:s11+$0x78D0] =	vst v48;
	v27 =	vmul.f32 v57, v27  }
0x3ce: {  	v56 =	vperm.xlane v38, v13;
	v61 =	vld [tilespmem:s9+$0x7800];
	[tilespmem:s11+$0x78E0] =	vst v50;
	v55 =	vmul.f32 v60, v51  }
0x3cf: {  	v40 =	vperm.xlane v38, v17;
	v52 =	vld [tilespmem:s11+$0x7960];
	[tilespmem:s11+$0x78F0] =	vst v27;
	v27 =	vmul.f32 v63, v53  }
0x3d0: {  	v58 =	vld [tilespmem:s11+$0x7980];
	v57 =	vperm.xlane v38, v14;
	v59 =	vmul.f32 v44, v56;
	[tilespmem:s11+$0x7910] =	vst v55  }
0x3d1: {  	v49 =	vld [tilespmem:s11+$0x7950];
	v43 =	vperm.xlane v36, v1;
	v44 =	vmul.f32 v54, v40;
	[tilespmem:s11+$0x7920] =	vst v27  }
0x3d2: {  	v62 =	vperm.xlane v38, v16;
	v46 =	vld [tilespmem:s11+$0x79C0];
	v27 =	vmul.f32 v47, v57;
	[tilespmem:s11+$0x7930] =	vst v59  }
0x3d3: {  	v45 =	vperm.xlane v38, v18;
	v63 =	vld [tilespmem:s11+$0x7990];
	v32 =	vmul.f32 v61, v43;
	[tilespmem:s11+$0x7970] =	vst v44  }
0x3d4: {  	v41 =	vld [tilespmem:s11+$0x79A0];
	v60 =	vperm.xlane v38, v15;
	[tilespmem:s11+$0x7940] =	vst v27;
	v27 =	vmul.f32 v52, v62  }
0x3d5: {  	v42 =	vld [tilespmem:s11+$0x79B0];
	v54 =	vperm.xlane v38, v22;
	v48 =	vmul.f32 v58, v45;
	[tilespmem:s9+$0x7800] =	vst v32  }
0x3d6: {  	v50 =	vld [tilespmem:s11+$0x79E0];
	v39 =	vmul.f32 v49, v60;
	[tilespmem:s11+$0x7960] =	vst v27;
	v27 =	vperm.xlane v38, v19  }
0x3d7: {  	v47 =	vld [tilespmem:s11+$0x79D0];
	v49 =	vperm.xlane v38, v20;
	v58 =	vmul.f32 v46, v54;
	[tilespmem:s11+$0x7980] =	vst v48  }
0x3d8: {  	v51 =	vperm.xlane v38, v21;
	[tilespmem:s11+$0x7950] =	vst v39;
	v55 =	vld [tilespmem:s11+$0x7A10];
	v27 =	vmul.f32 v63, v27  }
0x3d9: {  	v59 =	vperm.xlane v38, v24;
	v52 =	vld [tilespmem:s11+$0x79F0];
	v53 =	vmul.f32 v41, v49;
	[tilespmem:s11+$0x79C0] =	vst v58  }
0x3da: {  	v56 =	vperm.xlane v38, v23;
	v60 =	vld [tilespmem:s11+$0x7A30];
	[tilespmem:s11+$0x7990] =	vst v27;
	v27 =	vmul.f32 v42, v51  }
0x3db: {  	v40 =	vperm.xlane v36, v11;
	v57 =	vld [tilespmem:s11+$0x7A20];
	[tilespmem:s11+$0x79A0] =	vst v53;
	v63 =	vmul.f32 v50, v59  }
0x3dc: {  	v61 =	vperm.xlane v38, v25;
	v41 =	vld [tilespmem:s11+$0x7A50];
	[tilespmem:s11+$0x79B0] =	vst v27;
	v27 =	vmul.f32 v47, v56  }
0x3dd: {  	v45 =	vperm.xlane v36, v13;
	v62 =	vld [tilespmem:s11+$0x7A40];
	v44 =	vmul.f32 v55, v40;
	[tilespmem:s11+$0x79E0] =	vst v63  }
0x3de: {  	s9 =	sshll.u32 s25, $0x4;
	v46 =	vld [tilespmem:s11+$0x7A70];
	v42 =	vperm.xlane v36, v12;
	[tilespmem:s11+$0x79D0] =	vst v27;
	v27 =	vmul.f32 v52, v61  }
0x3df: {  	v43 =	vld [tilespmem:s11+$0x7A60];
	v49 =	vperm.xlane v36, v15;
	s9 =	sand.u32 $0x3FFFFF00, s9;
	v48 =	vmul.f32 v60, v45;
	[tilespmem:s11+$0x7A10] =	vst v44  }
0x3e0: {  	v47 =	vperm.xlane v36, v14;
	v52 =	vld [tilespmem:s9+$0x7800];
	[tilespmem:s11+$0x79F0] =	vst v27;
	v27 =	vmul.f32 v57, v42  }
0x3e1: {  	v54 =	vperm.xlane v36, v17;
	v50 =	vld [tilespmem:s11+$0x7A80];
	v53 =	vmul.f32 v41, v49;
	[tilespmem:s11+$0x7A30] =	vst v48  }
0x3e2: {  	v51 =	vperm.xlane v36, v16;
	v57 =	vld [tilespmem:s11+$0x7AA0];
	[tilespmem:s11+$0x7A20] =	vst v27;
	v27 =	vmul.f32 v62, v47  }
0x3e3: {  	v55 =	vld [tilespmem:s11+$0x7A90];
	v58 =	vmul.f32 v46, v54;
	v60 =	vperm.xlane v35, v1;
	[tilespmem:s11+$0x7A50] =	vst v53  }
0x3e4: {  	v56 =	vperm.xlane v36, v18;
	v42 =	vld [tilespmem:s11+$0x7AE0];
	[tilespmem:s11+$0x7A40] =	vst v27;
	v27 =	vmul.f32 v43, v51  }
0x3e5: {  	v59 =	vld [tilespmem:s11+$0x7AB0];
	v63 =	vperm.xlane v36, v20;
	[tilespmem:s11+$0x7A70] =	vst v58;
	v31 =	vmul.f32 v52, v60  }
0x3e6: {  	v61 =	vperm.xlane v36, v19;
	v62 =	vld [tilespmem:s11+$0x7AC0];
	[tilespmem:s11+$0x7A60] =	vst v27;
	v27 =	vmul.f32 v50, v56  }
0x3e7: {  	v40 =	vld [tilespmem:s11+$0x7AD0];
	v48 =	vperm.xlane v36, v24;
	v29 =	vmul.f32 v57, v63;
	[tilespmem:s9+$0x7800] =	vst v31  }
0x3e8: {  	v41 =	vperm.xlane v36, v21;
	v46 =	vld [tilespmem:s11+$0x7B10];
	[tilespmem:s11+$0x7A80] =	vst v27;
	v27 =	vmul.f32 v55, v61  }
0x3e9: {  	v44 =	vld [tilespmem:s11+$0x7AF0];
	v43 =	vperm.xlane v36, v22;
	v52 =	vmul.f32 v42, v48;
	[tilespmem:s11+$0x7AA0] =	vst v29  }
0x3ea: {  	v45 =	vperm.xlane v36, v23;
	v51 =	vld [tilespmem:s11+$0x7B30];
	[tilespmem:s11+$0x7A90] =	vst v27;
	v27 =	vmul.f32 v59, v41  }
0x3eb: {  	v53 =	vperm.xlane v35, v11;
	v49 =	vld [tilespmem:s11+$0x7B20];
	v47 =	vmul.f32 v62, v43;
	[tilespmem:s11+$0x7AE0] =	vst v52  }
0x3ec: {  	v50 =	vperm.xlane v36, v25;
	v56 =	vld [tilespmem:s11+$0x7B50];
	[tilespmem:s11+$0x7AB0] =	vst v27;
	v27 =	vmul.f32 v40, v45  }
0x3ed: {  	v58 =	vperm.xlane v35, v13;
	v54 =	vld [tilespmem:s11+$0x7B40];
	[tilespmem:s11+$0x7AC0] =	vst v47;
	v57 =	vmul.f32 v46, v53  }
0x3ee: {  	v55 =	vperm.xlane v35, v12;
	v61 =	vld [tilespmem:s11+$0x7B70];
	[tilespmem:s11+$0x7AD0] =	vst v27;
	v27 =	vmul.f32 v44, v50  }
0x3ef: {  	v63 =	vperm.xlane v35, v15;
	v59 =	vld [tilespmem:s11+$0x7B60];
	v62 =	vmul.f32 v51, v58;
	[tilespmem:s11+$0x7B10] =	vst v57  }
0x3f0: {  	v60 =	vperm.xlane v35, v14;
	v42 =	vld [tilespmem:s11+$0x7B90];
	[tilespmem:s11+$0x7AF0] =	vst v27;
	v27 =	vmul.f32 v49, v55  }
0x3f1: {  	v43 =	vmul.f32 v56, v63;
	v40 =	vld [tilespmem:s11+$0x7B80];
	[tilespmem:s11+$0x7B30] =	vst v62;
	v44 =	vperm.xlane v35, v17  }
0x3f2: {  	v41 =	vperm.xlane v35, v16;
	v57 =	vld [tilespmem:s11+$0x7BF0];
	[tilespmem:s11+$0x7B20] =	vst v27;
	v27 =	vmul.f32 v54, v60  }
0x3f3: {  	v45 =	vld [tilespmem:s11+$0x7BA0];
	[tilespmem:s11+$0x7B50] =	vst v43;
	v48 =	vmul.f32 v61, v44;
	v49 =	vperm.xlane v35, v19  }
0x3f4: {  	v47 =	vld [tilespmem:s11+$0x7BB0];
	v46 =	vperm.xlane v35, v18;
	[tilespmem:s11+$0x7B40] =	vst v27;
	v27 =	vmul.f32 v59, v41  }
0x3f5: {  	v62 =	vperm.xlane v35, v25;
	v50 =	vld [tilespmem:s11+$0x7BC0];
	[tilespmem:s11+$0x7B70] =	vst v48;
	v53 =	vmul.f32 v42, v49  }
0x3f6: {  	v52 =	vld [tilespmem:s11+$0x7BD0];
	v51 =	vperm.xlane v35, v20;
	[tilespmem:s11+$0x7B60] =	vst v27;
	v27 =	vmul.f32 v40, v46  }
0x3f7: {  	v55 =	vld [tilespmem:s11+$0x7BE0];
	v54 =	vperm.xlane v35, v21;
	v63 =	vmul.f32 v57, v62;
	[tilespmem:s11+$0x7B90] =	vst v53  }
0x3f8: {  	v56 =	vperm.xlane v35, v22;
	[tilespmem:s11+$0x7B80] =	vst v27;
	v27 =	vmul.f32 v45, v51  }
0x3f9: {  	p1 =	por p0, p0;
	v58 =	vmul.f32 v47, v54;
	v59 =	vperm.xlane v35, v23;
	[tilespmem:s11+$0x7BF0] =	vst v63  }
.Ltmp12:
0x3fa: {  	v60 =	vperm.xlane v35, v24;
	[tilespmem:s11+$0x7BA0] =	vst v27;
	v27 =	vmul.f32 v50, v56;
	(pc) =	sbr.rel @p1 .LBB2_27-.Ltmp12, $4  }
0x3fb: {  	[tilespmem:s11+$0x7BB0] =	vst v58;
	v61 =	vmul.f32 v52, v59  }
0x3fc: {  	[tilespmem:s11+$0x7BC0] =	vst v27;
	v27 =	vmul.f32 v55, v60  }
0x3fd: {  	[tilespmem:s11+$0x7BD0] =	vst v61  }
0x3fe: {  	p0 =	por $0x0, $0x0;
	[tilespmem:s11+$0x7BE0] =	vst v27;
	s11 =	simm.s32 $0x4  }
0x3ff: {  	s9 =	sadd.s32 $0x2000, s22;
	s21 =	sadd.s32 $0x1, s21  }
0x400: {  	[spmem:s1] =	stream.indirect.scatter.add.f32 [tilespmem:s8], [sflag:$0x8], $0x10, s9, s5, $0x2000b8;
	[tilespmem:$0x18000] =	vst v63  }
0x401: {  	p0 =	sne.s32 s21, $0x10  }
.Ltmp13:
0x402: {  	_ = 	snop;
	(pc) =	sbr.rel @p0 .LBB2_20-.Ltmp13, $4  }
0x403: {  	s25 =	smin.u32 s23, $0x39;
	_ =	swait.ge [sflag:s12], $0x800  }
0x404: {  	s9 =	sshll.u32 s25, $0x7;
	[sflag:s12] =	ssyncset.done $0x0  }
0x405: {  	s9 =	sadd.s32 $0x300, s9;
	[sflag:s12] =	ssyncadd.s32 $0xFFFFF800  }
0x406: {  	[tilespmem:s7], [sflag:$0x3] =	stream.indirect.gather [spmem:s3], $0x10, s9, s5, $0x2000b8;
	[tilespmem:$0x18000] =	vst v63  }
0x407: {  	_ =	swait.ge [sflag:s0], $0x800  }
0x408: {  	[sflag:s0] =	ssyncset.done $0x0  }
0x409: {  	[sflag:s0] =	ssyncadd.s32 $0xFFFFF800  }
0x40a: {  	_ =	swait.ge [sflag:s2], $0x800  }
0x40b: {  	[sflag:s2] =	ssyncset.done $0x0  }
0x40c: {  	[sflag:s2] =	ssyncadd.s32 $0xFFFFF800  }
0x40d: {  	_ =	swait.ge [sflag:s26], $0x800  }
0x40e: {  	[sflag:s26] =	ssyncset.done $0x0  }
0x40f: {  	[sflag:s26] =	ssyncadd.s32 $0xFFFFF800  }
0x410: {  	_ =	swait.ge [sflag:s14], $0x800  }
0x411: {  	[sflag:s14] =	ssyncset.done $0x0  }
0x412: {  	[sflag:s14] =	ssyncadd.s32 $0xFFFFF800  }
0x413: {  	s11 =	simm.s32 $0x8000;
	s13 =	simm.s32 $0x9000;
	[bflag:$0x0] =	sbarrier.arrive $0xFFFF  }
0x414: {  	s20 =	simm.s32 $0x0;
	s21 =	simm.s32 $0x1;
	_ =	strace $0x90000049  }
0x415: {  	s22 =	simm.s32 $0x3;
	s23 =	simm.s32 $0x4;
	_ =	strace $0x8000004A  }
0x416: {  	s24 =	simm.s32 $0x9;
	v26 =	vmov s20;
	s20 =	simm.s32 $0xD;
	s9 =	rddreg [dreg:$0xb]  }
0x417: {  	v27 =	vmov s21;
	v29 =	vmov s22;
	[tilespmem:s11], [sflag:$0x1] =	stream.linear.gather [spmem:s9], $0x1000, $0x200038;
	[tilespmem:$0x18000] =	vst v63  }
0x418: {  	v30 =	vmov s23;
	v32 =	vmov s24;
	s23 =	simm.s32 $0x5;
	s24 =	simm.s32 $0x6;
	v26 =	vshrl.u32 v26, $0x3;
	s11 =	rddreg [dreg:$0xd]  }
0x419: {  	v27 =	vshrl.u32 v27, $0x3;
	v37 =	vmov s20;
	v29 =	vshrl.u32 v29, $0x3;
	[tilespmem:s13], [sflag:$0x2] =	stream.linear.gather [spmem:s11], $0x1000, $0x200038;
	[tilespmem:$0x18000] =	vst v63  }
0x41a: {  	s16 =	simm.s32 $0xA000;
	s25 =	simm.s32 $0x8;
	v30 =	vshrl.u32 v30, $0x3;
	v43 =	vmov s23;
	v62 =	vmov s24;
	s15 =	rddreg [dreg:$0xf]  }
0x41b: {  	v31 =	vshll.u32 v26, v3;
	v26 =	vmov s25;
	v37 =	vshrl.u32 v37, $0x3;
	[tilespmem:s16], [sflag:$0x3] =	stream.linear.gather [spmem:s15], $0x1000, $0x200038;
	[tilespmem:$0x18000] =	vst v63  }
0x41c: {  	s22 =	simm.s32 $0xB000;
	v27 =	vshll.u32 v27, v3;
	v30 =	vshll.u32 v30, v3;
	v26 =	vshrl.u32 v26, $0x3;
	s21 =	rddreg [dreg:$0x11];
	s16 =	simm.s32 $0xE  }
0x41d: {  	v43 =	vshrl.u32 v43, $0x3;
	v29 =	vshll.u32 v29, v3;
	v26 =	vshll.u32 v26, v3;
	[tilespmem:s22], [sflag:$0x4] =	stream.linear.gather [spmem:s21], $0x1000, $0x200038;
	[tilespmem:$0x18000] =	vst v63  }
0x41e: {  	v37 =	vshll.u32 v37, v3;
	v26 =	vbroadcast v26, $0x0;
	v36 =	vmov s16;
	_ =	swait.ge [sflag:s0], $0x1000  }
0x41f: {  	v31 =	vbroadcast v31, $0x0;
	v27 =	vbroadcast v27, $0x0;
	s11 =	simm.s32 $0xB;
	v36 =	vshrl.u32 v36, $0x3;
	[sflag:s0] =	ssyncset.done $0x0  }
0x420: {  	v38 =	vor.u32 v0, v26;
	v33 =	vmov s11;
	s11 =	simm.s32 $0x8080;
	v26 =	vshll.u32 v36, v3;
	[sflag:s0] =	ssyncadd.s32 $0xFFFFF000  }
0x421: {  	v30 =	vbroadcast v30, $0x0;
	v43 =	vshll.u32 v43, v3;
	s13 =	simm.s32 $0x2;
	v36 =	vbroadcast v26, $0x0;
	v26 =	vld [tilespmem:s11+$0xFFFFFFF0]  }
0x422: {  	v61 =	vbroadcast v37, $0x0;
	v41 =	vor.u32 v4, v27;
	v28 =	vmov s13;
	v39 =	vld [tilespmem:s11+$0x0]  }
0x423: {  	v31 =	vor.u32 v0, v31;
	v30 =	vor.u32 v7, v30;
	v28 =	vshrl.u32 v28, $0x3;
	v40 =	vld [tilespmem:s11+$0x60]  }
0x424: {  	s13 =	simm.s32 $0xC;
	s15 =	simm.s32 $0xA;
	v27 =	vshll.u32 v28, v3;
	v28 =	vshrl.u32 v32, $0x3;
	v36 =	vor.u32 v9, v36;
	v59 =	vld [tilespmem:s11+$0xFFFFFF90]  }
0x425: {  	v34 =	vmov s13;
	v35 =	vmov s15;
	v28 =	vshll.u32 v28, v3;
	v42 =	vld [tilespmem:s11+$0xFFFFFF80]  }
0x426: {  	v34 =	vshrl.u32 v34, $0x3;
	v44 =	vbroadcast v27, $0x0;
	v45 =	vbroadcast v28, $0x0;
	v27 =	vld [tilespmem:s11+$0xFFFFFFE0]  }
0x427: {  	v33 =	vshrl.u32 v33, $0x3;
	v34 =	vshll.u32 v34, v3;
	v35 =	vshrl.u32 v35, $0x3;
	v46 =	vld [tilespmem:s11+$0xFFFFFFC0]  }
0x428: {  	v35 =	vshll.u32 v35, v3;
	v34 =	vbroadcast v34, $0x0;
	v45 =	vor.u32 v4, v45;
	v60 =	vld [tilespmem:s11+$0x10];
	[tilespmem:v38+s29+$0x0] =	vst.idx.msk $0xffff, v39  }
0x429: {  	v43 =	vbroadcast v43, $0x0;
	v33 =	vshll.u32 v33, v3;
	v47 =	vbroadcast v35, $0x0;
	v37 =	vld [tilespmem:s11+$0x40];
	[tilespmem:v36+s29+$0x0] =	vst.idx.msk $0xffff, v40  }
0x42a: {  	v63 =	vbroadcast v33, $0x0;
	v28 =	vor.u32 v5, v44;
	v35 =	vld [tilespmem:s11+$0x50];
	v39 =	vor.u32 v7, v34;
	[tilespmem:v41+s29+$0x0] =	vst.idx.msk $0xffff, v59  }
0x42b: {  	v32 =	vld [tilespmem:s11+$0x20];
	v38 =	vor.u32 v8, v61;
	[tilespmem:v31+s29+$0x0] =	vst.idx.msk $0xffff, v42;
	v31 =	vshrl.u32 v62, $0x3;
	v34 =	vor.u32 v5, v47  }
0x42c: {  	s25 =	simm.s32 $0x7;
	v33 =	vld [tilespmem:s11+$0x30];
	v40 =	vbroadcast v29, $0x0;
	[tilespmem:v30+s29+$0x0] =	vst.idx.msk $0xffff, v46;
	v36 =	vor.u32 v6, v63;
	v30 =	vshll.u32 v31, v3  }
0x42d: {  	s13 =	simm.s32 $0x8180;
	s21 =	simm.s32 $0x10;
	s22 =	simm.s32 $0xF;
	v29 =	vld [tilespmem:s11+$0xFFFFFFD0];
	[tilespmem:v45+s29+$0x0] =	vst.idx.msk $0xffff, v60;
	v31 =	vor.u32 v8, v43;
	v41 =	vbroadcast v30, $0x0;
	v30 =	vor.u32 s25, v10  }
.LBB2_30:
0x42e: {  	s9 =	sadd.s32 $0x1, s21  }
0x42f: {  	v42 =	vmov s21;
	s15 =	sadd.s32 $0x2, s21;
	s16 =	sadd.s32 $0x3, s21;
	v43 =	vld [tilespmem:s13+$0xFFFFFFF0];
	v40 =	vor.u32 v6, v40;
	[tilespmem:v39+s29+$0x0] =	vst.idx.msk $0xffff, v37;
	v37 =	vor.u32 s22, v10;
	s22 =	smov.u32 s21  }
0x430: {  	s23 =	sadd.s32 $0x6, s21;
	v39 =	vmov s9;
	v44 =	vmov s15;
	s9 =	sadd.s32 $0x4, s21;
	s15 =	sadd.s32 $0x9, s21;
	v41 =	vor.u32 v9, v41;
	[tilespmem:v38+s29+$0x0] =	vst.idx.msk $0xffff, v35;
	v35 =	vld [tilespmem:s11+$0x70]  }
0x431: {  	s24 =	sadd.s32 $0x5, s21;
	v38 =	vshrl.u32 v42, $0x3;
	v42 =	vmov s16;
	s16 =	sadd.s32 $0xA, s21;
	v45 =	vmov s9;
	s9 =	sadd.s32 $0x8, s21;
	v46 =	vld [tilespmem:s11+$0xFFFFFFA0];
	[tilespmem:v34+s29+$0x0] =	vst.idx.msk $0xffff, v32  }
0x432: {  	s20 =	sadd.s32 $0xD, s21;
	v32 =	vshll.u32 v38, v3;
	v38 =	vmov s15;
	s15 =	sadd.s32 $0xC, s21;
	v34 =	vmov s9;
	s9 =	sadd.s32 $0xB, s21;
	v47 =	vld [tilespmem:s11+$0xFFFFFFB0];
	[tilespmem:v36+s29+$0x0] =	vst.idx.msk $0xffff, v33  }
0x433: {  	p0 =	slt.u32 s21, $0xF0;
	v33 =	vshrl.u32 v39, $0x3;
	v39 =	vmov s15;
	s21 =	sadd.s32 $0x10, s21;
	v36 =	vmov s9;
	s9 =	sadd.s32 $0xE, s22;
	[tilespmem:v31+s29+$0x0] =	vst.idx.msk $0xffff, v29  }
0x434: {  	s11 =	smov.u32 s13;
	v29 =	vshrl.u32 v34, $0x3;
	v31 =	vmov s16;
	v34 =	vmov s9;
	[tilespmem:v30+s29+$0x0] =	vst.idx.msk $0xffff, v26;
	v26 =	vmovc v43  }
0x435: {  	v30 =	vshrl.u32 v44, $0x3;
	v29 =	vshll.u32 v29, v3;
	v43 =	vmov s20;
	[tilespmem:v37+s29+$0x0] =	vst.idx.msk $0xffff, v35  }
0x436: {  	v42 =	vshrl.u32 v42, $0x3;
	v29 =	vbroadcast v29, $0x0;
	v35 =	vshrl.u32 v43, $0x3;
	[tilespmem:v28+s29+$0x0] =	vst.idx.msk $0xffff, v46  }
0x437: {  	v34 =	vshrl.u32 v34, $0x3;
	v28 =	vshrl.u32 v39, $0x3;
	v35 =	vshll.u32 v35, v3;
	[tilespmem:v40+s29+$0x0] =	vst.idx.msk $0xffff, v47  }
0x438: {  	v36 =	vshrl.u32 v36, $0x3;
	v34 =	vshll.u32 v34, v3;
	v29 =	vor.u32 v0, v29;
	v37 =	vld [tilespmem:s13+$0x0];
	[tilespmem:v41+s29+$0x0] =	vst.idx.msk $0xffff, v27  }
0x439: {  	v28 =	vshll.u32 v28, v3;
	v27 =	vshll.u32 v33, v3;
	v33 =	vbroadcast v34, $0x0  }
0x43a: {  	v32 =	vbroadcast v32, $0x0;
	v31 =	vshrl.u32 v31, $0x3;
	v27 =	vbroadcast v27, $0x0  }
0x43b: {  	v31 =	vshll.u32 v31, v3;
	v34 =	vshrl.u32 v45, $0x3;
	v33 =	vor.u32 v9, v33;
	v39 =	vld [tilespmem:s13+$0x60]  }
0x43c: {  	v41 =	vor.u32 v4, v27;
	v27 =	vshll.u32 v30, v3;
	v30 =	vshrl.u32 v38, $0x3;
	v40 =	vld [tilespmem:s13+$0xFFFFFF90]  }
0x43d: {  	v34 =	vshll.u32 v34, v3;
	[tilespmem:v29+s29+$0x0] =	vst.idx.msk $0xffff, v37;
	v29 =	vshll.u32 v30, v3;
	v30 =	vbroadcast v28, $0x0  }
0x43e: {  	v32 =	vor.u32 v0, v32;
	v28 =	vbroadcast v34, $0x0;
	v34 =	vmov s24;
	v38 =	vld [tilespmem:s13+$0xFFFFFF80]  }
0x43f: {  	v37 =	vbroadcast v27, $0x0;
	v34 =	vshrl.u32 v34, $0x3;
	v29 =	vbroadcast v29, $0x0;
	v27 =	vld [tilespmem:s13+$0xFFFFFFE0]  }
0x440: {  	v31 =	vbroadcast v31, $0x0;
	v44 =	vor.u32 v7, v28;
	v34 =	vshll.u32 v34, v3;
	v43 =	vld [tilespmem:s13+$0xFFFFFFC0];
	[tilespmem:v33+s29+$0x0] =	vst.idx.msk $0xffff, v39  }
0x441: {  	v28 =	vor.u32 v5, v37;
	v46 =	vor.u32 v4, v29;
	v29 =	vbroadcast v35, $0x0;
	[tilespmem:v41+s29+$0x0] =	vst.idx.msk $0xffff, v40;
	v45 =	vld [tilespmem:s13+$0x10]  }
.Ltmp14:
0x442: {  	v33 =	vshll.u32 v36, v3;
	v39 =	vor.u32 v7, v30;
	v41 =	vbroadcast v34, $0x0;
	v37 =	vld [tilespmem:s13+$0x40];
	(pc) =	sbr.rel @p0 .LBB2_30-.Ltmp14, $4  }
0x443: {  	v30 =	vmov s23;
	v36 =	vbroadcast v33, $0x0;
	[tilespmem:v32+s29+$0x0] =	vst.idx.msk $0xffff, v38;
	v35 =	vld [tilespmem:s13+$0x50];
	v38 =	vor.u32 v8, v29  }
0x444: {  	v30 =	vshrl.u32 v30, $0x3;
	v34 =	vor.u32 v5, v31;
	v29 =	vshll.u32 v42, v3;
	v32 =	vld [tilespmem:s13+$0x20]  }
0x445: {  	s9 =	sadd.s32 $0x7, s22;
	v30 =	vshll.u32 v30, v3;
	v36 =	vor.u32 v6, v36;
	v40 =	vbroadcast v29, $0x0;
	[tilespmem:v44+s29+$0x0] =	vst.idx.msk $0xffff, v43;
	v33 =	vld [tilespmem:s13+$0x30]  }
0x446: {  	s22 =	sadd.s32 $0xF, s22;
	v31 =	vor.u32 v8, v41;
	v41 =	vbroadcast v30, $0x0;
	v30 =	vor.u32 s9, v10;
	s13 =	sadd.s32 $0x100, s13;
	v29 =	vld [tilespmem:s11+$0xFFFFFFD0];
	[tilespmem:v46+s29+$0x0] =	vst.idx.msk $0xffff, v45  }
0x447: {  	_ =	sdelay $0x3  }
0x448: {  	[tilespmem:v39+s29+$0x0] =	vst.idx.msk $0xffff, v37  }
0x449: {  	v43 =	vor.u32 s22, v10;
	v44 =	vld [tilespmem:s11+$0x70];
	[tilespmem:v30+s29+$0x0] =	vst.idx.msk $0xffff, v26  }
0x44a: {  	v45 =	vld [tilespmem:s11+$0xFFFFFFA0];
	[tilespmem:v38+s29+$0x0] =	vst.idx.msk $0xffff, v35  }
0x44b: {  	v46 =	vor.u32 v6, v40;
	v47 =	vld [tilespmem:s11+$0xFFFFFFB0];
	[tilespmem:v34+s29+$0x0] =	vst.idx.msk $0xffff, v32  }
0x44c: {  	v48 =	vor.u32 v9, v41;
	[tilespmem:v36+s29+$0x0] =	vst.idx.msk $0xffff, v33  }
0x44d: {  	[tilespmem:v31+s29+$0x0] =	vst.idx.msk $0xffff, v29  }
0x44e: {  	[tilespmem:v43+s29+$0x0] =	vst.idx.msk $0xffff, v44  }
0x44f: {  	[tilespmem:v28+s29+$0x0] =	vst.idx.msk $0xffff, v45  }
0x450: {  	[tilespmem:v46+s29+$0x0] =	vst.idx.msk $0xffff, v47  }
0x451: {  	[tilespmem:v48+s29+$0x0] =	vst.idx.msk $0xffff, v27  }
0x452: {  	s15 =	rddreg [dreg:$0x12]  }
0x453: {  	[hbm4b:s15+s4] =	stream.linear.scatter [tilespmem:s29], [sflag:$0x5], $0x100, $0x200038;
	[tilespmem:$0x18000] =	vst v63  }
0x454: {  	s21 =	simm.s32 $0xC400;
	s9 =	sadd.s32 $0x800, s15  }
0x455: {  	[hbm4b:s9+s4] =	stream.linear.scatter [tilespmem:s21], [sflag:$0x5], $0x100, $0x200038;
	[tilespmem:$0x18000] =	vst v63  }
0x456: {  	s23 =	simm.s32 $0xC800;
	s22 =	sadd.s32 $0x1000, s15  }
0x457: {  	[hbm4b:s22+s4] =	stream.linear.scatter [tilespmem:s23], [sflag:$0x5], $0x100, $0x200038;
	[tilespmem:$0x18000] =	vst v63  }
0x458: {  	s25 =	simm.s32 $0xCC00;
	s24 =	sadd.s32 $0x1800, s15  }
0x459: {  	[hbm4b:s24+s4] =	stream.linear.scatter [tilespmem:s25], [sflag:$0x5], $0x100, $0x200038;
	[tilespmem:$0x18000] =	vst v63  }
0x45a: {  	s16 =	simm.s32 $0xD000;
	s13 =	sadd.s32 $0x2000, s15  }
0x45b: {  	[hbm4b:s13+s4] =	stream.linear.scatter [tilespmem:s16], [sflag:$0x5], $0x100, $0x200038;
	[tilespmem:$0x18000] =	vst v63  }
0x45c: {  	s20 =	sadd.s32 $0x2800, s15;
	s21 =	simm.s32 $0xD400  }
0x45d: {  	[hbm4b:s20+s4] =	stream.linear.scatter [tilespmem:s21], [sflag:$0x5], $0x100, $0x200038;
	[tilespmem:$0x18000] =	vst v63  }
0x45e: {  	s22 =	sadd.s32 $0x3000, s15;
	s23 =	simm.s32 $0xD800  }
0x45f: {  	[hbm4b:s22+s4] =	stream.linear.scatter [tilespmem:s23], [sflag:$0x5], $0x100, $0x200038;
	[tilespmem:$0x18000] =	vst v63  }
0x460: {  	s24 =	sadd.s32 $0x3800, s15;
	s25 =	simm.s32 $0xDC00  }
0x461: {  	[hbm4b:s24+s4] =	stream.linear.scatter [tilespmem:s25], [sflag:$0x5], $0x100, $0x200038;
	[tilespmem:$0x18000] =	vst v63  }
0x462: {  	s13 =	sadd.s32 $0x4000, s15;
	s16 =	simm.s32 $0xE000  }
0x463: {  	[hbm4b:s13+s4] =	stream.linear.scatter [tilespmem:s16], [sflag:$0x5], $0x100, $0x200038;
	[tilespmem:$0x18000] =	vst v63  }
0x464: {  	s20 =	sadd.s32 $0x4800, s15;
	s21 =	simm.s32 $0xE400  }
0x465: {  	[hbm4b:s20+s4] =	stream.linear.scatter [tilespmem:s21], [sflag:$0x5], $0x100, $0x200038;
	[tilespmem:$0x18000] =	vst v63  }
0x466: {  	s22 =	sadd.s32 $0x5000, s15;
	s23 =	simm.s32 $0xE800;
	s24 =	sadd.s32 $0x5800, s15  }
0x467: {  	[hbm4b:s22+s4] =	stream.linear.scatter [tilespmem:s23], [sflag:$0x5], $0x100, $0x200038;
	[tilespmem:$0x18000] =	vst v63  }
0x468: {  	s25 =	simm.s32 $0xEC00;
	s13 =	sadd.s32 $0x6000, s15;
	s16 =	simm.s32 $0xF000  }
0x469: {  	[hbm4b:s24+s4] =	stream.linear.scatter [tilespmem:s25], [sflag:$0x5], $0x100, $0x200038;
	[tilespmem:$0x18000] =	vst v63  }
0x46a: {  	s20 =	sadd.s32 $0x6800, s15;
	s21 =	simm.s32 $0xF400;
	s24 =	simm.s32 $0x100  }
0x46b: {  	s22 =	sadd.s32 $0x7000, s15;
	s25 =	simm.s32 $0x101;
	v26 =	vmov s24;
	s24 =	simm.s32 $0x10C  }
0x46c: {  	[hbm4b:s13+s4] =	stream.linear.scatter [tilespmem:s16], [sflag:$0x5], $0x100, $0x200038;
	[tilespmem:$0x18000] =	vst v63  }
0x46d: {  	v27 =	vmov s25;
	s25 =	simm.s32 $0x10A;
	s13 =	simm.s32 $0x102;
	s16 =	simm.s32 $0x103;
	v26 =	vshrl.u32 v26, $0x3  }
0x46e: {  	v27 =	vshrl.u32 v27, $0x3;
	v51 =	vmov s24;
	v52 =	vmov s25;
	[hbm4b:s20+s4] =	stream.linear.scatter [tilespmem:s21], [sflag:$0x5], $0x100, $0x200038;
	[tilespmem:$0x18000] =	vst v63  }
0x46f: {  	s23 =	simm.s32 $0xF800;
	s24 =	simm.s32 $0x106;
	v28 =	vmov s13;
	v29 =	vmov s16;
	v31 =	vshll.u32 v26, v3;
	s16 =	simm.s32 $0x10E  }
0x470: {  	v34 =	vshrl.u32 v51, $0x3;
	v27 =	vshll.u32 v27, v3;
	v35 =	vshrl.u32 v52, $0x3;
	[hbm4b:s22+s4] =	stream.linear.scatter [tilespmem:s23], [sflag:$0x5], $0x100, $0x200038;
	[tilespmem:$0x18000] =	vst v63  }
0x471: {  	v62 =	vmov s24;
	s21 =	simm.s32 $0x109;
	v53 =	vmov s16;
	v28 =	vshrl.u32 v28, $0x3;
	s22 =	simm.s32 $0x108  }
0x472: {  	s20 =	simm.s32 $0x104;
	v29 =	vshrl.u32 v29, $0x3;
	v49 =	vmov s21;
	s21 =	sadd.s32 $0x7800, s15;
	v26 =	vmov s22;
	s22 =	simm.s32 $0xFC00  }
0x473: {  	v34 =	vshll.u32 v34, v3;
	v31 =	vbroadcast v31, $0x0;
	v27 =	vbroadcast v27, $0x0;
	[hbm4b:s21+s4] =	stream.linear.scatter [tilespmem:s22], [sflag:$0x5], $0x100, $0x200038;
	[tilespmem:$0x18000] =	vst v63  }
0x474: {  	v35 =	vshll.u32 v35, v3;
	v30 =	vmov s20;
	v36 =	vshrl.u32 v53, $0x3;
	_ =	swait.ge [sflag:s2], $0x1000  }
0x475: {  	s20 =	simm.s32 $0x10D;
	v34 =	vbroadcast v34, $0x0;
	v47 =	vbroadcast v35, $0x0;
	v26 =	vshrl.u32 v26, $0x3;
	[sflag:s2] =	ssyncset.done $0x0  }
0x476: {  	s11 =	simm.s32 $0x90F0;
	v29 =	vshll.u32 v29, v3;
	v54 =	vmov s20;
	v26 =	vshll.u32 v26, v3;
	[sflag:s2] =	ssyncadd.s32 $0xFFFFF000  }
0x477: {  	v30 =	vshrl.u32 v30, $0x3;
	v58 =	vor.u32 v4, v27;
	v26 =	vbroadcast v26, $0x0;
	v56 =	vld [tilespmem:s11+$0xFFFFFF90]  }
0x478: {  	s23 =	simm.s32 $0x10B;
	v27 =	vshll.u32 v28, v3;
	v28 =	vshrl.u32 v49, $0x3;
	v31 =	vor.u32 v0, v31;
	v57 =	vld [tilespmem:s11+$0xFFFFFFF0]  }
0x479: {  	v50 =	vmov s23;
	v30 =	vshll.u32 v30, v3;
	v55 =	vor.u32 v0, v26;
	v59 =	vld [tilespmem:s11+$0xFFFFFF20]  }
0x47a: {  	v37 =	vshrl.u32 v54, $0x3;
	v28 =	vshll.u32 v28, v3;
	v30 =	vbroadcast v30, $0x0;
	v42 =	vld [tilespmem:s11+$0xFFFFFF10]  }
0x47b: {  	v44 =	vbroadcast v27, $0x0;
	v45 =	vbroadcast v28, $0x0;
	v26 =	vshll.u32 v36, v3;
	v27 =	vld [tilespmem:s11+$0xFFFFFF70]  }
0x47c: {  	s23 =	simm.s32 $0x105;
	v39 =	vor.u32 v7, v34;
	v30 =	vor.u32 v7, v30;
	v46 =	vld [tilespmem:s11+$0xFFFFFF50];
	v36 =	vbroadcast v26, $0x0  }
0x47d: {  	v37 =	vshll.u32 v37, v3;
	v43 =	vmov s23;
	v45 =	vor.u32 v4, v45;
	v60 =	vld [tilespmem:s11+$0xFFFFFFA0]  }
0x47e: {  	v43 =	vshrl.u32 v43, $0x3;
	v61 =	vbroadcast v37, $0x0;
	v37 =	vld [tilespmem:s11+$0xFFFFFFD0];
	v36 =	vor.u32 v9, v36;
	[tilespmem:v55+s29+$0x0] =	vst.idx.msk $0xffff, v56  }
0x47f: {  	v34 =	vor.u32 v5, v47;
	v33 =	vshrl.u32 v50, $0x3;
	v43 =	vshll.u32 v43, v3;
	v35 =	vld [tilespmem:s11+$0xFFFFFFE0];
	[tilespmem:v58+s29+$0x0] =	vst.idx.msk $0xffff, v59  }
0x480: {  	v28 =	vor.u32 v5, v44;
	v33 =	vshll.u32 v33, v3;
	v43 =	vbroadcast v43, $0x0;
	v32 =	vld [tilespmem:s11+$0xFFFFFFB0];
	[tilespmem:v31+s29+$0x0] =	vst.idx.msk $0xffff, v42  }
0x481: {  	v63 =	vbroadcast v33, $0x0;
	v38 =	vor.u32 v8, v61;
	v33 =	vld [tilespmem:s11+$0xFFFFFFC0];
	v31 =	vshrl.u32 v62, $0x3;
	[tilespmem:v30+s29+$0x0] =	vst.idx.msk $0xffff, v46  }
0x482: {  	s25 =	simm.s32 $0x107;
	v40 =	vbroadcast v29, $0x0;
	v29 =	vld [tilespmem:s11+$0xFFFFFF60];
	[tilespmem:v45+s29+$0x0] =	vst.idx.msk $0xffff, v60;
	v30 =	vshll.u32 v31, v3;
	v31 =	vor.u32 v8, v43  }
0x483: {  	s13 =	simm.s32 $0x91F0;
	s21 =	simm.s32 $0x110;
	s22 =	simm.s32 $0x10F;
	v26 =	vld [tilespmem:s11+$0xFFFFFF80];
	v41 =	vbroadcast v30, $0x0;
	v30 =	vor.u32 s25, v10;
	[tilespmem:v36+s29+$0x0] =	vst.idx.msk $0xffff, v57;
	v36 =	vor.u32 v6, v63  }
.LBB2_32:
0x484: {  	s9 =	sadd.s32 $0x1, s21  }
0x485: {  	v42 =	vmov s21;
	s15 =	sadd.s32 $0x2, s21;
	s16 =	sadd.s32 $0x3, s21;
	v43 =	vld [tilespmem:s13+$0xFFFFFF80];
	v40 =	vor.u32 v6, v40;
	[tilespmem:v39+s29+$0x0] =	vst.idx.msk $0xffff, v37;
	v37 =	vor.u32 s22, v10;
	s22 =	smov.u32 s21  }
0x486: {  	s23 =	sadd.s32 $0x6, s21;
	v39 =	vmov s9;
	v44 =	vmov s15;
	s9 =	sadd.s32 $0x4, s21;
	s15 =	sadd.s32 $0x9, s21;
	v41 =	vor.u32 v9, v41;
	[tilespmem:v38+s29+$0x0] =	vst.idx.msk $0xffff, v35;
	v35 =	vld [tilespmem:s11+$0x0]  }
0x487: {  	s24 =	sadd.s32 $0x5, s21;
	v38 =	vshrl.u32 v42, $0x3;
	v42 =	vmov s16;
	s16 =	sadd.s32 $0xA, s21;
	v45 =	vmov s9;
	s9 =	sadd.s32 $0x8, s21;
	v46 =	vld [tilespmem:s11+$0xFFFFFF30];
	[tilespmem:v34+s29+$0x0] =	vst.idx.msk $0xffff, v32  }
0x488: {  	s20 =	sadd.s32 $0xD, s21;
	v32 =	vshll.u32 v38, v3;
	v38 =	vmov s15;
	s15 =	sadd.s32 $0xC, s21;
	v34 =	vmov s9;
	s9 =	sadd.s32 $0xB, s21;
	v47 =	vld [tilespmem:s11+$0xFFFFFF40];
	[tilespmem:v36+s29+$0x0] =	vst.idx.msk $0xffff, v33  }
0x489: {  	p0 =	slt.u32 s21, $0x1F0;
	v33 =	vshrl.u32 v39, $0x3;
	v39 =	vmov s15;
	s21 =	sadd.s32 $0x10, s21;
	v36 =	vmov s9;
	s9 =	sadd.s32 $0xE, s22;
	[tilespmem:v31+s29+$0x0] =	vst.idx.msk $0xffff, v29  }
0x48a: {  	s11 =	smov.u32 s13;
	v29 =	vshrl.u32 v34, $0x3;
	v31 =	vmov s16;
	v34 =	vmov s9;
	[tilespmem:v30+s29+$0x0] =	vst.idx.msk $0xffff, v26;
	v26 =	vmovc v43  }
0x48b: {  	v30 =	vshrl.u32 v44, $0x3;
	v29 =	vshll.u32 v29, v3;
	v43 =	vmov s20;
	[tilespmem:v37+s29+$0x0] =	vst.idx.msk $0xffff, v35  }
0x48c: {  	v42 =	vshrl.u32 v42, $0x3;
	v29 =	vbroadcast v29, $0x0;
	v35 =	vshrl.u32 v43, $0x3;
	[tilespmem:v28+s29+$0x0] =	vst.idx.msk $0xffff, v46  }
0x48d: {  	v34 =	vshrl.u32 v34, $0x3;
	v28 =	vshrl.u32 v39, $0x3;
	v35 =	vshll.u32 v35, v3;
	[tilespmem:v40+s29+$0x0] =	vst.idx.msk $0xffff, v47  }
0x48e: {  	v36 =	vshrl.u32 v36, $0x3;
	v34 =	vshll.u32 v34, v3;
	v29 =	vor.u32 v0, v29;
	v37 =	vld [tilespmem:s13+$0xFFFFFF90];
	[tilespmem:v41+s29+$0x0] =	vst.idx.msk $0xffff, v27  }
0x48f: {  	v28 =	vshll.u32 v28, v3;
	v27 =	vshll.u32 v33, v3;
	v33 =	vbroadcast v34, $0x0  }
0x490: {  	v32 =	vbroadcast v32, $0x0;
	v31 =	vshrl.u32 v31, $0x3;
	v27 =	vbroadcast v27, $0x0  }
0x491: {  	v31 =	vshll.u32 v31, v3;
	v34 =	vshrl.u32 v45, $0x3;
	v33 =	vor.u32 v9, v33;
	v39 =	vld [tilespmem:s13+$0xFFFFFFF0]  }
0x492: {  	v41 =	vor.u32 v4, v27;
	v27 =	vshll.u32 v30, v3;
	v30 =	vshrl.u32 v38, $0x3;
	v40 =	vld [tilespmem:s13+$0xFFFFFF20]  }
0x493: {  	v34 =	vshll.u32 v34, v3;
	[tilespmem:v29+s29+$0x0] =	vst.idx.msk $0xffff, v37;
	v29 =	vshll.u32 v30, v3;
	v30 =	vbroadcast v28, $0x0  }
0x494: {  	v32 =	vor.u32 v0, v32;
	v28 =	vbroadcast v34, $0x0;
	v34 =	vmov s24;
	v38 =	vld [tilespmem:s13+$0xFFFFFF10]  }
0x495: {  	v37 =	vbroadcast v27, $0x0;
	v34 =	vshrl.u32 v34, $0x3;
	v29 =	vbroadcast v29, $0x0;
	v27 =	vld [tilespmem:s13+$0xFFFFFF70]  }
0x496: {  	v31 =	vbroadcast v31, $0x0;
	v44 =	vor.u32 v7, v28;
	v34 =	vshll.u32 v34, v3;
	v43 =	vld [tilespmem:s13+$0xFFFFFF50];
	[tilespmem:v33+s29+$0x0] =	vst.idx.msk $0xffff, v39  }
0x497: {  	v28 =	vor.u32 v5, v37;
	v46 =	vor.u32 v4, v29;
	v29 =	vbroadcast v35, $0x0;
	[tilespmem:v41+s29+$0x0] =	vst.idx.msk $0xffff, v40;
	v45 =	vld [tilespmem:s13+$0xFFFFFFA0]  }
.Ltmp15:
0x498: {  	v33 =	vshll.u32 v36, v3;
	v39 =	vor.u32 v7, v30;
	v41 =	vbroadcast v34, $0x0;
	v37 =	vld [tilespmem:s13+$0xFFFFFFD0];
	(pc) =	sbr.rel @p0 .LBB2_32-.Ltmp15, $4  }
0x499: {  	v30 =	vmov s23;
	v36 =	vbroadcast v33, $0x0;
	[tilespmem:v32+s29+$0x0] =	vst.idx.msk $0xffff, v38;
	v35 =	vld [tilespmem:s13+$0xFFFFFFE0];
	v38 =	vor.u32 v8, v29  }
0x49a: {  	v30 =	vshrl.u32 v30, $0x3;
	v34 =	vor.u32 v5, v31;
	v29 =	vshll.u32 v42, v3;
	v32 =	vld [tilespmem:s13+$0xFFFFFFB0]  }
0x49b: {  	s9 =	sadd.s32 $0x7, s22;
	v30 =	vshll.u32 v30, v3;
	v36 =	vor.u32 v6, v36;
	v40 =	vbroadcast v29, $0x0;
	[tilespmem:v44+s29+$0x0] =	vst.idx.msk $0xffff, v43;
	v33 =	vld [tilespmem:s13+$0xFFFFFFC0]  }
0x49c: {  	s22 =	sadd.s32 $0xF, s22;
	v31 =	vor.u32 v8, v41;
	v41 =	vbroadcast v30, $0x0;
	v30 =	vor.u32 s9, v10;
	s13 =	sadd.s32 $0x100, s13;
	v29 =	vld [tilespmem:s11+$0xFFFFFF60];
	[tilespmem:v46+s29+$0x0] =	vst.idx.msk $0xffff, v45  }
0x49d: {  	_ =	sdelay $0x3  }
0x49e: {  	[tilespmem:v39+s29+$0x0] =	vst.idx.msk $0xffff, v37  }
0x49f: {  	v43 =	vor.u32 s22, v10;
	v44 =	vld [tilespmem:s11+$0x0];
	[tilespmem:v30+s29+$0x0] =	vst.idx.msk $0xffff, v26  }
0x4a0: {  	v45 =	vld [tilespmem:s11+$0xFFFFFF30];
	[tilespmem:v38+s29+$0x0] =	vst.idx.msk $0xffff, v35  }
0x4a1: {  	v46 =	vor.u32 v6, v40;
	v47 =	vld [tilespmem:s11+$0xFFFFFF40];
	[tilespmem:v34+s29+$0x0] =	vst.idx.msk $0xffff, v32  }
0x4a2: {  	v48 =	vor.u32 v9, v41;
	[tilespmem:v36+s29+$0x0] =	vst.idx.msk $0xffff, v33  }
0x4a3: {  	[tilespmem:v31+s29+$0x0] =	vst.idx.msk $0xffff, v29  }
0x4a4: {  	[tilespmem:v43+s29+$0x0] =	vst.idx.msk $0xffff, v44  }
0x4a5: {  	[tilespmem:v28+s29+$0x0] =	vst.idx.msk $0xffff, v45  }
0x4a6: {  	[tilespmem:v46+s29+$0x0] =	vst.idx.msk $0xffff, v47  }
0x4a7: {  	s9 =	simm.s32 $0xC100;
	[tilespmem:v48+s29+$0x0] =	vst.idx.msk $0xffff, v27  }
0x4a8: {  	[hbm4b:s17+s4] =	stream.linear.scatter [tilespmem:s9], [sflag:$0x5], $0x100, $0x200038;
	[tilespmem:$0x18000] =	vst v63  }
0x4a9: {  	s22 =	sadd.s32 $0x800, s17;
	s23 =	simm.s32 $0xC500  }
0x4aa: {  	[hbm4b:s22+s4] =	stream.linear.scatter [tilespmem:s23], [sflag:$0x5], $0x100, $0x200038;
	[tilespmem:$0x18000] =	vst v63  }
0x4ab: {  	s24 =	sadd.s32 $0x1000, s17;
	s25 =	simm.s32 $0xC900  }
0x4ac: {  	[hbm4b:s24+s4] =	stream.linear.scatter [tilespmem:s25], [sflag:$0x5], $0x100, $0x200038;
	[tilespmem:$0x18000] =	vst v63  }
0x4ad: {  	s11 =	sadd.s32 $0x1800, s17;
	s13 =	simm.s32 $0xCD00  }
0x4ae: {  	[hbm4b:s11+s4] =	stream.linear.scatter [tilespmem:s13], [sflag:$0x5], $0x100, $0x200038;
	[tilespmem:$0x18000] =	vst v63  }
0x4af: {  	s15 =	sadd.s32 $0x2000, s17;
	s16 =	simm.s32 $0xD100  }
0x4b0: {  	[hbm4b:s15+s4] =	stream.linear.scatter [tilespmem:s16], [sflag:$0x5], $0x100, $0x200038;
	[tilespmem:$0x18000] =	vst v63  }
0x4b1: {  	s20 =	sadd.s32 $0x2800, s17;
	s21 =	simm.s32 $0xD500  }
0x4b2: {  	[hbm4b:s20+s4] =	stream.linear.scatter [tilespmem:s21], [sflag:$0x5], $0x100, $0x200038;
	[tilespmem:$0x18000] =	vst v63  }
0x4b3: {  	s22 =	sadd.s32 $0x3000, s17;
	s23 =	simm.s32 $0xD900  }
0x4b4: {  	[hbm4b:s22+s4] =	stream.linear.scatter [tilespmem:s23], [sflag:$0x5], $0x100, $0x200038;
	[tilespmem:$0x18000] =	vst v63  }
0x4b5: {  	s24 =	sadd.s32 $0x3800, s17;
	s25 =	simm.s32 $0xDD00;
	s11 =	sadd.s32 $0x4000, s17  }
0x4b6: {  	[hbm4b:s24+s4] =	stream.linear.scatter [tilespmem:s25], [sflag:$0x5], $0x100, $0x200038;
	[tilespmem:$0x18000] =	vst v63  }
0x4b7: {  	s13 =	simm.s32 $0xE100;
	s15 =	sadd.s32 $0x4800, s17;
	s16 =	simm.s32 $0xE500  }
0x4b8: {  	[hbm4b:s11+s4] =	stream.linear.scatter [tilespmem:s13], [sflag:$0x5], $0x100, $0x200038;
	[tilespmem:$0x18000] =	vst v63  }
0x4b9: {  	s20 =	sadd.s32 $0x5000, s17;
	s21 =	simm.s32 $0xE900;
	s22 =	sadd.s32 $0x5800, s17  }
0x4ba: {  	[hbm4b:s15+s4] =	stream.linear.scatter [tilespmem:s16], [sflag:$0x5], $0x100, $0x200038;
	[tilespmem:$0x18000] =	vst v63  }
0x4bb: {  	s23 =	simm.s32 $0xED00;
	s24 =	sadd.s32 $0x6000, s17;
	s25 =	simm.s32 $0xF100  }
0x4bc: {  	[hbm4b:s20+s4] =	stream.linear.scatter [tilespmem:s21], [sflag:$0x5], $0x100, $0x200038;
	[tilespmem:$0x18000] =	vst v63  }
0x4bd: {  	s11 =	sadd.s32 $0x6800, s17;
	s13 =	simm.s32 $0xF500;
	s20 =	simm.s32 $0x200  }
0x4be: {  	[hbm4b:s22+s4] =	stream.linear.scatter [tilespmem:s23], [sflag:$0x5], $0x100, $0x200038;
	[tilespmem:$0x18000] =	vst v63  }
0x4bf: {  	s21 =	simm.s32 $0x201;
	v26 =	vmov s20;
	s20 =	simm.s32 $0x20D;
	s22 =	simm.s32 $0x203  }
0x4c0: {  	v27 =	vmov s21;
	v26 =	vshrl.u32 v26, $0x3;
	[hbm4b:s24+s4] =	stream.linear.scatter [tilespmem:s25], [sflag:$0x5], $0x100, $0x200038;
	[tilespmem:$0x18000] =	vst v63  }
0x4c1: {  	s15 =	sadd.s32 $0x7000, s17;
	s16 =	simm.s32 $0xF900;
	s23 =	simm.s32 $0x204;
	v27 =	vshrl.u32 v27, $0x3;
	v54 =	vmov s20;
	v29 =	vmov s22  }
0x4c2: {  	v30 =	vmov s23;
	v31 =	vshll.u32 v26, v3;
	v37 =	vshrl.u32 v54, $0x3;
	[hbm4b:s11+s4] =	stream.linear.scatter [tilespmem:s13], [sflag:$0x5], $0x100, $0x200038;
	[tilespmem:$0x18000] =	vst v63  }
0x4c3: {  	s21 =	sadd.s32 $0x7800, s17;
	v27 =	vshll.u32 v27, v3;
	s23 =	simm.s32 $0x205;
	s25 =	simm.s32 $0x208;
	v29 =	vshrl.u32 v29, $0x3;
	v37 =	vshll.u32 v37, v3  }
0x4c4: {  	v31 =	vbroadcast v31, $0x0;
	v27 =	vbroadcast v27, $0x0;
	v26 =	vmov s25;
	[hbm4b:s15+s4] =	stream.linear.scatter [tilespmem:s16], [sflag:$0x5], $0x100, $0x200038;
	[tilespmem:$0x18000] =	vst v63  }
0x4c5: {  	s22 =	simm.s32 $0xFD00;
	s24 =	simm.s32 $0x209;
	v30 =	vshrl.u32 v30, $0x3;
	v43 =	vmov s23;
	v26 =	vshrl.u32 v26, $0x3;
	s16 =	simm.s32 $0x20E  }
0x4c6: {  	v49 =	vmov s24;
	v30 =	vshll.u32 v30, v3;
	v26 =	vshll.u32 v26, v3;
	[hbm4b:s21+s4] =	stream.linear.scatter [tilespmem:s22], [sflag:$0x5], $0x100, $0x200038;
	[tilespmem:$0x18000] =	vst v63  }
0x4c7: {  	v43 =	vshrl.u32 v43, $0x3;
	v26 =	vbroadcast v26, $0x0;
	v53 =	vmov s16;
	_ =	swait.ge [sflag:s26], $0x1000  }
0x4c8: {  	v61 =	vbroadcast v37, $0x0;
	v29 =	vshll.u32 v29, v3;
	s11 =	simm.s32 $0x20B;
	v36 =	vshrl.u32 v53, $0x3;
	[sflag:s26] =	ssyncset.done $0x0  }
0x4c9: {  	v50 =	vmov s11;
	s11 =	simm.s32 $0xA0F0;
	v55 =	vor.u32 v0, v26;
	v26 =	vshll.u32 v36, v3;
	[sflag:s26] =	ssyncadd.s32 $0xFFFFF000  }
0x4ca: {  	s13 =	simm.s32 $0x202;
	v58 =	vor.u32 v4, v27;
	v31 =	vor.u32 v0, v31;
	v36 =	vbroadcast v26, $0x0;
	v26 =	vld [tilespmem:s11+$0xFFFFFF80]  }
0x4cb: {  	s24 =	simm.s32 $0x206;
	v30 =	vbroadcast v30, $0x0;
	v43 =	vshll.u32 v43, v3;
	v28 =	vmov s13;
	s13 =	simm.s32 $0x20C;
	v56 =	vld [tilespmem:s11+$0xFFFFFF90]  }
0x4cc: {  	v62 =	vmov s24;
	v51 =	vmov s13;
	v28 =	vshrl.u32 v28, $0x3;
	v57 =	vld [tilespmem:s11+$0xFFFFFFF0]  }
0x4cd: {  	s15 =	simm.s32 $0x20A;
	v27 =	vshll.u32 v28, v3;
	v28 =	vshrl.u32 v49, $0x3;
	v36 =	vor.u32 v9, v36;
	v59 =	vld [tilespmem:s11+$0xFFFFFF20]  }
0x4ce: {  	v33 =	vshrl.u32 v50, $0x3;
	v52 =	vmov s15;
	v28 =	vshll.u32 v28, v3;
	v42 =	vld [tilespmem:s11+$0xFFFFFF10]  }
0x4cf: {  	v34 =	vshrl.u32 v51, $0x3;
	v44 =	vbroadcast v27, $0x0;
	v45 =	vbroadcast v28, $0x0;
	v27 =	vld [tilespmem:s11+$0xFFFFFF70]  }
0x4d0: {  	v30 =	vor.u32 v7, v30;
	v34 =	vshll.u32 v34, v3;
	v35 =	vshrl.u32 v52, $0x3;
	v46 =	vld [tilespmem:s11+$0xFFFFFF50]  }
0x4d1: {  	v35 =	vshll.u32 v35, v3;
	v34 =	vbroadcast v34, $0x0;
	v45 =	vor.u32 v4, v45;
	v60 =	vld [tilespmem:s11+$0xFFFFFFA0];
	[tilespmem:v55+s29+$0x0] =	vst.idx.msk $0xffff, v56  }
0x4d2: {  	v43 =	vbroadcast v43, $0x0;
	v33 =	vshll.u32 v33, v3;
	v47 =	vbroadcast v35, $0x0;
	v37 =	vld [tilespmem:s11+$0xFFFFFFD0];
	[tilespmem:v36+s29+$0x0] =	vst.idx.msk $0xffff, v57  }
0x4d3: {  	v38 =	vor.u32 v8, v61;
	v63 =	vbroadcast v33, $0x0;
	v39 =	vor.u32 v7, v34;
	v35 =	vld [tilespmem:s11+$0xFFFFFFE0];
	[tilespmem:v58+s29+$0x0] =	vst.idx.msk $0xffff, v59  }
0x4d4: {  	v28 =	vor.u32 v5, v44;
	v32 =	vld [tilespmem:s11+$0xFFFFFFB0];
	v34 =	vor.u32 v5, v47;
	[tilespmem:v31+s29+$0x0] =	vst.idx.msk $0xffff, v42;
	v31 =	vshrl.u32 v62, $0x3  }
0x4d5: {  	s25 =	simm.s32 $0x207;
	v40 =	vbroadcast v29, $0x0;
	v33 =	vld [tilespmem:s11+$0xFFFFFFC0];
	[tilespmem:v30+s29+$0x0] =	vst.idx.msk $0xffff, v46;
	v36 =	vor.u32 v6, v63;
	v30 =	vshll.u32 v31, v3  }
0x4d6: {  	s13 =	simm.s32 $0xA1F0;
	s21 =	simm.s32 $0x210;
	s22 =	simm.s32 $0x20F;
	v29 =	vld [tilespmem:s11+$0xFFFFFF60];
	[tilespmem:v45+s29+$0x0] =	vst.idx.msk $0xffff, v60;
	v31 =	vor.u32 v8, v43;
	v41 =	vbroadcast v30, $0x0;
	v30 =	vor.u32 s25, v10  }
.LBB2_34:
0x4d7: {  	s9 =	sadd.s32 $0x1, s21  }
0x4d8: {  	v42 =	vmov s21;
	s15 =	sadd.s32 $0x2, s21;
	s16 =	sadd.s32 $0x3, s21;
	v43 =	vld [tilespmem:s13+$0xFFFFFF80];
	v40 =	vor.u32 v6, v40;
	[tilespmem:v39+s29+$0x0] =	vst.idx.msk $0xffff, v37;
	v37 =	vor.u32 s22, v10;
	s22 =	smov.u32 s21  }
0x4d9: {  	s23 =	sadd.s32 $0x6, s21;
	v39 =	vmov s9;
	v44 =	vmov s15;
	s9 =	sadd.s32 $0x4, s21;
	s15 =	sadd.s32 $0x9, s21;
	v41 =	vor.u32 v9, v41;
	[tilespmem:v38+s29+$0x0] =	vst.idx.msk $0xffff, v35;
	v35 =	vld [tilespmem:s11+$0x0]  }
0x4da: {  	s24 =	sadd.s32 $0x5, s21;
	v38 =	vshrl.u32 v42, $0x3;
	v42 =	vmov s16;
	s16 =	sadd.s32 $0xA, s21;
	v45 =	vmov s9;
	s9 =	sadd.s32 $0x8, s21;
	v46 =	vld [tilespmem:s11+$0xFFFFFF30];
	[tilespmem:v34+s29+$0x0] =	vst.idx.msk $0xffff, v32  }
0x4db: {  	s20 =	sadd.s32 $0xD, s21;
	v32 =	vshll.u32 v38, v3;
	v38 =	vmov s15;
	s15 =	sadd.s32 $0xC, s21;
	v34 =	vmov s9;
	s9 =	sadd.s32 $0xB, s21;
	v47 =	vld [tilespmem:s11+$0xFFFFFF40];
	[tilespmem:v36+s29+$0x0] =	vst.idx.msk $0xffff, v33  }
0x4dc: {  	p0 =	slt.u32 s21, $0x2F0;
	v33 =	vshrl.u32 v39, $0x3;
	v39 =	vmov s15;
	s21 =	sadd.s32 $0x10, s21;
	v36 =	vmov s9;
	s9 =	sadd.s32 $0xE, s22;
	[tilespmem:v31+s29+$0x0] =	vst.idx.msk $0xffff, v29  }
0x4dd: {  	s11 =	smov.u32 s13;
	v29 =	vshrl.u32 v34, $0x3;
	v31 =	vmov s16;
	v34 =	vmov s9;
	[tilespmem:v30+s29+$0x0] =	vst.idx.msk $0xffff, v26;
	v26 =	vmovc v43  }
0x4de: {  	v30 =	vshrl.u32 v44, $0x3;
	v29 =	vshll.u32 v29, v3;
	v43 =	vmov s20;
	[tilespmem:v37+s29+$0x0] =	vst.idx.msk $0xffff, v35  }
0x4df: {  	v42 =	vshrl.u32 v42, $0x3;
	v29 =	vbroadcast v29, $0x0;
	v35 =	vshrl.u32 v43, $0x3;
	[tilespmem:v28+s29+$0x0] =	vst.idx.msk $0xffff, v46  }
0x4e0: {  	v34 =	vshrl.u32 v34, $0x3;
	v28 =	vshrl.u32 v39, $0x3;
	v35 =	vshll.u32 v35, v3;
	[tilespmem:v40+s29+$0x0] =	vst.idx.msk $0xffff, v47  }
0x4e1: {  	v36 =	vshrl.u32 v36, $0x3;
	v34 =	vshll.u32 v34, v3;
	v29 =	vor.u32 v0, v29;
	v37 =	vld [tilespmem:s13+$0xFFFFFF90];
	[tilespmem:v41+s29+$0x0] =	vst.idx.msk $0xffff, v27  }
0x4e2: {  	v28 =	vshll.u32 v28, v3;
	v27 =	vshll.u32 v33, v3;
	v33 =	vbroadcast v34, $0x0  }
0x4e3: {  	v32 =	vbroadcast v32, $0x0;
	v31 =	vshrl.u32 v31, $0x3;
	v27 =	vbroadcast v27, $0x0  }
0x4e4: {  	v31 =	vshll.u32 v31, v3;
	v34 =	vshrl.u32 v45, $0x3;
	v33 =	vor.u32 v9, v33;
	v39 =	vld [tilespmem:s13+$0xFFFFFFF0]  }
0x4e5: {  	v41 =	vor.u32 v4, v27;
	v27 =	vshll.u32 v30, v3;
	v30 =	vshrl.u32 v38, $0x3;
	v40 =	vld [tilespmem:s13+$0xFFFFFF20]  }
0x4e6: {  	v34 =	vshll.u32 v34, v3;
	[tilespmem:v29+s29+$0x0] =	vst.idx.msk $0xffff, v37;
	v29 =	vshll.u32 v30, v3;
	v30 =	vbroadcast v28, $0x0  }
0x4e7: {  	v32 =	vor.u32 v0, v32;
	v28 =	vbroadcast v34, $0x0;
	v34 =	vmov s24;
	v38 =	vld [tilespmem:s13+$0xFFFFFF10]  }
0x4e8: {  	v37 =	vbroadcast v27, $0x0;
	v34 =	vshrl.u32 v34, $0x3;
	v29 =	vbroadcast v29, $0x0;
	v27 =	vld [tilespmem:s13+$0xFFFFFF70]  }
0x4e9: {  	v31 =	vbroadcast v31, $0x0;
	v44 =	vor.u32 v7, v28;
	v34 =	vshll.u32 v34, v3;
	v43 =	vld [tilespmem:s13+$0xFFFFFF50];
	[tilespmem:v33+s29+$0x0] =	vst.idx.msk $0xffff, v39  }
0x4ea: {  	v28 =	vor.u32 v5, v37;
	v46 =	vor.u32 v4, v29;
	v29 =	vbroadcast v35, $0x0;
	[tilespmem:v41+s29+$0x0] =	vst.idx.msk $0xffff, v40;
	v45 =	vld [tilespmem:s13+$0xFFFFFFA0]  }
.Ltmp16:
0x4eb: {  	v33 =	vshll.u32 v36, v3;
	v39 =	vor.u32 v7, v30;
	v41 =	vbroadcast v34, $0x0;
	v37 =	vld [tilespmem:s13+$0xFFFFFFD0];
	(pc) =	sbr.rel @p0 .LBB2_34-.Ltmp16, $4  }
0x4ec: {  	v30 =	vmov s23;
	v36 =	vbroadcast v33, $0x0;
	[tilespmem:v32+s29+$0x0] =	vst.idx.msk $0xffff, v38;
	v35 =	vld [tilespmem:s13+$0xFFFFFFE0];
	v38 =	vor.u32 v8, v29  }
0x4ed: {  	v30 =	vshrl.u32 v30, $0x3;
	v34 =	vor.u32 v5, v31;
	v29 =	vshll.u32 v42, v3;
	v32 =	vld [tilespmem:s13+$0xFFFFFFB0]  }
0x4ee: {  	s9 =	sadd.s32 $0x7, s22;
	v30 =	vshll.u32 v30, v3;
	v36 =	vor.u32 v6, v36;
	v40 =	vbroadcast v29, $0x0;
	[tilespmem:v44+s29+$0x0] =	vst.idx.msk $0xffff, v43;
	v33 =	vld [tilespmem:s13+$0xFFFFFFC0]  }
0x4ef: {  	s22 =	sadd.s32 $0xF, s22;
	v31 =	vor.u32 v8, v41;
	v41 =	vbroadcast v30, $0x0;
	v30 =	vor.u32 s9, v10;
	s13 =	sadd.s32 $0x100, s13;
	v29 =	vld [tilespmem:s11+$0xFFFFFF60];
	[tilespmem:v46+s29+$0x0] =	vst.idx.msk $0xffff, v45  }
0x4f0: {  	_ =	sdelay $0x3  }
0x4f1: {  	[tilespmem:v39+s29+$0x0] =	vst.idx.msk $0xffff, v37  }
0x4f2: {  	v43 =	vor.u32 s22, v10;
	v44 =	vld [tilespmem:s11+$0x0];
	[tilespmem:v30+s29+$0x0] =	vst.idx.msk $0xffff, v26  }
0x4f3: {  	v45 =	vld [tilespmem:s11+$0xFFFFFF30];
	[tilespmem:v38+s29+$0x0] =	vst.idx.msk $0xffff, v35  }
0x4f4: {  	v46 =	vor.u32 v6, v40;
	v47 =	vld [tilespmem:s11+$0xFFFFFF40];
	[tilespmem:v34+s29+$0x0] =	vst.idx.msk $0xffff, v32  }
0x4f5: {  	v48 =	vor.u32 v9, v41;
	[tilespmem:v36+s29+$0x0] =	vst.idx.msk $0xffff, v33  }
0x4f6: {  	[tilespmem:v31+s29+$0x0] =	vst.idx.msk $0xffff, v29  }
0x4f7: {  	[tilespmem:v43+s29+$0x0] =	vst.idx.msk $0xffff, v44  }
0x4f8: {  	[tilespmem:v28+s29+$0x0] =	vst.idx.msk $0xffff, v45  }
0x4f9: {  	[tilespmem:v46+s29+$0x0] =	vst.idx.msk $0xffff, v47  }
0x4fa: {  	s9 =	simm.s32 $0xC200;
	[tilespmem:v48+s29+$0x0] =	vst.idx.msk $0xffff, v27  }
0x4fb: {  	[hbm4b:s18+s4] =	stream.linear.scatter [tilespmem:s9], [sflag:$0x5], $0x100, $0x200038;
	[tilespmem:$0x18000] =	vst v63  }
0x4fc: {  	s22 =	sadd.s32 $0x800, s18;
	s23 =	simm.s32 $0xC600  }
0x4fd: {  	[hbm4b:s22+s4] =	stream.linear.scatter [tilespmem:s23], [sflag:$0x5], $0x100, $0x200038;
	[tilespmem:$0x18000] =	vst v63  }
0x4fe: {  	s24 =	sadd.s32 $0x1000, s18;
	s25 =	simm.s32 $0xCA00  }
0x4ff: {  	[hbm4b:s24+s4] =	stream.linear.scatter [tilespmem:s25], [sflag:$0x5], $0x100, $0x200038;
	[tilespmem:$0x18000] =	vst v63  }
0x500: {  	s11 =	sadd.s32 $0x1800, s18;
	s13 =	simm.s32 $0xCE00  }
0x501: {  	[hbm4b:s11+s4] =	stream.linear.scatter [tilespmem:s13], [sflag:$0x5], $0x100, $0x200038;
	[tilespmem:$0x18000] =	vst v63  }
0x502: {  	s15 =	sadd.s32 $0x2000, s18;
	s16 =	simm.s32 $0xD200  }
0x503: {  	[hbm4b:s15+s4] =	stream.linear.scatter [tilespmem:s16], [sflag:$0x5], $0x100, $0x200038;
	[tilespmem:$0x18000] =	vst v63  }
0x504: {  	s20 =	sadd.s32 $0x2800, s18;
	s21 =	simm.s32 $0xD600  }
0x505: {  	[hbm4b:s20+s4] =	stream.linear.scatter [tilespmem:s21], [sflag:$0x5], $0x100, $0x200038;
	[tilespmem:$0x18000] =	vst v63  }
0x506: {  	s22 =	sadd.s32 $0x3000, s18;
	s23 =	simm.s32 $0xDA00  }
0x507: {  	[hbm4b:s22+s4] =	stream.linear.scatter [tilespmem:s23], [sflag:$0x5], $0x100, $0x200038;
	[tilespmem:$0x18000] =	vst v63  }
0x508: {  	s24 =	sadd.s32 $0x3800, s18;
	s25 =	simm.s32 $0xDE00;
	s11 =	sadd.s32 $0x4000, s18  }
0x509: {  	[hbm4b:s24+s4] =	stream.linear.scatter [tilespmem:s25], [sflag:$0x5], $0x100, $0x200038;
	[tilespmem:$0x18000] =	vst v63  }
0x50a: {  	s13 =	simm.s32 $0xE200;
	s15 =	sadd.s32 $0x4800, s18;
	s16 =	simm.s32 $0xE600  }
0x50b: {  	[hbm4b:s11+s4] =	stream.linear.scatter [tilespmem:s13], [sflag:$0x5], $0x100, $0x200038;
	[tilespmem:$0x18000] =	vst v63  }
0x50c: {  	s20 =	sadd.s32 $0x5000, s18;
	s21 =	simm.s32 $0xEA00;
	s22 =	sadd.s32 $0x5800, s18  }
0x50d: {  	[hbm4b:s15+s4] =	stream.linear.scatter [tilespmem:s16], [sflag:$0x5], $0x100, $0x200038;
	[tilespmem:$0x18000] =	vst v63  }
0x50e: {  	s23 =	simm.s32 $0xEE00;
	s24 =	sadd.s32 $0x6000, s18;
	s25 =	simm.s32 $0xF200  }
0x50f: {  	[hbm4b:s20+s4] =	stream.linear.scatter [tilespmem:s21], [sflag:$0x5], $0x100, $0x200038;
	[tilespmem:$0x18000] =	vst v63  }
0x510: {  	s11 =	sadd.s32 $0x6800, s18;
	s13 =	simm.s32 $0xF600;
	s20 =	simm.s32 $0x300  }
0x511: {  	[hbm4b:s22+s4] =	stream.linear.scatter [tilespmem:s23], [sflag:$0x5], $0x100, $0x200038;
	[tilespmem:$0x18000] =	vst v63  }
0x512: {  	s21 =	simm.s32 $0x301;
	v26 =	vmov s20;
	s20 =	simm.s32 $0x30D;
	s22 =	simm.s32 $0x303  }
0x513: {  	v27 =	vmov s21;
	v26 =	vshrl.u32 v26, $0x3;
	[hbm4b:s24+s4] =	stream.linear.scatter [tilespmem:s25], [sflag:$0x5], $0x100, $0x200038;
	[tilespmem:$0x18000] =	vst v63  }
0x514: {  	s15 =	sadd.s32 $0x7000, s18;
	s16 =	simm.s32 $0xFA00;
	s23 =	simm.s32 $0x304;
	v27 =	vshrl.u32 v27, $0x3;
	v54 =	vmov s20;
	v29 =	vmov s22  }
0x515: {  	v30 =	vmov s23;
	v31 =	vshll.u32 v26, v3;
	v37 =	vshrl.u32 v54, $0x3;
	[hbm4b:s11+s4] =	stream.linear.scatter [tilespmem:s13], [sflag:$0x5], $0x100, $0x200038;
	[tilespmem:$0x18000] =	vst v63  }
0x516: {  	s21 =	sadd.s32 $0x7800, s18;
	v27 =	vshll.u32 v27, v3;
	s23 =	simm.s32 $0x305;
	s25 =	simm.s32 $0x308;
	v29 =	vshrl.u32 v29, $0x3;
	v37 =	vshll.u32 v37, v3  }
0x517: {  	v31 =	vbroadcast v31, $0x0;
	v27 =	vbroadcast v27, $0x0;
	v26 =	vmov s25;
	[hbm4b:s15+s4] =	stream.linear.scatter [tilespmem:s16], [sflag:$0x5], $0x100, $0x200038;
	[tilespmem:$0x18000] =	vst v63  }
0x518: {  	s22 =	simm.s32 $0xFE00;
	s24 =	simm.s32 $0x309;
	v30 =	vshrl.u32 v30, $0x3;
	v43 =	vmov s23;
	v26 =	vshrl.u32 v26, $0x3;
	s16 =	simm.s32 $0x30E  }
0x519: {  	v49 =	vmov s24;
	v30 =	vshll.u32 v30, v3;
	v26 =	vshll.u32 v26, v3;
	[hbm4b:s21+s4] =	stream.linear.scatter [tilespmem:s22], [sflag:$0x5], $0x100, $0x200038;
	[tilespmem:$0x18000] =	vst v63  }
0x51a: {  	v43 =	vshrl.u32 v43, $0x3;
	v26 =	vbroadcast v26, $0x0;
	v53 =	vmov s16;
	_ =	swait.ge [sflag:s28], $0x1000  }
0x51b: {  	v61 =	vbroadcast v37, $0x0;
	v29 =	vshll.u32 v29, v3;
	s11 =	simm.s32 $0x30B;
	v36 =	vshrl.u32 v53, $0x3;
	[sflag:s28] =	ssyncset.done $0x0  }
0x51c: {  	v50 =	vmov s11;
	s11 =	simm.s32 $0xB0F0;
	v55 =	vor.u32 v0, v26;
	v26 =	vshll.u32 v36, v3;
	[sflag:s28] =	ssyncadd.s32 $0xFFFFF000  }
0x51d: {  	s13 =	simm.s32 $0x302;
	v58 =	vor.u32 v4, v27;
	v31 =	vor.u32 v0, v31;
	v36 =	vbroadcast v26, $0x0;
	v26 =	vld [tilespmem:s11+$0xFFFFFF80]  }
0x51e: {  	s24 =	simm.s32 $0x306;
	v30 =	vbroadcast v30, $0x0;
	v43 =	vshll.u32 v43, v3;
	v28 =	vmov s13;
	s13 =	simm.s32 $0x30C;
	v56 =	vld [tilespmem:s11+$0xFFFFFF90]  }
0x51f: {  	v62 =	vmov s24;
	v51 =	vmov s13;
	v28 =	vshrl.u32 v28, $0x3;
	v57 =	vld [tilespmem:s11+$0xFFFFFFF0]  }
0x520: {  	s15 =	simm.s32 $0x30A;
	v27 =	vshll.u32 v28, v3;
	v28 =	vshrl.u32 v49, $0x3;
	v36 =	vor.u32 v9, v36;
	v59 =	vld [tilespmem:s11+$0xFFFFFF20]  }
0x521: {  	v33 =	vshrl.u32 v50, $0x3;
	v52 =	vmov s15;
	v28 =	vshll.u32 v28, v3;
	v42 =	vld [tilespmem:s11+$0xFFFFFF10]  }
0x522: {  	v34 =	vshrl.u32 v51, $0x3;
	v44 =	vbroadcast v27, $0x0;
	v45 =	vbroadcast v28, $0x0;
	v27 =	vld [tilespmem:s11+$0xFFFFFF70]  }
0x523: {  	v30 =	vor.u32 v7, v30;
	v34 =	vshll.u32 v34, v3;
	v35 =	vshrl.u32 v52, $0x3;
	v46 =	vld [tilespmem:s11+$0xFFFFFF50]  }
0x524: {  	v35 =	vshll.u32 v35, v3;
	v34 =	vbroadcast v34, $0x0;
	v45 =	vor.u32 v4, v45;
	v60 =	vld [tilespmem:s11+$0xFFFFFFA0];
	[tilespmem:v55+s29+$0x0] =	vst.idx.msk $0xffff, v56  }
0x525: {  	v43 =	vbroadcast v43, $0x0;
	v33 =	vshll.u32 v33, v3;
	v47 =	vbroadcast v35, $0x0;
	v37 =	vld [tilespmem:s11+$0xFFFFFFD0];
	[tilespmem:v36+s29+$0x0] =	vst.idx.msk $0xffff, v57  }
0x526: {  	v38 =	vor.u32 v8, v61;
	v63 =	vbroadcast v33, $0x0;
	v39 =	vor.u32 v7, v34;
	v35 =	vld [tilespmem:s11+$0xFFFFFFE0];
	[tilespmem:v58+s29+$0x0] =	vst.idx.msk $0xffff, v59  }
0x527: {  	v28 =	vor.u32 v5, v44;
	v32 =	vld [tilespmem:s11+$0xFFFFFFB0];
	v34 =	vor.u32 v5, v47;
	[tilespmem:v31+s29+$0x0] =	vst.idx.msk $0xffff, v42;
	v31 =	vshrl.u32 v62, $0x3  }
0x528: {  	s25 =	simm.s32 $0x307;
	v40 =	vbroadcast v29, $0x0;
	v33 =	vld [tilespmem:s11+$0xFFFFFFC0];
	[tilespmem:v30+s29+$0x0] =	vst.idx.msk $0xffff, v46;
	v36 =	vor.u32 v6, v63;
	v30 =	vshll.u32 v31, v3  }
0x529: {  	s13 =	simm.s32 $0xB1F0;
	s21 =	simm.s32 $0x310;
	s22 =	simm.s32 $0x30F;
	v29 =	vld [tilespmem:s11+$0xFFFFFF60];
	[tilespmem:v45+s29+$0x0] =	vst.idx.msk $0xffff, v60;
	v31 =	vor.u32 v8, v43;
	v41 =	vbroadcast v30, $0x0;
	v30 =	vor.u32 s25, v10  }
.LBB2_36:
0x52a: {  	s9 =	sadd.s32 $0x1, s21  }
0x52b: {  	v42 =	vmov s21;
	s15 =	sadd.s32 $0x2, s21;
	s16 =	sadd.s32 $0x3, s21;
	v43 =	vld [tilespmem:s13+$0xFFFFFF80];
	v40 =	vor.u32 v6, v40;
	[tilespmem:v39+s29+$0x0] =	vst.idx.msk $0xffff, v37;
	v37 =	vor.u32 s22, v10;
	s22 =	smov.u32 s21  }
0x52c: {  	s23 =	sadd.s32 $0x6, s21;
	v39 =	vmov s9;
	v44 =	vmov s15;
	s9 =	sadd.s32 $0x4, s21;
	s15 =	sadd.s32 $0x9, s21;
	v41 =	vor.u32 v9, v41;
	[tilespmem:v38+s29+$0x0] =	vst.idx.msk $0xffff, v35;
	v35 =	vld [tilespmem:s11+$0x0]  }
0x52d: {  	s24 =	sadd.s32 $0x5, s21;
	v38 =	vshrl.u32 v42, $0x3;
	v42 =	vmov s16;
	s16 =	sadd.s32 $0xA, s21;
	v45 =	vmov s9;
	s9 =	sadd.s32 $0x8, s21;
	v46 =	vld [tilespmem:s11+$0xFFFFFF30];
	[tilespmem:v34+s29+$0x0] =	vst.idx.msk $0xffff, v32  }
0x52e: {  	s20 =	sadd.s32 $0xD, s21;
	v32 =	vshll.u32 v38, v3;
	v38 =	vmov s15;
	s15 =	sadd.s32 $0xC, s21;
	v34 =	vmov s9;
	s9 =	sadd.s32 $0xB, s21;
	v47 =	vld [tilespmem:s11+$0xFFFFFF40];
	[tilespmem:v36+s29+$0x0] =	vst.idx.msk $0xffff, v33  }
0x52f: {  	p0 =	slt.u32 s21, $0x3F0;
	v33 =	vshrl.u32 v39, $0x3;
	v39 =	vmov s15;
	s21 =	sadd.s32 $0x10, s21;
	v36 =	vmov s9;
	s9 =	sadd.s32 $0xE, s22;
	[tilespmem:v31+s29+$0x0] =	vst.idx.msk $0xffff, v29  }
0x530: {  	s11 =	smov.u32 s13;
	v29 =	vshrl.u32 v34, $0x3;
	v31 =	vmov s16;
	v34 =	vmov s9;
	[tilespmem:v30+s29+$0x0] =	vst.idx.msk $0xffff, v26;
	v26 =	vmovc v43  }
0x531: {  	v30 =	vshrl.u32 v44, $0x3;
	v29 =	vshll.u32 v29, v3;
	v43 =	vmov s20;
	[tilespmem:v37+s29+$0x0] =	vst.idx.msk $0xffff, v35  }
0x532: {  	v42 =	vshrl.u32 v42, $0x3;
	v29 =	vbroadcast v29, $0x0;
	v35 =	vshrl.u32 v43, $0x3;
	[tilespmem:v28+s29+$0x0] =	vst.idx.msk $0xffff, v46  }
0x533: {  	v34 =	vshrl.u32 v34, $0x3;
	v28 =	vshrl.u32 v39, $0x3;
	v35 =	vshll.u32 v35, v3;
	[tilespmem:v40+s29+$0x0] =	vst.idx.msk $0xffff, v47  }
0x534: {  	v36 =	vshrl.u32 v36, $0x3;
	v34 =	vshll.u32 v34, v3;
	v29 =	vor.u32 v0, v29;
	v37 =	vld [tilespmem:s13+$0xFFFFFF90];
	[tilespmem:v41+s29+$0x0] =	vst.idx.msk $0xffff, v27  }
0x535: {  	v28 =	vshll.u32 v28, v3;
	v27 =	vshll.u32 v33, v3;
	v33 =	vbroadcast v34, $0x0  }
0x536: {  	v32 =	vbroadcast v32, $0x0;
	v31 =	vshrl.u32 v31, $0x3;
	v27 =	vbroadcast v27, $0x0  }
0x537: {  	v31 =	vshll.u32 v31, v3;
	v34 =	vshrl.u32 v45, $0x3;
	v33 =	vor.u32 v9, v33;
	v39 =	vld [tilespmem:s13+$0xFFFFFFF0]  }
0x538: {  	v41 =	vor.u32 v4, v27;
	v27 =	vshll.u32 v30, v3;
	v30 =	vshrl.u32 v38, $0x3;
	v40 =	vld [tilespmem:s13+$0xFFFFFF20]  }
0x539: {  	v34 =	vshll.u32 v34, v3;
	[tilespmem:v29+s29+$0x0] =	vst.idx.msk $0xffff, v37;
	v29 =	vshll.u32 v30, v3;
	v30 =	vbroadcast v28, $0x0  }
0x53a: {  	v32 =	vor.u32 v0, v32;
	v28 =	vbroadcast v34, $0x0;
	v34 =	vmov s24;
	v38 =	vld [tilespmem:s13+$0xFFFFFF10]  }
0x53b: {  	v37 =	vbroadcast v27, $0x0;
	v34 =	vshrl.u32 v34, $0x3;
	v29 =	vbroadcast v29, $0x0;
	v27 =	vld [tilespmem:s13+$0xFFFFFF70]  }
0x53c: {  	v31 =	vbroadcast v31, $0x0;
	v44 =	vor.u32 v7, v28;
	v34 =	vshll.u32 v34, v3;
	v43 =	vld [tilespmem:s13+$0xFFFFFF50];
	[tilespmem:v33+s29+$0x0] =	vst.idx.msk $0xffff, v39  }
0x53d: {  	v28 =	vor.u32 v5, v37;
	v46 =	vor.u32 v4, v29;
	v29 =	vbroadcast v35, $0x0;
	[tilespmem:v41+s29+$0x0] =	vst.idx.msk $0xffff, v40;
	v45 =	vld [tilespmem:s13+$0xFFFFFFA0]  }
.Ltmp17:
0x53e: {  	v33 =	vshll.u32 v36, v3;
	v39 =	vor.u32 v7, v30;
	v41 =	vbroadcast v34, $0x0;
	v37 =	vld [tilespmem:s13+$0xFFFFFFD0];
	(pc) =	sbr.rel @p0 .LBB2_36-.Ltmp17, $4  }
0x53f: {  	v30 =	vmov s23;
	v36 =	vbroadcast v33, $0x0;
	[tilespmem:v32+s29+$0x0] =	vst.idx.msk $0xffff, v38;
	v35 =	vld [tilespmem:s13+$0xFFFFFFE0];
	v38 =	vor.u32 v8, v29  }
0x540: {  	v30 =	vshrl.u32 v30, $0x3;
	v34 =	vor.u32 v5, v31;
	v29 =	vshll.u32 v42, v3;
	v32 =	vld [tilespmem:s13+$0xFFFFFFB0]  }
0x541: {  	s9 =	sadd.s32 $0x7, s22;
	v30 =	vshll.u32 v30, v3;
	v36 =	vor.u32 v6, v36;
	v40 =	vbroadcast v29, $0x0;
	[tilespmem:v44+s29+$0x0] =	vst.idx.msk $0xffff, v43;
	v33 =	vld [tilespmem:s13+$0xFFFFFFC0]  }
0x542: {  	s22 =	sadd.s32 $0xF, s22;
	v31 =	vor.u32 v8, v41;
	v41 =	vbroadcast v30, $0x0;
	v30 =	vor.u32 s9, v10;
	s13 =	sadd.s32 $0x100, s13;
	v29 =	vld [tilespmem:s11+$0xFFFFFF60];
	[tilespmem:v46+s29+$0x0] =	vst.idx.msk $0xffff, v45  }
0x543: {  	_ =	sdelay $0x3  }
0x544: {  	[tilespmem:v39+s29+$0x0] =	vst.idx.msk $0xffff, v37  }
0x545: {  	v58 =	vor.u32 s22, v10;
	v59 =	vld [tilespmem:s11+$0x0];
	[tilespmem:v30+s29+$0x0] =	vst.idx.msk $0xffff, v26  }
0x546: {  	v60 =	vld [tilespmem:s11+$0xFFFFFF30];
	[tilespmem:v38+s29+$0x0] =	vst.idx.msk $0xffff, v35  }
0x547: {  	v61 =	vor.u32 v6, v40;
	v62 =	vld [tilespmem:s11+$0xFFFFFF40];
	[tilespmem:v34+s29+$0x0] =	vst.idx.msk $0xffff, v32  }
0x548: {  	v63 =	vor.u32 v9, v41;
	[tilespmem:v36+s29+$0x0] =	vst.idx.msk $0xffff, v33  }
0x549: {  	[tilespmem:v31+s29+$0x0] =	vst.idx.msk $0xffff, v29  }
0x54a: {  	[tilespmem:v58+s29+$0x0] =	vst.idx.msk $0xffff, v59  }
0x54b: {  	[tilespmem:v28+s29+$0x0] =	vst.idx.msk $0xffff, v60  }
0x54c: {  	[tilespmem:v61+s29+$0x0] =	vst.idx.msk $0xffff, v62  }
0x54d: {  	s9 =	simm.s32 $0xC300;
	[tilespmem:v63+s29+$0x0] =	vst.idx.msk $0xffff, v27  }
0x54e: {  	[hbm4b:s19+s4] =	stream.linear.scatter [tilespmem:s9], [sflag:$0x5], $0x100, $0x200038;
	[tilespmem:$0x18000] =	vst v63  }
0x54f: {  	s24 =	sadd.s32 $0x800, s19;
	s25 =	simm.s32 $0xC700  }
0x550: {  	[hbm4b:s24+s4] =	stream.linear.scatter [tilespmem:s25], [sflag:$0x5], $0x100, $0x200038;
	[tilespmem:$0x18000] =	vst v63  }
0x551: {  	s11 =	sadd.s32 $0x1000, s19;
	s13 =	simm.s32 $0xCB00  }
0x552: {  	[hbm4b:s11+s4] =	stream.linear.scatter [tilespmem:s13], [sflag:$0x5], $0x100, $0x200038;
	[tilespmem:$0x18000] =	vst v63  }
0x553: {  	s15 =	sadd.s32 $0x1800, s19;
	s16 =	simm.s32 $0xCF00  }
0x554: {  	[hbm4b:s15+s4] =	stream.linear.scatter [tilespmem:s16], [sflag:$0x5], $0x100, $0x200038;
	[tilespmem:$0x18000] =	vst v63  }
0x555: {  	s20 =	sadd.s32 $0x2000, s19;
	s21 =	simm.s32 $0xD300  }
0x556: {  	[hbm4b:s20+s4] =	stream.linear.scatter [tilespmem:s21], [sflag:$0x5], $0x100, $0x200038;
	[tilespmem:$0x18000] =	vst v63  }
0x557: {  	s22 =	sadd.s32 $0x2800, s19;
	s23 =	simm.s32 $0xD700  }
0x558: {  	[hbm4b:s22+s4] =	stream.linear.scatter [tilespmem:s23], [sflag:$0x5], $0x100, $0x200038;
	[tilespmem:$0x18000] =	vst v63  }
0x559: {  	s24 =	sadd.s32 $0x3000, s19;
	s25 =	simm.s32 $0xDB00  }
0x55a: {  	[hbm4b:s24+s4] =	stream.linear.scatter [tilespmem:s25], [sflag:$0x5], $0x100, $0x200038;
	[tilespmem:$0x18000] =	vst v63  }
0x55b: {  	s11 =	sadd.s32 $0x3800, s19;
	s13 =	simm.s32 $0xDF00  }
0x55c: {  	[hbm4b:s11+s4] =	stream.linear.scatter [tilespmem:s13], [sflag:$0x5], $0x100, $0x200038;
	[tilespmem:$0x18000] =	vst v63  }
0x55d: {  	s15 =	sadd.s32 $0x4000, s19;
	s16 =	simm.s32 $0xE300  }
0x55e: {  	[hbm4b:s15+s4] =	stream.linear.scatter [tilespmem:s16], [sflag:$0x5], $0x100, $0x200038;
	[tilespmem:$0x18000] =	vst v63  }
0x55f: {  	s20 =	sadd.s32 $0x4800, s19;
	s21 =	simm.s32 $0xE700  }
0x560: {  	[hbm4b:s20+s4] =	stream.linear.scatter [tilespmem:s21], [sflag:$0x5], $0x100, $0x200038;
	[tilespmem:$0x18000] =	vst v63  }
0x561: {  	s22 =	sadd.s32 $0x5000, s19;
	s23 =	simm.s32 $0xEB00  }
0x562: {  	[hbm4b:s22+s4] =	stream.linear.scatter [tilespmem:s23], [sflag:$0x5], $0x100, $0x200038;
	[tilespmem:$0x18000] =	vst v63  }
0x563: {  	s24 =	sadd.s32 $0x5800, s19;
	s25 =	simm.s32 $0xEF00  }
0x564: {  	[hbm4b:s24+s4] =	stream.linear.scatter [tilespmem:s25], [sflag:$0x5], $0x100, $0x200038;
	[tilespmem:$0x18000] =	vst v63  }
0x565: {  	s11 =	sadd.s32 $0x6000, s19;
	s13 =	simm.s32 $0xF300  }
0x566: {  	[hbm4b:s11+s4] =	stream.linear.scatter [tilespmem:s13], [sflag:$0x5], $0x100, $0x200038;
	[tilespmem:$0x18000] =	vst v63  }
0x567: {  	s15 =	sadd.s32 $0x6800, s19;
	s16 =	simm.s32 $0xF700  }
0x568: {  	[hbm4b:s15+s4] =	stream.linear.scatter [tilespmem:s16], [sflag:$0x5], $0x100, $0x200038;
	[tilespmem:$0x18000] =	vst v63  }
0x569: {  	s20 =	sadd.s32 $0x7000, s19;
	s21 =	simm.s32 $0xFB00  }
0x56a: {  	[hbm4b:s20+s4] =	stream.linear.scatter [tilespmem:s21], [sflag:$0x5], $0x100, $0x200038;
	[tilespmem:$0x18000] =	vst v63  }
0x56b: {  	s22 =	sadd.s32 $0x7800, s19;
	s23 =	simm.s32 $0xFF00  }
0x56c: {  	[hbm4b:s22+s4] =	stream.linear.scatter [tilespmem:s23], [sflag:$0x5], $0x100, $0x200038;
	[tilespmem:$0x18000] =	vst v63  }
0x56d: {  	_ =	swait.ge [sflag:s30], $0x1000  }
0x56e: {  	[sflag:s30] =	ssyncset.done $0x0  }
0x56f: {  	[sflag:s30] =	ssyncadd.s32 $0xFFFFF000  }
0x570: {  	_ =	swait.ge [sflag:s30], $0x1000  }
0x571: {  	[sflag:s30] =	ssyncset.done $0x0  }
0x572: {  	[sflag:s30] =	ssyncadd.s32 $0xFFFFF000  }
0x573: {  	_ =	swait.ge [sflag:s30], $0x1000  }
0x574: {  	[sflag:s30] =	ssyncset.done $0x0  }
0x575: {  	[sflag:s30] =	ssyncadd.s32 $0xFFFFF000  }
0x576: {  	_ =	swait.ge [sflag:s30], $0x1000  }
0x577: {  	s24 =	rddreg [dreg:$0x19]  }
0x578: {  	s25 =	rddreg [dreg:$0x18];
	s11 =	sadd.s32 $0x1, s24  }
0x579: {  	p0 =	sne.s32 s11, s25  }
.Ltmp18:
0x57a: {  	_ = 	snop;
	(pc) =	sbr.rel @p0 .LBB2_1-.Ltmp18, $4  }
0x57b: {  	_ = 	snop  }
0x57c: {  	[sflag:s30] =	ssyncset.done $0x0  }
0x57d: {  	[sflag:s30] =	ssyncadd.s32 $0xFFFFF000  }
0x57e: {  	_ =	strace $0x9000004A  }
0x57f: {  	_ =	sfence.sel $0x180000  }
0x580: {  	[bflag:$0x0] =	sbarrier.arrive $0xFFFF  }
0x581: {  	_ =	strace $0x90000047  }
0x582: {  	s0 =	stileid.u32;
	[bflag:$0x2] =	sbarrier.arrive $0xFFFF  }
0x583: {  	p0 =	sne.s32 s0, $0x0;
	s0 =	rddreg [dreg:$0x6]  }
0x584: {  	s0 =	sadd.s32 @!p0 $0x100000, s0  }
0x585: {  	[sflag:s0] =	ssyncadd.tile.s32 @!p0 $0x1;
	_ =	shalt  }
.Lfunc_end2:
_tile_overlayer_lowered:
.L_overlay_start_2:
0x586: {  	(tag) =	ssettag $0x2  }
0x587: {  	s0 =	rddreg [dreg:$0x0];
	s2 =	stileid.u32  }
0x588: {  	s1 =	rddreg [dreg:$0x1];
	p0 =	sne.s32 s2, $0x0  }
0x589: {  	s3 =	rddreg [dreg:$0x2];
	[bflag:$0x3] =	sbarrier.arrive $0xFFFF;
	s2 =	simm.s32 @!p0 $0x1C09  }
0x58a: {  	[timem:s3], [sflag:s2] =	dma.local @!p0 [hbm:s0], s1  }
0x58b: {  	s0 =	simm.s32 @!p0 $0x9  }
0x58c: {  	_ =	swait.ge @!p0 [sflag:s0], s1  }
0x58d: {  	s1 =	ssub.s32 @!p0 $0x0, s1;
	[sflag:s0] =	ssyncset.done @!p0 $0x0  }
0x58e: {  	[sflag:s0] =	ssyncadd.s32 @!p0 s1  }
0x58f: {  	[bflag:$0x3] =	sbarrier.arrive $0xFFFF  }
0x590: {  	_ =	shalt  }

</sc_bundles>
